<compile_context>
chip_gen: v7x
topology: tpu7x:2x2x1
jax: 0.10.2.dev20260603
libtpu: 0.0.44.dev20260713+nightly
codegen_flags: <defaults>
</compile_context>

<pallas_src>
import functools

import jax
import jax.numpy as jnp
from jax import lax
from jax.experimental import pallas as pl
from jax.experimental.pallas import tpu as pltpu
from jax.experimental.pallas import tpu_sc as plsc

N = 10000
DIM = 128
NUM_EDGES = 320000
A1 = 0.1
A2 = 2.0

NC = 2
NS = 16
LANES = 16
NWORKERS = NC * NS

TOTAL = N * N
NPAD = 10112
NBINS = 1024
HSTRIDE = NBINS + 1
NCOPY = 2
UNROLL = 8
ROWS_PER_BAND = 4



def _nodevec_body(emb1_ref, emb2_ref, w1_ref, b1_ref, w2_ref, b2_ref,
                  nv1_ref, nv2_ref):
    dn = (((1,), (1,)), ((), ()))
    z1 = lax.dot_general(emb1_ref[...], w1_ref[...], dn,
                         preferred_element_type=jnp.float32)
    nv1_ref[...] = jnp.tanh(A1 * (z1 + b1_ref[...]))
    z2 = lax.dot_general(emb2_ref[...], w2_ref[...], dn,
                         preferred_element_type=jnp.float32)
    nv2_ref[...] = jnp.tanh(A1 * (z2 + b2_ref[...]))


def _nodevecs(emb1, emb2, W1, b1, W2, b2):
    br = 1000
    grid = (N // br,)
    return pl.pallas_call(
        _nodevec_body,
        grid=grid,
        in_specs=[
            pl.BlockSpec((br, DIM), lambda i: (i, 0)),
            pl.BlockSpec((br, DIM), lambda i: (i, 0)),
            pl.BlockSpec((DIM, DIM), lambda i: (0, 0)),
            pl.BlockSpec((1, DIM), lambda i: (0, 0)),
            pl.BlockSpec((DIM, DIM), lambda i: (0, 0)),
            pl.BlockSpec((1, DIM), lambda i: (0, 0)),
        ],
        out_specs=[
            pl.BlockSpec((br, DIM), lambda i: (i, 0)),
            pl.BlockSpec((br, DIM), lambda i: (i, 0)),
        ],
        out_shape=[
            jax.ShapeDtypeStruct((N, DIM), jnp.float32),
            jax.ShapeDtypeStruct((N, DIM), jnp.float32),
        ],
    )(emb1, emb2, W1, b1.reshape(1, DIM), W2, b2.reshape(1, DIM))




def _score_body(br, nv1_ref, nv2_ref, out_ref):
    dn = (((1,), (1,)), ((), ()))
    u = lax.dot_general(nv1_ref[...], nv2_ref[...], dn,
                        preferred_element_type=jnp.float32)
    out_ref[:, pl.ds(0, N)] = 1.0 / (1.0 + jnp.exp(-A2 * u))
    out_ref[:, pl.ds(N, NPAD - N)] = jnp.zeros((br, NPAD - N), jnp.float32)


def _scores(nv1, nv2):
    br = 200
    grid = (N // br,)
    return pl.pallas_call(
        functools.partial(_score_body, br),
        grid=grid,
        in_specs=[
            pl.BlockSpec((br, DIM), lambda i: (i, 0)),
            pl.BlockSpec((N, DIM), lambda i: (0, 0)),
        ],
        out_specs=pl.BlockSpec((br, NPAD), lambda i: (i, 0)),
        out_shape=jax.ShapeDtypeStruct((N, NPAD), jnp.float32),
    )(nv1, nv2)




def _hist_pass(shift, width, pmask):
    binmask = (1 << width) - 1
    if pmask >= 1 << 31:
        pmask -= 1 << 32
    mesh = plsc.VectorSubcoreMesh(core_axis_name="c", subcore_axis_name="s",
                                  num_cores=NC, num_subcores=NS)
    nband = N // ROWS_PER_BAND
    nextra = nband - (nband // NWORKERS) * NWORKERS
    nbase = nband // NWORKERS

    hwords = NCOPY * LANES * HSTRIDE

    @functools.partial(
        pl.kernel,
        out_type=jax.ShapeDtypeStruct((NWORKERS * hwords,), jnp.int32),
        mesh=mesh,
        compiler_params=pltpu.CompilerParams(needs_layout_passes=False),
        scratch_types=[
            pltpu.VMEM((ROWS_PER_BAND, NPAD), jnp.float32),
            pltpu.VMEM((ROWS_PER_BAND, NPAD), jnp.float32),
            pltpu.VMEM((LANES,), jnp.int32),
            pltpu.VMEM((hwords,), jnp.int32),
            pltpu.SemaphoreType.DMA,
            pltpu.SemaphoreType.DMA,
        ],
    )
    def hist_kernel(s_hbm, pval_hbm, out_hbm, buf0, buf1, pvalv_ref, hist,
                    sem0, sem1):
        cid = lax.axis_index("c")
        sid = lax.axis_index("s")
        wid = sid * NC + cid

        def zero_body(i, carry):
            hist[pl.ds(i * LANES, LANES)] = jnp.zeros((LANES,), jnp.int32)
            return carry

        lax.fori_loop(0, hwords // LANES, zero_body, 0)

        pltpu.sync_copy(pval_hbm, pvalv_ref)
        pval = pvalv_ref[...]
        pm = jnp.full((LANES,), pmask, jnp.int32)
        shv = jnp.full((LANES,), shift, jnp.int32)
        bm = jnp.full((LANES,), binmask, jnp.int32)
        lane_off = lax.iota(jnp.int32, LANES) * HSTRIDE
        ones = jnp.ones((LANES,), jnp.int32)
        nwin_w = nbase + jnp.where(wid < nextra, 1, 0)

        def src(g):
            band = wid + g * NWORKERS
            return s_hbm.at[pl.ds(band * ROWS_PER_BAND, ROWS_PER_BAND), :]

        def start(g, buf, sem):
            pltpu.async_copy(src(g), buf, sem)

        def process(g, buf, sem):
            pltpu.make_async_copy(src(g), buf, sem).wait()

            for r in range(ROWS_PER_BAND):
                @plsc.parallel_loop(0, NPAD // LANES, step=1, unroll=UNROLL)
                def _vec(j, r=r):
                    x = buf[r, pl.ds(j * LANES, LANES)]
                    key = plsc.bitcast(x, jnp.int32)
                    b = lax.shift_right_logical(key, shv) & bm
                    idx = b + lane_off + (j % NCOPY) * (LANES * HSTRIDE)
                    if pmask == 0:
                        plsc.addupdate_scatter(hist, [idx], ones)
                    else:
                        sel = (key & pm) == pval
                        plsc.addupdate_scatter(hist, [idx], ones, mask=sel)

        start(0, buf0, sem0)

        def win_body(g, carry):
            even = (g % 2) == 0
            nxt = g + 1
            has_nxt = nxt < nwin_w

            @pl.when(jnp.logical_and(has_nxt, even))
            def _():
                start(nxt, buf1, sem1)

            @pl.when(jnp.logical_and(has_nxt, jnp.logical_not(even)))
            def _():
                start(nxt, buf0, sem0)

            @pl.when(even)
            def _():
                process(g, buf0, sem0)

            @pl.when(jnp.logical_not(even))
            def _():
                process(g, buf1, sem1)

            return carry

        lax.fori_loop(0, nwin_w, win_body, 0)
        pltpu.sync_copy(hist, out_hbm.at[pl.ds(wid * hwords, hwords)])

    return hist_kernel


_HIST_PASSES = [
    (20, 10, 0x00000000),
    (10, 10, 0xFFF00000),
    (0, 10, 0xFFFFFC00),
]
_HIST_KERNELS = None


def _get_hist_kernels():
    global _HIST_KERNELS
    if _HIST_KERNELS is None:
        _HIST_KERNELS = [_hist_pass(*p) for p in _HIST_PASSES]
    return _HIST_KERNELS




def _select_body(shift, hists_ref, carry_ref, out_ref):
    h = jnp.sum(hists_ref[...], axis=0, keepdims=True)
    iota = lax.broadcasted_iota(jnp.int32, (1, NBINS), 1)
    c = h
    sh = 1
    while sh < NBINS:
        r = pltpu.roll(c, sh, axis=1)
        c = c + jnp.where(iota >= sh, r, 0)
        sh *= 2
    tot = jnp.sum(h, axis=1, keepdims=True)
    cnt_gt = tot - c
    cnt_ge = cnt_gt + h
    krem = carry_ref[1]
    sel = (cnt_gt < krem) & (cnt_ge >= krem)
    bstar = jnp.max(jnp.where(sel, iota, -1), axis=(0, 1))
    cgt = jnp.max(jnp.where(sel, cnt_gt, -1), axis=(0, 1))
    out_ref[0] = carry_ref[0] + bstar * (1 << shift)
    out_ref[1] = krem - cgt
    out_ref[2] = 0
    out_ref[3] = 0


def _select_bin(shift, hists, carry):
    return pl.pallas_call(
        functools.partial(_select_body, shift),
        in_specs=[
            pl.BlockSpec((NWORKERS * NCOPY * LANES, NBINS), lambda: (0, 0)),
            pl.BlockSpec(memory_space=pltpu.SMEM),
        ],
        out_specs=pl.BlockSpec(memory_space=pltpu.SMEM),
        out_shape=jax.ShapeDtypeStruct((4,), jnp.int32),
    )(hists, carry)




def _mask_body(br, bc, s_ref, tk_ref, out_ref):
    i = pl.program_id(0)
    j = pl.program_id(1)
    s = s_ref[...]
    key = lax.bitcast_convert_type(s, jnp.int32)
    kept = jnp.where(key >= tk_ref[0], s, 0.0)
    row = i * br + lax.broadcasted_iota(jnp.int32, (br, bc), 0)
    col = j * bc + lax.broadcasted_iota(jnp.int32, (br, bc), 1)
    out_ref[...] = jnp.where(row == col, jnp.maximum(kept, 0.5), kept)


def _mask(S, tkey):
    br, bc = 256, 2048
    grid = (N // br + (N % br != 0), N // bc + (N % bc != 0))
    return pl.pallas_call(
        functools.partial(_mask_body, br, bc),
        grid=grid,
        in_specs=[
            pl.BlockSpec((br, bc), lambda i, j: (i, j)),
            pl.BlockSpec(memory_space=pltpu.SMEM),
        ],
        out_specs=pl.BlockSpec((br, bc), lambda i, j: (i, j)),
        out_shape=jax.ShapeDtypeStruct((N, N), jnp.float32),
    )(S, tkey)




def kernel(emb1, emb2, W1, b1, W2, b2):
    nv1, nv2 = _nodevecs(emb1, emb2, W1, b1, W2, b2)
    S = _scores(nv1, nv2)
    carry = jnp.array([0, NUM_EDGES, 0, 0], jnp.int32)
    for (shift, _w, _m), hk in zip(_HIST_PASSES, _get_hist_kernels()):
        pvalv = jnp.broadcast_to(carry[0], (LANES,)).astype(jnp.int32)
        hists = hk(S, pvalv)
        hists = hists.reshape(NWORKERS * NCOPY * LANES, HSTRIDE)[:, :NBINS]
        carry = _select_bin(shift, hists, carry)
    return _mask(S, carry)

# --- scband reference (transcript-rebuilt; emitter-appended) ---
"""Pipeline reference for scband-edge-structure-learner-39402029973783 (READ-ONLY COPY).

The authoritative reference and input builder live on the scoring server;
editing this copy changes nothing except your own understanding.
"""

import jax, jax.numpy as jnp
import numpy as np

N = 10000
DIM = 128
NUM_EDGES = 320000
ALPHA1 = 0.1
ALPHA2 = 2.0
SELF_LOOPS = True


def setup_inputs(seed: int = 0) -> dict:
    key = jax.random.key(seed)
    k0, k1, k2, k3 = jax.random.split(key, 4)
    # nn.Embedding default init: N(0, 1)
    emb1 = jax.random.normal(k0, (N, DIM), dtype=jnp.float32)
    emb2 = jax.random.normal(k1, (N, DIM), dtype=jnp.float32)
    # nn.Linear default init: U(-1/sqrt(fan_in), 1/sqrt(fan_in))
    bound = 1.0 / np.sqrt(DIM)
    k2a, k2b = jax.random.split(k2)
    W1 = jax.random.uniform(k2a, (DIM, DIM), dtype=jnp.float32, minval=-bound, maxval=bound)
    b1 = jax.random.uniform(k2b, (DIM,), dtype=jnp.float32, minval=-bound, maxval=bound)
    k3a, k3b = jax.random.split(k3)
    W2 = jax.random.uniform(k3a, (DIM, DIM), dtype=jnp.float32, minval=-bound, maxval=bound)
    b2 = jax.random.uniform(k3b, (DIM,), dtype=jnp.float32, minval=-bound, maxval=bound)
    return {"emb1": emb1, "emb2": emb2, "W1": W1, "b1": b1, "W2": W2, "b2": b2}


def reference(emb1, emb2, W1, b1, W2, b2):
    # nodevec construction (static_feat is None -> embedding lookup of all nodes)
    nodevec1 = jnp.tanh(ALPHA1 * (emb1 @ W1.T + b1))
    nodevec2 = jnp.tanh(ALPHA1 * (emb2 @ W2.T + b2))
    adj = jax.nn.sigmoid(ALPHA2 * (nodevec1 @ nodevec2.T))
    flat = adj.reshape(-1)
    # top-k over flattened N*N scores, keep strongest NUM_EDGES entries
    _, strongest_idxs = jax.lax.top_k(flat, NUM_EDGES)
    mask = jnp.zeros((N * N,), dtype=flat.dtype).at[strongest_idxs].set(1.0)
    adj = (flat * mask).reshape((N, N))
    if SELF_LOOPS:
        di = jnp.arange(N)
        diag_vals = adj[di, di]
        adj = adj.at[di, di].set(jnp.clip(diag_vals, 0.5, None))
    return adj

if __name__ == "__main__":
    import jax
    _d = setup_inputs()
    print(jax.jit(kernel)(*tuple(_d.values())))

</pallas_src>

<mosaic_0001>
#map = affine_map<(d0, d1) -> (0, 0)>
#map1 = affine_map<(d0, d1) -> (0)>
module attributes {stable_mosaic.version = 14 : i64} {
  func.func @hist_kernel(%arg0: i32, %arg1: i32, %arg2: memref<10000x10112xf32, #tpu.memory_space<hbm>>, %arg3: memref<16xi32, #tpu.memory_space<hbm>>, %arg4: memref<1049600xi32, #tpu.memory_space<hbm>>, %arg5: memref<4x10112xf32, #tpu.memory_space<vmem>>, %arg6: memref<4x10112xf32, #tpu.memory_space<vmem>>, %arg7: memref<16xi32, #tpu.memory_space<vmem>>, %arg8: memref<32800xi32, #tpu.memory_space<vmem>>, %arg9: memref<!tpu.dma_semaphore, #tpu.memory_space<semaphore_mem>>, %arg10: memref<!tpu.dma_semaphore, #tpu.memory_space<semaphore_mem>>) attributes {dimension_semantics = [#tpu.dimension_semantics<core_parallel>, #tpu.dimension_semantics<subcore_parallel>], iteration_bounds = array<i64: 2, 16>, scalar_prefetch = 0 : i64, scratch_operands = 6 : i64, tpu.core_type = #tpu.core_type<sc_vector_subcore>, window_params = [{transform_indices = #map}, {transform_indices = #map1}, {transform_indices = #map1}]} {
    %mul3A = arith.constant 2 : i32
    %mul3A_0 = arith.muli %arg1, %mul3A : i32
    %add3A = arith.addi %mul3A_0, %arg0 : i32
    %scan3A = arith.constant 0 : i32
    %scan3A_1 = arith.constant 0 : i32
    %scan3A_2 = arith.constant 2050 : i32
    %scan3A_3 = arith.addi %scan3A_1, %scan3A_2 : i32
    %scan3A_4 = arith.constant 1 : i32
    scf.for %scan3A_39 = %scan3A_1 to %scan3A_3 step %scan3A_4  : i32 {
      %broadcast_in_dim3A_40 = arith.constant 0 : i32
      %broadcast_in_dim3A_41 = vector.broadcast %broadcast_in_dim3A_40 : i32 to vector<16xi32>
      %mul3A_42 = arith.constant 16 : i32
      %mul3A_43 = arith.muli %scan3A_39, %mul3A_42 : i32
      %swap3A = arith.index_cast %mul3A_43 : i32 to index
      %swap3A_44 = tpu.vector_load %arg8[%swap3A] {strides = array<i32>} : memref<32800xi32, #tpu.memory_space<vmem>>, vector<16xi32>,
      tpu.vector_store %arg8[%swap3A], %broadcast_in_dim3A_41 {strides = array<i32>} : memref<32800xi32, #tpu.memory_space<vmem>>, vector<16xi32>,
    }
    %scan3A_5 = arith.constant 2050 : i32
    "tpu.region"() ({
      %run_scoped3A = tpu.sem_alloc : memref<!tpu.dma_semaphore, #tpu.memory_space<semaphore_mem>>
      tpu.enqueue_dma source(%arg3 : memref<16xi32, #tpu.memory_space<hbm>>) target(%arg7 : memref<16xi32, #tpu.memory_space<vmem>>) target_semaphore(%run_scoped3A : memref<!tpu.dma_semaphore, #tpu.memory_space<semaphore_mem>>)
      tpu.wait_dma2 semaphore(%run_scoped3A : memref<!tpu.dma_semaphore, #tpu.memory_space<semaphore_mem>>) src(%arg3 : memref<16xi32, #tpu.memory_space<hbm>>) dst(%arg7 : memref<16xi32, #tpu.memory_space<vmem>>)
      tpu.yield
    }) : () -> ()
    %get3A = arith.constant 0 : index
    %get3A_6 = tpu.vector_load %arg7[%get3A] {strides = array<i32>} : memref<16xi32, #tpu.memory_space<vmem>>, vector<16xi32>,
    %broadcast_in_dim3A = arith.constant -1024 : i32
    %broadcast_in_dim3A_7 = vector.broadcast %broadcast_in_dim3A : i32 to vector<16xi32>
    %broadcast_in_dim3A_8 = arith.constant 0 : i32
    %broadcast_in_dim3A_9 = vector.broadcast %broadcast_in_dim3A_8 : i32 to vector<16xi32>
    %broadcast_in_dim3A_10 = arith.constant 1023 : i32
    %broadcast_in_dim3A_11 = vector.broadcast %broadcast_in_dim3A_10 : i32 to vector<16xi32>
    %iota3A = tpu.iota {dimensions = array<i32: 0>} : vector<16xi32>
    %mul3A_12 = arith.constant 1025 : i32
    %mul3A_13 = vector.broadcast %mul3A_12 : i32 to vector<16xi32>
    %mul3A_14 = arith.muli %iota3A, %mul3A_13 : vector<16xi32>
    %broadcast_in_dim3A_15 = arith.constant 1 : i32
    %broadcast_in_dim3A_16 = vector.broadcast %broadcast_in_dim3A_15 : i32 to vector<16xi32>
    %lt3A = arith.constant 4 : i32
    %lt3A_17 = arith.cmpi slt, %add3A, %lt3A : i32
    %jit3A = arith.constant 1 : i32
    %jit3A_18 = arith.constant 0 : i32
    %select_n3A = arith.select %lt3A_17, %jit3A, %jit3A_18 : i32
    %add3A_19 = arith.constant 78 : i32
    %add3A_20 = arith.addi %add3A_19, %select_n3A : i32
    %add3A_21 = arith.constant 0 : i32
    %add3A_22 = arith.addi %add3A, %add3A_21 : i32
    %mul3A_23 = arith.constant 4 : i32
    %mul3A_24 = arith.muli %add3A_22, %mul3A_23 : i32
    %dma_start3A = arith.constant 0 : i32
    %dma_start3A_25 = tpu.memref_slice %arg2[%mul3A_24, %dma_start3A] : memref<10000x10112xf32, #tpu.memory_space<hbm>> -> memref<4x10112xf32, #tpu.memory_space<hbm>>
    %dma_start3A_26 = arith.constant 0 : i32
    %dma_start3A_27 = tpu.memref_slice %arg2[%mul3A_24, %dma_start3A_26] : memref<10000x10112xf32, #tpu.memory_space<hbm>> -> memref<4x10112xf32, #tpu.memory_space<hbm>>
    tpu.enqueue_dma source(%dma_start3A_27 : memref<4x10112xf32, #tpu.memory_space<hbm>>) target(%arg5 : memref<4x10112xf32, #tpu.memory_space<vmem>>) target_semaphore(%arg9 : memref<!tpu.dma_semaphore, #tpu.memory_space<semaphore_mem>>)
    %while3A = arith.constant 0 : i32
    %while3A_28 = arith.constant 0 : i32
    %while3A_29 = arith.subi %add3A_20, %while3A_28 : i32
    %while3A_30 = arith.addi %while3A_28, %while3A_29 : i32
    %while3A_31 = arith.constant 1 : i32
    %while3A_32 = arith.divsi %while3A_29, %while3A_31 : i32
    %while3A_33 = arith.muli %while3A_32, %while3A_31 : i32
    %while3A_34 = arith.addi %while3A_28, %while3A_33 : i32
    %while3A_35 = arith.constant 1 : i32
    scf.for %while3A_39 = %while3A_28 to %while3A_34 step %while3A_35  : i32 {
      %jit3A_40 = arith.constant 2 : i32
      %eq3A = arith.constant 0 : i32
      %eq3A_41 = arith.cmpi eq, %jit3A_40, %eq3A : i32
      %jit3A_42 = arith.constant 1 : i32
      %select_n3A_43 = arith.select %eq3A_41, %jit3A_42, %jit3A_40 : i32
      %rem3A = arith.remsi %while3A_39, %select_n3A_43 : i32
      %ne3A = arith.constant 0 : i32
      %ne3A_44 = arith.cmpi ne, %rem3A, %ne3A : i32
      %lt3A_45 = arith.constant 0 : i32
      %lt3A_46 = arith.cmpi slt, %rem3A, %lt3A_45 : i32
      %lt3A_47 = arith.constant 0 : i32
      %lt3A_48 = arith.cmpi slt, %select_n3A_43, %lt3A_47 : i32
      %ne3A_49 = arith.xori %lt3A_46, %lt3A_48 : i1
      %and3A = arith.andi %ne3A_49, %ne3A_44 : i1
      %add3A_50 = arith.addi %rem3A, %select_n3A_43 : i32
      %select_n3A_51 = arith.select %and3A, %add3A_50, %rem3A : i32
      %eq3A_52 = arith.constant 0 : i32
      %eq3A_53 = arith.cmpi eq, %select_n3A_51, %eq3A_52 : i32
      %add3A_54 = arith.constant 1 : i32
      %add3A_55 = arith.addi %while3A_39, %add3A_54 : i32
      %lt3A_56 = arith.cmpi slt, %add3A_55, %add3A_20 : i32
      %and3A_57 = arith.andi %lt3A_56, %eq3A_53 : i1
      %convert_element_type3A = arith.extui %and3A_57 : i1 to i32
      %cond3A = arith.constant 0 : i32
      %cond3A_58 = arith.cmpi ne, %convert_element_type3A, %cond3A : i32
      scf.if %cond3A_58 {
        %mul3A_72 = arith.constant 32 : i32
        %mul3A_73 = arith.muli %add3A_55, %mul3A_72 : i32
        %add3A_74 = arith.addi %add3A, %mul3A_73 : i32
        %mul3A_75 = arith.constant 4 : i32
        %mul3A_76 = arith.muli %add3A_74, %mul3A_75 : i32
        %dma_start3A_77 = arith.constant 0 : i32
        %dma_start3A_78 = tpu.memref_slice %arg2[%mul3A_76, %dma_start3A_77] : memref<10000x10112xf32, #tpu.memory_space<hbm>> -> memref<4x10112xf32, #tpu.memory_space<hbm>>
        %dma_start3A_79 = arith.constant 0 : i32
        %dma_start3A_80 = tpu.memref_slice %arg2[%mul3A_76, %dma_start3A_79] : memref<10000x10112xf32, #tpu.memory_space<hbm>> -> memref<4x10112xf32, #tpu.memory_space<hbm>>
        tpu.enqueue_dma source(%dma_start3A_80 : memref<4x10112xf32, #tpu.memory_space<hbm>>) target(%arg6 : memref<4x10112xf32, #tpu.memory_space<vmem>>) target_semaphore(%arg10 : memref<!tpu.dma_semaphore, #tpu.memory_space<semaphore_mem>>)
      } else {
      }
      %not3A = arith.constant true
      %not3A_59 = arith.xori %eq3A_53, %not3A : i1
      %and3A_60 = arith.andi %lt3A_56, %not3A_59 : i1
      %convert_element_type3A_61 = arith.extui %and3A_60 : i1 to i32
      %cond3A_62 = arith.constant 0 : i32
      %cond3A_63 = arith.cmpi ne, %convert_element_type3A_61, %cond3A_62 : i32
      scf.if %cond3A_63 {
        %mul3A_72 = arith.constant 32 : i32
        %mul3A_73 = arith.muli %add3A_55, %mul3A_72 : i32
        %add3A_74 = arith.addi %add3A, %mul3A_73 : i32
        %mul3A_75 = arith.constant 4 : i32
        %mul3A_76 = arith.muli %add3A_74, %mul3A_75 : i32
        %dma_start3A_77 = arith.constant 0 : i32
        %dma_start3A_78 = tpu.memref_slice %arg2[%mul3A_76, %dma_start3A_77] : memref<10000x10112xf32, #tpu.memory_space<hbm>> -> memref<4x10112xf32, #tpu.memory_space<hbm>>
        %dma_start3A_79 = arith.constant 0 : i32
        %dma_start3A_80 = tpu.memref_slice %arg2[%mul3A_76, %dma_start3A_79] : memref<10000x10112xf32, #tpu.memory_space<hbm>> -> memref<4x10112xf32, #tpu.memory_space<hbm>>
        tpu.enqueue_dma source(%dma_start3A_80 : memref<4x10112xf32, #tpu.memory_space<hbm>>) target(%arg5 : memref<4x10112xf32, #tpu.memory_space<vmem>>) target_semaphore(%arg9 : memref<!tpu.dma_semaphore, #tpu.memory_space<semaphore_mem>>)
      } else {
      }
      %convert_element_type3A_64 = arith.extui %eq3A_53 : i1 to i32
      %cond3A_65 = arith.constant 0 : i32
      %cond3A_66 = arith.cmpi ne, %convert_element_type3A_64, %cond3A_65 : i32
      scf.if %cond3A_66 {
        %mul3A_72 = arith.constant 32 : i32
        %mul3A_73 = arith.muli %while3A_39, %mul3A_72 : i32
        %add3A_74 = arith.addi %add3A, %mul3A_73 : i32
        %mul3A_75 = arith.constant 4 : i32
        %mul3A_76 = arith.muli %add3A_74, %mul3A_75 : i32
        %dma_wait3A = arith.constant 0 : i32
        %dma_wait3A_77 = tpu.memref_slice %arg2[%mul3A_76, %dma_wait3A] : memref<10000x10112xf32, #tpu.memory_space<hbm>> -> memref<4x10112xf32, #tpu.memory_space<hbm>>
        %dma_wait3A_78 = arith.constant 0 : i32
        %dma_wait3A_79 = tpu.memref_slice %arg2[%mul3A_76, %dma_wait3A_78] : memref<10000x10112xf32, #tpu.memory_space<hbm>> -> memref<4x10112xf32, #tpu.memory_space<hbm>>
        tpu.wait_dma2 semaphore(%arg9 : memref<!tpu.dma_semaphore, #tpu.memory_space<semaphore_mem>>) src(%dma_wait3A_79 : memref<4x10112xf32, #tpu.memory_space<hbm>>) dst(%arg5 : memref<4x10112xf32, #tpu.memory_space<vmem>>)
        %parallel_loop3A = arith.constant 0 : i32
        %parallel_loop3A_80 = arith.constant 632 : i32
        %parallel_loop3A_81 = arith.constant 1 : i32
        scf.for %parallel_loop3A_91 = %parallel_loop3A to %parallel_loop3A_80 step %parallel_loop3A_81  : i32 {
          %parallel_loop3A_92 = arith.constant 16 : i32
          %parallel_loop3A_93 = arith.muli %parallel_loop3A_91, %parallel_loop3A_92 : i32
          %parallel_loop3A_94 = arith.constant 0 : i32
          %parallel_loop3A_95 = arith.index_cast %parallel_loop3A_94 : i32 to index
          %parallel_loop3A_96 = arith.index_cast %parallel_loop3A_93 : i32 to index
          %parallel_loop3A_97 = tpu.vector_load %arg5[%parallel_loop3A_95, %parallel_loop3A_96] {strides = array<i32>} : memref<4x10112xf32, #tpu.memory_space<vmem>>, vector<16xf32>,
          %parallel_loop3A_98 = vector.bitcast %parallel_loop3A_97 : vector<16xf32> to vector<16xi32>
          %parallel_loop3A_99 = arith.shrui %parallel_loop3A_98, %broadcast_in_dim3A_9 : vector<16xi32>
          %parallel_loop3A_100 = arith.andi %parallel_loop3A_99, %broadcast_in_dim3A_11 : vector<16xi32>
          %parallel_loop3A_101 = arith.addi %parallel_loop3A_100, %mul3A_14 : vector<16xi32>
          %parallel_loop3A_102 = arith.constant 2 : i32
          %parallel_loop3A_103 = arith.constant 0 : i32
          %parallel_loop3A_104 = arith.cmpi eq, %parallel_loop3A_102, %parallel_loop3A_103 : i32
          %parallel_loop3A_105 = arith.constant 1 : i32
          %parallel_loop3A_106 = arith.select %parallel_loop3A_104, %parallel_loop3A_105, %parallel_loop3A_102 : i32
          %parallel_loop3A_107 = arith.remsi %parallel_loop3A_91, %parallel_loop3A_106 : i32
          %parallel_loop3A_108 = arith.constant 0 : i32
          %parallel_loop3A_109 = arith.cmpi ne, %parallel_loop3A_107, %parallel_loop3A_108 : i32
          %parallel_loop3A_110 = arith.constant 0 : i32
          %parallel_loop3A_111 = arith.cmpi slt, %parallel_loop3A_107, %parallel_loop3A_110 : i32
          %parallel_loop3A_112 = arith.constant 0 : i32
          %parallel_loop3A_113 = arith.cmpi slt, %parallel_loop3A_106, %parallel_loop3A_112 : i32
          %parallel_loop3A_114 = arith.xori %parallel_loop3A_111, %parallel_loop3A_113 : i1
          %parallel_loop3A_115 = arith.andi %parallel_loop3A_114, %parallel_loop3A_109 : i1
          %parallel_loop3A_116 = arith.addi %parallel_loop3A_107, %parallel_loop3A_106 : i32
          %parallel_loop3A_117 = arith.select %parallel_loop3A_115, %parallel_loop3A_116, %parallel_loop3A_107 : i32
          %parallel_loop3A_118 = arith.constant 16400 : i32
          %parallel_loop3A_119 = arith.muli %parallel_loop3A_117, %parallel_loop3A_118 : i32
          %parallel_loop3A_120 = vector.broadcast %parallel_loop3A_119 : i32 to vector<16xi32>
          %parallel_loop3A_121 = arith.addi %parallel_loop3A_101, %parallel_loop3A_120 : vector<16xi32>
          %parallel_loop3A_122 = arith.andi %parallel_loop3A_98, %broadcast_in_dim3A_7 : vector<16xi32>
          %parallel_loop3A_123 = arith.cmpi eq, %parallel_loop3A_122, %get3A_6 : vector<16xi32>
          tpu.vector_store_idx %arg8[%parallel_loop3A_121], %broadcast_in_dim3A_16 masked %parallel_loop3A_123 {add = true} : memref<32800xi32, #tpu.memory_space<vmem>>[vector<16xi32>], vector<16xi32>, vector<16xi1>
        } {sc.loop_unroll_factor = 8 : i64, sc.parallel_access}
        %parallel_loop3A_82 = arith.constant 0 : i32
        %parallel_loop3A_83 = arith.constant 632 : i32
        %parallel_loop3A_84 = arith.constant 1 : i32
        scf.for %parallel_loop3A_91 = %parallel_loop3A_82 to %parallel_loop3A_83 step %parallel_loop3A_84  : i32 {
          %parallel_loop3A_92 = arith.constant 16 : i32
          %parallel_loop3A_93 = arith.muli %parallel_loop3A_91, %parallel_loop3A_92 : i32
          %parallel_loop3A_94 = arith.constant 1 : i32
          %parallel_loop3A_95 = arith.index_cast %parallel_loop3A_94 : i32 to index
          %parallel_loop3A_96 = arith.index_cast %parallel_loop3A_93 : i32 to index
          %parallel_loop3A_97 = tpu.vector_load %arg5[%parallel_loop3A_95, %parallel_loop3A_96] {strides = array<i32>} : memref<4x10112xf32, #tpu.memory_space<vmem>>, vector<16xf32>,
          %parallel_loop3A_98 = vector.bitcast %parallel_loop3A_97 : vector<16xf32> to vector<16xi32>
          %parallel_loop3A_99 = arith.shrui %parallel_loop3A_98, %broadcast_in_dim3A_9 : vector<16xi32>
          %parallel_loop3A_100 = arith.andi %parallel_loop3A_99, %broadcast_in_dim3A_11 : vector<16xi32>
          %parallel_loop3A_101 = arith.addi %parallel_loop3A_100, %mul3A_14 : vector<16xi32>
          %parallel_loop3A_102 = arith.constant 2 : i32
          %parallel_loop3A_103 = arith.constant 0 : i32
          %parallel_loop3A_104 = arith.cmpi eq, %parallel_loop3A_102, %parallel_loop3A_103 : i32
          %parallel_loop3A_105 = arith.constant 1 : i32
          %parallel_loop3A_106 = arith.select %parallel_loop3A_104, %parallel_loop3A_105, %parallel_loop3A_102 : i32
          %parallel_loop3A_107 = arith.remsi %parallel_loop3A_91, %parallel_loop3A_106 : i32
          %parallel_loop3A_108 = arith.constant 0 : i32
          %parallel_loop3A_109 = arith.cmpi ne, %parallel_loop3A_107, %parallel_loop3A_108 : i32
          %parallel_loop3A_110 = arith.constant 0 : i32
          %parallel_loop3A_111 = arith.cmpi slt, %parallel_loop3A_107, %parallel_loop3A_110 : i32
          %parallel_loop3A_112 = arith.constant 0 : i32
          %parallel_loop3A_113 = arith.cmpi slt, %parallel_loop3A_106, %parallel_loop3A_112 : i32
          %parallel_loop3A_114 = arith.xori %parallel_loop3A_111, %parallel_loop3A_113 : i1
          %parallel_loop3A_115 = arith.andi %parallel_loop3A_114, %parallel_loop3A_109 : i1
          %parallel_loop3A_116 = arith.addi %parallel_loop3A_107, %parallel_loop3A_106 : i32
          %parallel_loop3A_117 = arith.select %parallel_loop3A_115, %parallel_loop3A_116, %parallel_loop3A_107 : i32
          %parallel_loop3A_118 = arith.constant 16400 : i32
          %parallel_loop3A_119 = arith.muli %parallel_loop3A_117, %parallel_loop3A_118 : i32
          %parallel_loop3A_120 = vector.broadcast %parallel_loop3A_119 : i32 to vector<16xi32>
          %parallel_loop3A_121 = arith.addi %parallel_loop3A_101, %parallel_loop3A_120 : vector<16xi32>
          %parallel_loop3A_122 = arith.andi %parallel_loop3A_98, %broadcast_in_dim3A_7 : vector<16xi32>
          %parallel_loop3A_123 = arith.cmpi eq, %parallel_loop3A_122, %get3A_6 : vector<16xi32>
          tpu.vector_store_idx %arg8[%parallel_loop3A_121], %broadcast_in_dim3A_16 masked %parallel_loop3A_123 {add = true} : memref<32800xi32, #tpu.memory_space<vmem>>[vector<16xi32>], vector<16xi32>, vector<16xi1>
        } {sc.loop_unroll_factor = 8 : i64, sc.parallel_access}
        %parallel_loop3A_85 = arith.constant 0 : i32
        %parallel_loop3A_86 = arith.constant 632 : i32
        %parallel_loop3A_87 = arith.constant 1 : i32
        scf.for %parallel_loop3A_91 = %parallel_loop3A_85 to %parallel_loop3A_86 step %parallel_loop3A_87  : i32 {
          %parallel_loop3A_92 = arith.constant 16 : i32
          %parallel_loop3A_93 = arith.muli %parallel_loop3A_91, %parallel_loop3A_92 : i32
          %parallel_loop3A_94 = arith.constant 2 : i32
          %parallel_loop3A_95 = arith.index_cast %parallel_loop3A_94 : i32 to index
          %parallel_loop3A_96 = arith.index_cast %parallel_loop3A_93 : i32 to index
          %parallel_loop3A_97 = tpu.vector_load %arg5[%parallel_loop3A_95, %parallel_loop3A_96] {strides = array<i32>} : memref<4x10112xf32, #tpu.memory_space<vmem>>, vector<16xf32>,
          %parallel_loop3A_98 = vector.bitcast %parallel_loop3A_97 : vector<16xf32> to vector<16xi32>
          %parallel_loop3A_99 = arith.shrui %parallel_loop3A_98, %broadcast_in_dim3A_9 : vector<16xi32>
          %parallel_loop3A_100 = arith.andi %parallel_loop3A_99, %broadcast_in_dim3A_11 : vector<16xi32>
          %parallel_loop3A_101 = arith.addi %parallel_loop3A_100, %mul3A_14 : vector<16xi32>
          %parallel_loop3A_102 = arith.constant 2 : i32
          %parallel_loop3A_103 = arith.constant 0 : i32
          %parallel_loop3A_104 = arith.cmpi eq, %parallel_loop3A_102, %parallel_loop3A_103 : i32
          %parallel_loop3A_105 = arith.constant 1 : i32
          %parallel_loop3A_106 = arith.select %parallel_loop3A_104, %parallel_loop3A_105, %parallel_loop3A_102 : i32
          %parallel_loop3A_107 = arith.remsi %parallel_loop3A_91, %parallel_loop3A_106 : i32
          %parallel_loop3A_108 = arith.constant 0 : i32
          %parallel_loop3A_109 = arith.cmpi ne, %parallel_loop3A_107, %parallel_loop3A_108 : i32
          %parallel_loop3A_110 = arith.constant 0 : i32
          %parallel_loop3A_111 = arith.cmpi slt, %parallel_loop3A_107, %parallel_loop3A_110 : i32
          %parallel_loop3A_112 = arith.constant 0 : i32
          %parallel_loop3A_113 = arith.cmpi slt, %parallel_loop3A_106, %parallel_loop3A_112 : i32
          %parallel_loop3A_114 = arith.xori %parallel_loop3A_111, %parallel_loop3A_113 : i1
          %parallel_loop3A_115 = arith.andi %parallel_loop3A_114, %parallel_loop3A_109 : i1
          %parallel_loop3A_116 = arith.addi %parallel_loop3A_107, %parallel_loop3A_106 : i32
          %parallel_loop3A_117 = arith.select %parallel_loop3A_115, %parallel_loop3A_116, %parallel_loop3A_107 : i32
          %parallel_loop3A_118 = arith.constant 16400 : i32
          %parallel_loop3A_119 = arith.muli %parallel_loop3A_117, %parallel_loop3A_118 : i32
          %parallel_loop3A_120 = vector.broadcast %parallel_loop3A_119 : i32 to vector<16xi32>
          %parallel_loop3A_121 = arith.addi %parallel_loop3A_101, %parallel_loop3A_120 : vector<16xi32>
          %parallel_loop3A_122 = arith.andi %parallel_loop3A_98, %broadcast_in_dim3A_7 : vector<16xi32>
          %parallel_loop3A_123 = arith.cmpi eq, %parallel_loop3A_122, %get3A_6 : vector<16xi32>
          tpu.vector_store_idx %arg8[%parallel_loop3A_121], %broadcast_in_dim3A_16 masked %parallel_loop3A_123 {add = true} : memref<32800xi32, #tpu.memory_space<vmem>>[vector<16xi32>], vector<16xi32>, vector<16xi1>
        } {sc.loop_unroll_factor = 8 : i64, sc.parallel_access}
        %parallel_loop3A_88 = arith.constant 0 : i32
        %parallel_loop3A_89 = arith.constant 632 : i32
        %parallel_loop3A_90 = arith.constant 1 : i32
        scf.for %parallel_loop3A_91 = %parallel_loop3A_88 to %parallel_loop3A_89 step %parallel_loop3A_90  : i32 {
          %parallel_loop3A_92 = arith.constant 16 : i32
          %parallel_loop3A_93 = arith.muli %parallel_loop3A_91, %parallel_loop3A_92 : i32
          %parallel_loop3A_94 = arith.constant 3 : i32
          %parallel_loop3A_95 = arith.index_cast %parallel_loop3A_94 : i32 to index
          %parallel_loop3A_96 = arith.index_cast %parallel_loop3A_93 : i32 to index
          %parallel_loop3A_97 = tpu.vector_load %arg5[%parallel_loop3A_95, %parallel_loop3A_96] {strides = array<i32>} : memref<4x10112xf32, #tpu.memory_space<vmem>>, vector<16xf32>,
          %parallel_loop3A_98 = vector.bitcast %parallel_loop3A_97 : vector<16xf32> to vector<16xi32>
          %parallel_loop3A_99 = arith.shrui %parallel_loop3A_98, %broadcast_in_dim3A_9 : vector<16xi32>
          %parallel_loop3A_100 = arith.andi %parallel_loop3A_99, %broadcast_in_dim3A_11 : vector<16xi32>
          %parallel_loop3A_101 = arith.addi %parallel_loop3A_100, %mul3A_14 : vector<16xi32>
          %parallel_loop3A_102 = arith.constant 2 : i32
          %parallel_loop3A_103 = arith.constant 0 : i32
          %parallel_loop3A_104 = arith.cmpi eq, %parallel_loop3A_102, %parallel_loop3A_103 : i32
          %parallel_loop3A_105 = arith.constant 1 : i32
          %parallel_loop3A_106 = arith.select %parallel_loop3A_104, %parallel_loop3A_105, %parallel_loop3A_102 : i32
          %parallel_loop3A_107 = arith.remsi %parallel_loop3A_91, %parallel_loop3A_106 : i32
          %parallel_loop3A_108 = arith.constant 0 : i32
          %parallel_loop3A_109 = arith.cmpi ne, %parallel_loop3A_107, %parallel_loop3A_108 : i32
          %parallel_loop3A_110 = arith.constant 0 : i32
          %parallel_loop3A_111 = arith.cmpi slt, %parallel_loop3A_107, %parallel_loop3A_110 : i32
          %parallel_loop3A_112 = arith.constant 0 : i32
          %parallel_loop3A_113 = arith.cmpi slt, %parallel_loop3A_106, %parallel_loop3A_112 : i32
          %parallel_loop3A_114 = arith.xori %parallel_loop3A_111, %parallel_loop3A_113 : i1
          %parallel_loop3A_115 = arith.andi %parallel_loop3A_114, %parallel_loop3A_109 : i1
          %parallel_loop3A_116 = arith.addi %parallel_loop3A_107, %parallel_loop3A_106 : i32
          %parallel_loop3A_117 = arith.select %parallel_loop3A_115, %parallel_loop3A_116, %parallel_loop3A_107 : i32
          %parallel_loop3A_118 = arith.constant 16400 : i32
          %parallel_loop3A_119 = arith.muli %parallel_loop3A_117, %parallel_loop3A_118 : i32
          %parallel_loop3A_120 = vector.broadcast %parallel_loop3A_119 : i32 to vector<16xi32>
          %parallel_loop3A_121 = arith.addi %parallel_loop3A_101, %parallel_loop3A_120 : vector<16xi32>
          %parallel_loop3A_122 = arith.andi %parallel_loop3A_98, %broadcast_in_dim3A_7 : vector<16xi32>
          %parallel_loop3A_123 = arith.cmpi eq, %parallel_loop3A_122, %get3A_6 : vector<16xi32>
          tpu.vector_store_idx %arg8[%parallel_loop3A_121], %broadcast_in_dim3A_16 masked %parallel_loop3A_123 {add = true} : memref<32800xi32, #tpu.memory_space<vmem>>[vector<16xi32>], vector<16xi32>, vector<16xi1>
        } {sc.loop_unroll_factor = 8 : i64, sc.parallel_access}
      } else {
      }
      %not3A_67 = arith.constant true
      %not3A_68 = arith.xori %eq3A_53, %not3A_67 : i1
      %convert_element_type3A_69 = arith.extui %not3A_68 : i1 to i32
      %cond3A_70 = arith.constant 0 : i32
      %cond3A_71 = arith.cmpi ne, %convert_element_type3A_69, %cond3A_70 : i32
      scf.if %cond3A_71 {
        %mul3A_72 = arith.constant 32 : i32
        %mul3A_73 = arith.muli %while3A_39, %mul3A_72 : i32
        %add3A_74 = arith.addi %add3A, %mul3A_73 : i32
        %mul3A_75 = arith.constant 4 : i32
        %mul3A_76 = arith.muli %add3A_74, %mul3A_75 : i32
        %dma_wait3A = arith.constant 0 : i32
        %dma_wait3A_77 = tpu.memref_slice %arg2[%mul3A_76, %dma_wait3A] : memref<10000x10112xf32, #tpu.memory_space<hbm>> -> memref<4x10112xf32, #tpu.memory_space<hbm>>
        %dma_wait3A_78 = arith.constant 0 : i32
        %dma_wait3A_79 = tpu.memref_slice %arg2[%mul3A_76, %dma_wait3A_78] : memref<10000x10112xf32, #tpu.memory_space<hbm>> -> memref<4x10112xf32, #tpu.memory_space<hbm>>
        tpu.wait_dma2 semaphore(%arg10 : memref<!tpu.dma_semaphore, #tpu.memory_space<semaphore_mem>>) src(%dma_wait3A_79 : memref<4x10112xf32, #tpu.memory_space<hbm>>) dst(%arg6 : memref<4x10112xf32, #tpu.memory_space<vmem>>)
        %parallel_loop3A = arith.constant 0 : i32
        %parallel_loop3A_80 = arith.constant 632 : i32
        %parallel_loop3A_81 = arith.constant 1 : i32
        scf.for %parallel_loop3A_91 = %parallel_loop3A to %parallel_loop3A_80 step %parallel_loop3A_81  : i32 {
          %parallel_loop3A_92 = arith.constant 16 : i32
          %parallel_loop3A_93 = arith.muli %parallel_loop3A_91, %parallel_loop3A_92 : i32
          %parallel_loop3A_94 = arith.constant 0 : i32
          %parallel_loop3A_95 = arith.index_cast %parallel_loop3A_94 : i32 to index
          %parallel_loop3A_96 = arith.index_cast %parallel_loop3A_93 : i32 to index
          %parallel_loop3A_97 = tpu.vector_load %arg6[%parallel_loop3A_95, %parallel_loop3A_96] {strides = array<i32>} : memref<4x10112xf32, #tpu.memory_space<vmem>>, vector<16xf32>,
          %parallel_loop3A_98 = vector.bitcast %parallel_loop3A_97 : vector<16xf32> to vector<16xi32>
          %parallel_loop3A_99 = arith.shrui %parallel_loop3A_98, %broadcast_in_dim3A_9 : vector<16xi32>
          %parallel_loop3A_100 = arith.andi %parallel_loop3A_99, %broadcast_in_dim3A_11 : vector<16xi32>
          %parallel_loop3A_101 = arith.addi %parallel_loop3A_100, %mul3A_14 : vector<16xi32>
          %parallel_loop3A_102 = arith.constant 2 : i32
          %parallel_loop3A_103 = arith.constant 0 : i32
          %parallel_loop3A_104 = arith.cmpi eq, %parallel_loop3A_102, %parallel_loop3A_103 : i32
          %parallel_loop3A_105 = arith.constant 1 : i32
          %parallel_loop3A_106 = arith.select %parallel_loop3A_104, %parallel_loop3A_105, %parallel_loop3A_102 : i32
          %parallel_loop3A_107 = arith.remsi %parallel_loop3A_91, %parallel_loop3A_106 : i32
          %parallel_loop3A_108 = arith.constant 0 : i32
          %parallel_loop3A_109 = arith.cmpi ne, %parallel_loop3A_107, %parallel_loop3A_108 : i32
          %parallel_loop3A_110 = arith.constant 0 : i32
          %parallel_loop3A_111 = arith.cmpi slt, %parallel_loop3A_107, %parallel_loop3A_110 : i32
          %parallel_loop3A_112 = arith.constant 0 : i32
          %parallel_loop3A_113 = arith.cmpi slt, %parallel_loop3A_106, %parallel_loop3A_112 : i32
          %parallel_loop3A_114 = arith.xori %parallel_loop3A_111, %parallel_loop3A_113 : i1
          %parallel_loop3A_115 = arith.andi %parallel_loop3A_114, %parallel_loop3A_109 : i1
          %parallel_loop3A_116 = arith.addi %parallel_loop3A_107, %parallel_loop3A_106 : i32
          %parallel_loop3A_117 = arith.select %parallel_loop3A_115, %parallel_loop3A_116, %parallel_loop3A_107 : i32
          %parallel_loop3A_118 = arith.constant 16400 : i32
          %parallel_loop3A_119 = arith.muli %parallel_loop3A_117, %parallel_loop3A_118 : i32
          %parallel_loop3A_120 = vector.broadcast %parallel_loop3A_119 : i32 to vector<16xi32>
          %parallel_loop3A_121 = arith.addi %parallel_loop3A_101, %parallel_loop3A_120 : vector<16xi32>
          %parallel_loop3A_122 = arith.andi %parallel_loop3A_98, %broadcast_in_dim3A_7 : vector<16xi32>
          %parallel_loop3A_123 = arith.cmpi eq, %parallel_loop3A_122, %get3A_6 : vector<16xi32>
          tpu.vector_store_idx %arg8[%parallel_loop3A_121], %broadcast_in_dim3A_16 masked %parallel_loop3A_123 {add = true} : memref<32800xi32, #tpu.memory_space<vmem>>[vector<16xi32>], vector<16xi32>, vector<16xi1>
        } {sc.loop_unroll_factor = 8 : i64, sc.parallel_access}
        %parallel_loop3A_82 = arith.constant 0 : i32
        %parallel_loop3A_83 = arith.constant 632 : i32
        %parallel_loop3A_84 = arith.constant 1 : i32
        scf.for %parallel_loop3A_91 = %parallel_loop3A_82 to %parallel_loop3A_83 step %parallel_loop3A_84  : i32 {
          %parallel_loop3A_92 = arith.constant 16 : i32
          %parallel_loop3A_93 = arith.muli %parallel_loop3A_91, %parallel_loop3A_92 : i32
          %parallel_loop3A_94 = arith.constant 1 : i32
          %parallel_loop3A_95 = arith.index_cast %parallel_loop3A_94 : i32 to index
          %parallel_loop3A_96 = arith.index_cast %parallel_loop3A_93 : i32 to index
          %parallel_loop3A_97 = tpu.vector_load %arg6[%parallel_loop3A_95, %parallel_loop3A_96] {strides = array<i32>} : memref<4x10112xf32, #tpu.memory_space<vmem>>, vector<16xf32>,
          %parallel_loop3A_98 = vector.bitcast %parallel_loop3A_97 : vector<16xf32> to vector<16xi32>
          %parallel_loop3A_99 = arith.shrui %parallel_loop3A_98, %broadcast_in_dim3A_9 : vector<16xi32>
          %parallel_loop3A_100 = arith.andi %parallel_loop3A_99, %broadcast_in_dim3A_11 : vector<16xi32>
          %parallel_loop3A_101 = arith.addi %parallel_loop3A_100, %mul3A_14 : vector<16xi32>
          %parallel_loop3A_102 = arith.constant 2 : i32
          %parallel_loop3A_103 = arith.constant 0 : i32
          %parallel_loop3A_104 = arith.cmpi eq, %parallel_loop3A_102, %parallel_loop3A_103 : i32
          %parallel_loop3A_105 = arith.constant 1 : i32
          %parallel_loop3A_106 = arith.select %parallel_loop3A_104, %parallel_loop3A_105, %parallel_loop3A_102 : i32
          %parallel_loop3A_107 = arith.remsi %parallel_loop3A_91, %parallel_loop3A_106 : i32
          %parallel_loop3A_108 = arith.constant 0 : i32
          %parallel_loop3A_109 = arith.cmpi ne, %parallel_loop3A_107, %parallel_loop3A_108 : i32
          %parallel_loop3A_110 = arith.constant 0 : i32
          %parallel_loop3A_111 = arith.cmpi slt, %parallel_loop3A_107, %parallel_loop3A_110 : i32
          %parallel_loop3A_112 = arith.constant 0 : i32
          %parallel_loop3A_113 = arith.cmpi slt, %parallel_loop3A_106, %parallel_loop3A_112 : i32
          %parallel_loop3A_114 = arith.xori %parallel_loop3A_111, %parallel_loop3A_113 : i1
          %parallel_loop3A_115 = arith.andi %parallel_loop3A_114, %parallel_loop3A_109 : i1
          %parallel_loop3A_116 = arith.addi %parallel_loop3A_107, %parallel_loop3A_106 : i32
          %parallel_loop3A_117 = arith.select %parallel_loop3A_115, %parallel_loop3A_116, %parallel_loop3A_107 : i32
          %parallel_loop3A_118 = arith.constant 16400 : i32
          %parallel_loop3A_119 = arith.muli %parallel_loop3A_117, %parallel_loop3A_118 : i32
          %parallel_loop3A_120 = vector.broadcast %parallel_loop3A_119 : i32 to vector<16xi32>
          %parallel_loop3A_121 = arith.addi %parallel_loop3A_101, %parallel_loop3A_120 : vector<16xi32>
          %parallel_loop3A_122 = arith.andi %parallel_loop3A_98, %broadcast_in_dim3A_7 : vector<16xi32>
          %parallel_loop3A_123 = arith.cmpi eq, %parallel_loop3A_122, %get3A_6 : vector<16xi32>
          tpu.vector_store_idx %arg8[%parallel_loop3A_121], %broadcast_in_dim3A_16 masked %parallel_loop3A_123 {add = true} : memref<32800xi32, #tpu.memory_space<vmem>>[vector<16xi32>], vector<16xi32>, vector<16xi1>
        } {sc.loop_unroll_factor = 8 : i64, sc.parallel_access}
        %parallel_loop3A_85 = arith.constant 0 : i32
        %parallel_loop3A_86 = arith.constant 632 : i32
        %parallel_loop3A_87 = arith.constant 1 : i32
        scf.for %parallel_loop3A_91 = %parallel_loop3A_85 to %parallel_loop3A_86 step %parallel_loop3A_87  : i32 {
          %parallel_loop3A_92 = arith.constant 16 : i32
          %parallel_loop3A_93 = arith.muli %parallel_loop3A_91, %parallel_loop3A_92 : i32
          %parallel_loop3A_94 = arith.constant 2 : i32
          %parallel_loop3A_95 = arith.index_cast %parallel_loop3A_94 : i32 to index
          %parallel_loop3A_96 = arith.index_cast %parallel_loop3A_93 : i32 to index
          %parallel_loop3A_97 = tpu.vector_load %arg6[%parallel_loop3A_95, %parallel_loop3A_96] {strides = array<i32>} : memref<4x10112xf32, #tpu.memory_space<vmem>>, vector<16xf32>,
          %parallel_loop3A_98 = vector.bitcast %parallel_loop3A_97 : vector<16xf32> to vector<16xi32>
          %parallel_loop3A_99 = arith.shrui %parallel_loop3A_98, %broadcast_in_dim3A_9 : vector<16xi32>
          %parallel_loop3A_100 = arith.andi %parallel_loop3A_99, %broadcast_in_dim3A_11 : vector<16xi32>
          %parallel_loop3A_101 = arith.addi %parallel_loop3A_100, %mul3A_14 : vector<16xi32>
          %parallel_loop3A_102 = arith.constant 2 : i32
          %parallel_loop3A_103 = arith.constant 0 : i32
          %parallel_loop3A_104 = arith.cmpi eq, %parallel_loop3A_102, %parallel_loop3A_103 : i32
          %parallel_loop3A_105 = arith.constant 1 : i32
          %parallel_loop3A_106 = arith.select %parallel_loop3A_104, %parallel_loop3A_105, %parallel_loop3A_102 : i32
          %parallel_loop3A_107 = arith.remsi %parallel_loop3A_91, %parallel_loop3A_106 : i32
          %parallel_loop3A_108 = arith.constant 0 : i32
          %parallel_loop3A_109 = arith.cmpi ne, %parallel_loop3A_107, %parallel_loop3A_108 : i32
          %parallel_loop3A_110 = arith.constant 0 : i32
          %parallel_loop3A_111 = arith.cmpi slt, %parallel_loop3A_107, %parallel_loop3A_110 : i32
          %parallel_loop3A_112 = arith.constant 0 : i32
          %parallel_loop3A_113 = arith.cmpi slt, %parallel_loop3A_106, %parallel_loop3A_112 : i32
          %parallel_loop3A_114 = arith.xori %parallel_loop3A_111, %parallel_loop3A_113 : i1
          %parallel_loop3A_115 = arith.andi %parallel_loop3A_114, %parallel_loop3A_109 : i1
          %parallel_loop3A_116 = arith.addi %parallel_loop3A_107, %parallel_loop3A_106 : i32
          %parallel_loop3A_117 = arith.select %parallel_loop3A_115, %parallel_loop3A_116, %parallel_loop3A_107 : i32
          %parallel_loop3A_118 = arith.constant 16400 : i32
          %parallel_loop3A_119 = arith.muli %parallel_loop3A_117, %parallel_loop3A_118 : i32
          %parallel_loop3A_120 = vector.broadcast %parallel_loop3A_119 : i32 to vector<16xi32>
          %parallel_loop3A_121 = arith.addi %parallel_loop3A_101, %parallel_loop3A_120 : vector<16xi32>
          %parallel_loop3A_122 = arith.andi %parallel_loop3A_98, %broadcast_in_dim3A_7 : vector<16xi32>
          %parallel_loop3A_123 = arith.cmpi eq, %parallel_loop3A_122, %get3A_6 : vector<16xi32>
          tpu.vector_store_idx %arg8[%parallel_loop3A_121], %broadcast_in_dim3A_16 masked %parallel_loop3A_123 {add = true} : memref<32800xi32, #tpu.memory_space<vmem>>[vector<16xi32>], vector<16xi32>, vector<16xi1>
        } {sc.loop_unroll_factor = 8 : i64, sc.parallel_access}
        %parallel_loop3A_88 = arith.constant 0 : i32
        %parallel_loop3A_89 = arith.constant 632 : i32
        %parallel_loop3A_90 = arith.constant 1 : i32
        scf.for %parallel_loop3A_91 = %parallel_loop3A_88 to %parallel_loop3A_89 step %parallel_loop3A_90  : i32 {
          %parallel_loop3A_92 = arith.constant 16 : i32
          %parallel_loop3A_93 = arith.muli %parallel_loop3A_91, %parallel_loop3A_92 : i32
          %parallel_loop3A_94 = arith.constant 3 : i32
          %parallel_loop3A_95 = arith.index_cast %parallel_loop3A_94 : i32 to index
          %parallel_loop3A_96 = arith.index_cast %parallel_loop3A_93 : i32 to index
          %parallel_loop3A_97 = tpu.vector_load %arg6[%parallel_loop3A_95, %parallel_loop3A_96] {strides = array<i32>} : memref<4x10112xf32, #tpu.memory_space<vmem>>, vector<16xf32>,
          %parallel_loop3A_98 = vector.bitcast %parallel_loop3A_97 : vector<16xf32> to vector<16xi32>
          %parallel_loop3A_99 = arith.shrui %parallel_loop3A_98, %broadcast_in_dim3A_9 : vector<16xi32>
          %parallel_loop3A_100 = arith.andi %parallel_loop3A_99, %broadcast_in_dim3A_11 : vector<16xi32>
          %parallel_loop3A_101 = arith.addi %parallel_loop3A_100, %mul3A_14 : vector<16xi32>
          %parallel_loop3A_102 = arith.constant 2 : i32
          %parallel_loop3A_103 = arith.constant 0 : i32
          %parallel_loop3A_104 = arith.cmpi eq, %parallel_loop3A_102, %parallel_loop3A_103 : i32
          %parallel_loop3A_105 = arith.constant 1 : i32
          %parallel_loop3A_106 = arith.select %parallel_loop3A_104, %parallel_loop3A_105, %parallel_loop3A_102 : i32
          %parallel_loop3A_107 = arith.remsi %parallel_loop3A_91, %parallel_loop3A_106 : i32
          %parallel_loop3A_108 = arith.constant 0 : i32
          %parallel_loop3A_109 = arith.cmpi ne, %parallel_loop3A_107, %parallel_loop3A_108 : i32
          %parallel_loop3A_110 = arith.constant 0 : i32
          %parallel_loop3A_111 = arith.cmpi slt, %parallel_loop3A_107, %parallel_loop3A_110 : i32
          %parallel_loop3A_112 = arith.constant 0 : i32
          %parallel_loop3A_113 = arith.cmpi slt, %parallel_loop3A_106, %parallel_loop3A_112 : i32
          %parallel_loop3A_114 = arith.xori %parallel_loop3A_111, %parallel_loop3A_113 : i1
          %parallel_loop3A_115 = arith.andi %parallel_loop3A_114, %parallel_loop3A_109 : i1
          %parallel_loop3A_116 = arith.addi %parallel_loop3A_107, %parallel_loop3A_106 : i32
          %parallel_loop3A_117 = arith.select %parallel_loop3A_115, %parallel_loop3A_116, %parallel_loop3A_107 : i32
          %parallel_loop3A_118 = arith.constant 16400 : i32
          %parallel_loop3A_119 = arith.muli %parallel_loop3A_117, %parallel_loop3A_118 : i32
          %parallel_loop3A_120 = vector.broadcast %parallel_loop3A_119 : i32 to vector<16xi32>
          %parallel_loop3A_121 = arith.addi %parallel_loop3A_101, %parallel_loop3A_120 : vector<16xi32>
          %parallel_loop3A_122 = arith.andi %parallel_loop3A_98, %broadcast_in_dim3A_7 : vector<16xi32>
          %parallel_loop3A_123 = arith.cmpi eq, %parallel_loop3A_122, %get3A_6 : vector<16xi32>
          tpu.vector_store_idx %arg8[%parallel_loop3A_121], %broadcast_in_dim3A_16 masked %parallel_loop3A_123 {add = true} : memref<32800xi32, #tpu.memory_space<vmem>>[vector<16xi32>], vector<16xi32>, vector<16xi1>
        } {sc.loop_unroll_factor = 8 : i64, sc.parallel_access}
      } else {
      }
    }
    %while3A_36 = arith.constant 1 : i32
    scf.for %while3A_39 = %while3A_34 to %while3A_30 step %while3A_36  : i32 {
      %jit3A_40 = arith.constant 2 : i32
      %eq3A = arith.constant 0 : i32
      %eq3A_41 = arith.cmpi eq, %jit3A_40, %eq3A : i32
      %jit3A_42 = arith.constant 1 : i32
      %select_n3A_43 = arith.select %eq3A_41, %jit3A_42, %jit3A_40 : i32
      %rem3A = arith.remsi %while3A_39, %select_n3A_43 : i32
      %ne3A = arith.constant 0 : i32
      %ne3A_44 = arith.cmpi ne, %rem3A, %ne3A : i32
      %lt3A_45 = arith.constant 0 : i32
      %lt3A_46 = arith.cmpi slt, %rem3A, %lt3A_45 : i32
      %lt3A_47 = arith.constant 0 : i32
      %lt3A_48 = arith.cmpi slt, %select_n3A_43, %lt3A_47 : i32
      %ne3A_49 = arith.xori %lt3A_46, %lt3A_48 : i1
      %and3A = arith.andi %ne3A_49, %ne3A_44 : i1
      %add3A_50 = arith.addi %rem3A, %select_n3A_43 : i32
      %select_n3A_51 = arith.select %and3A, %add3A_50, %rem3A : i32
      %eq3A_52 = arith.constant 0 : i32
      %eq3A_53 = arith.cmpi eq, %select_n3A_51, %eq3A_52 : i32
      %add3A_54 = arith.constant 1 : i32
      %add3A_55 = arith.addi %while3A_39, %add3A_54 : i32
      %lt3A_56 = arith.cmpi slt, %add3A_55, %add3A_20 : i32
      %and3A_57 = arith.andi %lt3A_56, %eq3A_53 : i1
      %convert_element_type3A = arith.extui %and3A_57 : i1 to i32
      %cond3A = arith.constant 0 : i32
      %cond3A_58 = arith.cmpi ne, %convert_element_type3A, %cond3A : i32
      scf.if %cond3A_58 {
        %mul3A_72 = arith.constant 32 : i32
        %mul3A_73 = arith.muli %add3A_55, %mul3A_72 : i32
        %add3A_74 = arith.addi %add3A, %mul3A_73 : i32
        %mul3A_75 = arith.constant 4 : i32
        %mul3A_76 = arith.muli %add3A_74, %mul3A_75 : i32
        %dma_start3A_77 = arith.constant 0 : i32
        %dma_start3A_78 = tpu.memref_slice %arg2[%mul3A_76, %dma_start3A_77] : memref<10000x10112xf32, #tpu.memory_space<hbm>> -> memref<4x10112xf32, #tpu.memory_space<hbm>>
        %dma_start3A_79 = arith.constant 0 : i32
        %dma_start3A_80 = tpu.memref_slice %arg2[%mul3A_76, %dma_start3A_79] : memref<10000x10112xf32, #tpu.memory_space<hbm>> -> memref<4x10112xf32, #tpu.memory_space<hbm>>
        tpu.enqueue_dma source(%dma_start3A_80 : memref<4x10112xf32, #tpu.memory_space<hbm>>) target(%arg6 : memref<4x10112xf32, #tpu.memory_space<vmem>>) target_semaphore(%arg10 : memref<!tpu.dma_semaphore, #tpu.memory_space<semaphore_mem>>)
      } else {
      }
      %not3A = arith.constant true
      %not3A_59 = arith.xori %eq3A_53, %not3A : i1
      %and3A_60 = arith.andi %lt3A_56, %not3A_59 : i1
      %convert_element_type3A_61 = arith.extui %and3A_60 : i1 to i32
      %cond3A_62 = arith.constant 0 : i32
      %cond3A_63 = arith.cmpi ne, %convert_element_type3A_61, %cond3A_62 : i32
      scf.if %cond3A_63 {
        %mul3A_72 = arith.constant 32 : i32
        %mul3A_73 = arith.muli %add3A_55, %mul3A_72 : i32
        %add3A_74 = arith.addi %add3A, %mul3A_73 : i32
        %mul3A_75 = arith.constant 4 : i32
        %mul3A_76 = arith.muli %add3A_74, %mul3A_75 : i32
        %dma_start3A_77 = arith.constant 0 : i32
        %dma_start3A_78 = tpu.memref_slice %arg2[%mul3A_76, %dma_start3A_77] : memref<10000x10112xf32, #tpu.memory_space<hbm>> -> memref<4x10112xf32, #tpu.memory_space<hbm>>
        %dma_start3A_79 = arith.constant 0 : i32
        %dma_start3A_80 = tpu.memref_slice %arg2[%mul3A_76, %dma_start3A_79] : memref<10000x10112xf32, #tpu.memory_space<hbm>> -> memref<4x10112xf32, #tpu.memory_space<hbm>>
        tpu.enqueue_dma source(%dma_start3A_80 : memref<4x10112xf32, #tpu.memory_space<hbm>>) target(%arg5 : memref<4x10112xf32, #tpu.memory_space<vmem>>) target_semaphore(%arg9 : memref<!tpu.dma_semaphore, #tpu.memory_space<semaphore_mem>>)
      } else {
      }
      %convert_element_type3A_64 = arith.extui %eq3A_53 : i1 to i32
      %cond3A_65 = arith.constant 0 : i32
      %cond3A_66 = arith.cmpi ne, %convert_element_type3A_64, %cond3A_65 : i32
      scf.if %cond3A_66 {
        %mul3A_72 = arith.constant 32 : i32
        %mul3A_73 = arith.muli %while3A_39, %mul3A_72 : i32
        %add3A_74 = arith.addi %add3A, %mul3A_73 : i32
        %mul3A_75 = arith.constant 4 : i32
        %mul3A_76 = arith.muli %add3A_74, %mul3A_75 : i32
        %dma_wait3A = arith.constant 0 : i32
        %dma_wait3A_77 = tpu.memref_slice %arg2[%mul3A_76, %dma_wait3A] : memref<10000x10112xf32, #tpu.memory_space<hbm>> -> memref<4x10112xf32, #tpu.memory_space<hbm>>
        %dma_wait3A_78 = arith.constant 0 : i32
        %dma_wait3A_79 = tpu.memref_slice %arg2[%mul3A_76, %dma_wait3A_78] : memref<10000x10112xf32, #tpu.memory_space<hbm>> -> memref<4x10112xf32, #tpu.memory_space<hbm>>
        tpu.wait_dma2 semaphore(%arg9 : memref<!tpu.dma_semaphore, #tpu.memory_space<semaphore_mem>>) src(%dma_wait3A_79 : memref<4x10112xf32, #tpu.memory_space<hbm>>) dst(%arg5 : memref<4x10112xf32, #tpu.memory_space<vmem>>)
        %parallel_loop3A = arith.constant 0 : i32
        %parallel_loop3A_80 = arith.constant 632 : i32
        %parallel_loop3A_81 = arith.constant 1 : i32
        scf.for %parallel_loop3A_91 = %parallel_loop3A to %parallel_loop3A_80 step %parallel_loop3A_81  : i32 {
          %parallel_loop3A_92 = arith.constant 16 : i32
          %parallel_loop3A_93 = arith.muli %parallel_loop3A_91, %parallel_loop3A_92 : i32
          %parallel_loop3A_94 = arith.constant 0 : i32
          %parallel_loop3A_95 = arith.index_cast %parallel_loop3A_94 : i32 to index
          %parallel_loop3A_96 = arith.index_cast %parallel_loop3A_93 : i32 to index
          %parallel_loop3A_97 = tpu.vector_load %arg5[%parallel_loop3A_95, %parallel_loop3A_96] {strides = array<i32>} : memref<4x10112xf32, #tpu.memory_space<vmem>>, vector<16xf32>,
          %parallel_loop3A_98 = vector.bitcast %parallel_loop3A_97 : vector<16xf32> to vector<16xi32>
          %parallel_loop3A_99 = arith.shrui %parallel_loop3A_98, %broadcast_in_dim3A_9 : vector<16xi32>
          %parallel_loop3A_100 = arith.andi %parallel_loop3A_99, %broadcast_in_dim3A_11 : vector<16xi32>
          %parallel_loop3A_101 = arith.addi %parallel_loop3A_100, %mul3A_14 : vector<16xi32>
          %parallel_loop3A_102 = arith.constant 2 : i32
          %parallel_loop3A_103 = arith.constant 0 : i32
          %parallel_loop3A_104 = arith.cmpi eq, %parallel_loop3A_102, %parallel_loop3A_103 : i32
          %parallel_loop3A_105 = arith.constant 1 : i32
          %parallel_loop3A_106 = arith.select %parallel_loop3A_104, %parallel_loop3A_105, %parallel_loop3A_102 : i32
          %parallel_loop3A_107 = arith.remsi %parallel_loop3A_91, %parallel_loop3A_106 : i32
          %parallel_loop3A_108 = arith.constant 0 : i32
          %parallel_loop3A_109 = arith.cmpi ne, %parallel_loop3A_107, %parallel_loop3A_108 : i32
          %parallel_loop3A_110 = arith.constant 0 : i32
          %parallel_loop3A_111 = arith.cmpi slt, %parallel_loop3A_107, %parallel_loop3A_110 : i32
          %parallel_loop3A_112 = arith.constant 0 : i32
          %parallel_loop3A_113 = arith.cmpi slt, %parallel_loop3A_106, %parallel_loop3A_112 : i32
          %parallel_loop3A_114 = arith.xori %parallel_loop3A_111, %parallel_loop3A_113 : i1
          %parallel_loop3A_115 = arith.andi %parallel_loop3A_114, %parallel_loop3A_109 : i1
          %parallel_loop3A_116 = arith.addi %parallel_loop3A_107, %parallel_loop3A_106 : i32
          %parallel_loop3A_117 = arith.select %parallel_loop3A_115, %parallel_loop3A_116, %parallel_loop3A_107 : i32
          %parallel_loop3A_118 = arith.constant 16400 : i32
          %parallel_loop3A_119 = arith.muli %parallel_loop3A_117, %parallel_loop3A_118 : i32
          %parallel_loop3A_120 = vector.broadcast %parallel_loop3A_119 : i32 to vector<16xi32>
          %parallel_loop3A_121 = arith.addi %parallel_loop3A_101, %parallel_loop3A_120 : vector<16xi32>
          %parallel_loop3A_122 = arith.andi %parallel_loop3A_98, %broadcast_in_dim3A_7 : vector<16xi32>
          %parallel_loop3A_123 = arith.cmpi eq, %parallel_loop3A_122, %get3A_6 : vector<16xi32>
          tpu.vector_store_idx %arg8[%parallel_loop3A_121], %broadcast_in_dim3A_16 masked %parallel_loop3A_123 {add = true} : memref<32800xi32, #tpu.memory_space<vmem>>[vector<16xi32>], vector<16xi32>, vector<16xi1>
        } {sc.loop_unroll_factor = 8 : i64, sc.parallel_access}
        %parallel_loop3A_82 = arith.constant 0 : i32
        %parallel_loop3A_83 = arith.constant 632 : i32
        %parallel_loop3A_84 = arith.constant 1 : i32
        scf.for %parallel_loop3A_91 = %parallel_loop3A_82 to %parallel_loop3A_83 step %parallel_loop3A_84  : i32 {
          %parallel_loop3A_92 = arith.constant 16 : i32
          %parallel_loop3A_93 = arith.muli %parallel_loop3A_91, %parallel_loop3A_92 : i32
          %parallel_loop3A_94 = arith.constant 1 : i32
          %parallel_loop3A_95 = arith.index_cast %parallel_loop3A_94 : i32 to index
          %parallel_loop3A_96 = arith.index_cast %parallel_loop3A_93 : i32 to index
          %parallel_loop3A_97 = tpu.vector_load %arg5[%parallel_loop3A_95, %parallel_loop3A_96] {strides = array<i32>} : memref<4x10112xf32, #tpu.memory_space<vmem>>, vector<16xf32>,
          %parallel_loop3A_98 = vector.bitcast %parallel_loop3A_97 : vector<16xf32> to vector<16xi32>
          %parallel_loop3A_99 = arith.shrui %parallel_loop3A_98, %broadcast_in_dim3A_9 : vector<16xi32>
          %parallel_loop3A_100 = arith.andi %parallel_loop3A_99, %broadcast_in_dim3A_11 : vector<16xi32>
          %parallel_loop3A_101 = arith.addi %parallel_loop3A_100, %mul3A_14 : vector<16xi32>
          %parallel_loop3A_102 = arith.constant 2 : i32
          %parallel_loop3A_103 = arith.constant 0 : i32
          %parallel_loop3A_104 = arith.cmpi eq, %parallel_loop3A_102, %parallel_loop3A_103 : i32
          %parallel_loop3A_105 = arith.constant 1 : i32
          %parallel_loop3A_106 = arith.select %parallel_loop3A_104, %parallel_loop3A_105, %parallel_loop3A_102 : i32
          %parallel_loop3A_107 = arith.remsi %parallel_loop3A_91, %parallel_loop3A_106 : i32
          %parallel_loop3A_108 = arith.constant 0 : i32
          %parallel_loop3A_109 = arith.cmpi ne, %parallel_loop3A_107, %parallel_loop3A_108 : i32
          %parallel_loop3A_110 = arith.constant 0 : i32
          %parallel_loop3A_111 = arith.cmpi slt, %parallel_loop3A_107, %parallel_loop3A_110 : i32
          %parallel_loop3A_112 = arith.constant 0 : i32
          %parallel_loop3A_113 = arith.cmpi slt, %parallel_loop3A_106, %parallel_loop3A_112 : i32
          %parallel_loop3A_114 = arith.xori %parallel_loop3A_111, %parallel_loop3A_113 : i1
          %parallel_loop3A_115 = arith.andi %parallel_loop3A_114, %parallel_loop3A_109 : i1
          %parallel_loop3A_116 = arith.addi %parallel_loop3A_107, %parallel_loop3A_106 : i32
          %parallel_loop3A_117 = arith.select %parallel_loop3A_115, %parallel_loop3A_116, %parallel_loop3A_107 : i32
          %parallel_loop3A_118 = arith.constant 16400 : i32
          %parallel_loop3A_119 = arith.muli %parallel_loop3A_117, %parallel_loop3A_118 : i32
          %parallel_loop3A_120 = vector.broadcast %parallel_loop3A_119 : i32 to vector<16xi32>
          %parallel_loop3A_121 = arith.addi %parallel_loop3A_101, %parallel_loop3A_120 : vector<16xi32>
          %parallel_loop3A_122 = arith.andi %parallel_loop3A_98, %broadcast_in_dim3A_7 : vector<16xi32>
          %parallel_loop3A_123 = arith.cmpi eq, %parallel_loop3A_122, %get3A_6 : vector<16xi32>
          tpu.vector_store_idx %arg8[%parallel_loop3A_121], %broadcast_in_dim3A_16 masked %parallel_loop3A_123 {add = true} : memref<32800xi32, #tpu.memory_space<vmem>>[vector<16xi32>], vector<16xi32>, vector<16xi1>
        } {sc.loop_unroll_factor = 8 : i64, sc.parallel_access}
        %parallel_loop3A_85 = arith.constant 0 : i32
        %parallel_loop3A_86 = arith.constant 632 : i32
        %parallel_loop3A_87 = arith.constant 1 : i32
        scf.for %parallel_loop3A_91 = %parallel_loop3A_85 to %parallel_loop3A_86 step %parallel_loop3A_87  : i32 {
          %parallel_loop3A_92 = arith.constant 16 : i32
          %parallel_loop3A_93 = arith.muli %parallel_loop3A_91, %parallel_loop3A_92 : i32
          %parallel_loop3A_94 = arith.constant 2 : i32
          %parallel_loop3A_95 = arith.index_cast %parallel_loop3A_94 : i32 to index
          %parallel_loop3A_96 = arith.index_cast %parallel_loop3A_93 : i32 to index
          %parallel_loop3A_97 = tpu.vector_load %arg5[%parallel_loop3A_95, %parallel_loop3A_96] {strides = array<i32>} : memref<4x10112xf32, #tpu.memory_space<vmem>>, vector<16xf32>,
          %parallel_loop3A_98 = vector.bitcast %parallel_loop3A_97 : vector<16xf32> to vector<16xi32>
          %parallel_loop3A_99 = arith.shrui %parallel_loop3A_98, %broadcast_in_dim3A_9 : vector<16xi32>
          %parallel_loop3A_100 = arith.andi %parallel_loop3A_99, %broadcast_in_dim3A_11 : vector<16xi32>
          %parallel_loop3A_101 = arith.addi %parallel_loop3A_100, %mul3A_14 : vector<16xi32>
          %parallel_loop3A_102 = arith.constant 2 : i32
          %parallel_loop3A_103 = arith.constant 0 : i32
          %parallel_loop3A_104 = arith.cmpi eq, %parallel_loop3A_102, %parallel_loop3A_103 : i32
          %parallel_loop3A_105 = arith.constant 1 : i32
          %parallel_loop3A_106 = arith.select %parallel_loop3A_104, %parallel_loop3A_105, %parallel_loop3A_102 : i32
          %parallel_loop3A_107 = arith.remsi %parallel_loop3A_91, %parallel_loop3A_106 : i32
          %parallel_loop3A_108 = arith.constant 0 : i32
          %parallel_loop3A_109 = arith.cmpi ne, %parallel_loop3A_107, %parallel_loop3A_108 : i32
          %parallel_loop3A_110 = arith.constant 0 : i32
          %parallel_loop3A_111 = arith.cmpi slt, %parallel_loop3A_107, %parallel_loop3A_110 : i32
          %parallel_loop3A_112 = arith.constant 0 : i32
          %parallel_loop3A_113 = arith.cmpi slt, %parallel_loop3A_106, %parallel_loop3A_112 : i32
          %parallel_loop3A_114 = arith.xori %parallel_loop3A_111, %parallel_loop3A_113 : i1
          %parallel_loop3A_115 = arith.andi %parallel_loop3A_114, %parallel_loop3A_109 : i1
          %parallel_loop3A_116 = arith.addi %parallel_loop3A_107, %parallel_loop3A_106 : i32
          %parallel_loop3A_117 = arith.select %parallel_loop3A_115, %parallel_loop3A_116, %parallel_loop3A_107 : i32
          %parallel_loop3A_118 = arith.constant 16400 : i32
          %parallel_loop3A_119 = arith.muli %parallel_loop3A_117, %parallel_loop3A_118 : i32
          %parallel_loop3A_120 = vector.broadcast %parallel_loop3A_119 : i32 to vector<16xi32>
          %parallel_loop3A_121 = arith.addi %parallel_loop3A_101, %parallel_loop3A_120 : vector<16xi32>
          %parallel_loop3A_122 = arith.andi %parallel_loop3A_98, %broadcast_in_dim3A_7 : vector<16xi32>
          %parallel_loop3A_123 = arith.cmpi eq, %parallel_loop3A_122, %get3A_6 : vector<16xi32>
          tpu.vector_store_idx %arg8[%parallel_loop3A_121], %broadcast_in_dim3A_16 masked %parallel_loop3A_123 {add = true} : memref<32800xi32, #tpu.memory_space<vmem>>[vector<16xi32>], vector<16xi32>, vector<16xi1>
        } {sc.loop_unroll_factor = 8 : i64, sc.parallel_access}
        %parallel_loop3A_88 = arith.constant 0 : i32
        %parallel_loop3A_89 = arith.constant 632 : i32
        %parallel_loop3A_90 = arith.constant 1 : i32
        scf.for %parallel_loop3A_91 = %parallel_loop3A_88 to %parallel_loop3A_89 step %parallel_loop3A_90  : i32 {
          %parallel_loop3A_92 = arith.constant 16 : i32
          %parallel_loop3A_93 = arith.muli %parallel_loop3A_91, %parallel_loop3A_92 : i32
          %parallel_loop3A_94 = arith.constant 3 : i32
          %parallel_loop3A_95 = arith.index_cast %parallel_loop3A_94 : i32 to index
          %parallel_loop3A_96 = arith.index_cast %parallel_loop3A_93 : i32 to index
          %parallel_loop3A_97 = tpu.vector_load %arg5[%parallel_loop3A_95, %parallel_loop3A_96] {strides = array<i32>} : memref<4x10112xf32, #tpu.memory_space<vmem>>, vector<16xf32>,
          %parallel_loop3A_98 = vector.bitcast %parallel_loop3A_97 : vector<16xf32> to vector<16xi32>
          %parallel_loop3A_99 = arith.shrui %parallel_loop3A_98, %broadcast_in_dim3A_9 : vector<16xi32>
          %parallel_loop3A_100 = arith.andi %parallel_loop3A_99, %broadcast_in_dim3A_11 : vector<16xi32>
          %parallel_loop3A_101 = arith.addi %parallel_loop3A_100, %mul3A_14 : vector<16xi32>
          %parallel_loop3A_102 = arith.constant 2 : i32
          %parallel_loop3A_103 = arith.constant 0 : i32
          %parallel_loop3A_104 = arith.cmpi eq, %parallel_loop3A_102, %parallel_loop3A_103 : i32
          %parallel_loop3A_105 = arith.constant 1 : i32
          %parallel_loop3A_106 = arith.select %parallel_loop3A_104, %parallel_loop3A_105, %parallel_loop3A_102 : i32
          %parallel_loop3A_107 = arith.remsi %parallel_loop3A_91, %parallel_loop3A_106 : i32
          %parallel_loop3A_108 = arith.constant 0 : i32
          %parallel_loop3A_109 = arith.cmpi ne, %parallel_loop3A_107, %parallel_loop3A_108 : i32
          %parallel_loop3A_110 = arith.constant 0 : i32
          %parallel_loop3A_111 = arith.cmpi slt, %parallel_loop3A_107, %parallel_loop3A_110 : i32
          %parallel_loop3A_112 = arith.constant 0 : i32
          %parallel_loop3A_113 = arith.cmpi slt, %parallel_loop3A_106, %parallel_loop3A_112 : i32
          %parallel_loop3A_114 = arith.xori %parallel_loop3A_111, %parallel_loop3A_113 : i1
          %parallel_loop3A_115 = arith.andi %parallel_loop3A_114, %parallel_loop3A_109 : i1
          %parallel_loop3A_116 = arith.addi %parallel_loop3A_107, %parallel_loop3A_106 : i32
          %parallel_loop3A_117 = arith.select %parallel_loop3A_115, %parallel_loop3A_116, %parallel_loop3A_107 : i32
          %parallel_loop3A_118 = arith.constant 16400 : i32
          %parallel_loop3A_119 = arith.muli %parallel_loop3A_117, %parallel_loop3A_118 : i32
          %parallel_loop3A_120 = vector.broadcast %parallel_loop3A_119 : i32 to vector<16xi32>
          %parallel_loop3A_121 = arith.addi %parallel_loop3A_101, %parallel_loop3A_120 : vector<16xi32>
          %parallel_loop3A_122 = arith.andi %parallel_loop3A_98, %broadcast_in_dim3A_7 : vector<16xi32>
          %parallel_loop3A_123 = arith.cmpi eq, %parallel_loop3A_122, %get3A_6 : vector<16xi32>
          tpu.vector_store_idx %arg8[%parallel_loop3A_121], %broadcast_in_dim3A_16 masked %parallel_loop3A_123 {add = true} : memref<32800xi32, #tpu.memory_space<vmem>>[vector<16xi32>], vector<16xi32>, vector<16xi1>
        } {sc.loop_unroll_factor = 8 : i64, sc.parallel_access}
      } else {
      }
      %not3A_67 = arith.constant true
      %not3A_68 = arith.xori %eq3A_53, %not3A_67 : i1
      %convert_element_type3A_69 = arith.extui %not3A_68 : i1 to i32
      %cond3A_70 = arith.constant 0 : i32
      %cond3A_71 = arith.cmpi ne, %convert_element_type3A_69, %cond3A_70 : i32
      scf.if %cond3A_71 {
        %mul3A_72 = arith.constant 32 : i32
        %mul3A_73 = arith.muli %while3A_39, %mul3A_72 : i32
        %add3A_74 = arith.addi %add3A, %mul3A_73 : i32
        %mul3A_75 = arith.constant 4 : i32
        %mul3A_76 = arith.muli %add3A_74, %mul3A_75 : i32
        %dma_wait3A = arith.constant 0 : i32
        %dma_wait3A_77 = tpu.memref_slice %arg2[%mul3A_76, %dma_wait3A] : memref<10000x10112xf32, #tpu.memory_space<hbm>> -> memref<4x10112xf32, #tpu.memory_space<hbm>>
        %dma_wait3A_78 = arith.constant 0 : i32
        %dma_wait3A_79 = tpu.memref_slice %arg2[%mul3A_76, %dma_wait3A_78] : memref<10000x10112xf32, #tpu.memory_space<hbm>> -> memref<4x10112xf32, #tpu.memory_space<hbm>>
        tpu.wait_dma2 semaphore(%arg10 : memref<!tpu.dma_semaphore, #tpu.memory_space<semaphore_mem>>) src(%dma_wait3A_79 : memref<4x10112xf32, #tpu.memory_space<hbm>>) dst(%arg6 : memref<4x10112xf32, #tpu.memory_space<vmem>>)
        %parallel_loop3A = arith.constant 0 : i32
        %parallel_loop3A_80 = arith.constant 632 : i32
        %parallel_loop3A_81 = arith.constant 1 : i32
        scf.for %parallel_loop3A_91 = %parallel_loop3A to %parallel_loop3A_80 step %parallel_loop3A_81  : i32 {
          %parallel_loop3A_92 = arith.constant 16 : i32
          %parallel_loop3A_93 = arith.muli %parallel_loop3A_91, %parallel_loop3A_92 : i32
          %parallel_loop3A_94 = arith.constant 0 : i32
          %parallel_loop3A_95 = arith.index_cast %parallel_loop3A_94 : i32 to index
          %parallel_loop3A_96 = arith.index_cast %parallel_loop3A_93 : i32 to index
          %parallel_loop3A_97 = tpu.vector_load %arg6[%parallel_loop3A_95, %parallel_loop3A_96] {strides = array<i32>} : memref<4x10112xf32, #tpu.memory_space<vmem>>, vector<16xf32>,
          %parallel_loop3A_98 = vector.bitcast %parallel_loop3A_97 : vector<16xf32> to vector<16xi32>
          %parallel_loop3A_99 = arith.shrui %parallel_loop3A_98, %broadcast_in_dim3A_9 : vector<16xi32>
          %parallel_loop3A_100 = arith.andi %parallel_loop3A_99, %broadcast_in_dim3A_11 : vector<16xi32>
          %parallel_loop3A_101 = arith.addi %parallel_loop3A_100, %mul3A_14 : vector<16xi32>
          %parallel_loop3A_102 = arith.constant 2 : i32
          %parallel_loop3A_103 = arith.constant 0 : i32
          %parallel_loop3A_104 = arith.cmpi eq, %parallel_loop3A_102, %parallel_loop3A_103 : i32
          %parallel_loop3A_105 = arith.constant 1 : i32
          %parallel_loop3A_106 = arith.select %parallel_loop3A_104, %parallel_loop3A_105, %parallel_loop3A_102 : i32
          %parallel_loop3A_107 = arith.remsi %parallel_loop3A_91, %parallel_loop3A_106 : i32
          %parallel_loop3A_108 = arith.constant 0 : i32
          %parallel_loop3A_109 = arith.cmpi ne, %parallel_loop3A_107, %parallel_loop3A_108 : i32
          %parallel_loop3A_110 = arith.constant 0 : i32
          %parallel_loop3A_111 = arith.cmpi slt, %parallel_loop3A_107, %parallel_loop3A_110 : i32
          %parallel_loop3A_112 = arith.constant 0 : i32
          %parallel_loop3A_113 = arith.cmpi slt, %parallel_loop3A_106, %parallel_loop3A_112 : i32
          %parallel_loop3A_114 = arith.xori %parallel_loop3A_111, %parallel_loop3A_113 : i1
          %parallel_loop3A_115 = arith.andi %parallel_loop3A_114, %parallel_loop3A_109 : i1
          %parallel_loop3A_116 = arith.addi %parallel_loop3A_107, %parallel_loop3A_106 : i32
          %parallel_loop3A_117 = arith.select %parallel_loop3A_115, %parallel_loop3A_116, %parallel_loop3A_107 : i32
          %parallel_loop3A_118 = arith.constant 16400 : i32
          %parallel_loop3A_119 = arith.muli %parallel_loop3A_117, %parallel_loop3A_118 : i32
          %parallel_loop3A_120 = vector.broadcast %parallel_loop3A_119 : i32 to vector<16xi32>
          %parallel_loop3A_121 = arith.addi %parallel_loop3A_101, %parallel_loop3A_120 : vector<16xi32>
          %parallel_loop3A_122 = arith.andi %parallel_loop3A_98, %broadcast_in_dim3A_7 : vector<16xi32>
          %parallel_loop3A_123 = arith.cmpi eq, %parallel_loop3A_122, %get3A_6 : vector<16xi32>
          tpu.vector_store_idx %arg8[%parallel_loop3A_121], %broadcast_in_dim3A_16 masked %parallel_loop3A_123 {add = true} : memref<32800xi32, #tpu.memory_space<vmem>>[vector<16xi32>], vector<16xi32>, vector<16xi1>
        } {sc.loop_unroll_factor = 8 : i64, sc.parallel_access}
        %parallel_loop3A_82 = arith.constant 0 : i32
        %parallel_loop3A_83 = arith.constant 632 : i32
        %parallel_loop3A_84 = arith.constant 1 : i32
        scf.for %parallel_loop3A_91 = %parallel_loop3A_82 to %parallel_loop3A_83 step %parallel_loop3A_84  : i32 {
          %parallel_loop3A_92 = arith.constant 16 : i32
          %parallel_loop3A_93 = arith.muli %parallel_loop3A_91, %parallel_loop3A_92 : i32
          %parallel_loop3A_94 = arith.constant 1 : i32
          %parallel_loop3A_95 = arith.index_cast %parallel_loop3A_94 : i32 to index
          %parallel_loop3A_96 = arith.index_cast %parallel_loop3A_93 : i32 to index
          %parallel_loop3A_97 = tpu.vector_load %arg6[%parallel_loop3A_95, %parallel_loop3A_96] {strides = array<i32>} : memref<4x10112xf32, #tpu.memory_space<vmem>>, vector<16xf32>,
          %parallel_loop3A_98 = vector.bitcast %parallel_loop3A_97 : vector<16xf32> to vector<16xi32>
          %parallel_loop3A_99 = arith.shrui %parallel_loop3A_98, %broadcast_in_dim3A_9 : vector<16xi32>
          %parallel_loop3A_100 = arith.andi %parallel_loop3A_99, %broadcast_in_dim3A_11 : vector<16xi32>
          %parallel_loop3A_101 = arith.addi %parallel_loop3A_100, %mul3A_14 : vector<16xi32>
          %parallel_loop3A_102 = arith.constant 2 : i32
          %parallel_loop3A_103 = arith.constant 0 : i32
          %parallel_loop3A_104 = arith.cmpi eq, %parallel_loop3A_102, %parallel_loop3A_103 : i32
          %parallel_loop3A_105 = arith.constant 1 : i32
          %parallel_loop3A_106 = arith.select %parallel_loop3A_104, %parallel_loop3A_105, %parallel_loop3A_102 : i32
          %parallel_loop3A_107 = arith.remsi %parallel_loop3A_91, %parallel_loop3A_106 : i32
          %parallel_loop3A_108 = arith.constant 0 : i32
          %parallel_loop3A_109 = arith.cmpi ne, %parallel_loop3A_107, %parallel_loop3A_108 : i32
          %parallel_loop3A_110 = arith.constant 0 : i32
          %parallel_loop3A_111 = arith.cmpi slt, %parallel_loop3A_107, %parallel_loop3A_110 : i32
          %parallel_loop3A_112 = arith.constant 0 : i32
          %parallel_loop3A_113 = arith.cmpi slt, %parallel_loop3A_106, %parallel_loop3A_112 : i32
          %parallel_loop3A_114 = arith.xori %parallel_loop3A_111, %parallel_loop3A_113 : i1
          %parallel_loop3A_115 = arith.andi %parallel_loop3A_114, %parallel_loop3A_109 : i1
          %parallel_loop3A_116 = arith.addi %parallel_loop3A_107, %parallel_loop3A_106 : i32
          %parallel_loop3A_117 = arith.select %parallel_loop3A_115, %parallel_loop3A_116, %parallel_loop3A_107 : i32
          %parallel_loop3A_118 = arith.constant 16400 : i32
          %parallel_loop3A_119 = arith.muli %parallel_loop3A_117, %parallel_loop3A_118 : i32
          %parallel_loop3A_120 = vector.broadcast %parallel_loop3A_119 : i32 to vector<16xi32>
          %parallel_loop3A_121 = arith.addi %parallel_loop3A_101, %parallel_loop3A_120 : vector<16xi32>
          %parallel_loop3A_122 = arith.andi %parallel_loop3A_98, %broadcast_in_dim3A_7 : vector<16xi32>
          %parallel_loop3A_123 = arith.cmpi eq, %parallel_loop3A_122, %get3A_6 : vector<16xi32>
          tpu.vector_store_idx %arg8[%parallel_loop3A_121], %broadcast_in_dim3A_16 masked %parallel_loop3A_123 {add = true} : memref<32800xi32, #tpu.memory_space<vmem>>[vector<16xi32>], vector<16xi32>, vector<16xi1>
        } {sc.loop_unroll_factor = 8 : i64, sc.parallel_access}
        %parallel_loop3A_85 = arith.constant 0 : i32
        %parallel_loop3A_86 = arith.constant 632 : i32
        %parallel_loop3A_87 = arith.constant 1 : i32
        scf.for %parallel_loop3A_91 = %parallel_loop3A_85 to %parallel_loop3A_86 step %parallel_loop3A_87  : i32 {
          %parallel_loop3A_92 = arith.constant 16 : i32
          %parallel_loop3A_93 = arith.muli %parallel_loop3A_91, %parallel_loop3A_92 : i32
          %parallel_loop3A_94 = arith.constant 2 : i32
          %parallel_loop3A_95 = arith.index_cast %parallel_loop3A_94 : i32 to index
          %parallel_loop3A_96 = arith.index_cast %parallel_loop3A_93 : i32 to index
          %parallel_loop3A_97 = tpu.vector_load %arg6[%parallel_loop3A_95, %parallel_loop3A_96] {strides = array<i32>} : memref<4x10112xf32, #tpu.memory_space<vmem>>, vector<16xf32>,
          %parallel_loop3A_98 = vector.bitcast %parallel_loop3A_97 : vector<16xf32> to vector<16xi32>
          %parallel_loop3A_99 = arith.shrui %parallel_loop3A_98, %broadcast_in_dim3A_9 : vector<16xi32>
          %parallel_loop3A_100 = arith.andi %parallel_loop3A_99, %broadcast_in_dim3A_11 : vector<16xi32>
          %parallel_loop3A_101 = arith.addi %parallel_loop3A_100, %mul3A_14 : vector<16xi32>
          %parallel_loop3A_102 = arith.constant 2 : i32
          %parallel_loop3A_103 = arith.constant 0 : i32
          %parallel_loop3A_104 = arith.cmpi eq, %parallel_loop3A_102, %parallel_loop3A_103 : i32
          %parallel_loop3A_105 = arith.constant 1 : i32
          %parallel_loop3A_106 = arith.select %parallel_loop3A_104, %parallel_loop3A_105, %parallel_loop3A_102 : i32
          %parallel_loop3A_107 = arith.remsi %parallel_loop3A_91, %parallel_loop3A_106 : i32
          %parallel_loop3A_108 = arith.constant 0 : i32
          %parallel_loop3A_109 = arith.cmpi ne, %parallel_loop3A_107, %parallel_loop3A_108 : i32
          %parallel_loop3A_110 = arith.constant 0 : i32
          %parallel_loop3A_111 = arith.cmpi slt, %parallel_loop3A_107, %parallel_loop3A_110 : i32
          %parallel_loop3A_112 = arith.constant 0 : i32
          %parallel_loop3A_113 = arith.cmpi slt, %parallel_loop3A_106, %parallel_loop3A_112 : i32
          %parallel_loop3A_114 = arith.xori %parallel_loop3A_111, %parallel_loop3A_113 : i1
          %parallel_loop3A_115 = arith.andi %parallel_loop3A_114, %parallel_loop3A_109 : i1
          %parallel_loop3A_116 = arith.addi %parallel_loop3A_107, %parallel_loop3A_106 : i32
          %parallel_loop3A_117 = arith.select %parallel_loop3A_115, %parallel_loop3A_116, %parallel_loop3A_107 : i32
          %parallel_loop3A_118 = arith.constant 16400 : i32
          %parallel_loop3A_119 = arith.muli %parallel_loop3A_117, %parallel_loop3A_118 : i32
          %parallel_loop3A_120 = vector.broadcast %parallel_loop3A_119 : i32 to vector<16xi32>
          %parallel_loop3A_121 = arith.addi %parallel_loop3A_101, %parallel_loop3A_120 : vector<16xi32>
          %parallel_loop3A_122 = arith.andi %parallel_loop3A_98, %broadcast_in_dim3A_7 : vector<16xi32>
          %parallel_loop3A_123 = arith.cmpi eq, %parallel_loop3A_122, %get3A_6 : vector<16xi32>
          tpu.vector_store_idx %arg8[%parallel_loop3A_121], %broadcast_in_dim3A_16 masked %parallel_loop3A_123 {add = true} : memref<32800xi32, #tpu.memory_space<vmem>>[vector<16xi32>], vector<16xi32>, vector<16xi1>
        } {sc.loop_unroll_factor = 8 : i64, sc.parallel_access}
        %parallel_loop3A_88 = arith.constant 0 : i32
        %parallel_loop3A_89 = arith.constant 632 : i32
        %parallel_loop3A_90 = arith.constant 1 : i32
        scf.for %parallel_loop3A_91 = %parallel_loop3A_88 to %parallel_loop3A_89 step %parallel_loop3A_90  : i32 {
          %parallel_loop3A_92 = arith.constant 16 : i32
          %parallel_loop3A_93 = arith.muli %parallel_loop3A_91, %parallel_loop3A_92 : i32
          %parallel_loop3A_94 = arith.constant 3 : i32
          %parallel_loop3A_95 = arith.index_cast %parallel_loop3A_94 : i32 to index
          %parallel_loop3A_96 = arith.index_cast %parallel_loop3A_93 : i32 to index
          %parallel_loop3A_97 = tpu.vector_load %arg6[%parallel_loop3A_95, %parallel_loop3A_96] {strides = array<i32>} : memref<4x10112xf32, #tpu.memory_space<vmem>>, vector<16xf32>,
          %parallel_loop3A_98 = vector.bitcast %parallel_loop3A_97 : vector<16xf32> to vector<16xi32>
          %parallel_loop3A_99 = arith.shrui %parallel_loop3A_98, %broadcast_in_dim3A_9 : vector<16xi32>
          %parallel_loop3A_100 = arith.andi %parallel_loop3A_99, %broadcast_in_dim3A_11 : vector<16xi32>
          %parallel_loop3A_101 = arith.addi %parallel_loop3A_100, %mul3A_14 : vector<16xi32>
          %parallel_loop3A_102 = arith.constant 2 : i32
          %parallel_loop3A_103 = arith.constant 0 : i32
          %parallel_loop3A_104 = arith.cmpi eq, %parallel_loop3A_102, %parallel_loop3A_103 : i32
          %parallel_loop3A_105 = arith.constant 1 : i32
          %parallel_loop3A_106 = arith.select %parallel_loop3A_104, %parallel_loop3A_105, %parallel_loop3A_102 : i32
          %parallel_loop3A_107 = arith.remsi %parallel_loop3A_91, %parallel_loop3A_106 : i32
          %parallel_loop3A_108 = arith.constant 0 : i32
          %parallel_loop3A_109 = arith.cmpi ne, %parallel_loop3A_107, %parallel_loop3A_108 : i32
          %parallel_loop3A_110 = arith.constant 0 : i32
          %parallel_loop3A_111 = arith.cmpi slt, %parallel_loop3A_107, %parallel_loop3A_110 : i32
          %parallel_loop3A_112 = arith.constant 0 : i32
          %parallel_loop3A_113 = arith.cmpi slt, %parallel_loop3A_106, %parallel_loop3A_112 : i32
          %parallel_loop3A_114 = arith.xori %parallel_loop3A_111, %parallel_loop3A_113 : i1
          %parallel_loop3A_115 = arith.andi %parallel_loop3A_114, %parallel_loop3A_109 : i1
          %parallel_loop3A_116 = arith.addi %parallel_loop3A_107, %parallel_loop3A_106 : i32
          %parallel_loop3A_117 = arith.select %parallel_loop3A_115, %parallel_loop3A_116, %parallel_loop3A_107 : i32
          %parallel_loop3A_118 = arith.constant 16400 : i32
          %parallel_loop3A_119 = arith.muli %parallel_loop3A_117, %parallel_loop3A_118 : i32
          %parallel_loop3A_120 = vector.broadcast %parallel_loop3A_119 : i32 to vector<16xi32>
          %parallel_loop3A_121 = arith.addi %parallel_loop3A_101, %parallel_loop3A_120 : vector<16xi32>
          %parallel_loop3A_122 = arith.andi %parallel_loop3A_98, %broadcast_in_dim3A_7 : vector<16xi32>
          %parallel_loop3A_123 = arith.cmpi eq, %parallel_loop3A_122, %get3A_6 : vector<16xi32>
          tpu.vector_store_idx %arg8[%parallel_loop3A_121], %broadcast_in_dim3A_16 masked %parallel_loop3A_123 {add = true} : memref<32800xi32, #tpu.memory_space<vmem>>[vector<16xi32>], vector<16xi32>, vector<16xi1>
        } {sc.loop_unroll_factor = 8 : i64, sc.parallel_access}
      } else {
      }
    }
    %mul3A_37 = arith.constant 32800 : i32
    %mul3A_38 = arith.muli %add3A, %mul3A_37 : i32
    "tpu.region"() ({
      %run_scoped3A = tpu.sem_alloc : memref<!tpu.dma_semaphore, #tpu.memory_space<semaphore_mem>>
      %dma_start3A_39 = tpu.memref_slice %arg4[%mul3A_38] : memref<1049600xi32, #tpu.memory_space<hbm>> -> memref<32800xi32, #tpu.memory_space<hbm>>
      %dma_start3A_40 = tpu.memref_slice %arg4[%mul3A_38] : memref<1049600xi32, #tpu.memory_space<hbm>> -> memref<32800xi32, #tpu.memory_space<hbm>>
      tpu.enqueue_dma source(%arg8 : memref<32800xi32, #tpu.memory_space<vmem>>) target(%dma_start3A_40 : memref<32800xi32, #tpu.memory_space<hbm>>) target_semaphore(%run_scoped3A : memref<!tpu.dma_semaphore, #tpu.memory_space<semaphore_mem>>)
      %dma_wait3A = tpu.memref_slice %arg4[%mul3A_38] : memref<1049600xi32, #tpu.memory_space<hbm>> -> memref<32800xi32, #tpu.memory_space<hbm>>
      %dma_wait3A_41 = tpu.memref_slice %arg4[%mul3A_38] : memref<1049600xi32, #tpu.memory_space<hbm>> -> memref<32800xi32, #tpu.memory_space<hbm>>
      tpu.wait_dma2 semaphore(%run_scoped3A : memref<!tpu.dma_semaphore, #tpu.memory_space<semaphore_mem>>) src(%arg8 : memref<32800xi32, #tpu.memory_space<vmem>>) dst(%dma_wait3A_41 : memref<32800xi32, #tpu.memory_space<hbm>>)
      tpu.yield
    }) : () -> ()
    return
  }
}

#map = affine_map<(d0, d1) -> (0, 0)>
#map1 = affine_map<(d0, d1) -> (0)>
module attributes {stable_mosaic.version = 14 : i64} {
  func.func @hist_kernel(%arg0: i32, %arg1: i32, %arg2: memref<10000x10112xf32, #tpu.memory_space<hbm>>, %arg3: memref<16xi32, #tpu.memory_space<hbm>>, %arg4: memref<1049600xi32, #tpu.memory_space<hbm>>, %arg5: memref<4x10112xf32, #tpu.memory_space<vmem>>, %arg6: memref<4x10112xf32, #tpu.memory_space<vmem>>, %arg7: memref<16xi32, #tpu.memory_space<vmem>>, %arg8: memref<32800xi32, #tpu.memory_space<vmem>>, %arg9: memref<!tpu.dma_semaphore, #tpu.memory_space<semaphore_mem>>, %arg10: memref<!tpu.dma_semaphore, #tpu.memory_space<semaphore_mem>>) attributes {dimension_semantics = [#tpu.dimension_semantics<core_parallel>, #tpu.dimension_semantics<subcore_parallel>], iteration_bounds = array<i64: 2, 16>, scalar_prefetch = 0 : i64, scratch_operands = 6 : i64, tpu.core_type = #tpu.core_type<sc_vector_subcore>, window_params = [{transform_indices = #map}, {transform_indices = #map1}, {transform_indices = #map1}]} {
    %mul3A = arith.constant 2 : i32
    %mul3A_0 = arith.muli %arg1, %mul3A : i32
    %add3A = arith.addi %mul3A_0, %arg0 : i32
    %scan3A = arith.constant 0 : i32
    %scan3A_1 = arith.constant 0 : i32
    %scan3A_2 = arith.constant 2050 : i32
    %scan3A_3 = arith.addi %scan3A_1, %scan3A_2 : i32
    %scan3A_4 = arith.constant 1 : i32
    scf.for %scan3A_39 = %scan3A_1 to %scan3A_3 step %scan3A_4  : i32 {
      %broadcast_in_dim3A_40 = arith.constant 0 : i32
      %broadcast_in_dim3A_41 = vector.broadcast %broadcast_in_dim3A_40 : i32 to vector<16xi32>
      %mul3A_42 = arith.constant 16 : i32
      %mul3A_43 = arith.muli %scan3A_39, %mul3A_42 : i32
      %swap3A = arith.index_cast %mul3A_43 : i32 to index
      %swap3A_44 = tpu.vector_load %arg8[%swap3A] {strides = array<i32>} : memref<32800xi32, #tpu.memory_space<vmem>>, vector<16xi32>,
      tpu.vector_store %arg8[%swap3A], %broadcast_in_dim3A_41 {strides = array<i32>} : memref<32800xi32, #tpu.memory_space<vmem>>, vector<16xi32>,
    }
    %scan3A_5 = arith.constant 2050 : i32
    "tpu.region"() ({
      %run_scoped3A = tpu.sem_alloc : memref<!tpu.dma_semaphore, #tpu.memory_space<semaphore_mem>>
      tpu.enqueue_dma source(%arg3 : memref<16xi32, #tpu.memory_space<hbm>>) target(%arg7 : memref<16xi32, #tpu.memory_space<vmem>>) target_semaphore(%run_scoped3A : memref<!tpu.dma_semaphore, #tpu.memory_space<semaphore_mem>>)
      tpu.wait_dma2 semaphore(%run_scoped3A : memref<!tpu.dma_semaphore, #tpu.memory_space<semaphore_mem>>) src(%arg3 : memref<16xi32, #tpu.memory_space<hbm>>) dst(%arg7 : memref<16xi32, #tpu.memory_space<vmem>>)
      tpu.yield
    }) : () -> ()
    %get3A = arith.constant 0 : index
    %get3A_6 = tpu.vector_load %arg7[%get3A] {strides = array<i32>} : memref<16xi32, #tpu.memory_space<vmem>>, vector<16xi32>,
    %broadcast_in_dim3A = arith.constant 0 : i32
    %broadcast_in_dim3A_7 = vector.broadcast %broadcast_in_dim3A : i32 to vector<16xi32>
    %broadcast_in_dim3A_8 = arith.constant 20 : i32
    %broadcast_in_dim3A_9 = vector.broadcast %broadcast_in_dim3A_8 : i32 to vector<16xi32>
    %broadcast_in_dim3A_10 = arith.constant 1023 : i32
    %broadcast_in_dim3A_11 = vector.broadcast %broadcast_in_dim3A_10 : i32 to vector<16xi32>
    %iota3A = tpu.iota {dimensions = array<i32: 0>} : vector<16xi32>
    %mul3A_12 = arith.constant 1025 : i32
    %mul3A_13 = vector.broadcast %mul3A_12 : i32 to vector<16xi32>
    %mul3A_14 = arith.muli %iota3A, %mul3A_13 : vector<16xi32>
    %broadcast_in_dim3A_15 = arith.constant 1 : i32
    %broadcast_in_dim3A_16 = vector.broadcast %broadcast_in_dim3A_15 : i32 to vector<16xi32>
    %lt3A = arith.constant 4 : i32
    %lt3A_17 = arith.cmpi slt, %add3A, %lt3A : i32
    %jit3A = arith.constant 1 : i32
    %jit3A_18 = arith.constant 0 : i32
    %select_n3A = arith.select %lt3A_17, %jit3A, %jit3A_18 : i32
    %add3A_19 = arith.constant 78 : i32
    %add3A_20 = arith.addi %add3A_19, %select_n3A : i32
    %add3A_21 = arith.constant 0 : i32
    %add3A_22 = arith.addi %add3A, %add3A_21 : i32
    %mul3A_23 = arith.constant 4 : i32
    %mul3A_24 = arith.muli %add3A_22, %mul3A_23 : i32
    %dma_start3A = arith.constant 0 : i32
    %dma_start3A_25 = tpu.memref_slice %arg2[%mul3A_24, %dma_start3A] : memref<10000x10112xf32, #tpu.memory_space<hbm>> -> memref<4x10112xf32, #tpu.memory_space<hbm>>
    %dma_start3A_26 = arith.constant 0 : i32
    %dma_start3A_27 = tpu.memref_slice %arg2[%mul3A_24, %dma_start3A_26] : memref<10000x10112xf32, #tpu.memory_space<hbm>> -> memref<4x10112xf32, #tpu.memory_space<hbm>>
    tpu.enqueue_dma source(%dma_start3A_27 : memref<4x10112xf32, #tpu.memory_space<hbm>>) target(%arg5 : memref<4x10112xf32, #tpu.memory_space<vmem>>) target_semaphore(%arg9 : memref<!tpu.dma_semaphore, #tpu.memory_space<semaphore_mem>>)
    %while3A = arith.constant 0 : i32
    %while3A_28 = arith.constant 0 : i32
    %while3A_29 = arith.subi %add3A_20, %while3A_28 : i32
    %while3A_30 = arith.addi %while3A_28, %while3A_29 : i32
    %while3A_31 = arith.constant 1 : i32
    %while3A_32 = arith.divsi %while3A_29, %while3A_31 : i32
    %while3A_33 = arith.muli %while3A_32, %while3A_31 : i32
    %while3A_34 = arith.addi %while3A_28, %while3A_33 : i32
    %while3A_35 = arith.constant 1 : i32
    scf.for %while3A_39 = %while3A_28 to %while3A_34 step %while3A_35  : i32 {
      %jit3A_40 = arith.constant 2 : i32
      %eq3A = arith.constant 0 : i32
      %eq3A_41 = arith.cmpi eq, %jit3A_40, %eq3A : i32
      %jit3A_42 = arith.constant 1 : i32
      %select_n3A_43 = arith.select %eq3A_41, %jit3A_42, %jit3A_40 : i32
      %rem3A = arith.remsi %while3A_39, %select_n3A_43 : i32
      %ne3A = arith.constant 0 : i32
      %ne3A_44 = arith.cmpi ne, %rem3A, %ne3A : i32
      %lt3A_45 = arith.constant 0 : i32
      %lt3A_46 = arith.cmpi slt, %rem3A, %lt3A_45 : i32
      %lt3A_47 = arith.constant 0 : i32
      %lt3A_48 = arith.cmpi slt, %select_n3A_43, %lt3A_47 : i32
      %ne3A_49 = arith.xori %lt3A_46, %lt3A_48 : i1
      %and3A = arith.andi %ne3A_49, %ne3A_44 : i1
      %add3A_50 = arith.addi %rem3A, %select_n3A_43 : i32
      %select_n3A_51 = arith.select %and3A, %add3A_50, %rem3A : i32
      %eq3A_52 = arith.constant 0 : i32
      %eq3A_53 = arith.cmpi eq, %select_n3A_51, %eq3A_52 : i32
      %add3A_54 = arith.constant 1 : i32
      %add3A_55 = arith.addi %while3A_39, %add3A_54 : i32
      %lt3A_56 = arith.cmpi slt, %add3A_55, %add3A_20 : i32
      %and3A_57 = arith.andi %lt3A_56, %eq3A_53 : i1
      %convert_element_type3A = arith.extui %and3A_57 : i1 to i32
      %cond3A = arith.constant 0 : i32
      %cond3A_58 = arith.cmpi ne, %convert_element_type3A, %cond3A : i32
      scf.if %cond3A_58 {
        %mul3A_72 = arith.constant 32 : i32
        %mul3A_73 = arith.muli %add3A_55, %mul3A_72 : i32
        %add3A_74 = arith.addi %add3A, %mul3A_73 : i32
        %mul3A_75 = arith.constant 4 : i32
        %mul3A_76 = arith.muli %add3A_74, %mul3A_75 : i32
        %dma_start3A_77 = arith.constant 0 : i32
        %dma_start3A_78 = tpu.memref_slice %arg2[%mul3A_76, %dma_start3A_77] : memref<10000x10112xf32, #tpu.memory_space<hbm>> -> memref<4x10112xf32, #tpu.memory_space<hbm>>
        %dma_start3A_79 = arith.constant 0 : i32
        %dma_start3A_80 = tpu.memref_slice %arg2[%mul3A_76, %dma_start3A_79] : memref<10000x10112xf32, #tpu.memory_space<hbm>> -> memref<4x10112xf32, #tpu.memory_space<hbm>>
        tpu.enqueue_dma source(%dma_start3A_80 : memref<4x10112xf32, #tpu.memory_space<hbm>>) target(%arg6 : memref<4x10112xf32, #tpu.memory_space<vmem>>) target_semaphore(%arg10 : memref<!tpu.dma_semaphore, #tpu.memory_space<semaphore_mem>>)
      } else {
      }
      %not3A = arith.constant true
      %not3A_59 = arith.xori %eq3A_53, %not3A : i1
      %and3A_60 = arith.andi %lt3A_56, %not3A_59 : i1
      %convert_element_type3A_61 = arith.extui %and3A_60 : i1 to i32
      %cond3A_62 = arith.constant 0 : i32
      %cond3A_63 = arith.cmpi ne, %convert_element_type3A_61, %cond3A_62 : i32
      scf.if %cond3A_63 {
        %mul3A_72 = arith.constant 32 : i32
        %mul3A_73 = arith.muli %add3A_55, %mul3A_72 : i32
        %add3A_74 = arith.addi %add3A, %mul3A_73 : i32
        %mul3A_75 = arith.constant 4 : i32
        %mul3A_76 = arith.muli %add3A_74, %mul3A_75 : i32
        %dma_start3A_77 = arith.constant 0 : i32
        %dma_start3A_78 = tpu.memref_slice %arg2[%mul3A_76, %dma_start3A_77] : memref<10000x10112xf32, #tpu.memory_space<hbm>> -> memref<4x10112xf32, #tpu.memory_space<hbm>>
        %dma_start3A_79 = arith.constant 0 : i32
        %dma_start3A_80 = tpu.memref_slice %arg2[%mul3A_76, %dma_start3A_79] : memref<10000x10112xf32, #tpu.memory_space<hbm>> -> memref<4x10112xf32, #tpu.memory_space<hbm>>
        tpu.enqueue_dma source(%dma_start3A_80 : memref<4x10112xf32, #tpu.memory_space<hbm>>) target(%arg5 : memref<4x10112xf32, #tpu.memory_space<vmem>>) target_semaphore(%arg9 : memref<!tpu.dma_semaphore, #tpu.memory_space<semaphore_mem>>)
      } else {
      }
      %convert_element_type3A_64 = arith.extui %eq3A_53 : i1 to i32
      %cond3A_65 = arith.constant 0 : i32
      %cond3A_66 = arith.cmpi ne, %convert_element_type3A_64, %cond3A_65 : i32
      scf.if %cond3A_66 {
        %mul3A_72 = arith.constant 32 : i32
        %mul3A_73 = arith.muli %while3A_39, %mul3A_72 : i32
        %add3A_74 = arith.addi %add3A, %mul3A_73 : i32
        %mul3A_75 = arith.constant 4 : i32
        %mul3A_76 = arith.muli %add3A_74, %mul3A_75 : i32
        %dma_wait3A = arith.constant 0 : i32
        %dma_wait3A_77 = tpu.memref_slice %arg2[%mul3A_76, %dma_wait3A] : memref<10000x10112xf32, #tpu.memory_space<hbm>> -> memref<4x10112xf32, #tpu.memory_space<hbm>>
        %dma_wait3A_78 = arith.constant 0 : i32
        %dma_wait3A_79 = tpu.memref_slice %arg2[%mul3A_76, %dma_wait3A_78] : memref<10000x10112xf32, #tpu.memory_space<hbm>> -> memref<4x10112xf32, #tpu.memory_space<hbm>>
        tpu.wait_dma2 semaphore(%arg9 : memref<!tpu.dma_semaphore, #tpu.memory_space<semaphore_mem>>) src(%dma_wait3A_79 : memref<4x10112xf32, #tpu.memory_space<hbm>>) dst(%arg5 : memref<4x10112xf32, #tpu.memory_space<vmem>>)
        %parallel_loop3A = arith.constant 0 : i32
        %parallel_loop3A_80 = arith.constant 632 : i32
        %parallel_loop3A_81 = arith.constant 1 : i32
        scf.for %parallel_loop3A_91 = %parallel_loop3A to %parallel_loop3A_80 step %parallel_loop3A_81  : i32 {
          %parallel_loop3A_92 = arith.constant 16 : i32
          %parallel_loop3A_93 = arith.muli %parallel_loop3A_91, %parallel_loop3A_92 : i32
          %parallel_loop3A_94 = arith.constant 0 : i32
          %parallel_loop3A_95 = arith.index_cast %parallel_loop3A_94 : i32 to index
          %parallel_loop3A_96 = arith.index_cast %parallel_loop3A_93 : i32 to index
          %parallel_loop3A_97 = tpu.vector_load %arg5[%parallel_loop3A_95, %parallel_loop3A_96] {strides = array<i32>} : memref<4x10112xf32, #tpu.memory_space<vmem>>, vector<16xf32>,
          %parallel_loop3A_98 = vector.bitcast %parallel_loop3A_97 : vector<16xf32> to vector<16xi32>
          %parallel_loop3A_99 = arith.shrui %parallel_loop3A_98, %broadcast_in_dim3A_9 : vector<16xi32>
          %parallel_loop3A_100 = arith.andi %parallel_loop3A_99, %broadcast_in_dim3A_11 : vector<16xi32>
          %parallel_loop3A_101 = arith.addi %parallel_loop3A_100, %mul3A_14 : vector<16xi32>
          %parallel_loop3A_102 = arith.constant 2 : i32
          %parallel_loop3A_103 = arith.constant 0 : i32
          %parallel_loop3A_104 = arith.cmpi eq, %parallel_loop3A_102, %parallel_loop3A_103 : i32
          %parallel_loop3A_105 = arith.constant 1 : i32
          %parallel_loop3A_106 = arith.select %parallel_loop3A_104, %parallel_loop3A_105, %parallel_loop3A_102 : i32
          %parallel_loop3A_107 = arith.remsi %parallel_loop3A_91, %parallel_loop3A_106 : i32
          %parallel_loop3A_108 = arith.constant 0 : i32
          %parallel_loop3A_109 = arith.cmpi ne, %parallel_loop3A_107, %parallel_loop3A_108 : i32
          %parallel_loop3A_110 = arith.constant 0 : i32
          %parallel_loop3A_111 = arith.cmpi slt, %parallel_loop3A_107, %parallel_loop3A_110 : i32
          %parallel_loop3A_112 = arith.constant 0 : i32
          %parallel_loop3A_113 = arith.cmpi slt, %parallel_loop3A_106, %parallel_loop3A_112 : i32
          %parallel_loop3A_114 = arith.xori %parallel_loop3A_111, %parallel_loop3A_113 : i1
          %parallel_loop3A_115 = arith.andi %parallel_loop3A_114, %parallel_loop3A_109 : i1
          %parallel_loop3A_116 = arith.addi %parallel_loop3A_107, %parallel_loop3A_106 : i32
          %parallel_loop3A_117 = arith.select %parallel_loop3A_115, %parallel_loop3A_116, %parallel_loop3A_107 : i32
          %parallel_loop3A_118 = arith.constant 16400 : i32
          %parallel_loop3A_119 = arith.muli %parallel_loop3A_117, %parallel_loop3A_118 : i32
          %parallel_loop3A_120 = vector.broadcast %parallel_loop3A_119 : i32 to vector<16xi32>
          %parallel_loop3A_121 = arith.addi %parallel_loop3A_101, %parallel_loop3A_120 : vector<16xi32>
          tpu.vector_store_idx %arg8[%parallel_loop3A_121], %broadcast_in_dim3A_16 {add = true} : memref<32800xi32, #tpu.memory_space<vmem>>[vector<16xi32>], vector<16xi32>,
        } {sc.loop_unroll_factor = 8 : i64, sc.parallel_access}
        %parallel_loop3A_82 = arith.constant 0 : i32
        %parallel_loop3A_83 = arith.constant 632 : i32
        %parallel_loop3A_84 = arith.constant 1 : i32
        scf.for %parallel_loop3A_91 = %parallel_loop3A_82 to %parallel_loop3A_83 step %parallel_loop3A_84  : i32 {
          %parallel_loop3A_92 = arith.constant 16 : i32
          %parallel_loop3A_93 = arith.muli %parallel_loop3A_91, %parallel_loop3A_92 : i32
          %parallel_loop3A_94 = arith.constant 1 : i32
          %parallel_loop3A_95 = arith.index_cast %parallel_loop3A_94 : i32 to index
          %parallel_loop3A_96 = arith.index_cast %parallel_loop3A_93 : i32 to index
          %parallel_loop3A_97 = tpu.vector_load %arg5[%parallel_loop3A_95, %parallel_loop3A_96] {strides = array<i32>} : memref<4x10112xf32, #tpu.memory_space<vmem>>, vector<16xf32>,
          %parallel_loop3A_98 = vector.bitcast %parallel_loop3A_97 : vector<16xf32> to vector<16xi32>
          %parallel_loop3A_99 = arith.shrui %parallel_loop3A_98, %broadcast_in_dim3A_9 : vector<16xi32>
          %parallel_loop3A_100 = arith.andi %parallel_loop3A_99, %broadcast_in_dim3A_11 : vector<16xi32>
          %parallel_loop3A_101 = arith.addi %parallel_loop3A_100, %mul3A_14 : vector<16xi32>
          %parallel_loop3A_102 = arith.constant 2 : i32
          %parallel_loop3A_103 = arith.constant 0 : i32
          %parallel_loop3A_104 = arith.cmpi eq, %parallel_loop3A_102, %parallel_loop3A_103 : i32
          %parallel_loop3A_105 = arith.constant 1 : i32
          %parallel_loop3A_106 = arith.select %parallel_loop3A_104, %parallel_loop3A_105, %parallel_loop3A_102 : i32
          %parallel_loop3A_107 = arith.remsi %parallel_loop3A_91, %parallel_loop3A_106 : i32
          %parallel_loop3A_108 = arith.constant 0 : i32
          %parallel_loop3A_109 = arith.cmpi ne, %parallel_loop3A_107, %parallel_loop3A_108 : i32
          %parallel_loop3A_110 = arith.constant 0 : i32
          %parallel_loop3A_111 = arith.cmpi slt, %parallel_loop3A_107, %parallel_loop3A_110 : i32
          %parallel_loop3A_112 = arith.constant 0 : i32
          %parallel_loop3A_113 = arith.cmpi slt, %parallel_loop3A_106, %parallel_loop3A_112 : i32
          %parallel_loop3A_114 = arith.xori %parallel_loop3A_111, %parallel_loop3A_113 : i1
          %parallel_loop3A_115 = arith.andi %parallel_loop3A_114, %parallel_loop3A_109 : i1
          %parallel_loop3A_116 = arith.addi %parallel_loop3A_107, %parallel_loop3A_106 : i32
          %parallel_loop3A_117 = arith.select %parallel_loop3A_115, %parallel_loop3A_116, %parallel_loop3A_107 : i32
          %parallel_loop3A_118 = arith.constant 16400 : i32
          %parallel_loop3A_119 = arith.muli %parallel_loop3A_117, %parallel_loop3A_118 : i32
          %parallel_loop3A_120 = vector.broadcast %parallel_loop3A_119 : i32 to vector<16xi32>
          %parallel_loop3A_121 = arith.addi %parallel_loop3A_101, %parallel_loop3A_120 : vector<16xi32>
          tpu.vector_store_idx %arg8[%parallel_loop3A_121], %broadcast_in_dim3A_16 {add = true} : memref<32800xi32, #tpu.memory_space<vmem>>[vector<16xi32>], vector<16xi32>,
        } {sc.loop_unroll_factor = 8 : i64, sc.parallel_access}
        %parallel_loop3A_85 = arith.constant 0 : i32
        %parallel_loop3A_86 = arith.constant 632 : i32
        %parallel_loop3A_87 = arith.constant 1 : i32
        scf.for %parallel_loop3A_91 = %parallel_loop3A_85 to %parallel_loop3A_86 step %parallel_loop3A_87  : i32 {
          %parallel_loop3A_92 = arith.constant 16 : i32
          %parallel_loop3A_93 = arith.muli %parallel_loop3A_91, %parallel_loop3A_92 : i32
          %parallel_loop3A_94 = arith.constant 2 : i32
          %parallel_loop3A_95 = arith.index_cast %parallel_loop3A_94 : i32 to index
          %parallel_loop3A_96 = arith.index_cast %parallel_loop3A_93 : i32 to index
          %parallel_loop3A_97 = tpu.vector_load %arg5[%parallel_loop3A_95, %parallel_loop3A_96] {strides = array<i32>} : memref<4x10112xf32, #tpu.memory_space<vmem>>, vector<16xf32>,
          %parallel_loop3A_98 = vector.bitcast %parallel_loop3A_97 : vector<16xf32> to vector<16xi32>
          %parallel_loop3A_99 = arith.shrui %parallel_loop3A_98, %broadcast_in_dim3A_9 : vector<16xi32>
          %parallel_loop3A_100 = arith.andi %parallel_loop3A_99, %broadcast_in_dim3A_11 : vector<16xi32>
          %parallel_loop3A_101 = arith.addi %parallel_loop3A_100, %mul3A_14 : vector<16xi32>
          %parallel_loop3A_102 = arith.constant 2 : i32
          %parallel_loop3A_103 = arith.constant 0 : i32
          %parallel_loop3A_104 = arith.cmpi eq, %parallel_loop3A_102, %parallel_loop3A_103 : i32
          %parallel_loop3A_105 = arith.constant 1 : i32
          %parallel_loop3A_106 = arith.select %parallel_loop3A_104, %parallel_loop3A_105, %parallel_loop3A_102 : i32
          %parallel_loop3A_107 = arith.remsi %parallel_loop3A_91, %parallel_loop3A_106 : i32
          %parallel_loop3A_108 = arith.constant 0 : i32
          %parallel_loop3A_109 = arith.cmpi ne, %parallel_loop3A_107, %parallel_loop3A_108 : i32
          %parallel_loop3A_110 = arith.constant 0 : i32
          %parallel_loop3A_111 = arith.cmpi slt, %parallel_loop3A_107, %parallel_loop3A_110 : i32
          %parallel_loop3A_112 = arith.constant 0 : i32
          %parallel_loop3A_113 = arith.cmpi slt, %parallel_loop3A_106, %parallel_loop3A_112 : i32
          %parallel_loop3A_114 = arith.xori %parallel_loop3A_111, %parallel_loop3A_113 : i1
          %parallel_loop3A_115 = arith.andi %parallel_loop3A_114, %parallel_loop3A_109 : i1
          %parallel_loop3A_116 = arith.addi %parallel_loop3A_107, %parallel_loop3A_106 : i32
          %parallel_loop3A_117 = arith.select %parallel_loop3A_115, %parallel_loop3A_116, %parallel_loop3A_107 : i32
          %parallel_loop3A_118 = arith.constant 16400 : i32
          %parallel_loop3A_119 = arith.muli %parallel_loop3A_117, %parallel_loop3A_118 : i32
          %parallel_loop3A_120 = vector.broadcast %parallel_loop3A_119 : i32 to vector<16xi32>
          %parallel_loop3A_121 = arith.addi %parallel_loop3A_101, %parallel_loop3A_120 : vector<16xi32>
          tpu.vector_store_idx %arg8[%parallel_loop3A_121], %broadcast_in_dim3A_16 {add = true} : memref<32800xi32, #tpu.memory_space<vmem>>[vector<16xi32>], vector<16xi32>,
        } {sc.loop_unroll_factor = 8 : i64, sc.parallel_access}
        %parallel_loop3A_88 = arith.constant 0 : i32
        %parallel_loop3A_89 = arith.constant 632 : i32
        %parallel_loop3A_90 = arith.constant 1 : i32
        scf.for %parallel_loop3A_91 = %parallel_loop3A_88 to %parallel_loop3A_89 step %parallel_loop3A_90  : i32 {
          %parallel_loop3A_92 = arith.constant 16 : i32
          %parallel_loop3A_93 = arith.muli %parallel_loop3A_91, %parallel_loop3A_92 : i32
          %parallel_loop3A_94 = arith.constant 3 : i32
          %parallel_loop3A_95 = arith.index_cast %parallel_loop3A_94 : i32 to index
          %parallel_loop3A_96 = arith.index_cast %parallel_loop3A_93 : i32 to index
          %parallel_loop3A_97 = tpu.vector_load %arg5[%parallel_loop3A_95, %parallel_loop3A_96] {strides = array<i32>} : memref<4x10112xf32, #tpu.memory_space<vmem>>, vector<16xf32>,
          %parallel_loop3A_98 = vector.bitcast %parallel_loop3A_97 : vector<16xf32> to vector<16xi32>
          %parallel_loop3A_99 = arith.shrui %parallel_loop3A_98, %broadcast_in_dim3A_9 : vector<16xi32>
          %parallel_loop3A_100 = arith.andi %parallel_loop3A_99, %broadcast_in_dim3A_11 : vector<16xi32>
          %parallel_loop3A_101 = arith.addi %parallel_loop3A_100, %mul3A_14 : vector<16xi32>
          %parallel_loop3A_102 = arith.constant 2 : i32
          %parallel_loop3A_103 = arith.constant 0 : i32
          %parallel_loop3A_104 = arith.cmpi eq, %parallel_loop3A_102, %parallel_loop3A_103 : i32
          %parallel_loop3A_105 = arith.constant 1 : i32
          %parallel_loop3A_106 = arith.select %parallel_loop3A_104, %parallel_loop3A_105, %parallel_loop3A_102 : i32
          %parallel_loop3A_107 = arith.remsi %parallel_loop3A_91, %parallel_loop3A_106 : i32
          %parallel_loop3A_108 = arith.constant 0 : i32
          %parallel_loop3A_109 = arith.cmpi ne, %parallel_loop3A_107, %parallel_loop3A_108 : i32
          %parallel_loop3A_110 = arith.constant 0 : i32
          %parallel_loop3A_111 = arith.cmpi slt, %parallel_loop3A_107, %parallel_loop3A_110 : i32
          %parallel_loop3A_112 = arith.constant 0 : i32
          %parallel_loop3A_113 = arith.cmpi slt, %parallel_loop3A_106, %parallel_loop3A_112 : i32
          %parallel_loop3A_114 = arith.xori %parallel_loop3A_111, %parallel_loop3A_113 : i1
          %parallel_loop3A_115 = arith.andi %parallel_loop3A_114, %parallel_loop3A_109 : i1
          %parallel_loop3A_116 = arith.addi %parallel_loop3A_107, %parallel_loop3A_106 : i32
          %parallel_loop3A_117 = arith.select %parallel_loop3A_115, %parallel_loop3A_116, %parallel_loop3A_107 : i32
          %parallel_loop3A_118 = arith.constant 16400 : i32
          %parallel_loop3A_119 = arith.muli %parallel_loop3A_117, %parallel_loop3A_118 : i32
          %parallel_loop3A_120 = vector.broadcast %parallel_loop3A_119 : i32 to vector<16xi32>
          %parallel_loop3A_121 = arith.addi %parallel_loop3A_101, %parallel_loop3A_120 : vector<16xi32>
          tpu.vector_store_idx %arg8[%parallel_loop3A_121], %broadcast_in_dim3A_16 {add = true} : memref<32800xi32, #tpu.memory_space<vmem>>[vector<16xi32>], vector<16xi32>,
        } {sc.loop_unroll_factor = 8 : i64, sc.parallel_access}
      } else {
      }
      %not3A_67 = arith.constant true
      %not3A_68 = arith.xori %eq3A_53, %not3A_67 : i1
      %convert_element_type3A_69 = arith.extui %not3A_68 : i1 to i32
      %cond3A_70 = arith.constant 0 : i32
      %cond3A_71 = arith.cmpi ne, %convert_element_type3A_69, %cond3A_70 : i32
      scf.if %cond3A_71 {
        %mul3A_72 = arith.constant 32 : i32
        %mul3A_73 = arith.muli %while3A_39, %mul3A_72 : i32
        %add3A_74 = arith.addi %add3A, %mul3A_73 : i32
        %mul3A_75 = arith.constant 4 : i32
        %mul3A_76 = arith.muli %add3A_74, %mul3A_75 : i32
        %dma_wait3A = arith.constant 0 : i32
        %dma_wait3A_77 = tpu.memref_slice %arg2[%mul3A_76, %dma_wait3A] : memref<10000x10112xf32, #tpu.memory_space<hbm>> -> memref<4x10112xf32, #tpu.memory_space<hbm>>
        %dma_wait3A_78 = arith.constant 0 : i32
        %dma_wait3A_79 = tpu.memref_slice %arg2[%mul3A_76, %dma_wait3A_78] : memref<10000x10112xf32, #tpu.memory_space<hbm>> -> memref<4x10112xf32, #tpu.memory_space<hbm>>
        tpu.wait_dma2 semaphore(%arg10 : memref<!tpu.dma_semaphore, #tpu.memory_space<semaphore_mem>>) src(%dma_wait3A_79 : memref<4x10112xf32, #tpu.memory_space<hbm>>) dst(%arg6 : memref<4x10112xf32, #tpu.memory_space<vmem>>)
        %parallel_loop3A = arith.constant 0 : i32
        %parallel_loop3A_80 = arith.constant 632 : i32
        %parallel_loop3A_81 = arith.constant 1 : i32
        scf.for %parallel_loop3A_91 = %parallel_loop3A to %parallel_loop3A_80 step %parallel_loop3A_81  : i32 {
          %parallel_loop3A_92 = arith.constant 16 : i32
          %parallel_loop3A_93 = arith.muli %parallel_loop3A_91, %parallel_loop3A_92 : i32
          %parallel_loop3A_94 = arith.constant 0 : i32
          %parallel_loop3A_95 = arith.index_cast %parallel_loop3A_94 : i32 to index
          %parallel_loop3A_96 = arith.index_cast %parallel_loop3A_93 : i32 to index
          %parallel_loop3A_97 = tpu.vector_load %arg6[%parallel_loop3A_95, %parallel_loop3A_96] {strides = array<i32>} : memref<4x10112xf32, #tpu.memory_space<vmem>>, vector<16xf32>,
          %parallel_loop3A_98 = vector.bitcast %parallel_loop3A_97 : vector<16xf32> to vector<16xi32>
          %parallel_loop3A_99 = arith.shrui %parallel_loop3A_98, %broadcast_in_dim3A_9 : vector<16xi32>
          %parallel_loop3A_100 = arith.andi %parallel_loop3A_99, %broadcast_in_dim3A_11 : vector<16xi32>
          %parallel_loop3A_101 = arith.addi %parallel_loop3A_100, %mul3A_14 : vector<16xi32>
          %parallel_loop3A_102 = arith.constant 2 : i32
          %parallel_loop3A_103 = arith.constant 0 : i32
          %parallel_loop3A_104 = arith.cmpi eq, %parallel_loop3A_102, %parallel_loop3A_103 : i32
          %parallel_loop3A_105 = arith.constant 1 : i32
          %parallel_loop3A_106 = arith.select %parallel_loop3A_104, %parallel_loop3A_105, %parallel_loop3A_102 : i32
          %parallel_loop3A_107 = arith.remsi %parallel_loop3A_91, %parallel_loop3A_106 : i32
          %parallel_loop3A_108 = arith.constant 0 : i32
          %parallel_loop3A_109 = arith.cmpi ne, %parallel_loop3A_107, %parallel_loop3A_108 : i32
          %parallel_loop3A_110 = arith.constant 0 : i32
          %parallel_loop3A_111 = arith.cmpi slt, %parallel_loop3A_107, %parallel_loop3A_110 : i32
          %parallel_loop3A_112 = arith.constant 0 : i32
          %parallel_loop3A_113 = arith.cmpi slt, %parallel_loop3A_106, %parallel_loop3A_112 : i32
          %parallel_loop3A_114 = arith.xori %parallel_loop3A_111, %parallel_loop3A_113 : i1
          %parallel_loop3A_115 = arith.andi %parallel_loop3A_114, %parallel_loop3A_109 : i1
          %parallel_loop3A_116 = arith.addi %parallel_loop3A_107, %parallel_loop3A_106 : i32
          %parallel_loop3A_117 = arith.select %parallel_loop3A_115, %parallel_loop3A_116, %parallel_loop3A_107 : i32
          %parallel_loop3A_118 = arith.constant 16400 : i32
          %parallel_loop3A_119 = arith.muli %parallel_loop3A_117, %parallel_loop3A_118 : i32
          %parallel_loop3A_120 = vector.broadcast %parallel_loop3A_119 : i32 to vector<16xi32>
          %parallel_loop3A_121 = arith.addi %parallel_loop3A_101, %parallel_loop3A_120 : vector<16xi32>
          tpu.vector_store_idx %arg8[%parallel_loop3A_121], %broadcast_in_dim3A_16 {add = true} : memref<32800xi32, #tpu.memory_space<vmem>>[vector<16xi32>], vector<16xi32>,
        } {sc.loop_unroll_factor = 8 : i64, sc.parallel_access}
        %parallel_loop3A_82 = arith.constant 0 : i32
        %parallel_loop3A_83 = arith.constant 632 : i32
        %parallel_loop3A_84 = arith.constant 1 : i32
        scf.for %parallel_loop3A_91 = %parallel_loop3A_82 to %parallel_loop3A_83 step %parallel_loop3A_84  : i32 {
          %parallel_loop3A_92 = arith.constant 16 : i32
          %parallel_loop3A_93 = arith.muli %parallel_loop3A_91, %parallel_loop3A_92 : i32
          %parallel_loop3A_94 = arith.constant 1 : i32
          %parallel_loop3A_95 = arith.index_cast %parallel_loop3A_94 : i32 to index
          %parallel_loop3A_96 = arith.index_cast %parallel_loop3A_93 : i32 to index
          %parallel_loop3A_97 = tpu.vector_load %arg6[%parallel_loop3A_95, %parallel_loop3A_96] {strides = array<i32>} : memref<4x10112xf32, #tpu.memory_space<vmem>>, vector<16xf32>,
          %parallel_loop3A_98 = vector.bitcast %parallel_loop3A_97 : vector<16xf32> to vector<16xi32>
          %parallel_loop3A_99 = arith.shrui %parallel_loop3A_98, %broadcast_in_dim3A_9 : vector<16xi32>
          %parallel_loop3A_100 = arith.andi %parallel_loop3A_99, %broadcast_in_dim3A_11 : vector<16xi32>
          %parallel_loop3A_101 = arith.addi %parallel_loop3A_100, %mul3A_14 : vector<16xi32>
          %parallel_loop3A_102 = arith.constant 2 : i32
          %parallel_loop3A_103 = arith.constant 0 : i32
          %parallel_loop3A_104 = arith.cmpi eq, %parallel_loop3A_102, %parallel_loop3A_103 : i32
          %parallel_loop3A_105 = arith.constant 1 : i32
          %parallel_loop3A_106 = arith.select %parallel_loop3A_104, %parallel_loop3A_105, %parallel_loop3A_102 : i32
          %parallel_loop3A_107 = arith.remsi %parallel_loop3A_91, %parallel_loop3A_106 : i32
          %parallel_loop3A_108 = arith.constant 0 : i32
          %parallel_loop3A_109 = arith.cmpi ne, %parallel_loop3A_107, %parallel_loop3A_108 : i32
          %parallel_loop3A_110 = arith.constant 0 : i32
          %parallel_loop3A_111 = arith.cmpi slt, %parallel_loop3A_107, %parallel_loop3A_110 : i32
          %parallel_loop3A_112 = arith.constant 0 : i32
          %parallel_loop3A_113 = arith.cmpi slt, %parallel_loop3A_106, %parallel_loop3A_112 : i32
          %parallel_loop3A_114 = arith.xori %parallel_loop3A_111, %parallel_loop3A_113 : i1
          %parallel_loop3A_115 = arith.andi %parallel_loop3A_114, %parallel_loop3A_109 : i1
          %parallel_loop3A_116 = arith.addi %parallel_loop3A_107, %parallel_loop3A_106 : i32
          %parallel_loop3A_117 = arith.select %parallel_loop3A_115, %parallel_loop3A_116, %parallel_loop3A_107 : i32
          %parallel_loop3A_118 = arith.constant 16400 : i32
          %parallel_loop3A_119 = arith.muli %parallel_loop3A_117, %parallel_loop3A_118 : i32
          %parallel_loop3A_120 = vector.broadcast %parallel_loop3A_119 : i32 to vector<16xi32>
          %parallel_loop3A_121 = arith.addi %parallel_loop3A_101, %parallel_loop3A_120 : vector<16xi32>
          tpu.vector_store_idx %arg8[%parallel_loop3A_121], %broadcast_in_dim3A_16 {add = true} : memref<32800xi32, #tpu.memory_space<vmem>>[vector<16xi32>], vector<16xi32>,
        } {sc.loop_unroll_factor = 8 : i64, sc.parallel_access}
        %parallel_loop3A_85 = arith.constant 0 : i32
        %parallel_loop3A_86 = arith.constant 632 : i32
        %parallel_loop3A_87 = arith.constant 1 : i32
        scf.for %parallel_loop3A_91 = %parallel_loop3A_85 to %parallel_loop3A_86 step %parallel_loop3A_87  : i32 {
          %parallel_loop3A_92 = arith.constant 16 : i32
          %parallel_loop3A_93 = arith.muli %parallel_loop3A_91, %parallel_loop3A_92 : i32
          %parallel_loop3A_94 = arith.constant 2 : i32
          %parallel_loop3A_95 = arith.index_cast %parallel_loop3A_94 : i32 to index
          %parallel_loop3A_96 = arith.index_cast %parallel_loop3A_93 : i32 to index
          %parallel_loop3A_97 = tpu.vector_load %arg6[%parallel_loop3A_95, %parallel_loop3A_96] {strides = array<i32>} : memref<4x10112xf32, #tpu.memory_space<vmem>>, vector<16xf32>,
          %parallel_loop3A_98 = vector.bitcast %parallel_loop3A_97 : vector<16xf32> to vector<16xi32>
          %parallel_loop3A_99 = arith.shrui %parallel_loop3A_98, %broadcast_in_dim3A_9 : vector<16xi32>
          %parallel_loop3A_100 = arith.andi %parallel_loop3A_99, %broadcast_in_dim3A_11 : vector<16xi32>
          %parallel_loop3A_101 = arith.addi %parallel_loop3A_100, %mul3A_14 : vector<16xi32>
          %parallel_loop3A_102 = arith.constant 2 : i32
          %parallel_loop3A_103 = arith.constant 0 : i32
          %parallel_loop3A_104 = arith.cmpi eq, %parallel_loop3A_102, %parallel_loop3A_103 : i32
          %parallel_loop3A_105 = arith.constant 1 : i32
          %parallel_loop3A_106 = arith.select %parallel_loop3A_104, %parallel_loop3A_105, %parallel_loop3A_102 : i32
          %parallel_loop3A_107 = arith.remsi %parallel_loop3A_91, %parallel_loop3A_106 : i32
          %parallel_loop3A_108 = arith.constant 0 : i32
          %parallel_loop3A_109 = arith.cmpi ne, %parallel_loop3A_107, %parallel_loop3A_108 : i32
          %parallel_loop3A_110 = arith.constant 0 : i32
          %parallel_loop3A_111 = arith.cmpi slt, %parallel_loop3A_107, %parallel_loop3A_110 : i32
          %parallel_loop3A_112 = arith.constant 0 : i32
          %parallel_loop3A_113 = arith.cmpi slt, %parallel_loop3A_106, %parallel_loop3A_112 : i32
          %parallel_loop3A_114 = arith.xori %parallel_loop3A_111, %parallel_loop3A_113 : i1
          %parallel_loop3A_115 = arith.andi %parallel_loop3A_114, %parallel_loop3A_109 : i1
          %parallel_loop3A_116 = arith.addi %parallel_loop3A_107, %parallel_loop3A_106 : i32
          %parallel_loop3A_117 = arith.select %parallel_loop3A_115, %parallel_loop3A_116, %parallel_loop3A_107 : i32
          %parallel_loop3A_118 = arith.constant 16400 : i32
          %parallel_loop3A_119 = arith.muli %parallel_loop3A_117, %parallel_loop3A_118 : i32
          %parallel_loop3A_120 = vector.broadcast %parallel_loop3A_119 : i32 to vector<16xi32>
          %parallel_loop3A_121 = arith.addi %parallel_loop3A_101, %parallel_loop3A_120 : vector<16xi32>
          tpu.vector_store_idx %arg8[%parallel_loop3A_121], %broadcast_in_dim3A_16 {add = true} : memref<32800xi32, #tpu.memory_space<vmem>>[vector<16xi32>], vector<16xi32>,
        } {sc.loop_unroll_factor = 8 : i64, sc.parallel_access}
        %parallel_loop3A_88 = arith.constant 0 : i32
        %parallel_loop3A_89 = arith.constant 632 : i32
        %parallel_loop3A_90 = arith.constant 1 : i32
        scf.for %parallel_loop3A_91 = %parallel_loop3A_88 to %parallel_loop3A_89 step %parallel_loop3A_90  : i32 {
          %parallel_loop3A_92 = arith.constant 16 : i32
          %parallel_loop3A_93 = arith.muli %parallel_loop3A_91, %parallel_loop3A_92 : i32
          %parallel_loop3A_94 = arith.constant 3 : i32
          %parallel_loop3A_95 = arith.index_cast %parallel_loop3A_94 : i32 to index
          %parallel_loop3A_96 = arith.index_cast %parallel_loop3A_93 : i32 to index
          %parallel_loop3A_97 = tpu.vector_load %arg6[%parallel_loop3A_95, %parallel_loop3A_96] {strides = array<i32>} : memref<4x10112xf32, #tpu.memory_space<vmem>>, vector<16xf32>,
          %parallel_loop3A_98 = vector.bitcast %parallel_loop3A_97 : vector<16xf32> to vector<16xi32>
          %parallel_loop3A_99 = arith.shrui %parallel_loop3A_98, %broadcast_in_dim3A_9 : vector<16xi32>
          %parallel_loop3A_100 = arith.andi %parallel_loop3A_99, %broadcast_in_dim3A_11 : vector<16xi32>
          %parallel_loop3A_101 = arith.addi %parallel_loop3A_100, %mul3A_14 : vector<16xi32>
          %parallel_loop3A_102 = arith.constant 2 : i32
          %parallel_loop3A_103 = arith.constant 0 : i32
          %parallel_loop3A_104 = arith.cmpi eq, %parallel_loop3A_102, %parallel_loop3A_103 : i32
          %parallel_loop3A_105 = arith.constant 1 : i32
          %parallel_loop3A_106 = arith.select %parallel_loop3A_104, %parallel_loop3A_105, %parallel_loop3A_102 : i32
          %parallel_loop3A_107 = arith.remsi %parallel_loop3A_91, %parallel_loop3A_106 : i32
          %parallel_loop3A_108 = arith.constant 0 : i32
          %parallel_loop3A_109 = arith.cmpi ne, %parallel_loop3A_107, %parallel_loop3A_108 : i32
          %parallel_loop3A_110 = arith.constant 0 : i32
          %parallel_loop3A_111 = arith.cmpi slt, %parallel_loop3A_107, %parallel_loop3A_110 : i32
          %parallel_loop3A_112 = arith.constant 0 : i32
          %parallel_loop3A_113 = arith.cmpi slt, %parallel_loop3A_106, %parallel_loop3A_112 : i32
          %parallel_loop3A_114 = arith.xori %parallel_loop3A_111, %parallel_loop3A_113 : i1
          %parallel_loop3A_115 = arith.andi %parallel_loop3A_114, %parallel_loop3A_109 : i1
          %parallel_loop3A_116 = arith.addi %parallel_loop3A_107, %parallel_loop3A_106 : i32
          %parallel_loop3A_117 = arith.select %parallel_loop3A_115, %parallel_loop3A_116, %parallel_loop3A_107 : i32
          %parallel_loop3A_118 = arith.constant 16400 : i32
          %parallel_loop3A_119 = arith.muli %parallel_loop3A_117, %parallel_loop3A_118 : i32
          %parallel_loop3A_120 = vector.broadcast %parallel_loop3A_119 : i32 to vector<16xi32>
          %parallel_loop3A_121 = arith.addi %parallel_loop3A_101, %parallel_loop3A_120 : vector<16xi32>
          tpu.vector_store_idx %arg8[%parallel_loop3A_121], %broadcast_in_dim3A_16 {add = true} : memref<32800xi32, #tpu.memory_space<vmem>>[vector<16xi32>], vector<16xi32>,
        } {sc.loop_unroll_factor = 8 : i64, sc.parallel_access}
      } else {
      }
    }
    %while3A_36 = arith.constant 1 : i32
    scf.for %while3A_39 = %while3A_34 to %while3A_30 step %while3A_36  : i32 {
      %jit3A_40 = arith.constant 2 : i32
      %eq3A = arith.constant 0 : i32
      %eq3A_41 = arith.cmpi eq, %jit3A_40, %eq3A : i32
      %jit3A_42 = arith.constant 1 : i32
      %select_n3A_43 = arith.select %eq3A_41, %jit3A_42, %jit3A_40 : i32
      %rem3A = arith.remsi %while3A_39, %select_n3A_43 : i32
      %ne3A = arith.constant 0 : i32
      %ne3A_44 = arith.cmpi ne, %rem3A, %ne3A : i32
      %lt3A_45 = arith.constant 0 : i32
      %lt3A_46 = arith.cmpi slt, %rem3A, %lt3A_45 : i32
      %lt3A_47 = arith.constant 0 : i32
      %lt3A_48 = arith.cmpi slt, %select_n3A_43, %lt3A_47 : i32
      %ne3A_49 = arith.xori %lt3A_46, %lt3A_48 : i1
      %and3A = arith.andi %ne3A_49, %ne3A_44 : i1
      %add3A_50 = arith.addi %rem3A, %select_n3A_43 : i32
      %select_n3A_51 = arith.select %and3A, %add3A_50, %rem3A : i32
      %eq3A_52 = arith.constant 0 : i32
      %eq3A_53 = arith.cmpi eq, %select_n3A_51, %eq3A_52 : i32
      %add3A_54 = arith.constant 1 : i32
      %add3A_55 = arith.addi %while3A_39, %add3A_54 : i32
      %lt3A_56 = arith.cmpi slt, %add3A_55, %add3A_20 : i32
      %and3A_57 = arith.andi %lt3A_56, %eq3A_53 : i1
      %convert_element_type3A = arith.extui %and3A_57 : i1 to i32
      %cond3A = arith.constant 0 : i32
      %cond3A_58 = arith.cmpi ne, %convert_element_type3A, %cond3A : i32
      scf.if %cond3A_58 {
        %mul3A_72 = arith.constant 32 : i32
        %mul3A_73 = arith.muli %add3A_55, %mul3A_72 : i32
        %add3A_74 = arith.addi %add3A, %mul3A_73 : i32
        %mul3A_75 = arith.constant 4 : i32
        %mul3A_76 = arith.muli %add3A_74, %mul3A_75 : i32
        %dma_start3A_77 = arith.constant 0 : i32
        %dma_start3A_78 = tpu.memref_slice %arg2[%mul3A_76, %dma_start3A_77] : memref<10000x10112xf32, #tpu.memory_space<hbm>> -> memref<4x10112xf32, #tpu.memory_space<hbm>>
        %dma_start3A_79 = arith.constant 0 : i32
        %dma_start3A_80 = tpu.memref_slice %arg2[%mul3A_76, %dma_start3A_79] : memref<10000x10112xf32, #tpu.memory_space<hbm>> -> memref<4x10112xf32, #tpu.memory_space<hbm>>
        tpu.enqueue_dma source(%dma_start3A_80 : memref<4x10112xf32, #tpu.memory_space<hbm>>) target(%arg6 : memref<4x10112xf32, #tpu.memory_space<vmem>>) target_semaphore(%arg10 : memref<!tpu.dma_semaphore, #tpu.memory_space<semaphore_mem>>)
      } else {
      }
      %not3A = arith.constant true
      %not3A_59 = arith.xori %eq3A_53, %not3A : i1
      %and3A_60 = arith.andi %lt3A_56, %not3A_59 : i1
      %convert_element_type3A_61 = arith.extui %and3A_60 : i1 to i32
      %cond3A_62 = arith.constant 0 : i32
      %cond3A_63 = arith.cmpi ne, %convert_element_type3A_61, %cond3A_62 : i32
      scf.if %cond3A_63 {
        %mul3A_72 = arith.constant 32 : i32
        %mul3A_73 = arith.muli %add3A_55, %mul3A_72 : i32
        %add3A_74 = arith.addi %add3A, %mul3A_73 : i32
        %mul3A_75 = arith.constant 4 : i32
        %mul3A_76 = arith.muli %add3A_74, %mul3A_75 : i32
        %dma_start3A_77 = arith.constant 0 : i32
        %dma_start3A_78 = tpu.memref_slice %arg2[%mul3A_76, %dma_start3A_77] : memref<10000x10112xf32, #tpu.memory_space<hbm>> -> memref<4x10112xf32, #tpu.memory_space<hbm>>
        %dma_start3A_79 = arith.constant 0 : i32
        %dma_start3A_80 = tpu.memref_slice %arg2[%mul3A_76, %dma_start3A_79] : memref<10000x10112xf32, #tpu.memory_space<hbm>> -> memref<4x10112xf32, #tpu.memory_space<hbm>>
        tpu.enqueue_dma source(%dma_start3A_80 : memref<4x10112xf32, #tpu.memory_space<hbm>>) target(%arg5 : memref<4x10112xf32, #tpu.memory_space<vmem>>) target_semaphore(%arg9 : memref<!tpu.dma_semaphore, #tpu.memory_space<semaphore_mem>>)
      } else {
      }
      %convert_element_type3A_64 = arith.extui %eq3A_53 : i1 to i32
      %cond3A_65 = arith.constant 0 : i32
      %cond3A_66 = arith.cmpi ne, %convert_element_type3A_64, %cond3A_65 : i32
      scf.if %cond3A_66 {
        %mul3A_72 = arith.constant 32 : i32
        %mul3A_73 = arith.muli %while3A_39, %mul3A_72 : i32
        %add3A_74 = arith.addi %add3A, %mul3A_73 : i32
        %mul3A_75 = arith.constant 4 : i32
        %mul3A_76 = arith.muli %add3A_74, %mul3A_75 : i32
        %dma_wait3A = arith.constant 0 : i32
        %dma_wait3A_77 = tpu.memref_slice %arg2[%mul3A_76, %dma_wait3A] : memref<10000x10112xf32, #tpu.memory_space<hbm>> -> memref<4x10112xf32, #tpu.memory_space<hbm>>
        %dma_wait3A_78 = arith.constant 0 : i32
        %dma_wait3A_79 = tpu.memref_slice %arg2[%mul3A_76, %dma_wait3A_78] : memref<10000x10112xf32, #tpu.memory_space<hbm>> -> memref<4x10112xf32, #tpu.memory_space<hbm>>
        tpu.wait_dma2 semaphore(%arg9 : memref<!tpu.dma_semaphore, #tpu.memory_space<semaphore_mem>>) src(%dma_wait3A_79 : memref<4x10112xf32, #tpu.memory_space<hbm>>) dst(%arg5 : memref<4x10112xf32, #tpu.memory_space<vmem>>)
        %parallel_loop3A = arith.constant 0 : i32
        %parallel_loop3A_80 = arith.constant 632 : i32
        %parallel_loop3A_81 = arith.constant 1 : i32
        scf.for %parallel_loop3A_91 = %parallel_loop3A to %parallel_loop3A_80 step %parallel_loop3A_81  : i32 {
          %parallel_loop3A_92 = arith.constant 16 : i32
          %parallel_loop3A_93 = arith.muli %parallel_loop3A_91, %parallel_loop3A_92 : i32
          %parallel_loop3A_94 = arith.constant 0 : i32
          %parallel_loop3A_95 = arith.index_cast %parallel_loop3A_94 : i32 to index
          %parallel_loop3A_96 = arith.index_cast %parallel_loop3A_93 : i32 to index
          %parallel_loop3A_97 = tpu.vector_load %arg5[%parallel_loop3A_95, %parallel_loop3A_96] {strides = array<i32>} : memref<4x10112xf32, #tpu.memory_space<vmem>>, vector<16xf32>,
          %parallel_loop3A_98 = vector.bitcast %parallel_loop3A_97 : vector<16xf32> to vector<16xi32>
          %parallel_loop3A_99 = arith.shrui %parallel_loop3A_98, %broadcast_in_dim3A_9 : vector<16xi32>
          %parallel_loop3A_100 = arith.andi %parallel_loop3A_99, %broadcast_in_dim3A_11 : vector<16xi32>
          %parallel_loop3A_101 = arith.addi %parallel_loop3A_100, %mul3A_14 : vector<16xi32>
          %parallel_loop3A_102 = arith.constant 2 : i32
          %parallel_loop3A_103 = arith.constant 0 : i32
          %parallel_loop3A_104 = arith.cmpi eq, %parallel_loop3A_102, %parallel_loop3A_103 : i32
          %parallel_loop3A_105 = arith.constant 1 : i32
          %parallel_loop3A_106 = arith.select %parallel_loop3A_104, %parallel_loop3A_105, %parallel_loop3A_102 : i32
          %parallel_loop3A_107 = arith.remsi %parallel_loop3A_91, %parallel_loop3A_106 : i32
          %parallel_loop3A_108 = arith.constant 0 : i32
          %parallel_loop3A_109 = arith.cmpi ne, %parallel_loop3A_107, %parallel_loop3A_108 : i32
          %parallel_loop3A_110 = arith.constant 0 : i32
          %parallel_loop3A_111 = arith.cmpi slt, %parallel_loop3A_107, %parallel_loop3A_110 : i32
          %parallel_loop3A_112 = arith.constant 0 : i32
          %parallel_loop3A_113 = arith.cmpi slt, %parallel_loop3A_106, %parallel_loop3A_112 : i32
          %parallel_loop3A_114 = arith.xori %parallel_loop3A_111, %parallel_loop3A_113 : i1
          %parallel_loop3A_115 = arith.andi %parallel_loop3A_114, %parallel_loop3A_109 : i1
          %parallel_loop3A_116 = arith.addi %parallel_loop3A_107, %parallel_loop3A_106 : i32
          %parallel_loop3A_117 = arith.select %parallel_loop3A_115, %parallel_loop3A_116, %parallel_loop3A_107 : i32
          %parallel_loop3A_118 = arith.constant 16400 : i32
          %parallel_loop3A_119 = arith.muli %parallel_loop3A_117, %parallel_loop3A_118 : i32
          %parallel_loop3A_120 = vector.broadcast %parallel_loop3A_119 : i32 to vector<16xi32>
          %parallel_loop3A_121 = arith.addi %parallel_loop3A_101, %parallel_loop3A_120 : vector<16xi32>
          tpu.vector_store_idx %arg8[%parallel_loop3A_121], %broadcast_in_dim3A_16 {add = true} : memref<32800xi32, #tpu.memory_space<vmem>>[vector<16xi32>], vector<16xi32>,
        } {sc.loop_unroll_factor = 8 : i64, sc.parallel_access}
        %parallel_loop3A_82 = arith.constant 0 : i32
        %parallel_loop3A_83 = arith.constant 632 : i32
        %parallel_loop3A_84 = arith.constant 1 : i32
        scf.for %parallel_loop3A_91 = %parallel_loop3A_82 to %parallel_loop3A_83 step %parallel_loop3A_84  : i32 {
          %parallel_loop3A_92 = arith.constant 16 : i32
          %parallel_loop3A_93 = arith.muli %parallel_loop3A_91, %parallel_loop3A_92 : i32
          %parallel_loop3A_94 = arith.constant 1 : i32
          %parallel_loop3A_95 = arith.index_cast %parallel_loop3A_94 : i32 to index
          %parallel_loop3A_96 = arith.index_cast %parallel_loop3A_93 : i32 to index
          %parallel_loop3A_97 = tpu.vector_load %arg5[%parallel_loop3A_95, %parallel_loop3A_96] {strides = array<i32>} : memref<4x10112xf32, #tpu.memory_space<vmem>>, vector<16xf32>,
          %parallel_loop3A_98 = vector.bitcast %parallel_loop3A_97 : vector<16xf32> to vector<16xi32>
          %parallel_loop3A_99 = arith.shrui %parallel_loop3A_98, %broadcast_in_dim3A_9 : vector<16xi32>
          %parallel_loop3A_100 = arith.andi %parallel_loop3A_99, %broadcast_in_dim3A_11 : vector<16xi32>
          %parallel_loop3A_101 = arith.addi %parallel_loop3A_100, %mul3A_14 : vector<16xi32>
          %parallel_loop3A_102 = arith.constant 2 : i32
          %parallel_loop3A_103 = arith.constant 0 : i32
          %parallel_loop3A_104 = arith.cmpi eq, %parallel_loop3A_102, %parallel_loop3A_103 : i32
          %parallel_loop3A_105 = arith.constant 1 : i32
          %parallel_loop3A_106 = arith.select %parallel_loop3A_104, %parallel_loop3A_105, %parallel_loop3A_102 : i32
          %parallel_loop3A_107 = arith.remsi %parallel_loop3A_91, %parallel_loop3A_106 : i32
          %parallel_loop3A_108 = arith.constant 0 : i32
          %parallel_loop3A_109 = arith.cmpi ne, %parallel_loop3A_107, %parallel_loop3A_108 : i32
          %parallel_loop3A_110 = arith.constant 0 : i32
          %parallel_loop3A_111 = arith.cmpi slt, %parallel_loop3A_107, %parallel_loop3A_110 : i32
          %parallel_loop3A_112 = arith.constant 0 : i32
          %parallel_loop3A_113 = arith.cmpi slt, %parallel_loop3A_106, %parallel_loop3A_112 : i32
          %parallel_loop3A_114 = arith.xori %parallel_loop3A_111, %parallel_loop3A_113 : i1
          %parallel_loop3A_115 = arith.andi %parallel_loop3A_114, %parallel_loop3A_109 : i1
          %parallel_loop3A_116 = arith.addi %parallel_loop3A_107, %parallel_loop3A_106 : i32
          %parallel_loop3A_117 = arith.select %parallel_loop3A_115, %parallel_loop3A_116, %parallel_loop3A_107 : i32
          %parallel_loop3A_118 = arith.constant 16400 : i32
          %parallel_loop3A_119 = arith.muli %parallel_loop3A_117, %parallel_loop3A_118 : i32
          %parallel_loop3A_120 = vector.broadcast %parallel_loop3A_119 : i32 to vector<16xi32>
          %parallel_loop3A_121 = arith.addi %parallel_loop3A_101, %parallel_loop3A_120 : vector<16xi32>
          tpu.vector_store_idx %arg8[%parallel_loop3A_121], %broadcast_in_dim3A_16 {add = true} : memref<32800xi32, #tpu.memory_space<vmem>>[vector<16xi32>], vector<16xi32>,
        } {sc.loop_unroll_factor = 8 : i64, sc.parallel_access}
        %parallel_loop3A_85 = arith.constant 0 : i32
        %parallel_loop3A_86 = arith.constant 632 : i32
        %parallel_loop3A_87 = arith.constant 1 : i32
        scf.for %parallel_loop3A_91 = %parallel_loop3A_85 to %parallel_loop3A_86 step %parallel_loop3A_87  : i32 {
          %parallel_loop3A_92 = arith.constant 16 : i32
          %parallel_loop3A_93 = arith.muli %parallel_loop3A_91, %parallel_loop3A_92 : i32
          %parallel_loop3A_94 = arith.constant 2 : i32
          %parallel_loop3A_95 = arith.index_cast %parallel_loop3A_94 : i32 to index
          %parallel_loop3A_96 = arith.index_cast %parallel_loop3A_93 : i32 to index
          %parallel_loop3A_97 = tpu.vector_load %arg5[%parallel_loop3A_95, %parallel_loop3A_96] {strides = array<i32>} : memref<4x10112xf32, #tpu.memory_space<vmem>>, vector<16xf32>,
          %parallel_loop3A_98 = vector.bitcast %parallel_loop3A_97 : vector<16xf32> to vector<16xi32>
          %parallel_loop3A_99 = arith.shrui %parallel_loop3A_98, %broadcast_in_dim3A_9 : vector<16xi32>
          %parallel_loop3A_100 = arith.andi %parallel_loop3A_99, %broadcast_in_dim3A_11 : vector<16xi32>
          %parallel_loop3A_101 = arith.addi %parallel_loop3A_100, %mul3A_14 : vector<16xi32>
          %parallel_loop3A_102 = arith.constant 2 : i32
          %parallel_loop3A_103 = arith.constant 0 : i32
          %parallel_loop3A_104 = arith.cmpi eq, %parallel_loop3A_102, %parallel_loop3A_103 : i32
          %parallel_loop3A_105 = arith.constant 1 : i32
          %parallel_loop3A_106 = arith.select %parallel_loop3A_104, %parallel_loop3A_105, %parallel_loop3A_102 : i32
          %parallel_loop3A_107 = arith.remsi %parallel_loop3A_91, %parallel_loop3A_106 : i32
          %parallel_loop3A_108 = arith.constant 0 : i32
          %parallel_loop3A_109 = arith.cmpi ne, %parallel_loop3A_107, %parallel_loop3A_108 : i32
          %parallel_loop3A_110 = arith.constant 0 : i32
          %parallel_loop3A_111 = arith.cmpi slt, %parallel_loop3A_107, %parallel_loop3A_110 : i32
          %parallel_loop3A_112 = arith.constant 0 : i32
          %parallel_loop3A_113 = arith.cmpi slt, %parallel_loop3A_106, %parallel_loop3A_112 : i32
          %parallel_loop3A_114 = arith.xori %parallel_loop3A_111, %parallel_loop3A_113 : i1
          %parallel_loop3A_115 = arith.andi %parallel_loop3A_114, %parallel_loop3A_109 : i1
          %parallel_loop3A_116 = arith.addi %parallel_loop3A_107, %parallel_loop3A_106 : i32
          %parallel_loop3A_117 = arith.select %parallel_loop3A_115, %parallel_loop3A_116, %parallel_loop3A_107 : i32
          %parallel_loop3A_118 = arith.constant 16400 : i32
          %parallel_loop3A_119 = arith.muli %parallel_loop3A_117, %parallel_loop3A_118 : i32
          %parallel_loop3A_120 = vector.broadcast %parallel_loop3A_119 : i32 to vector<16xi32>
          %parallel_loop3A_121 = arith.addi %parallel_loop3A_101, %parallel_loop3A_120 : vector<16xi32>
          tpu.vector_store_idx %arg8[%parallel_loop3A_121], %broadcast_in_dim3A_16 {add = true} : memref<32800xi32, #tpu.memory_space<vmem>>[vector<16xi32>], vector<16xi32>,
        } {sc.loop_unroll_factor = 8 : i64, sc.parallel_access}
        %parallel_loop3A_88 = arith.constant 0 : i32
        %parallel_loop3A_89 = arith.constant 632 : i32
        %parallel_loop3A_90 = arith.constant 1 : i32
        scf.for %parallel_loop3A_91 = %parallel_loop3A_88 to %parallel_loop3A_89 step %parallel_loop3A_90  : i32 {
          %parallel_loop3A_92 = arith.constant 16 : i32
          %parallel_loop3A_93 = arith.muli %parallel_loop3A_91, %parallel_loop3A_92 : i32
          %parallel_loop3A_94 = arith.constant 3 : i32
          %parallel_loop3A_95 = arith.index_cast %parallel_loop3A_94 : i32 to index
          %parallel_loop3A_96 = arith.index_cast %parallel_loop3A_93 : i32 to index
          %parallel_loop3A_97 = tpu.vector_load %arg5[%parallel_loop3A_95, %parallel_loop3A_96] {strides = array<i32>} : memref<4x10112xf32, #tpu.memory_space<vmem>>, vector<16xf32>,
          %parallel_loop3A_98 = vector.bitcast %parallel_loop3A_97 : vector<16xf32> to vector<16xi32>
          %parallel_loop3A_99 = arith.shrui %parallel_loop3A_98, %broadcast_in_dim3A_9 : vector<16xi32>
          %parallel_loop3A_100 = arith.andi %parallel_loop3A_99, %broadcast_in_dim3A_11 : vector<16xi32>
          %parallel_loop3A_101 = arith.addi %parallel_loop3A_100, %mul3A_14 : vector<16xi32>
          %parallel_loop3A_102 = arith.constant 2 : i32
          %parallel_loop3A_103 = arith.constant 0 : i32
          %parallel_loop3A_104 = arith.cmpi eq, %parallel_loop3A_102, %parallel_loop3A_103 : i32
          %parallel_loop3A_105 = arith.constant 1 : i32
          %parallel_loop3A_106 = arith.select %parallel_loop3A_104, %parallel_loop3A_105, %parallel_loop3A_102 : i32
          %parallel_loop3A_107 = arith.remsi %parallel_loop3A_91, %parallel_loop3A_106 : i32
          %parallel_loop3A_108 = arith.constant 0 : i32
          %parallel_loop3A_109 = arith.cmpi ne, %parallel_loop3A_107, %parallel_loop3A_108 : i32
          %parallel_loop3A_110 = arith.constant 0 : i32
          %parallel_loop3A_111 = arith.cmpi slt, %parallel_loop3A_107, %parallel_loop3A_110 : i32
          %parallel_loop3A_112 = arith.constant 0 : i32
          %parallel_loop3A_113 = arith.cmpi slt, %parallel_loop3A_106, %parallel_loop3A_112 : i32
          %parallel_loop3A_114 = arith.xori %parallel_loop3A_111, %parallel_loop3A_113 : i1
          %parallel_loop3A_115 = arith.andi %parallel_loop3A_114, %parallel_loop3A_109 : i1
          %parallel_loop3A_116 = arith.addi %parallel_loop3A_107, %parallel_loop3A_106 : i32
          %parallel_loop3A_117 = arith.select %parallel_loop3A_115, %parallel_loop3A_116, %parallel_loop3A_107 : i32
          %parallel_loop3A_118 = arith.constant 16400 : i32
          %parallel_loop3A_119 = arith.muli %parallel_loop3A_117, %parallel_loop3A_118 : i32
          %parallel_loop3A_120 = vector.broadcast %parallel_loop3A_119 : i32 to vector<16xi32>
          %parallel_loop3A_121 = arith.addi %parallel_loop3A_101, %parallel_loop3A_120 : vector<16xi32>
          tpu.vector_store_idx %arg8[%parallel_loop3A_121], %broadcast_in_dim3A_16 {add = true} : memref<32800xi32, #tpu.memory_space<vmem>>[vector<16xi32>], vector<16xi32>,
        } {sc.loop_unroll_factor = 8 : i64, sc.parallel_access}
      } else {
      }
      %not3A_67 = arith.constant true
      %not3A_68 = arith.xori %eq3A_53, %not3A_67 : i1
      %convert_element_type3A_69 = arith.extui %not3A_68 : i1 to i32
      %cond3A_70 = arith.constant 0 : i32
      %cond3A_71 = arith.cmpi ne, %convert_element_type3A_69, %cond3A_70 : i32
      scf.if %cond3A_71 {
        %mul3A_72 = arith.constant 32 : i32
        %mul3A_73 = arith.muli %while3A_39, %mul3A_72 : i32
        %add3A_74 = arith.addi %add3A, %mul3A_73 : i32
        %mul3A_75 = arith.constant 4 : i32
        %mul3A_76 = arith.muli %add3A_74, %mul3A_75 : i32
        %dma_wait3A = arith.constant 0 : i32
        %dma_wait3A_77 = tpu.memref_slice %arg2[%mul3A_76, %dma_wait3A] : memref<10000x10112xf32, #tpu.memory_space<hbm>> -> memref<4x10112xf32, #tpu.memory_space<hbm>>
        %dma_wait3A_78 = arith.constant 0 : i32
        %dma_wait3A_79 = tpu.memref_slice %arg2[%mul3A_76, %dma_wait3A_78] : memref<10000x10112xf32, #tpu.memory_space<hbm>> -> memref<4x10112xf32, #tpu.memory_space<hbm>>
        tpu.wait_dma2 semaphore(%arg10 : memref<!tpu.dma_semaphore, #tpu.memory_space<semaphore_mem>>) src(%dma_wait3A_79 : memref<4x10112xf32, #tpu.memory_space<hbm>>) dst(%arg6 : memref<4x10112xf32, #tpu.memory_space<vmem>>)
        %parallel_loop3A = arith.constant 0 : i32
        %parallel_loop3A_80 = arith.constant 632 : i32
        %parallel_loop3A_81 = arith.constant 1 : i32
        scf.for %parallel_loop3A_91 = %parallel_loop3A to %parallel_loop3A_80 step %parallel_loop3A_81  : i32 {
          %parallel_loop3A_92 = arith.constant 16 : i32
          %parallel_loop3A_93 = arith.muli %parallel_loop3A_91, %parallel_loop3A_92 : i32
          %parallel_loop3A_94 = arith.constant 0 : i32
          %parallel_loop3A_95 = arith.index_cast %parallel_loop3A_94 : i32 to index
          %parallel_loop3A_96 = arith.index_cast %parallel_loop3A_93 : i32 to index
          %parallel_loop3A_97 = tpu.vector_load %arg6[%parallel_loop3A_95, %parallel_loop3A_96] {strides = array<i32>} : memref<4x10112xf32, #tpu.memory_space<vmem>>, vector<16xf32>,
          %parallel_loop3A_98 = vector.bitcast %parallel_loop3A_97 : vector<16xf32> to vector<16xi32>
          %parallel_loop3A_99 = arith.shrui %parallel_loop3A_98, %broadcast_in_dim3A_9 : vector<16xi32>
          %parallel_loop3A_100 = arith.andi %parallel_loop3A_99, %broadcast_in_dim3A_11 : vector<16xi32>
          %parallel_loop3A_101 = arith.addi %parallel_loop3A_100, %mul3A_14 : vector<16xi32>
          %parallel_loop3A_102 = arith.constant 2 : i32
          %parallel_loop3A_103 = arith.constant 0 : i32
          %parallel_loop3A_104 = arith.cmpi eq, %parallel_loop3A_102, %parallel_loop3A_103 : i32
          %parallel_loop3A_105 = arith.constant 1 : i32
          %parallel_loop3A_106 = arith.select %parallel_loop3A_104, %parallel_loop3A_105, %parallel_loop3A_102 : i32
          %parallel_loop3A_107 = arith.remsi %parallel_loop3A_91, %parallel_loop3A_106 : i32
          %parallel_loop3A_108 = arith.constant 0 : i32
          %parallel_loop3A_109 = arith.cmpi ne, %parallel_loop3A_107, %parallel_loop3A_108 : i32
          %parallel_loop3A_110 = arith.constant 0 : i32
          %parallel_loop3A_111 = arith.cmpi slt, %parallel_loop3A_107, %parallel_loop3A_110 : i32
          %parallel_loop3A_112 = arith.constant 0 : i32
          %parallel_loop3A_113 = arith.cmpi slt, %parallel_loop3A_106, %parallel_loop3A_112 : i32
          %parallel_loop3A_114 = arith.xori %parallel_loop3A_111, %parallel_loop3A_113 : i1
          %parallel_loop3A_115 = arith.andi %parallel_loop3A_114, %parallel_loop3A_109 : i1
          %parallel_loop3A_116 = arith.addi %parallel_loop3A_107, %parallel_loop3A_106 : i32
          %parallel_loop3A_117 = arith.select %parallel_loop3A_115, %parallel_loop3A_116, %parallel_loop3A_107 : i32
          %parallel_loop3A_118 = arith.constant 16400 : i32
          %parallel_loop3A_119 = arith.muli %parallel_loop3A_117, %parallel_loop3A_118 : i32
          %parallel_loop3A_120 = vector.broadcast %parallel_loop3A_119 : i32 to vector<16xi32>
          %parallel_loop3A_121 = arith.addi %parallel_loop3A_101, %parallel_loop3A_120 : vector<16xi32>
          tpu.vector_store_idx %arg8[%parallel_loop3A_121], %broadcast_in_dim3A_16 {add = true} : memref<32800xi32, #tpu.memory_space<vmem>>[vector<16xi32>], vector<16xi32>,
        } {sc.loop_unroll_factor = 8 : i64, sc.parallel_access}
        %parallel_loop3A_82 = arith.constant 0 : i32
        %parallel_loop3A_83 = arith.constant 632 : i32
        %parallel_loop3A_84 = arith.constant 1 : i32
        scf.for %parallel_loop3A_91 = %parallel_loop3A_82 to %parallel_loop3A_83 step %parallel_loop3A_84  : i32 {
          %parallel_loop3A_92 = arith.constant 16 : i32
          %parallel_loop3A_93 = arith.muli %parallel_loop3A_91, %parallel_loop3A_92 : i32
          %parallel_loop3A_94 = arith.constant 1 : i32
          %parallel_loop3A_95 = arith.index_cast %parallel_loop3A_94 : i32 to index
          %parallel_loop3A_96 = arith.index_cast %parallel_loop3A_93 : i32 to index
          %parallel_loop3A_97 = tpu.vector_load %arg6[%parallel_loop3A_95, %parallel_loop3A_96] {strides = array<i32>} : memref<4x10112xf32, #tpu.memory_space<vmem>>, vector<16xf32>,
          %parallel_loop3A_98 = vector.bitcast %parallel_loop3A_97 : vector<16xf32> to vector<16xi32>
          %parallel_loop3A_99 = arith.shrui %parallel_loop3A_98, %broadcast_in_dim3A_9 : vector<16xi32>
          %parallel_loop3A_100 = arith.andi %parallel_loop3A_99, %broadcast_in_dim3A_11 : vector<16xi32>
          %parallel_loop3A_101 = arith.addi %parallel_loop3A_100, %mul3A_14 : vector<16xi32>
          %parallel_loop3A_102 = arith.constant 2 : i32
          %parallel_loop3A_103 = arith.constant 0 : i32
          %parallel_loop3A_104 = arith.cmpi eq, %parallel_loop3A_102, %parallel_loop3A_103 : i32
          %parallel_loop3A_105 = arith.constant 1 : i32
          %parallel_loop3A_106 = arith.select %parallel_loop3A_104, %parallel_loop3A_105, %parallel_loop3A_102 : i32
          %parallel_loop3A_107 = arith.remsi %parallel_loop3A_91, %parallel_loop3A_106 : i32
          %parallel_loop3A_108 = arith.constant 0 : i32
          %parallel_loop3A_109 = arith.cmpi ne, %parallel_loop3A_107, %parallel_loop3A_108 : i32
          %parallel_loop3A_110 = arith.constant 0 : i32
          %parallel_loop3A_111 = arith.cmpi slt, %parallel_loop3A_107, %parallel_loop3A_110 : i32
          %parallel_loop3A_112 = arith.constant 0 : i32
          %parallel_loop3A_113 = arith.cmpi slt, %parallel_loop3A_106, %parallel_loop3A_112 : i32
          %parallel_loop3A_114 = arith.xori %parallel_loop3A_111, %parallel_loop3A_113 : i1
          %parallel_loop3A_115 = arith.andi %parallel_loop3A_114, %parallel_loop3A_109 : i1
          %parallel_loop3A_116 = arith.addi %parallel_loop3A_107, %parallel_loop3A_106 : i32
          %parallel_loop3A_117 = arith.select %parallel_loop3A_115, %parallel_loop3A_116, %parallel_loop3A_107 : i32
          %parallel_loop3A_118 = arith.constant 16400 : i32
          %parallel_loop3A_119 = arith.muli %parallel_loop3A_117, %parallel_loop3A_118 : i32
          %parallel_loop3A_120 = vector.broadcast %parallel_loop3A_119 : i32 to vector<16xi32>
          %parallel_loop3A_121 = arith.addi %parallel_loop3A_101, %parallel_loop3A_120 : vector<16xi32>
          tpu.vector_store_idx %arg8[%parallel_loop3A_121], %broadcast_in_dim3A_16 {add = true} : memref<32800xi32, #tpu.memory_space<vmem>>[vector<16xi32>], vector<16xi32>,
        } {sc.loop_unroll_factor = 8 : i64, sc.parallel_access}
        %parallel_loop3A_85 = arith.constant 0 : i32
        %parallel_loop3A_86 = arith.constant 632 : i32
        %parallel_loop3A_87 = arith.constant 1 : i32
        scf.for %parallel_loop3A_91 = %parallel_loop3A_85 to %parallel_loop3A_86 step %parallel_loop3A_87  : i32 {
          %parallel_loop3A_92 = arith.constant 16 : i32
          %parallel_loop3A_93 = arith.muli %parallel_loop3A_91, %parallel_loop3A_92 : i32
          %parallel_loop3A_94 = arith.constant 2 : i32
          %parallel_loop3A_95 = arith.index_cast %parallel_loop3A_94 : i32 to index
          %parallel_loop3A_96 = arith.index_cast %parallel_loop3A_93 : i32 to index
          %parallel_loop3A_97 = tpu.vector_load %arg6[%parallel_loop3A_95, %parallel_loop3A_96] {strides = array<i32>} : memref<4x10112xf32, #tpu.memory_space<vmem>>, vector<16xf32>,
          %parallel_loop3A_98 = vector.bitcast %parallel_loop3A_97 : vector<16xf32> to vector<16xi32>
          %parallel_loop3A_99 = arith.shrui %parallel_loop3A_98, %broadcast_in_dim3A_9 : vector<16xi32>
          %parallel_loop3A_100 = arith.andi %parallel_loop3A_99, %broadcast_in_dim3A_11 : vector<16xi32>
          %parallel_loop3A_101 = arith.addi %parallel_loop3A_100, %mul3A_14 : vector<16xi32>
          %parallel_loop3A_102 = arith.constant 2 : i32
          %parallel_loop3A_103 = arith.constant 0 : i32
          %parallel_loop3A_104 = arith.cmpi eq, %parallel_loop3A_102, %parallel_loop3A_103 : i32
          %parallel_loop3A_105 = arith.constant 1 : i32
          %parallel_loop3A_106 = arith.select %parallel_loop3A_104, %parallel_loop3A_105, %parallel_loop3A_102 : i32
          %parallel_loop3A_107 = arith.remsi %parallel_loop3A_91, %parallel_loop3A_106 : i32
          %parallel_loop3A_108 = arith.constant 0 : i32
          %parallel_loop3A_109 = arith.cmpi ne, %parallel_loop3A_107, %parallel_loop3A_108 : i32
          %parallel_loop3A_110 = arith.constant 0 : i32
          %parallel_loop3A_111 = arith.cmpi slt, %parallel_loop3A_107, %parallel_loop3A_110 : i32
          %parallel_loop3A_112 = arith.constant 0 : i32
          %parallel_loop3A_113 = arith.cmpi slt, %parallel_loop3A_106, %parallel_loop3A_112 : i32
          %parallel_loop3A_114 = arith.xori %parallel_loop3A_111, %parallel_loop3A_113 : i1
          %parallel_loop3A_115 = arith.andi %parallel_loop3A_114, %parallel_loop3A_109 : i1
          %parallel_loop3A_116 = arith.addi %parallel_loop3A_107, %parallel_loop3A_106 : i32
          %parallel_loop3A_117 = arith.select %parallel_loop3A_115, %parallel_loop3A_116, %parallel_loop3A_107 : i32
          %parallel_loop3A_118 = arith.constant 16400 : i32
          %parallel_loop3A_119 = arith.muli %parallel_loop3A_117, %parallel_loop3A_118 : i32
          %parallel_loop3A_120 = vector.broadcast %parallel_loop3A_119 : i32 to vector<16xi32>
          %parallel_loop3A_121 = arith.addi %parallel_loop3A_101, %parallel_loop3A_120 : vector<16xi32>
          tpu.vector_store_idx %arg8[%parallel_loop3A_121], %broadcast_in_dim3A_16 {add = true} : memref<32800xi32, #tpu.memory_space<vmem>>[vector<16xi32>], vector<16xi32>,
        } {sc.loop_unroll_factor = 8 : i64, sc.parallel_access}
        %parallel_loop3A_88 = arith.constant 0 : i32
        %parallel_loop3A_89 = arith.constant 632 : i32
        %parallel_loop3A_90 = arith.constant 1 : i32
        scf.for %parallel_loop3A_91 = %parallel_loop3A_88 to %parallel_loop3A_89 step %parallel_loop3A_90  : i32 {
          %parallel_loop3A_92 = arith.constant 16 : i32
          %parallel_loop3A_93 = arith.muli %parallel_loop3A_91, %parallel_loop3A_92 : i32
          %parallel_loop3A_94 = arith.constant 3 : i32
          %parallel_loop3A_95 = arith.index_cast %parallel_loop3A_94 : i32 to index
          %parallel_loop3A_96 = arith.index_cast %parallel_loop3A_93 : i32 to index
          %parallel_loop3A_97 = tpu.vector_load %arg6[%parallel_loop3A_95, %parallel_loop3A_96] {strides = array<i32>} : memref<4x10112xf32, #tpu.memory_space<vmem>>, vector<16xf32>,
          %parallel_loop3A_98 = vector.bitcast %parallel_loop3A_97 : vector<16xf32> to vector<16xi32>
          %parallel_loop3A_99 = arith.shrui %parallel_loop3A_98, %broadcast_in_dim3A_9 : vector<16xi32>
          %parallel_loop3A_100 = arith.andi %parallel_loop3A_99, %broadcast_in_dim3A_11 : vector<16xi32>
          %parallel_loop3A_101 = arith.addi %parallel_loop3A_100, %mul3A_14 : vector<16xi32>
          %parallel_loop3A_102 = arith.constant 2 : i32
          %parallel_loop3A_103 = arith.constant 0 : i32
          %parallel_loop3A_104 = arith.cmpi eq, %parallel_loop3A_102, %parallel_loop3A_103 : i32
          %parallel_loop3A_105 = arith.constant 1 : i32
          %parallel_loop3A_106 = arith.select %parallel_loop3A_104, %parallel_loop3A_105, %parallel_loop3A_102 : i32
          %parallel_loop3A_107 = arith.remsi %parallel_loop3A_91, %parallel_loop3A_106 : i32
          %parallel_loop3A_108 = arith.constant 0 : i32
          %parallel_loop3A_109 = arith.cmpi ne, %parallel_loop3A_107, %parallel_loop3A_108 : i32
          %parallel_loop3A_110 = arith.constant 0 : i32
          %parallel_loop3A_111 = arith.cmpi slt, %parallel_loop3A_107, %parallel_loop3A_110 : i32
          %parallel_loop3A_112 = arith.constant 0 : i32
          %parallel_loop3A_113 = arith.cmpi slt, %parallel_loop3A_106, %parallel_loop3A_112 : i32
          %parallel_loop3A_114 = arith.xori %parallel_loop3A_111, %parallel_loop3A_113 : i1
          %parallel_loop3A_115 = arith.andi %parallel_loop3A_114, %parallel_loop3A_109 : i1
          %parallel_loop3A_116 = arith.addi %parallel_loop3A_107, %parallel_loop3A_106 : i32
          %parallel_loop3A_117 = arith.select %parallel_loop3A_115, %parallel_loop3A_116, %parallel_loop3A_107 : i32
          %parallel_loop3A_118 = arith.constant 16400 : i32
          %parallel_loop3A_119 = arith.muli %parallel_loop3A_117, %parallel_loop3A_118 : i32
          %parallel_loop3A_120 = vector.broadcast %parallel_loop3A_119 : i32 to vector<16xi32>
          %parallel_loop3A_121 = arith.addi %parallel_loop3A_101, %parallel_loop3A_120 : vector<16xi32>
          tpu.vector_store_idx %arg8[%parallel_loop3A_121], %broadcast_in_dim3A_16 {add = true} : memref<32800xi32, #tpu.memory_space<vmem>>[vector<16xi32>], vector<16xi32>,
        } {sc.loop_unroll_factor = 8 : i64, sc.parallel_access}
      } else {
      }
    }
    %mul3A_37 = arith.constant 32800 : i32
    %mul3A_38 = arith.muli %add3A, %mul3A_37 : i32
    "tpu.region"() ({
      %run_scoped3A = tpu.sem_alloc : memref<!tpu.dma_semaphore, #tpu.memory_space<semaphore_mem>>
      %dma_start3A_39 = tpu.memref_slice %arg4[%mul3A_38] : memref<1049600xi32, #tpu.memory_space<hbm>> -> memref<32800xi32, #tpu.memory_space<hbm>>
      %dma_start3A_40 = tpu.memref_slice %arg4[%mul3A_38] : memref<1049600xi32, #tpu.memory_space<hbm>> -> memref<32800xi32, #tpu.memory_space<hbm>>
      tpu.enqueue_dma source(%arg8 : memref<32800xi32, #tpu.memory_space<vmem>>) target(%dma_start3A_40 : memref<32800xi32, #tpu.memory_space<hbm>>) target_semaphore(%run_scoped3A : memref<!tpu.dma_semaphore, #tpu.memory_space<semaphore_mem>>)
      %dma_wait3A = tpu.memref_slice %arg4[%mul3A_38] : memref<1049600xi32, #tpu.memory_space<hbm>> -> memref<32800xi32, #tpu.memory_space<hbm>>
      %dma_wait3A_41 = tpu.memref_slice %arg4[%mul3A_38] : memref<1049600xi32, #tpu.memory_space<hbm>> -> memref<32800xi32, #tpu.memory_space<hbm>>
      tpu.wait_dma2 semaphore(%run_scoped3A : memref<!tpu.dma_semaphore, #tpu.memory_space<semaphore_mem>>) src(%arg8 : memref<32800xi32, #tpu.memory_space<vmem>>) dst(%dma_wait3A_41 : memref<32800xi32, #tpu.memory_space<hbm>>)
      tpu.yield
    }) : () -> ()
    return
  }
}

#map = affine_map<(d0, d1) -> (0, 0)>
#map1 = affine_map<(d0, d1) -> (0)>
module attributes {stable_mosaic.version = 14 : i64} {
  func.func @hist_kernel(%arg0: i32, %arg1: i32, %arg2: memref<10000x10112xf32, #tpu.memory_space<hbm>>, %arg3: memref<16xi32, #tpu.memory_space<hbm>>, %arg4: memref<1049600xi32, #tpu.memory_space<hbm>>, %arg5: memref<4x10112xf32, #tpu.memory_space<vmem>>, %arg6: memref<4x10112xf32, #tpu.memory_space<vmem>>, %arg7: memref<16xi32, #tpu.memory_space<vmem>>, %arg8: memref<32800xi32, #tpu.memory_space<vmem>>, %arg9: memref<!tpu.dma_semaphore, #tpu.memory_space<semaphore_mem>>, %arg10: memref<!tpu.dma_semaphore, #tpu.memory_space<semaphore_mem>>) attributes {dimension_semantics = [#tpu.dimension_semantics<core_parallel>, #tpu.dimension_semantics<subcore_parallel>], iteration_bounds = array<i64: 2, 16>, scalar_prefetch = 0 : i64, scratch_operands = 6 : i64, tpu.core_type = #tpu.core_type<sc_vector_subcore>, window_params = [{transform_indices = #map}, {transform_indices = #map1}, {transform_indices = #map1}]} {
    %mul3A = arith.constant 2 : i32
    %mul3A_0 = arith.muli %arg1, %mul3A : i32
    %add3A = arith.addi %mul3A_0, %arg0 : i32
    %scan3A = arith.constant 0 : i32
    %scan3A_1 = arith.constant 0 : i32
    %scan3A_2 = arith.constant 2050 : i32
    %scan3A_3 = arith.addi %scan3A_1, %scan3A_2 : i32
    %scan3A_4 = arith.constant 1 : i32
    scf.for %scan3A_39 = %scan3A_1 to %scan3A_3 step %scan3A_4  : i32 {
      %broadcast_in_dim3A_40 = arith.constant 0 : i32
      %broadcast_in_dim3A_41 = vector.broadcast %broadcast_in_dim3A_40 : i32 to vector<16xi32>
      %mul3A_42 = arith.constant 16 : i32
      %mul3A_43 = arith.muli %scan3A_39, %mul3A_42 : i32
      %swap3A = arith.index_cast %mul3A_43 : i32 to index
      %swap3A_44 = tpu.vector_load %arg8[%swap3A] {strides = array<i32>} : memref<32800xi32, #tpu.memory_space<vmem>>, vector<16xi32>,
      tpu.vector_store %arg8[%swap3A], %broadcast_in_dim3A_41 {strides = array<i32>} : memref<32800xi32, #tpu.memory_space<vmem>>, vector<16xi32>,
    }
    %scan3A_5 = arith.constant 2050 : i32
    "tpu.region"() ({
      %run_scoped3A = tpu.sem_alloc : memref<!tpu.dma_semaphore, #tpu.memory_space<semaphore_mem>>
      tpu.enqueue_dma source(%arg3 : memref<16xi32, #tpu.memory_space<hbm>>) target(%arg7 : memref<16xi32, #tpu.memory_space<vmem>>) target_semaphore(%run_scoped3A : memref<!tpu.dma_semaphore, #tpu.memory_space<semaphore_mem>>)
      tpu.wait_dma2 semaphore(%run_scoped3A : memref<!tpu.dma_semaphore, #tpu.memory_space<semaphore_mem>>) src(%arg3 : memref<16xi32, #tpu.memory_space<hbm>>) dst(%arg7 : memref<16xi32, #tpu.memory_space<vmem>>)
      tpu.yield
    }) : () -> ()
    %get3A = arith.constant 0 : index
    %get3A_6 = tpu.vector_load %arg7[%get3A] {strides = array<i32>} : memref<16xi32, #tpu.memory_space<vmem>>, vector<16xi32>,
    %broadcast_in_dim3A = arith.constant -1048576 : i32
    %broadcast_in_dim3A_7 = vector.broadcast %broadcast_in_dim3A : i32 to vector<16xi32>
    %broadcast_in_dim3A_8 = arith.constant 10 : i32
    %broadcast_in_dim3A_9 = vector.broadcast %broadcast_in_dim3A_8 : i32 to vector<16xi32>
    %broadcast_in_dim3A_10 = arith.constant 1023 : i32
    %broadcast_in_dim3A_11 = vector.broadcast %broadcast_in_dim3A_10 : i32 to vector<16xi32>
    %iota3A = tpu.iota {dimensions = array<i32: 0>} : vector<16xi32>
    %mul3A_12 = arith.constant 1025 : i32
    %mul3A_13 = vector.broadcast %mul3A_12 : i32 to vector<16xi32>
    %mul3A_14 = arith.muli %iota3A, %mul3A_13 : vector<16xi32>
    %broadcast_in_dim3A_15 = arith.constant 1 : i32
    %broadcast_in_dim3A_16 = vector.broadcast %broadcast_in_dim3A_15 : i32 to vector<16xi32>
    %lt3A = arith.constant 4 : i32
    %lt3A_17 = arith.cmpi slt, %add3A, %lt3A : i32
    %jit3A = arith.constant 1 : i32
    %jit3A_18 = arith.constant 0 : i32
    %select_n3A = arith.select %lt3A_17, %jit3A, %jit3A_18 : i32
    %add3A_19 = arith.constant 78 : i32
    %add3A_20 = arith.addi %add3A_19, %select_n3A : i32
    %add3A_21 = arith.constant 0 : i32
    %add3A_22 = arith.addi %add3A, %add3A_21 : i32
    %mul3A_23 = arith.constant 4 : i32
    %mul3A_24 = arith.muli %add3A_22, %mul3A_23 : i32
    %dma_start3A = arith.constant 0 : i32
    %dma_start3A_25 = tpu.memref_slice %arg2[%mul3A_24, %dma_start3A] : memref<10000x10112xf32, #tpu.memory_space<hbm>> -> memref<4x10112xf32, #tpu.memory_space<hbm>>
    %dma_start3A_26 = arith.constant 0 : i32
    %dma_start3A_27 = tpu.memref_slice %arg2[%mul3A_24, %dma_start3A_26] : memref<10000x10112xf32, #tpu.memory_space<hbm>> -> memref<4x10112xf32, #tpu.memory_space<hbm>>
    tpu.enqueue_dma source(%dma_start3A_27 : memref<4x10112xf32, #tpu.memory_space<hbm>>) target(%arg5 : memref<4x10112xf32, #tpu.memory_space<vmem>>) target_semaphore(%arg9 : memref<!tpu.dma_semaphore, #tpu.memory_space<semaphore_mem>>)
    %while3A = arith.constant 0 : i32
    %while3A_28 = arith.constant 0 : i32
    %while3A_29 = arith.subi %add3A_20, %while3A_28 : i32
    %while3A_30 = arith.addi %while3A_28, %while3A_29 : i32
    %while3A_31 = arith.constant 1 : i32
    %while3A_32 = arith.divsi %while3A_29, %while3A_31 : i32
    %while3A_33 = arith.muli %while3A_32, %while3A_31 : i32
    %while3A_34 = arith.addi %while3A_28, %while3A_33 : i32
    %while3A_35 = arith.constant 1 : i32
    scf.for %while3A_39 = %while3A_28 to %while3A_34 step %while3A_35  : i32 {
      %jit3A_40 = arith.constant 2 : i32
      %eq3A = arith.constant 0 : i32
      %eq3A_41 = arith.cmpi eq, %jit3A_40, %eq3A : i32
      %jit3A_42 = arith.constant 1 : i32
      %select_n3A_43 = arith.select %eq3A_41, %jit3A_42, %jit3A_40 : i32
      %rem3A = arith.remsi %while3A_39, %select_n3A_43 : i32
      %ne3A = arith.constant 0 : i32
      %ne3A_44 = arith.cmpi ne, %rem3A, %ne3A : i32
      %lt3A_45 = arith.constant 0 : i32
      %lt3A_46 = arith.cmpi slt, %rem3A, %lt3A_45 : i32
      %lt3A_47 = arith.constant 0 : i32
      %lt3A_48 = arith.cmpi slt, %select_n3A_43, %lt3A_47 : i32
      %ne3A_49 = arith.xori %lt3A_46, %lt3A_48 : i1
      %and3A = arith.andi %ne3A_49, %ne3A_44 : i1
      %add3A_50 = arith.addi %rem3A, %select_n3A_43 : i32
      %select_n3A_51 = arith.select %and3A, %add3A_50, %rem3A : i32
      %eq3A_52 = arith.constant 0 : i32
      %eq3A_53 = arith.cmpi eq, %select_n3A_51, %eq3A_52 : i32
      %add3A_54 = arith.constant 1 : i32
      %add3A_55 = arith.addi %while3A_39, %add3A_54 : i32
      %lt3A_56 = arith.cmpi slt, %add3A_55, %add3A_20 : i32
      %and3A_57 = arith.andi %lt3A_56, %eq3A_53 : i1
      %convert_element_type3A = arith.extui %and3A_57 : i1 to i32
      %cond3A = arith.constant 0 : i32
      %cond3A_58 = arith.cmpi ne, %convert_element_type3A, %cond3A : i32
      scf.if %cond3A_58 {
        %mul3A_72 = arith.constant 32 : i32
        %mul3A_73 = arith.muli %add3A_55, %mul3A_72 : i32
        %add3A_74 = arith.addi %add3A, %mul3A_73 : i32
        %mul3A_75 = arith.constant 4 : i32
        %mul3A_76 = arith.muli %add3A_74, %mul3A_75 : i32
        %dma_start3A_77 = arith.constant 0 : i32
        %dma_start3A_78 = tpu.memref_slice %arg2[%mul3A_76, %dma_start3A_77] : memref<10000x10112xf32, #tpu.memory_space<hbm>> -> memref<4x10112xf32, #tpu.memory_space<hbm>>
        %dma_start3A_79 = arith.constant 0 : i32
        %dma_start3A_80 = tpu.memref_slice %arg2[%mul3A_76, %dma_start3A_79] : memref<10000x10112xf32, #tpu.memory_space<hbm>> -> memref<4x10112xf32, #tpu.memory_space<hbm>>
        tpu.enqueue_dma source(%dma_start3A_80 : memref<4x10112xf32, #tpu.memory_space<hbm>>) target(%arg6 : memref<4x10112xf32, #tpu.memory_space<vmem>>) target_semaphore(%arg10 : memref<!tpu.dma_semaphore, #tpu.memory_space<semaphore_mem>>)
      } else {
      }
      %not3A = arith.constant true
      %not3A_59 = arith.xori %eq3A_53, %not3A : i1
      %and3A_60 = arith.andi %lt3A_56, %not3A_59 : i1
      %convert_element_type3A_61 = arith.extui %and3A_60 : i1 to i32
      %cond3A_62 = arith.constant 0 : i32
      %cond3A_63 = arith.cmpi ne, %convert_element_type3A_61, %cond3A_62 : i32
      scf.if %cond3A_63 {
        %mul3A_72 = arith.constant 32 : i32
        %mul3A_73 = arith.muli %add3A_55, %mul3A_72 : i32
        %add3A_74 = arith.addi %add3A, %mul3A_73 : i32
        %mul3A_75 = arith.constant 4 : i32
        %mul3A_76 = arith.muli %add3A_74, %mul3A_75 : i32
        %dma_start3A_77 = arith.constant 0 : i32
        %dma_start3A_78 = tpu.memref_slice %arg2[%mul3A_76, %dma_start3A_77] : memref<10000x10112xf32, #tpu.memory_space<hbm>> -> memref<4x10112xf32, #tpu.memory_space<hbm>>
        %dma_start3A_79 = arith.constant 0 : i32
        %dma_start3A_80 = tpu.memref_slice %arg2[%mul3A_76, %dma_start3A_79] : memref<10000x10112xf32, #tpu.memory_space<hbm>> -> memref<4x10112xf32, #tpu.memory_space<hbm>>
        tpu.enqueue_dma source(%dma_start3A_80 : memref<4x10112xf32, #tpu.memory_space<hbm>>) target(%arg5 : memref<4x10112xf32, #tpu.memory_space<vmem>>) target_semaphore(%arg9 : memref<!tpu.dma_semaphore, #tpu.memory_space<semaphore_mem>>)
      } else {
      }
      %convert_element_type3A_64 = arith.extui %eq3A_53 : i1 to i32
      %cond3A_65 = arith.constant 0 : i32
      %cond3A_66 = arith.cmpi ne, %convert_element_type3A_64, %cond3A_65 : i32
      scf.if %cond3A_66 {
        %mul3A_72 = arith.constant 32 : i32
        %mul3A_73 = arith.muli %while3A_39, %mul3A_72 : i32
        %add3A_74 = arith.addi %add3A, %mul3A_73 : i32
        %mul3A_75 = arith.constant 4 : i32
        %mul3A_76 = arith.muli %add3A_74, %mul3A_75 : i32
        %dma_wait3A = arith.constant 0 : i32
        %dma_wait3A_77 = tpu.memref_slice %arg2[%mul3A_76, %dma_wait3A] : memref<10000x10112xf32, #tpu.memory_space<hbm>> -> memref<4x10112xf32, #tpu.memory_space<hbm>>
        %dma_wait3A_78 = arith.constant 0 : i32
        %dma_wait3A_79 = tpu.memref_slice %arg2[%mul3A_76, %dma_wait3A_78] : memref<10000x10112xf32, #tpu.memory_space<hbm>> -> memref<4x10112xf32, #tpu.memory_space<hbm>>
        tpu.wait_dma2 semaphore(%arg9 : memref<!tpu.dma_semaphore, #tpu.memory_space<semaphore_mem>>) src(%dma_wait3A_79 : memref<4x10112xf32, #tpu.memory_space<hbm>>) dst(%arg5 : memref<4x10112xf32, #tpu.memory_space<vmem>>)
        %parallel_loop3A = arith.constant 0 : i32
        %parallel_loop3A_80 = arith.constant 632 : i32
        %parallel_loop3A_81 = arith.constant 1 : i32
        scf.for %parallel_loop3A_91 = %parallel_loop3A to %parallel_loop3A_80 step %parallel_loop3A_81  : i32 {
          %parallel_loop3A_92 = arith.constant 16 : i32
          %parallel_loop3A_93 = arith.muli %parallel_loop3A_91, %parallel_loop3A_92 : i32
          %parallel_loop3A_94 = arith.constant 0 : i32
          %parallel_loop3A_95 = arith.index_cast %parallel_loop3A_94 : i32 to index
          %parallel_loop3A_96 = arith.index_cast %parallel_loop3A_93 : i32 to index
          %parallel_loop3A_97 = tpu.vector_load %arg5[%parallel_loop3A_95, %parallel_loop3A_96] {strides = array<i32>} : memref<4x10112xf32, #tpu.memory_space<vmem>>, vector<16xf32>,
          %parallel_loop3A_98 = vector.bitcast %parallel_loop3A_97 : vector<16xf32> to vector<16xi32>
          %parallel_loop3A_99 = arith.shrui %parallel_loop3A_98, %broadcast_in_dim3A_9 : vector<16xi32>
          %parallel_loop3A_100 = arith.andi %parallel_loop3A_99, %broadcast_in_dim3A_11 : vector<16xi32>
          %parallel_loop3A_101 = arith.addi %parallel_loop3A_100, %mul3A_14 : vector<16xi32>
          %parallel_loop3A_102 = arith.constant 2 : i32
          %parallel_loop3A_103 = arith.constant 0 : i32
          %parallel_loop3A_104 = arith.cmpi eq, %parallel_loop3A_102, %parallel_loop3A_103 : i32
          %parallel_loop3A_105 = arith.constant 1 : i32
          %parallel_loop3A_106 = arith.select %parallel_loop3A_104, %parallel_loop3A_105, %parallel_loop3A_102 : i32
          %parallel_loop3A_107 = arith.remsi %parallel_loop3A_91, %parallel_loop3A_106 : i32
          %parallel_loop3A_108 = arith.constant 0 : i32
          %parallel_loop3A_109 = arith.cmpi ne, %parallel_loop3A_107, %parallel_loop3A_108 : i32
          %parallel_loop3A_110 = arith.constant 0 : i32
          %parallel_loop3A_111 = arith.cmpi slt, %parallel_loop3A_107, %parallel_loop3A_110 : i32
          %parallel_loop3A_112 = arith.constant 0 : i32
          %parallel_loop3A_113 = arith.cmpi slt, %parallel_loop3A_106, %parallel_loop3A_112 : i32
          %parallel_loop3A_114 = arith.xori %parallel_loop3A_111, %parallel_loop3A_113 : i1
          %parallel_loop3A_115 = arith.andi %parallel_loop3A_114, %parallel_loop3A_109 : i1
          %parallel_loop3A_116 = arith.addi %parallel_loop3A_107, %parallel_loop3A_106 : i32
          %parallel_loop3A_117 = arith.select %parallel_loop3A_115, %parallel_loop3A_116, %parallel_loop3A_107 : i32
          %parallel_loop3A_118 = arith.constant 16400 : i32
          %parallel_loop3A_119 = arith.muli %parallel_loop3A_117, %parallel_loop3A_118 : i32
          %parallel_loop3A_120 = vector.broadcast %parallel_loop3A_119 : i32 to vector<16xi32>
          %parallel_loop3A_121 = arith.addi %parallel_loop3A_101, %parallel_loop3A_120 : vector<16xi32>
          %parallel_loop3A_122 = arith.andi %parallel_loop3A_98, %broadcast_in_dim3A_7 : vector<16xi32>
          %parallel_loop3A_123 = arith.cmpi eq, %parallel_loop3A_122, %get3A_6 : vector<16xi32>
          tpu.vector_store_idx %arg8[%parallel_loop3A_121], %broadcast_in_dim3A_16 masked %parallel_loop3A_123 {add = true} : memref<32800xi32, #tpu.memory_space<vmem>>[vector<16xi32>], vector<16xi32>, vector<16xi1>
        } {sc.loop_unroll_factor = 8 : i64, sc.parallel_access}
        %parallel_loop3A_82 = arith.constant 0 : i32
        %parallel_loop3A_83 = arith.constant 632 : i32
        %parallel_loop3A_84 = arith.constant 1 : i32
        scf.for %parallel_loop3A_91 = %parallel_loop3A_82 to %parallel_loop3A_83 step %parallel_loop3A_84  : i32 {
          %parallel_loop3A_92 = arith.constant 16 : i32
          %parallel_loop3A_93 = arith.muli %parallel_loop3A_91, %parallel_loop3A_92 : i32
          %parallel_loop3A_94 = arith.constant 1 : i32
          %parallel_loop3A_95 = arith.index_cast %parallel_loop3A_94 : i32 to index
          %parallel_loop3A_96 = arith.index_cast %parallel_loop3A_93 : i32 to index
          %parallel_loop3A_97 = tpu.vector_load %arg5[%parallel_loop3A_95, %parallel_loop3A_96] {strides = array<i32>} : memref<4x10112xf32, #tpu.memory_space<vmem>>, vector<16xf32>,
          %parallel_loop3A_98 = vector.bitcast %parallel_loop3A_97 : vector<16xf32> to vector<16xi32>
          %parallel_loop3A_99 = arith.shrui %parallel_loop3A_98, %broadcast_in_dim3A_9 : vector<16xi32>
          %parallel_loop3A_100 = arith.andi %parallel_loop3A_99, %broadcast_in_dim3A_11 : vector<16xi32>
          %parallel_loop3A_101 = arith.addi %parallel_loop3A_100, %mul3A_14 : vector<16xi32>
          %parallel_loop3A_102 = arith.constant 2 : i32
          %parallel_loop3A_103 = arith.constant 0 : i32
          %parallel_loop3A_104 = arith.cmpi eq, %parallel_loop3A_102, %parallel_loop3A_103 : i32
          %parallel_loop3A_105 = arith.constant 1 : i32
          %parallel_loop3A_106 = arith.select %parallel_loop3A_104, %parallel_loop3A_105, %parallel_loop3A_102 : i32
          %parallel_loop3A_107 = arith.remsi %parallel_loop3A_91, %parallel_loop3A_106 : i32
          %parallel_loop3A_108 = arith.constant 0 : i32
          %parallel_loop3A_109 = arith.cmpi ne, %parallel_loop3A_107, %parallel_loop3A_108 : i32
          %parallel_loop3A_110 = arith.constant 0 : i32
          %parallel_loop3A_111 = arith.cmpi slt, %parallel_loop3A_107, %parallel_loop3A_110 : i32
          %parallel_loop3A_112 = arith.constant 0 : i32
          %parallel_loop3A_113 = arith.cmpi slt, %parallel_loop3A_106, %parallel_loop3A_112 : i32
          %parallel_loop3A_114 = arith.xori %parallel_loop3A_111, %parallel_loop3A_113 : i1
          %parallel_loop3A_115 = arith.andi %parallel_loop3A_114, %parallel_loop3A_109 : i1
          %parallel_loop3A_116 = arith.addi %parallel_loop3A_107, %parallel_loop3A_106 : i32
          %parallel_loop3A_117 = arith.select %parallel_loop3A_115, %parallel_loop3A_116, %parallel_loop3A_107 : i32
          %parallel_loop3A_118 = arith.constant 16400 : i32
          %parallel_loop3A_119 = arith.muli %parallel_loop3A_117, %parallel_loop3A_118 : i32
          %parallel_loop3A_120 = vector.broadcast %parallel_loop3A_119 : i32 to vector<16xi32>
          %parallel_loop3A_121 = arith.addi %parallel_loop3A_101, %parallel_loop3A_120 : vector<16xi32>
          %parallel_loop3A_122 = arith.andi %parallel_loop3A_98, %broadcast_in_dim3A_7 : vector<16xi32>
          %parallel_loop3A_123 = arith.cmpi eq, %parallel_loop3A_122, %get3A_6 : vector<16xi32>
          tpu.vector_store_idx %arg8[%parallel_loop3A_121], %broadcast_in_dim3A_16 masked %parallel_loop3A_123 {add = true} : memref<32800xi32, #tpu.memory_space<vmem>>[vector<16xi32>], vector<16xi32>, vector<16xi1>
        } {sc.loop_unroll_factor = 8 : i64, sc.parallel_access}
        %parallel_loop3A_85 = arith.constant 0 : i32
        %parallel_loop3A_86 = arith.constant 632 : i32
        %parallel_loop3A_87 = arith.constant 1 : i32
        scf.for %parallel_loop3A_91 = %parallel_loop3A_85 to %parallel_loop3A_86 step %parallel_loop3A_87  : i32 {
          %parallel_loop3A_92 = arith.constant 16 : i32
          %parallel_loop3A_93 = arith.muli %parallel_loop3A_91, %parallel_loop3A_92 : i32
          %parallel_loop3A_94 = arith.constant 2 : i32
          %parallel_loop3A_95 = arith.index_cast %parallel_loop3A_94 : i32 to index
          %parallel_loop3A_96 = arith.index_cast %parallel_loop3A_93 : i32 to index
          %parallel_loop3A_97 = tpu.vector_load %arg5[%parallel_loop3A_95, %parallel_loop3A_96] {strides = array<i32>} : memref<4x10112xf32, #tpu.memory_space<vmem>>, vector<16xf32>,
          %parallel_loop3A_98 = vector.bitcast %parallel_loop3A_97 : vector<16xf32> to vector<16xi32>
          %parallel_loop3A_99 = arith.shrui %parallel_loop3A_98, %broadcast_in_dim3A_9 : vector<16xi32>
          %parallel_loop3A_100 = arith.andi %parallel_loop3A_99, %broadcast_in_dim3A_11 : vector<16xi32>
          %parallel_loop3A_101 = arith.addi %parallel_loop3A_100, %mul3A_14 : vector<16xi32>
          %parallel_loop3A_102 = arith.constant 2 : i32
          %parallel_loop3A_103 = arith.constant 0 : i32
          %parallel_loop3A_104 = arith.cmpi eq, %parallel_loop3A_102, %parallel_loop3A_103 : i32
          %parallel_loop3A_105 = arith.constant 1 : i32
          %parallel_loop3A_106 = arith.select %parallel_loop3A_104, %parallel_loop3A_105, %parallel_loop3A_102 : i32
          %parallel_loop3A_107 = arith.remsi %parallel_loop3A_91, %parallel_loop3A_106 : i32
          %parallel_loop3A_108 = arith.constant 0 : i32
          %parallel_loop3A_109 = arith.cmpi ne, %parallel_loop3A_107, %parallel_loop3A_108 : i32
          %parallel_loop3A_110 = arith.constant 0 : i32
          %parallel_loop3A_111 = arith.cmpi slt, %parallel_loop3A_107, %parallel_loop3A_110 : i32
          %parallel_loop3A_112 = arith.constant 0 : i32
          %parallel_loop3A_113 = arith.cmpi slt, %parallel_loop3A_106, %parallel_loop3A_112 : i32
          %parallel_loop3A_114 = arith.xori %parallel_loop3A_111, %parallel_loop3A_113 : i1
          %parallel_loop3A_115 = arith.andi %parallel_loop3A_114, %parallel_loop3A_109 : i1
          %parallel_loop3A_116 = arith.addi %parallel_loop3A_107, %parallel_loop3A_106 : i32
          %parallel_loop3A_117 = arith.select %parallel_loop3A_115, %parallel_loop3A_116, %parallel_loop3A_107 : i32
          %parallel_loop3A_118 = arith.constant 16400 : i32
          %parallel_loop3A_119 = arith.muli %parallel_loop3A_117, %parallel_loop3A_118 : i32
          %parallel_loop3A_120 = vector.broadcast %parallel_loop3A_119 : i32 to vector<16xi32>
          %parallel_loop3A_121 = arith.addi %parallel_loop3A_101, %parallel_loop3A_120 : vector<16xi32>
          %parallel_loop3A_122 = arith.andi %parallel_loop3A_98, %broadcast_in_dim3A_7 : vector<16xi32>
          %parallel_loop3A_123 = arith.cmpi eq, %parallel_loop3A_122, %get3A_6 : vector<16xi32>
          tpu.vector_store_idx %arg8[%parallel_loop3A_121], %broadcast_in_dim3A_16 masked %parallel_loop3A_123 {add = true} : memref<32800xi32, #tpu.memory_space<vmem>>[vector<16xi32>], vector<16xi32>, vector<16xi1>
        } {sc.loop_unroll_factor = 8 : i64, sc.parallel_access}
        %parallel_loop3A_88 = arith.constant 0 : i32
        %parallel_loop3A_89 = arith.constant 632 : i32
        %parallel_loop3A_90 = arith.constant 1 : i32
        scf.for %parallel_loop3A_91 = %parallel_loop3A_88 to %parallel_loop3A_89 step %parallel_loop3A_90  : i32 {
          %parallel_loop3A_92 = arith.constant 16 : i32
          %parallel_loop3A_93 = arith.muli %parallel_loop3A_91, %parallel_loop3A_92 : i32
          %parallel_loop3A_94 = arith.constant 3 : i32
          %parallel_loop3A_95 = arith.index_cast %parallel_loop3A_94 : i32 to index
          %parallel_loop3A_96 = arith.index_cast %parallel_loop3A_93 : i32 to index
          %parallel_loop3A_97 = tpu.vector_load %arg5[%parallel_loop3A_95, %parallel_loop3A_96] {strides = array<i32>} : memref<4x10112xf32, #tpu.memory_space<vmem>>, vector<16xf32>,
          %parallel_loop3A_98 = vector.bitcast %parallel_loop3A_97 : vector<16xf32> to vector<16xi32>
          %parallel_loop3A_99 = arith.shrui %parallel_loop3A_98, %broadcast_in_dim3A_9 : vector<16xi32>
          %parallel_loop3A_100 = arith.andi %parallel_loop3A_99, %broadcast_in_dim3A_11 : vector<16xi32>
          %parallel_loop3A_101 = arith.addi %parallel_loop3A_100, %mul3A_14 : vector<16xi32>
          %parallel_loop3A_102 = arith.constant 2 : i32
          %parallel_loop3A_103 = arith.constant 0 : i32
          %parallel_loop3A_104 = arith.cmpi eq, %parallel_loop3A_102, %parallel_loop3A_103 : i32
          %parallel_loop3A_105 = arith.constant 1 : i32
          %parallel_loop3A_106 = arith.select %parallel_loop3A_104, %parallel_loop3A_105, %parallel_loop3A_102 : i32
          %parallel_loop3A_107 = arith.remsi %parallel_loop3A_91, %parallel_loop3A_106 : i32
          %parallel_loop3A_108 = arith.constant 0 : i32
          %parallel_loop3A_109 = arith.cmpi ne, %parallel_loop3A_107, %parallel_loop3A_108 : i32
          %parallel_loop3A_110 = arith.constant 0 : i32
          %parallel_loop3A_111 = arith.cmpi slt, %parallel_loop3A_107, %parallel_loop3A_110 : i32
          %parallel_loop3A_112 = arith.constant 0 : i32
          %parallel_loop3A_113 = arith.cmpi slt, %parallel_loop3A_106, %parallel_loop3A_112 : i32
          %parallel_loop3A_114 = arith.xori %parallel_loop3A_111, %parallel_loop3A_113 : i1
          %parallel_loop3A_115 = arith.andi %parallel_loop3A_114, %parallel_loop3A_109 : i1
          %parallel_loop3A_116 = arith.addi %parallel_loop3A_107, %parallel_loop3A_106 : i32
          %parallel_loop3A_117 = arith.select %parallel_loop3A_115, %parallel_loop3A_116, %parallel_loop3A_107 : i32
          %parallel_loop3A_118 = arith.constant 16400 : i32
          %parallel_loop3A_119 = arith.muli %parallel_loop3A_117, %parallel_loop3A_118 : i32
          %parallel_loop3A_120 = vector.broadcast %parallel_loop3A_119 : i32 to vector<16xi32>
          %parallel_loop3A_121 = arith.addi %parallel_loop3A_101, %parallel_loop3A_120 : vector<16xi32>
          %parallel_loop3A_122 = arith.andi %parallel_loop3A_98, %broadcast_in_dim3A_7 : vector<16xi32>
          %parallel_loop3A_123 = arith.cmpi eq, %parallel_loop3A_122, %get3A_6 : vector<16xi32>
          tpu.vector_store_idx %arg8[%parallel_loop3A_121], %broadcast_in_dim3A_16 masked %parallel_loop3A_123 {add = true} : memref<32800xi32, #tpu.memory_space<vmem>>[vector<16xi32>], vector<16xi32>, vector<16xi1>
        } {sc.loop_unroll_factor = 8 : i64, sc.parallel_access}
      } else {
      }
      %not3A_67 = arith.constant true
      %not3A_68 = arith.xori %eq3A_53, %not3A_67 : i1
      %convert_element_type3A_69 = arith.extui %not3A_68 : i1 to i32
      %cond3A_70 = arith.constant 0 : i32
      %cond3A_71 = arith.cmpi ne, %convert_element_type3A_69, %cond3A_70 : i32
      scf.if %cond3A_71 {
        %mul3A_72 = arith.constant 32 : i32
        %mul3A_73 = arith.muli %while3A_39, %mul3A_72 : i32
        %add3A_74 = arith.addi %add3A, %mul3A_73 : i32
        %mul3A_75 = arith.constant 4 : i32
        %mul3A_76 = arith.muli %add3A_74, %mul3A_75 : i32
        %dma_wait3A = arith.constant 0 : i32
        %dma_wait3A_77 = tpu.memref_slice %arg2[%mul3A_76, %dma_wait3A] : memref<10000x10112xf32, #tpu.memory_space<hbm>> -> memref<4x10112xf32, #tpu.memory_space<hbm>>
        %dma_wait3A_78 = arith.constant 0 : i32
        %dma_wait3A_79 = tpu.memref_slice %arg2[%mul3A_76, %dma_wait3A_78] : memref<10000x10112xf32, #tpu.memory_space<hbm>> -> memref<4x10112xf32, #tpu.memory_space<hbm>>
        tpu.wait_dma2 semaphore(%arg10 : memref<!tpu.dma_semaphore, #tpu.memory_space<semaphore_mem>>) src(%dma_wait3A_79 : memref<4x10112xf32, #tpu.memory_space<hbm>>) dst(%arg6 : memref<4x10112xf32, #tpu.memory_space<vmem>>)
        %parallel_loop3A = arith.constant 0 : i32
        %parallel_loop3A_80 = arith.constant 632 : i32
        %parallel_loop3A_81 = arith.constant 1 : i32
        scf.for %parallel_loop3A_91 = %parallel_loop3A to %parallel_loop3A_80 step %parallel_loop3A_81  : i32 {
          %parallel_loop3A_92 = arith.constant 16 : i32
          %parallel_loop3A_93 = arith.muli %parallel_loop3A_91, %parallel_loop3A_92 : i32
          %parallel_loop3A_94 = arith.constant 0 : i32
          %parallel_loop3A_95 = arith.index_cast %parallel_loop3A_94 : i32 to index
          %parallel_loop3A_96 = arith.index_cast %parallel_loop3A_93 : i32 to index
          %parallel_loop3A_97 = tpu.vector_load %arg6[%parallel_loop3A_95, %parallel_loop3A_96] {strides = array<i32>} : memref<4x10112xf32, #tpu.memory_space<vmem>>, vector<16xf32>,
          %parallel_loop3A_98 = vector.bitcast %parallel_loop3A_97 : vector<16xf32> to vector<16xi32>
          %parallel_loop3A_99 = arith.shrui %parallel_loop3A_98, %broadcast_in_dim3A_9 : vector<16xi32>
          %parallel_loop3A_100 = arith.andi %parallel_loop3A_99, %broadcast_in_dim3A_11 : vector<16xi32>
          %parallel_loop3A_101 = arith.addi %parallel_loop3A_100, %mul3A_14 : vector<16xi32>
          %parallel_loop3A_102 = arith.constant 2 : i32
          %parallel_loop3A_103 = arith.constant 0 : i32
          %parallel_loop3A_104 = arith.cmpi eq, %parallel_loop3A_102, %parallel_loop3A_103 : i32
          %parallel_loop3A_105 = arith.constant 1 : i32
          %parallel_loop3A_106 = arith.select %parallel_loop3A_104, %parallel_loop3A_105, %parallel_loop3A_102 : i32
          %parallel_loop3A_107 = arith.remsi %parallel_loop3A_91, %parallel_loop3A_106 : i32
          %parallel_loop3A_108 = arith.constant 0 : i32
          %parallel_loop3A_109 = arith.cmpi ne, %parallel_loop3A_107, %parallel_loop3A_108 : i32
          %parallel_loop3A_110 = arith.constant 0 : i32
          %parallel_loop3A_111 = arith.cmpi slt, %parallel_loop3A_107, %parallel_loop3A_110 : i32
          %parallel_loop3A_112 = arith.constant 0 : i32
          %parallel_loop3A_113 = arith.cmpi slt, %parallel_loop3A_106, %parallel_loop3A_112 : i32
          %parallel_loop3A_114 = arith.xori %parallel_loop3A_111, %parallel_loop3A_113 : i1
          %parallel_loop3A_115 = arith.andi %parallel_loop3A_114, %parallel_loop3A_109 : i1
          %parallel_loop3A_116 = arith.addi %parallel_loop3A_107, %parallel_loop3A_106 : i32
          %parallel_loop3A_117 = arith.select %parallel_loop3A_115, %parallel_loop3A_116, %parallel_loop3A_107 : i32
          %parallel_loop3A_118 = arith.constant 16400 : i32
          %parallel_loop3A_119 = arith.muli %parallel_loop3A_117, %parallel_loop3A_118 : i32
          %parallel_loop3A_120 = vector.broadcast %parallel_loop3A_119 : i32 to vector<16xi32>
          %parallel_loop3A_121 = arith.addi %parallel_loop3A_101, %parallel_loop3A_120 : vector<16xi32>
          %parallel_loop3A_122 = arith.andi %parallel_loop3A_98, %broadcast_in_dim3A_7 : vector<16xi32>
          %parallel_loop3A_123 = arith.cmpi eq, %parallel_loop3A_122, %get3A_6 : vector<16xi32>
          tpu.vector_store_idx %arg8[%parallel_loop3A_121], %broadcast_in_dim3A_16 masked %parallel_loop3A_123 {add = true} : memref<32800xi32, #tpu.memory_space<vmem>>[vector<16xi32>], vector<16xi32>, vector<16xi1>
        } {sc.loop_unroll_factor = 8 : i64, sc.parallel_access}
        %parallel_loop3A_82 = arith.constant 0 : i32
        %parallel_loop3A_83 = arith.constant 632 : i32
        %parallel_loop3A_84 = arith.constant 1 : i32
        scf.for %parallel_loop3A_91 = %parallel_loop3A_82 to %parallel_loop3A_83 step %parallel_loop3A_84  : i32 {
          %parallel_loop3A_92 = arith.constant 16 : i32
          %parallel_loop3A_93 = arith.muli %parallel_loop3A_91, %parallel_loop3A_92 : i32
          %parallel_loop3A_94 = arith.constant 1 : i32
          %parallel_loop3A_95 = arith.index_cast %parallel_loop3A_94 : i32 to index
          %parallel_loop3A_96 = arith.index_cast %parallel_loop3A_93 : i32 to index
          %parallel_loop3A_97 = tpu.vector_load %arg6[%parallel_loop3A_95, %parallel_loop3A_96] {strides = array<i32>} : memref<4x10112xf32, #tpu.memory_space<vmem>>, vector<16xf32>,
          %parallel_loop3A_98 = vector.bitcast %parallel_loop3A_97 : vector<16xf32> to vector<16xi32>
          %parallel_loop3A_99 = arith.shrui %parallel_loop3A_98, %broadcast_in_dim3A_9 : vector<16xi32>
          %parallel_loop3A_100 = arith.andi %parallel_loop3A_99, %broadcast_in_dim3A_11 : vector<16xi32>
          %parallel_loop3A_101 = arith.addi %parallel_loop3A_100, %mul3A_14 : vector<16xi32>
          %parallel_loop3A_102 = arith.constant 2 : i32
          %parallel_loop3A_103 = arith.constant 0 : i32
          %parallel_loop3A_104 = arith.cmpi eq, %parallel_loop3A_102, %parallel_loop3A_103 : i32
          %parallel_loop3A_105 = arith.constant 1 : i32
          %parallel_loop3A_106 = arith.select %parallel_loop3A_104, %parallel_loop3A_105, %parallel_loop3A_102 : i32
          %parallel_loop3A_107 = arith.remsi %parallel_loop3A_91, %parallel_loop3A_106 : i32
          %parallel_loop3A_108 = arith.constant 0 : i32
          %parallel_loop3A_109 = arith.cmpi ne, %parallel_loop3A_107, %parallel_loop3A_108 : i32
          %parallel_loop3A_110 = arith.constant 0 : i32
          %parallel_loop3A_111 = arith.cmpi slt, %parallel_loop3A_107, %parallel_loop3A_110 : i32
          %parallel_loop3A_112 = arith.constant 0 : i32
          %parallel_loop3A_113 = arith.cmpi slt, %parallel_loop3A_106, %parallel_loop3A_112 : i32
          %parallel_loop3A_114 = arith.xori %parallel_loop3A_111, %parallel_loop3A_113 : i1
          %parallel_loop3A_115 = arith.andi %parallel_loop3A_114, %parallel_loop3A_109 : i1
          %parallel_loop3A_116 = arith.addi %parallel_loop3A_107, %parallel_loop3A_106 : i32
          %parallel_loop3A_117 = arith.select %parallel_loop3A_115, %parallel_loop3A_116, %parallel_loop3A_107 : i32
          %parallel_loop3A_118 = arith.constant 16400 : i32
          %parallel_loop3A_119 = arith.muli %parallel_loop3A_117, %parallel_loop3A_118 : i32
          %parallel_loop3A_120 = vector.broadcast %parallel_loop3A_119 : i32 to vector<16xi32>
          %parallel_loop3A_121 = arith.addi %parallel_loop3A_101, %parallel_loop3A_120 : vector<16xi32>
          %parallel_loop3A_122 = arith.andi %parallel_loop3A_98, %broadcast_in_dim3A_7 : vector<16xi32>
          %parallel_loop3A_123 = arith.cmpi eq, %parallel_loop3A_122, %get3A_6 : vector<16xi32>
          tpu.vector_store_idx %arg8[%parallel_loop3A_121], %broadcast_in_dim3A_16 masked %parallel_loop3A_123 {add = true} : memref<32800xi32, #tpu.memory_space<vmem>>[vector<16xi32>], vector<16xi32>, vector<16xi1>
        } {sc.loop_unroll_factor = 8 : i64, sc.parallel_access}
        %parallel_loop3A_85 = arith.constant 0 : i32
        %parallel_loop3A_86 = arith.constant 632 : i32
        %parallel_loop3A_87 = arith.constant 1 : i32
        scf.for %parallel_loop3A_91 = %parallel_loop3A_85 to %parallel_loop3A_86 step %parallel_loop3A_87  : i32 {
          %parallel_loop3A_92 = arith.constant 16 : i32
          %parallel_loop3A_93 = arith.muli %parallel_loop3A_91, %parallel_loop3A_92 : i32
          %parallel_loop3A_94 = arith.constant 2 : i32
          %parallel_loop3A_95 = arith.index_cast %parallel_loop3A_94 : i32 to index
          %parallel_loop3A_96 = arith.index_cast %parallel_loop3A_93 : i32 to index
          %parallel_loop3A_97 = tpu.vector_load %arg6[%parallel_loop3A_95, %parallel_loop3A_96] {strides = array<i32>} : memref<4x10112xf32, #tpu.memory_space<vmem>>, vector<16xf32>,
          %parallel_loop3A_98 = vector.bitcast %parallel_loop3A_97 : vector<16xf32> to vector<16xi32>
          %parallel_loop3A_99 = arith.shrui %parallel_loop3A_98, %broadcast_in_dim3A_9 : vector<16xi32>
          %parallel_loop3A_100 = arith.andi %parallel_loop3A_99, %broadcast_in_dim3A_11 : vector<16xi32>
          %parallel_loop3A_101 = arith.addi %parallel_loop3A_100, %mul3A_14 : vector<16xi32>
          %parallel_loop3A_102 = arith.constant 2 : i32
          %parallel_loop3A_103 = arith.constant 0 : i32
          %parallel_loop3A_104 = arith.cmpi eq, %parallel_loop3A_102, %parallel_loop3A_103 : i32
          %parallel_loop3A_105 = arith.constant 1 : i32
          %parallel_loop3A_106 = arith.select %parallel_loop3A_104, %parallel_loop3A_105, %parallel_loop3A_102 : i32
          %parallel_loop3A_107 = arith.remsi %parallel_loop3A_91, %parallel_loop3A_106 : i32
          %parallel_loop3A_108 = arith.constant 0 : i32
          %parallel_loop3A_109 = arith.cmpi ne, %parallel_loop3A_107, %parallel_loop3A_108 : i32
          %parallel_loop3A_110 = arith.constant 0 : i32
          %parallel_loop3A_111 = arith.cmpi slt, %parallel_loop3A_107, %parallel_loop3A_110 : i32
          %parallel_loop3A_112 = arith.constant 0 : i32
          %parallel_loop3A_113 = arith.cmpi slt, %parallel_loop3A_106, %parallel_loop3A_112 : i32
          %parallel_loop3A_114 = arith.xori %parallel_loop3A_111, %parallel_loop3A_113 : i1
          %parallel_loop3A_115 = arith.andi %parallel_loop3A_114, %parallel_loop3A_109 : i1
          %parallel_loop3A_116 = arith.addi %parallel_loop3A_107, %parallel_loop3A_106 : i32
          %parallel_loop3A_117 = arith.select %parallel_loop3A_115, %parallel_loop3A_116, %parallel_loop3A_107 : i32
          %parallel_loop3A_118 = arith.constant 16400 : i32
          %parallel_loop3A_119 = arith.muli %parallel_loop3A_117, %parallel_loop3A_118 : i32
          %parallel_loop3A_120 = vector.broadcast %parallel_loop3A_119 : i32 to vector<16xi32>
          %parallel_loop3A_121 = arith.addi %parallel_loop3A_101, %parallel_loop3A_120 : vector<16xi32>
          %parallel_loop3A_122 = arith.andi %parallel_loop3A_98, %broadcast_in_dim3A_7 : vector<16xi32>
          %parallel_loop3A_123 = arith.cmpi eq, %parallel_loop3A_122, %get3A_6 : vector<16xi32>
          tpu.vector_store_idx %arg8[%parallel_loop3A_121], %broadcast_in_dim3A_16 masked %parallel_loop3A_123 {add = true} : memref<32800xi32, #tpu.memory_space<vmem>>[vector<16xi32>], vector<16xi32>, vector<16xi1>
        } {sc.loop_unroll_factor = 8 : i64, sc.parallel_access}
        %parallel_loop3A_88 = arith.constant 0 : i32
        %parallel_loop3A_89 = arith.constant 632 : i32
        %parallel_loop3A_90 = arith.constant 1 : i32
        scf.for %parallel_loop3A_91 = %parallel_loop3A_88 to %parallel_loop3A_89 step %parallel_loop3A_90  : i32 {
          %parallel_loop3A_92 = arith.constant 16 : i32
          %parallel_loop3A_93 = arith.muli %parallel_loop3A_91, %parallel_loop3A_92 : i32
          %parallel_loop3A_94 = arith.constant 3 : i32
          %parallel_loop3A_95 = arith.index_cast %parallel_loop3A_94 : i32 to index
          %parallel_loop3A_96 = arith.index_cast %parallel_loop3A_93 : i32 to index
          %parallel_loop3A_97 = tpu.vector_load %arg6[%parallel_loop3A_95, %parallel_loop3A_96] {strides = array<i32>} : memref<4x10112xf32, #tpu.memory_space<vmem>>, vector<16xf32>,
          %parallel_loop3A_98 = vector.bitcast %parallel_loop3A_97 : vector<16xf32> to vector<16xi32>
          %parallel_loop3A_99 = arith.shrui %parallel_loop3A_98, %broadcast_in_dim3A_9 : vector<16xi32>
          %parallel_loop3A_100 = arith.andi %parallel_loop3A_99, %broadcast_in_dim3A_11 : vector<16xi32>
          %parallel_loop3A_101 = arith.addi %parallel_loop3A_100, %mul3A_14 : vector<16xi32>
          %parallel_loop3A_102 = arith.constant 2 : i32
          %parallel_loop3A_103 = arith.constant 0 : i32
          %parallel_loop3A_104 = arith.cmpi eq, %parallel_loop3A_102, %parallel_loop3A_103 : i32
          %parallel_loop3A_105 = arith.constant 1 : i32
          %parallel_loop3A_106 = arith.select %parallel_loop3A_104, %parallel_loop3A_105, %parallel_loop3A_102 : i32
          %parallel_loop3A_107 = arith.remsi %parallel_loop3A_91, %parallel_loop3A_106 : i32
          %parallel_loop3A_108 = arith.constant 0 : i32
          %parallel_loop3A_109 = arith.cmpi ne, %parallel_loop3A_107, %parallel_loop3A_108 : i32
          %parallel_loop3A_110 = arith.constant 0 : i32
          %parallel_loop3A_111 = arith.cmpi slt, %parallel_loop3A_107, %parallel_loop3A_110 : i32
          %parallel_loop3A_112 = arith.constant 0 : i32
          %parallel_loop3A_113 = arith.cmpi slt, %parallel_loop3A_106, %parallel_loop3A_112 : i32
          %parallel_loop3A_114 = arith.xori %parallel_loop3A_111, %parallel_loop3A_113 : i1
          %parallel_loop3A_115 = arith.andi %parallel_loop3A_114, %parallel_loop3A_109 : i1
          %parallel_loop3A_116 = arith.addi %parallel_loop3A_107, %parallel_loop3A_106 : i32
          %parallel_loop3A_117 = arith.select %parallel_loop3A_115, %parallel_loop3A_116, %parallel_loop3A_107 : i32
          %parallel_loop3A_118 = arith.constant 16400 : i32
          %parallel_loop3A_119 = arith.muli %parallel_loop3A_117, %parallel_loop3A_118 : i32
          %parallel_loop3A_120 = vector.broadcast %parallel_loop3A_119 : i32 to vector<16xi32>
          %parallel_loop3A_121 = arith.addi %parallel_loop3A_101, %parallel_loop3A_120 : vector<16xi32>
          %parallel_loop3A_122 = arith.andi %parallel_loop3A_98, %broadcast_in_dim3A_7 : vector<16xi32>
          %parallel_loop3A_123 = arith.cmpi eq, %parallel_loop3A_122, %get3A_6 : vector<16xi32>
          tpu.vector_store_idx %arg8[%parallel_loop3A_121], %broadcast_in_dim3A_16 masked %parallel_loop3A_123 {add = true} : memref<32800xi32, #tpu.memory_space<vmem>>[vector<16xi32>], vector<16xi32>, vector<16xi1>
        } {sc.loop_unroll_factor = 8 : i64, sc.parallel_access}
      } else {
      }
    }
    %while3A_36 = arith.constant 1 : i32
    scf.for %while3A_39 = %while3A_34 to %while3A_30 step %while3A_36  : i32 {
      %jit3A_40 = arith.constant 2 : i32
      %eq3A = arith.constant 0 : i32
      %eq3A_41 = arith.cmpi eq, %jit3A_40, %eq3A : i32
      %jit3A_42 = arith.constant 1 : i32
      %select_n3A_43 = arith.select %eq3A_41, %jit3A_42, %jit3A_40 : i32
      %rem3A = arith.remsi %while3A_39, %select_n3A_43 : i32
      %ne3A = arith.constant 0 : i32
      %ne3A_44 = arith.cmpi ne, %rem3A, %ne3A : i32
      %lt3A_45 = arith.constant 0 : i32
      %lt3A_46 = arith.cmpi slt, %rem3A, %lt3A_45 : i32
      %lt3A_47 = arith.constant 0 : i32
      %lt3A_48 = arith.cmpi slt, %select_n3A_43, %lt3A_47 : i32
      %ne3A_49 = arith.xori %lt3A_46, %lt3A_48 : i1
      %and3A = arith.andi %ne3A_49, %ne3A_44 : i1
      %add3A_50 = arith.addi %rem3A, %select_n3A_43 : i32
      %select_n3A_51 = arith.select %and3A, %add3A_50, %rem3A : i32
      %eq3A_52 = arith.constant 0 : i32
      %eq3A_53 = arith.cmpi eq, %select_n3A_51, %eq3A_52 : i32
      %add3A_54 = arith.constant 1 : i32
      %add3A_55 = arith.addi %while3A_39, %add3A_54 : i32
      %lt3A_56 = arith.cmpi slt, %add3A_55, %add3A_20 : i32
      %and3A_57 = arith.andi %lt3A_56, %eq3A_53 : i1
      %convert_element_type3A = arith.extui %and3A_57 : i1 to i32
      %cond3A = arith.constant 0 : i32
      %cond3A_58 = arith.cmpi ne, %convert_element_type3A, %cond3A : i32
      scf.if %cond3A_58 {
        %mul3A_72 = arith.constant 32 : i32
        %mul3A_73 = arith.muli %add3A_55, %mul3A_72 : i32
        %add3A_74 = arith.addi %add3A, %mul3A_73 : i32
        %mul3A_75 = arith.constant 4 : i32
        %mul3A_76 = arith.muli %add3A_74, %mul3A_75 : i32
        %dma_start3A_77 = arith.constant 0 : i32
        %dma_start3A_78 = tpu.memref_slice %arg2[%mul3A_76, %dma_start3A_77] : memref<10000x10112xf32, #tpu.memory_space<hbm>> -> memref<4x10112xf32, #tpu.memory_space<hbm>>
        %dma_start3A_79 = arith.constant 0 : i32
        %dma_start3A_80 = tpu.memref_slice %arg2[%mul3A_76, %dma_start3A_79] : memref<10000x10112xf32, #tpu.memory_space<hbm>> -> memref<4x10112xf32, #tpu.memory_space<hbm>>
        tpu.enqueue_dma source(%dma_start3A_80 : memref<4x10112xf32, #tpu.memory_space<hbm>>) target(%arg6 : memref<4x10112xf32, #tpu.memory_space<vmem>>) target_semaphore(%arg10 : memref<!tpu.dma_semaphore, #tpu.memory_space<semaphore_mem>>)
      } else {
      }
      %not3A = arith.constant true
      %not3A_59 = arith.xori %eq3A_53, %not3A : i1
      %and3A_60 = arith.andi %lt3A_56, %not3A_59 : i1
      %convert_element_type3A_61 = arith.extui %and3A_60 : i1 to i32
      %cond3A_62 = arith.constant 0 : i32
      %cond3A_63 = arith.cmpi ne, %convert_element_type3A_61, %cond3A_62 : i32
      scf.if %cond3A_63 {
        %mul3A_72 = arith.constant 32 : i32
        %mul3A_73 = arith.muli %add3A_55, %mul3A_72 : i32
        %add3A_74 = arith.addi %add3A, %mul3A_73 : i32
        %mul3A_75 = arith.constant 4 : i32
        %mul3A_76 = arith.muli %add3A_74, %mul3A_75 : i32
        %dma_start3A_77 = arith.constant 0 : i32
        %dma_start3A_78 = tpu.memref_slice %arg2[%mul3A_76, %dma_start3A_77] : memref<10000x10112xf32, #tpu.memory_space<hbm>> -> memref<4x10112xf32, #tpu.memory_space<hbm>>
        %dma_start3A_79 = arith.constant 0 : i32
        %dma_start3A_80 = tpu.memref_slice %arg2[%mul3A_76, %dma_start3A_79] : memref<10000x10112xf32, #tpu.memory_space<hbm>> -> memref<4x10112xf32, #tpu.memory_space<hbm>>
        tpu.enqueue_dma source(%dma_start3A_80 : memref<4x10112xf32, #tpu.memory_space<hbm>>) target(%arg5 : memref<4x10112xf32, #tpu.memory_space<vmem>>) target_semaphore(%arg9 : memref<!tpu.dma_semaphore, #tpu.memory_space<semaphore_mem>>)
      } else {
      }
      %convert_element_type3A_64 = arith.extui %eq3A_53 : i1 to i32
      %cond3A_65 = arith.constant 0 : i32
      %cond3A_66 = arith.cmpi ne, %convert_element_type3A_64, %cond3A_65 : i32
      scf.if %cond3A_66 {
        %mul3A_72 = arith.constant 32 : i32
        %mul3A_73 = arith.muli %while3A_39, %mul3A_72 : i32
        %add3A_74 = arith.addi %add3A, %mul3A_73 : i32
        %mul3A_75 = arith.constant 4 : i32
        %mul3A_76 = arith.muli %add3A_74, %mul3A_75 : i32
        %dma_wait3A = arith.constant 0 : i32
        %dma_wait3A_77 = tpu.memref_slice %arg2[%mul3A_76, %dma_wait3A] : memref<10000x10112xf32, #tpu.memory_space<hbm>> -> memref<4x10112xf32, #tpu.memory_space<hbm>>
        %dma_wait3A_78 = arith.constant 0 : i32
        %dma_wait3A_79 = tpu.memref_slice %arg2[%mul3A_76, %dma_wait3A_78] : memref<10000x10112xf32, #tpu.memory_space<hbm>> -> memref<4x10112xf32, #tpu.memory_space<hbm>>
        tpu.wait_dma2 semaphore(%arg9 : memref<!tpu.dma_semaphore, #tpu.memory_space<semaphore_mem>>) src(%dma_wait3A_79 : memref<4x10112xf32, #tpu.memory_space<hbm>>) dst(%arg5 : memref<4x10112xf32, #tpu.memory_space<vmem>>)
        %parallel_loop3A = arith.constant 0 : i32
        %parallel_loop3A_80 = arith.constant 632 : i32
        %parallel_loop3A_81 = arith.constant 1 : i32
        scf.for %parallel_loop3A_91 = %parallel_loop3A to %parallel_loop3A_80 step %parallel_loop3A_81  : i32 {
          %parallel_loop3A_92 = arith.constant 16 : i32
          %parallel_loop3A_93 = arith.muli %parallel_loop3A_91, %parallel_loop3A_92 : i32
          %parallel_loop3A_94 = arith.constant 0 : i32
          %parallel_loop3A_95 = arith.index_cast %parallel_loop3A_94 : i32 to index
          %parallel_loop3A_96 = arith.index_cast %parallel_loop3A_93 : i32 to index
          %parallel_loop3A_97 = tpu.vector_load %arg5[%parallel_loop3A_95, %parallel_loop3A_96] {strides = array<i32>} : memref<4x10112xf32, #tpu.memory_space<vmem>>, vector<16xf32>,
          %parallel_loop3A_98 = vector.bitcast %parallel_loop3A_97 : vector<16xf32> to vector<16xi32>
          %parallel_loop3A_99 = arith.shrui %parallel_loop3A_98, %broadcast_in_dim3A_9 : vector<16xi32>
          %parallel_loop3A_100 = arith.andi %parallel_loop3A_99, %broadcast_in_dim3A_11 : vector<16xi32>
          %parallel_loop3A_101 = arith.addi %parallel_loop3A_100, %mul3A_14 : vector<16xi32>
          %parallel_loop3A_102 = arith.constant 2 : i32
          %parallel_loop3A_103 = arith.constant 0 : i32
          %parallel_loop3A_104 = arith.cmpi eq, %parallel_loop3A_102, %parallel_loop3A_103 : i32
          %parallel_loop3A_105 = arith.constant 1 : i32
          %parallel_loop3A_106 = arith.select %parallel_loop3A_104, %parallel_loop3A_105, %parallel_loop3A_102 : i32
          %parallel_loop3A_107 = arith.remsi %parallel_loop3A_91, %parallel_loop3A_106 : i32
          %parallel_loop3A_108 = arith.constant 0 : i32
          %parallel_loop3A_109 = arith.cmpi ne, %parallel_loop3A_107, %parallel_loop3A_108 : i32
          %parallel_loop3A_110 = arith.constant 0 : i32
          %parallel_loop3A_111 = arith.cmpi slt, %parallel_loop3A_107, %parallel_loop3A_110 : i32
          %parallel_loop3A_112 = arith.constant 0 : i32
          %parallel_loop3A_113 = arith.cmpi slt, %parallel_loop3A_106, %parallel_loop3A_112 : i32
          %parallel_loop3A_114 = arith.xori %parallel_loop3A_111, %parallel_loop3A_113 : i1
          %parallel_loop3A_115 = arith.andi %parallel_loop3A_114, %parallel_loop3A_109 : i1
          %parallel_loop3A_116 = arith.addi %parallel_loop3A_107, %parallel_loop3A_106 : i32
          %parallel_loop3A_117 = arith.select %parallel_loop3A_115, %parallel_loop3A_116, %parallel_loop3A_107 : i32
          %parallel_loop3A_118 = arith.constant 16400 : i32
          %parallel_loop3A_119 = arith.muli %parallel_loop3A_117, %parallel_loop3A_118 : i32
          %parallel_loop3A_120 = vector.broadcast %parallel_loop3A_119 : i32 to vector<16xi32>
          %parallel_loop3A_121 = arith.addi %parallel_loop3A_101, %parallel_loop3A_120 : vector<16xi32>
          %parallel_loop3A_122 = arith.andi %parallel_loop3A_98, %broadcast_in_dim3A_7 : vector<16xi32>
          %parallel_loop3A_123 = arith.cmpi eq, %parallel_loop3A_122, %get3A_6 : vector<16xi32>
          tpu.vector_store_idx %arg8[%parallel_loop3A_121], %broadcast_in_dim3A_16 masked %parallel_loop3A_123 {add = true} : memref<32800xi32, #tpu.memory_space<vmem>>[vector<16xi32>], vector<16xi32>, vector<16xi1>
        } {sc.loop_unroll_factor = 8 : i64, sc.parallel_access}
        %parallel_loop3A_82 = arith.constant 0 : i32
        %parallel_loop3A_83 = arith.constant 632 : i32
        %parallel_loop3A_84 = arith.constant 1 : i32
        scf.for %parallel_loop3A_91 = %parallel_loop3A_82 to %parallel_loop3A_83 step %parallel_loop3A_84  : i32 {
          %parallel_loop3A_92 = arith.constant 16 : i32
          %parallel_loop3A_93 = arith.muli %parallel_loop3A_91, %parallel_loop3A_92 : i32
          %parallel_loop3A_94 = arith.constant 1 : i32
          %parallel_loop3A_95 = arith.index_cast %parallel_loop3A_94 : i32 to index
          %parallel_loop3A_96 = arith.index_cast %parallel_loop3A_93 : i32 to index
          %parallel_loop3A_97 = tpu.vector_load %arg5[%parallel_loop3A_95, %parallel_loop3A_96] {strides = array<i32>} : memref<4x10112xf32, #tpu.memory_space<vmem>>, vector<16xf32>,
          %parallel_loop3A_98 = vector.bitcast %parallel_loop3A_97 : vector<16xf32> to vector<16xi32>
          %parallel_loop3A_99 = arith.shrui %parallel_loop3A_98, %broadcast_in_dim3A_9 : vector<16xi32>
          %parallel_loop3A_100 = arith.andi %parallel_loop3A_99, %broadcast_in_dim3A_11 : vector<16xi32>
          %parallel_loop3A_101 = arith.addi %parallel_loop3A_100, %mul3A_14 : vector<16xi32>
          %parallel_loop3A_102 = arith.constant 2 : i32
          %parallel_loop3A_103 = arith.constant 0 : i32
          %parallel_loop3A_104 = arith.cmpi eq, %parallel_loop3A_102, %parallel_loop3A_103 : i32
          %parallel_loop3A_105 = arith.constant 1 : i32
          %parallel_loop3A_106 = arith.select %parallel_loop3A_104, %parallel_loop3A_105, %parallel_loop3A_102 : i32
          %parallel_loop3A_107 = arith.remsi %parallel_loop3A_91, %parallel_loop3A_106 : i32
          %parallel_loop3A_108 = arith.constant 0 : i32
          %parallel_loop3A_109 = arith.cmpi ne, %parallel_loop3A_107, %parallel_loop3A_108 : i32
          %parallel_loop3A_110 = arith.constant 0 : i32
          %parallel_loop3A_111 = arith.cmpi slt, %parallel_loop3A_107, %parallel_loop3A_110 : i32
          %parallel_loop3A_112 = arith.constant 0 : i32
          %parallel_loop3A_113 = arith.cmpi slt, %parallel_loop3A_106, %parallel_loop3A_112 : i32
          %parallel_loop3A_114 = arith.xori %parallel_loop3A_111, %parallel_loop3A_113 : i1
          %parallel_loop3A_115 = arith.andi %parallel_loop3A_114, %parallel_loop3A_109 : i1
          %parallel_loop3A_116 = arith.addi %parallel_loop3A_107, %parallel_loop3A_106 : i32
          %parallel_loop3A_117 = arith.select %parallel_loop3A_115, %parallel_loop3A_116, %parallel_loop3A_107 : i32
          %parallel_loop3A_118 = arith.constant 16400 : i32
          %parallel_loop3A_119 = arith.muli %parallel_loop3A_117, %parallel_loop3A_118 : i32
          %parallel_loop3A_120 = vector.broadcast %parallel_loop3A_119 : i32 to vector<16xi32>
          %parallel_loop3A_121 = arith.addi %parallel_loop3A_101, %parallel_loop3A_120 : vector<16xi32>
          %parallel_loop3A_122 = arith.andi %parallel_loop3A_98, %broadcast_in_dim3A_7 : vector<16xi32>
          %parallel_loop3A_123 = arith.cmpi eq, %parallel_loop3A_122, %get3A_6 : vector<16xi32>
          tpu.vector_store_idx %arg8[%parallel_loop3A_121], %broadcast_in_dim3A_16 masked %parallel_loop3A_123 {add = true} : memref<32800xi32, #tpu.memory_space<vmem>>[vector<16xi32>], vector<16xi32>, vector<16xi1>
        } {sc.loop_unroll_factor = 8 : i64, sc.parallel_access}
        %parallel_loop3A_85 = arith.constant 0 : i32
        %parallel_loop3A_86 = arith.constant 632 : i32
        %parallel_loop3A_87 = arith.constant 1 : i32
        scf.for %parallel_loop3A_91 = %parallel_loop3A_85 to %parallel_loop3A_86 step %parallel_loop3A_87  : i32 {
          %parallel_loop3A_92 = arith.constant 16 : i32
          %parallel_loop3A_93 = arith.muli %parallel_loop3A_91, %parallel_loop3A_92 : i32
          %parallel_loop3A_94 = arith.constant 2 : i32
          %parallel_loop3A_95 = arith.index_cast %parallel_loop3A_94 : i32 to index
          %parallel_loop3A_96 = arith.index_cast %parallel_loop3A_93 : i32 to index
          %parallel_loop3A_97 = tpu.vector_load %arg5[%parallel_loop3A_95, %parallel_loop3A_96] {strides = array<i32>} : memref<4x10112xf32, #tpu.memory_space<vmem>>, vector<16xf32>,
          %parallel_loop3A_98 = vector.bitcast %parallel_loop3A_97 : vector<16xf32> to vector<16xi32>
          %parallel_loop3A_99 = arith.shrui %parallel_loop3A_98, %broadcast_in_dim3A_9 : vector<16xi32>
          %parallel_loop3A_100 = arith.andi %parallel_loop3A_99, %broadcast_in_dim3A_11 : vector<16xi32>
          %parallel_loop3A_101 = arith.addi %parallel_loop3A_100, %mul3A_14 : vector<16xi32>
          %parallel_loop3A_102 = arith.constant 2 : i32
          %parallel_loop3A_103 = arith.constant 0 : i32
          %parallel_loop3A_104 = arith.cmpi eq, %parallel_loop3A_102, %parallel_loop3A_103 : i32
          %parallel_loop3A_105 = arith.constant 1 : i32
          %parallel_loop3A_106 = arith.select %parallel_loop3A_104, %parallel_loop3A_105, %parallel_loop3A_102 : i32
          %parallel_loop3A_107 = arith.remsi %parallel_loop3A_91, %parallel_loop3A_106 : i32
          %parallel_loop3A_108 = arith.constant 0 : i32
          %parallel_loop3A_109 = arith.cmpi ne, %parallel_loop3A_107, %parallel_loop3A_108 : i32
          %parallel_loop3A_110 = arith.constant 0 : i32
          %parallel_loop3A_111 = arith.cmpi slt, %parallel_loop3A_107, %parallel_loop3A_110 : i32
          %parallel_loop3A_112 = arith.constant 0 : i32
          %parallel_loop3A_113 = arith.cmpi slt, %parallel_loop3A_106, %parallel_loop3A_112 : i32
          %parallel_loop3A_114 = arith.xori %parallel_loop3A_111, %parallel_loop3A_113 : i1
          %parallel_loop3A_115 = arith.andi %parallel_loop3A_114, %parallel_loop3A_109 : i1
          %parallel_loop3A_116 = arith.addi %parallel_loop3A_107, %parallel_loop3A_106 : i32
          %parallel_loop3A_117 = arith.select %parallel_loop3A_115, %parallel_loop3A_116, %parallel_loop3A_107 : i32
          %parallel_loop3A_118 = arith.constant 16400 : i32
          %parallel_loop3A_119 = arith.muli %parallel_loop3A_117, %parallel_loop3A_118 : i32
          %parallel_loop3A_120 = vector.broadcast %parallel_loop3A_119 : i32 to vector<16xi32>
          %parallel_loop3A_121 = arith.addi %parallel_loop3A_101, %parallel_loop3A_120 : vector<16xi32>
          %parallel_loop3A_122 = arith.andi %parallel_loop3A_98, %broadcast_in_dim3A_7 : vector<16xi32>
          %parallel_loop3A_123 = arith.cmpi eq, %parallel_loop3A_122, %get3A_6 : vector<16xi32>
          tpu.vector_store_idx %arg8[%parallel_loop3A_121], %broadcast_in_dim3A_16 masked %parallel_loop3A_123 {add = true} : memref<32800xi32, #tpu.memory_space<vmem>>[vector<16xi32>], vector<16xi32>, vector<16xi1>
        } {sc.loop_unroll_factor = 8 : i64, sc.parallel_access}
        %parallel_loop3A_88 = arith.constant 0 : i32
        %parallel_loop3A_89 = arith.constant 632 : i32
        %parallel_loop3A_90 = arith.constant 1 : i32
        scf.for %parallel_loop3A_91 = %parallel_loop3A_88 to %parallel_loop3A_89 step %parallel_loop3A_90  : i32 {
          %parallel_loop3A_92 = arith.constant 16 : i32
          %parallel_loop3A_93 = arith.muli %parallel_loop3A_91, %parallel_loop3A_92 : i32
          %parallel_loop3A_94 = arith.constant 3 : i32
          %parallel_loop3A_95 = arith.index_cast %parallel_loop3A_94 : i32 to index
          %parallel_loop3A_96 = arith.index_cast %parallel_loop3A_93 : i32 to index
          %parallel_loop3A_97 = tpu.vector_load %arg5[%parallel_loop3A_95, %parallel_loop3A_96] {strides = array<i32>} : memref<4x10112xf32, #tpu.memory_space<vmem>>, vector<16xf32>,
          %parallel_loop3A_98 = vector.bitcast %parallel_loop3A_97 : vector<16xf32> to vector<16xi32>
          %parallel_loop3A_99 = arith.shrui %parallel_loop3A_98, %broadcast_in_dim3A_9 : vector<16xi32>
          %parallel_loop3A_100 = arith.andi %parallel_loop3A_99, %broadcast_in_dim3A_11 : vector<16xi32>
          %parallel_loop3A_101 = arith.addi %parallel_loop3A_100, %mul3A_14 : vector<16xi32>
          %parallel_loop3A_102 = arith.constant 2 : i32
          %parallel_loop3A_103 = arith.constant 0 : i32
          %parallel_loop3A_104 = arith.cmpi eq, %parallel_loop3A_102, %parallel_loop3A_103 : i32
          %parallel_loop3A_105 = arith.constant 1 : i32
          %parallel_loop3A_106 = arith.select %parallel_loop3A_104, %parallel_loop3A_105, %parallel_loop3A_102 : i32
          %parallel_loop3A_107 = arith.remsi %parallel_loop3A_91, %parallel_loop3A_106 : i32
          %parallel_loop3A_108 = arith.constant 0 : i32
          %parallel_loop3A_109 = arith.cmpi ne, %parallel_loop3A_107, %parallel_loop3A_108 : i32
          %parallel_loop3A_110 = arith.constant 0 : i32
          %parallel_loop3A_111 = arith.cmpi slt, %parallel_loop3A_107, %parallel_loop3A_110 : i32
          %parallel_loop3A_112 = arith.constant 0 : i32
          %parallel_loop3A_113 = arith.cmpi slt, %parallel_loop3A_106, %parallel_loop3A_112 : i32
          %parallel_loop3A_114 = arith.xori %parallel_loop3A_111, %parallel_loop3A_113 : i1
          %parallel_loop3A_115 = arith.andi %parallel_loop3A_114, %parallel_loop3A_109 : i1
          %parallel_loop3A_116 = arith.addi %parallel_loop3A_107, %parallel_loop3A_106 : i32
          %parallel_loop3A_117 = arith.select %parallel_loop3A_115, %parallel_loop3A_116, %parallel_loop3A_107 : i32
          %parallel_loop3A_118 = arith.constant 16400 : i32
          %parallel_loop3A_119 = arith.muli %parallel_loop3A_117, %parallel_loop3A_118 : i32
          %parallel_loop3A_120 = vector.broadcast %parallel_loop3A_119 : i32 to vector<16xi32>
          %parallel_loop3A_121 = arith.addi %parallel_loop3A_101, %parallel_loop3A_120 : vector<16xi32>
          %parallel_loop3A_122 = arith.andi %parallel_loop3A_98, %broadcast_in_dim3A_7 : vector<16xi32>
          %parallel_loop3A_123 = arith.cmpi eq, %parallel_loop3A_122, %get3A_6 : vector<16xi32>
          tpu.vector_store_idx %arg8[%parallel_loop3A_121], %broadcast_in_dim3A_16 masked %parallel_loop3A_123 {add = true} : memref<32800xi32, #tpu.memory_space<vmem>>[vector<16xi32>], vector<16xi32>, vector<16xi1>
        } {sc.loop_unroll_factor = 8 : i64, sc.parallel_access}
      } else {
      }
      %not3A_67 = arith.constant true
      %not3A_68 = arith.xori %eq3A_53, %not3A_67 : i1
      %convert_element_type3A_69 = arith.extui %not3A_68 : i1 to i32
      %cond3A_70 = arith.constant 0 : i32
      %cond3A_71 = arith.cmpi ne, %convert_element_type3A_69, %cond3A_70 : i32
      scf.if %cond3A_71 {
        %mul3A_72 = arith.constant 32 : i32
        %mul3A_73 = arith.muli %while3A_39, %mul3A_72 : i32
        %add3A_74 = arith.addi %add3A, %mul3A_73 : i32
        %mul3A_75 = arith.constant 4 : i32
        %mul3A_76 = arith.muli %add3A_74, %mul3A_75 : i32
        %dma_wait3A = arith.constant 0 : i32
        %dma_wait3A_77 = tpu.memref_slice %arg2[%mul3A_76, %dma_wait3A] : memref<10000x10112xf32, #tpu.memory_space<hbm>> -> memref<4x10112xf32, #tpu.memory_space<hbm>>
        %dma_wait3A_78 = arith.constant 0 : i32
        %dma_wait3A_79 = tpu.memref_slice %arg2[%mul3A_76, %dma_wait3A_78] : memref<10000x10112xf32, #tpu.memory_space<hbm>> -> memref<4x10112xf32, #tpu.memory_space<hbm>>
        tpu.wait_dma2 semaphore(%arg10 : memref<!tpu.dma_semaphore, #tpu.memory_space<semaphore_mem>>) src(%dma_wait3A_79 : memref<4x10112xf32, #tpu.memory_space<hbm>>) dst(%arg6 : memref<4x10112xf32, #tpu.memory_space<vmem>>)
        %parallel_loop3A = arith.constant 0 : i32
        %parallel_loop3A_80 = arith.constant 632 : i32
        %parallel_loop3A_81 = arith.constant 1 : i32
        scf.for %parallel_loop3A_91 = %parallel_loop3A to %parallel_loop3A_80 step %parallel_loop3A_81  : i32 {
          %parallel_loop3A_92 = arith.constant 16 : i32
          %parallel_loop3A_93 = arith.muli %parallel_loop3A_91, %parallel_loop3A_92 : i32
          %parallel_loop3A_94 = arith.constant 0 : i32
          %parallel_loop3A_95 = arith.index_cast %parallel_loop3A_94 : i32 to index
          %parallel_loop3A_96 = arith.index_cast %parallel_loop3A_93 : i32 to index
          %parallel_loop3A_97 = tpu.vector_load %arg6[%parallel_loop3A_95, %parallel_loop3A_96] {strides = array<i32>} : memref<4x10112xf32, #tpu.memory_space<vmem>>, vector<16xf32>,
          %parallel_loop3A_98 = vector.bitcast %parallel_loop3A_97 : vector<16xf32> to vector<16xi32>
          %parallel_loop3A_99 = arith.shrui %parallel_loop3A_98, %broadcast_in_dim3A_9 : vector<16xi32>
          %parallel_loop3A_100 = arith.andi %parallel_loop3A_99, %broadcast_in_dim3A_11 : vector<16xi32>
          %parallel_loop3A_101 = arith.addi %parallel_loop3A_100, %mul3A_14 : vector<16xi32>
          %parallel_loop3A_102 = arith.constant 2 : i32
          %parallel_loop3A_103 = arith.constant 0 : i32
          %parallel_loop3A_104 = arith.cmpi eq, %parallel_loop3A_102, %parallel_loop3A_103 : i32
          %parallel_loop3A_105 = arith.constant 1 : i32
          %parallel_loop3A_106 = arith.select %parallel_loop3A_104, %parallel_loop3A_105, %parallel_loop3A_102 : i32
          %parallel_loop3A_107 = arith.remsi %parallel_loop3A_91, %parallel_loop3A_106 : i32
          %parallel_loop3A_108 = arith.constant 0 : i32
          %parallel_loop3A_109 = arith.cmpi ne, %parallel_loop3A_107, %parallel_loop3A_108 : i32
          %parallel_loop3A_110 = arith.constant 0 : i32
          %parallel_loop3A_111 = arith.cmpi slt, %parallel_loop3A_107, %parallel_loop3A_110 : i32
          %parallel_loop3A_112 = arith.constant 0 : i32
          %parallel_loop3A_113 = arith.cmpi slt, %parallel_loop3A_106, %parallel_loop3A_112 : i32
          %parallel_loop3A_114 = arith.xori %parallel_loop3A_111, %parallel_loop3A_113 : i1
          %parallel_loop3A_115 = arith.andi %parallel_loop3A_114, %parallel_loop3A_109 : i1
          %parallel_loop3A_116 = arith.addi %parallel_loop3A_107, %parallel_loop3A_106 : i32
          %parallel_loop3A_117 = arith.select %parallel_loop3A_115, %parallel_loop3A_116, %parallel_loop3A_107 : i32
          %parallel_loop3A_118 = arith.constant 16400 : i32
          %parallel_loop3A_119 = arith.muli %parallel_loop3A_117, %parallel_loop3A_118 : i32
          %parallel_loop3A_120 = vector.broadcast %parallel_loop3A_119 : i32 to vector<16xi32>
          %parallel_loop3A_121 = arith.addi %parallel_loop3A_101, %parallel_loop3A_120 : vector<16xi32>
          %parallel_loop3A_122 = arith.andi %parallel_loop3A_98, %broadcast_in_dim3A_7 : vector<16xi32>
          %parallel_loop3A_123 = arith.cmpi eq, %parallel_loop3A_122, %get3A_6 : vector<16xi32>
          tpu.vector_store_idx %arg8[%parallel_loop3A_121], %broadcast_in_dim3A_16 masked %parallel_loop3A_123 {add = true} : memref<32800xi32, #tpu.memory_space<vmem>>[vector<16xi32>], vector<16xi32>, vector<16xi1>
        } {sc.loop_unroll_factor = 8 : i64, sc.parallel_access}
        %parallel_loop3A_82 = arith.constant 0 : i32
        %parallel_loop3A_83 = arith.constant 632 : i32
        %parallel_loop3A_84 = arith.constant 1 : i32
        scf.for %parallel_loop3A_91 = %parallel_loop3A_82 to %parallel_loop3A_83 step %parallel_loop3A_84  : i32 {
          %parallel_loop3A_92 = arith.constant 16 : i32
          %parallel_loop3A_93 = arith.muli %parallel_loop3A_91, %parallel_loop3A_92 : i32
          %parallel_loop3A_94 = arith.constant 1 : i32
          %parallel_loop3A_95 = arith.index_cast %parallel_loop3A_94 : i32 to index
          %parallel_loop3A_96 = arith.index_cast %parallel_loop3A_93 : i32 to index
          %parallel_loop3A_97 = tpu.vector_load %arg6[%parallel_loop3A_95, %parallel_loop3A_96] {strides = array<i32>} : memref<4x10112xf32, #tpu.memory_space<vmem>>, vector<16xf32>,
          %parallel_loop3A_98 = vector.bitcast %parallel_loop3A_97 : vector<16xf32> to vector<16xi32>
          %parallel_loop3A_99 = arith.shrui %parallel_loop3A_98, %broadcast_in_dim3A_9 : vector<16xi32>
          %parallel_loop3A_100 = arith.andi %parallel_loop3A_99, %broadcast_in_dim3A_11 : vector<16xi32>
          %parallel_loop3A_101 = arith.addi %parallel_loop3A_100, %mul3A_14 : vector<16xi32>
          %parallel_loop3A_102 = arith.constant 2 : i32
          %parallel_loop3A_103 = arith.constant 0 : i32
          %parallel_loop3A_104 = arith.cmpi eq, %parallel_loop3A_102, %parallel_loop3A_103 : i32
          %parallel_loop3A_105 = arith.constant 1 : i32
          %parallel_loop3A_106 = arith.select %parallel_loop3A_104, %parallel_loop3A_105, %parallel_loop3A_102 : i32
          %parallel_loop3A_107 = arith.remsi %parallel_loop3A_91, %parallel_loop3A_106 : i32
          %parallel_loop3A_108 = arith.constant 0 : i32
          %parallel_loop3A_109 = arith.cmpi ne, %parallel_loop3A_107, %parallel_loop3A_108 : i32
          %parallel_loop3A_110 = arith.constant 0 : i32
          %parallel_loop3A_111 = arith.cmpi slt, %parallel_loop3A_107, %parallel_loop3A_110 : i32
          %parallel_loop3A_112 = arith.constant 0 : i32
          %parallel_loop3A_113 = arith.cmpi slt, %parallel_loop3A_106, %parallel_loop3A_112 : i32
          %parallel_loop3A_114 = arith.xori %parallel_loop3A_111, %parallel_loop3A_113 : i1
          %parallel_loop3A_115 = arith.andi %parallel_loop3A_114, %parallel_loop3A_109 : i1
          %parallel_loop3A_116 = arith.addi %parallel_loop3A_107, %parallel_loop3A_106 : i32
          %parallel_loop3A_117 = arith.select %parallel_loop3A_115, %parallel_loop3A_116, %parallel_loop3A_107 : i32
          %parallel_loop3A_118 = arith.constant 16400 : i32
          %parallel_loop3A_119 = arith.muli %parallel_loop3A_117, %parallel_loop3A_118 : i32
          %parallel_loop3A_120 = vector.broadcast %parallel_loop3A_119 : i32 to vector<16xi32>
          %parallel_loop3A_121 = arith.addi %parallel_loop3A_101, %parallel_loop3A_120 : vector<16xi32>
          %parallel_loop3A_122 = arith.andi %parallel_loop3A_98, %broadcast_in_dim3A_7 : vector<16xi32>
          %parallel_loop3A_123 = arith.cmpi eq, %parallel_loop3A_122, %get3A_6 : vector<16xi32>
          tpu.vector_store_idx %arg8[%parallel_loop3A_121], %broadcast_in_dim3A_16 masked %parallel_loop3A_123 {add = true} : memref<32800xi32, #tpu.memory_space<vmem>>[vector<16xi32>], vector<16xi32>, vector<16xi1>
        } {sc.loop_unroll_factor = 8 : i64, sc.parallel_access}
        %parallel_loop3A_85 = arith.constant 0 : i32
        %parallel_loop3A_86 = arith.constant 632 : i32
        %parallel_loop3A_87 = arith.constant 1 : i32
        scf.for %parallel_loop3A_91 = %parallel_loop3A_85 to %parallel_loop3A_86 step %parallel_loop3A_87  : i32 {
          %parallel_loop3A_92 = arith.constant 16 : i32
          %parallel_loop3A_93 = arith.muli %parallel_loop3A_91, %parallel_loop3A_92 : i32
          %parallel_loop3A_94 = arith.constant 2 : i32
          %parallel_loop3A_95 = arith.index_cast %parallel_loop3A_94 : i32 to index
          %parallel_loop3A_96 = arith.index_cast %parallel_loop3A_93 : i32 to index
          %parallel_loop3A_97 = tpu.vector_load %arg6[%parallel_loop3A_95, %parallel_loop3A_96] {strides = array<i32>} : memref<4x10112xf32, #tpu.memory_space<vmem>>, vector<16xf32>,
          %parallel_loop3A_98 = vector.bitcast %parallel_loop3A_97 : vector<16xf32> to vector<16xi32>
          %parallel_loop3A_99 = arith.shrui %parallel_loop3A_98, %broadcast_in_dim3A_9 : vector<16xi32>
          %parallel_loop3A_100 = arith.andi %parallel_loop3A_99, %broadcast_in_dim3A_11 : vector<16xi32>
          %parallel_loop3A_101 = arith.addi %parallel_loop3A_100, %mul3A_14 : vector<16xi32>
          %parallel_loop3A_102 = arith.constant 2 : i32
          %parallel_loop3A_103 = arith.constant 0 : i32
          %parallel_loop3A_104 = arith.cmpi eq, %parallel_loop3A_102, %parallel_loop3A_103 : i32
          %parallel_loop3A_105 = arith.constant 1 : i32
          %parallel_loop3A_106 = arith.select %parallel_loop3A_104, %parallel_loop3A_105, %parallel_loop3A_102 : i32
          %parallel_loop3A_107 = arith.remsi %parallel_loop3A_91, %parallel_loop3A_106 : i32
          %parallel_loop3A_108 = arith.constant 0 : i32
          %parallel_loop3A_109 = arith.cmpi ne, %parallel_loop3A_107, %parallel_loop3A_108 : i32
          %parallel_loop3A_110 = arith.constant 0 : i32
          %parallel_loop3A_111 = arith.cmpi slt, %parallel_loop3A_107, %parallel_loop3A_110 : i32
          %parallel_loop3A_112 = arith.constant 0 : i32
          %parallel_loop3A_113 = arith.cmpi slt, %parallel_loop3A_106, %parallel_loop3A_112 : i32
          %parallel_loop3A_114 = arith.xori %parallel_loop3A_111, %parallel_loop3A_113 : i1
          %parallel_loop3A_115 = arith.andi %parallel_loop3A_114, %parallel_loop3A_109 : i1
          %parallel_loop3A_116 = arith.addi %parallel_loop3A_107, %parallel_loop3A_106 : i32
          %parallel_loop3A_117 = arith.select %parallel_loop3A_115, %parallel_loop3A_116, %parallel_loop3A_107 : i32
          %parallel_loop3A_118 = arith.constant 16400 : i32
          %parallel_loop3A_119 = arith.muli %parallel_loop3A_117, %parallel_loop3A_118 : i32
          %parallel_loop3A_120 = vector.broadcast %parallel_loop3A_119 : i32 to vector<16xi32>
          %parallel_loop3A_121 = arith.addi %parallel_loop3A_101, %parallel_loop3A_120 : vector<16xi32>
          %parallel_loop3A_122 = arith.andi %parallel_loop3A_98, %broadcast_in_dim3A_7 : vector<16xi32>
          %parallel_loop3A_123 = arith.cmpi eq, %parallel_loop3A_122, %get3A_6 : vector<16xi32>
          tpu.vector_store_idx %arg8[%parallel_loop3A_121], %broadcast_in_dim3A_16 masked %parallel_loop3A_123 {add = true} : memref<32800xi32, #tpu.memory_space<vmem>>[vector<16xi32>], vector<16xi32>, vector<16xi1>
        } {sc.loop_unroll_factor = 8 : i64, sc.parallel_access}
        %parallel_loop3A_88 = arith.constant 0 : i32
        %parallel_loop3A_89 = arith.constant 632 : i32
        %parallel_loop3A_90 = arith.constant 1 : i32
        scf.for %parallel_loop3A_91 = %parallel_loop3A_88 to %parallel_loop3A_89 step %parallel_loop3A_90  : i32 {
          %parallel_loop3A_92 = arith.constant 16 : i32
          %parallel_loop3A_93 = arith.muli %parallel_loop3A_91, %parallel_loop3A_92 : i32
          %parallel_loop3A_94 = arith.constant 3 : i32
          %parallel_loop3A_95 = arith.index_cast %parallel_loop3A_94 : i32 to index
          %parallel_loop3A_96 = arith.index_cast %parallel_loop3A_93 : i32 to index
          %parallel_loop3A_97 = tpu.vector_load %arg6[%parallel_loop3A_95, %parallel_loop3A_96] {strides = array<i32>} : memref<4x10112xf32, #tpu.memory_space<vmem>>, vector<16xf32>,
          %parallel_loop3A_98 = vector.bitcast %parallel_loop3A_97 : vector<16xf32> to vector<16xi32>
          %parallel_loop3A_99 = arith.shrui %parallel_loop3A_98, %broadcast_in_dim3A_9 : vector<16xi32>
          %parallel_loop3A_100 = arith.andi %parallel_loop3A_99, %broadcast_in_dim3A_11 : vector<16xi32>
          %parallel_loop3A_101 = arith.addi %parallel_loop3A_100, %mul3A_14 : vector<16xi32>
          %parallel_loop3A_102 = arith.constant 2 : i32
          %parallel_loop3A_103 = arith.constant 0 : i32
          %parallel_loop3A_104 = arith.cmpi eq, %parallel_loop3A_102, %parallel_loop3A_103 : i32
          %parallel_loop3A_105 = arith.constant 1 : i32
          %parallel_loop3A_106 = arith.select %parallel_loop3A_104, %parallel_loop3A_105, %parallel_loop3A_102 : i32
          %parallel_loop3A_107 = arith.remsi %parallel_loop3A_91, %parallel_loop3A_106 : i32
          %parallel_loop3A_108 = arith.constant 0 : i32
          %parallel_loop3A_109 = arith.cmpi ne, %parallel_loop3A_107, %parallel_loop3A_108 : i32
          %parallel_loop3A_110 = arith.constant 0 : i32
          %parallel_loop3A_111 = arith.cmpi slt, %parallel_loop3A_107, %parallel_loop3A_110 : i32
          %parallel_loop3A_112 = arith.constant 0 : i32
          %parallel_loop3A_113 = arith.cmpi slt, %parallel_loop3A_106, %parallel_loop3A_112 : i32
          %parallel_loop3A_114 = arith.xori %parallel_loop3A_111, %parallel_loop3A_113 : i1
          %parallel_loop3A_115 = arith.andi %parallel_loop3A_114, %parallel_loop3A_109 : i1
          %parallel_loop3A_116 = arith.addi %parallel_loop3A_107, %parallel_loop3A_106 : i32
          %parallel_loop3A_117 = arith.select %parallel_loop3A_115, %parallel_loop3A_116, %parallel_loop3A_107 : i32
          %parallel_loop3A_118 = arith.constant 16400 : i32
          %parallel_loop3A_119 = arith.muli %parallel_loop3A_117, %parallel_loop3A_118 : i32
          %parallel_loop3A_120 = vector.broadcast %parallel_loop3A_119 : i32 to vector<16xi32>
          %parallel_loop3A_121 = arith.addi %parallel_loop3A_101, %parallel_loop3A_120 : vector<16xi32>
          %parallel_loop3A_122 = arith.andi %parallel_loop3A_98, %broadcast_in_dim3A_7 : vector<16xi32>
          %parallel_loop3A_123 = arith.cmpi eq, %parallel_loop3A_122, %get3A_6 : vector<16xi32>
          tpu.vector_store_idx %arg8[%parallel_loop3A_121], %broadcast_in_dim3A_16 masked %parallel_loop3A_123 {add = true} : memref<32800xi32, #tpu.memory_space<vmem>>[vector<16xi32>], vector<16xi32>, vector<16xi1>
        } {sc.loop_unroll_factor = 8 : i64, sc.parallel_access}
      } else {
      }
    }
    %mul3A_37 = arith.constant 32800 : i32
    %mul3A_38 = arith.muli %add3A, %mul3A_37 : i32
    "tpu.region"() ({
      %run_scoped3A = tpu.sem_alloc : memref<!tpu.dma_semaphore, #tpu.memory_space<semaphore_mem>>
      %dma_start3A_39 = tpu.memref_slice %arg4[%mul3A_38] : memref<1049600xi32, #tpu.memory_space<hbm>> -> memref<32800xi32, #tpu.memory_space<hbm>>
      %dma_start3A_40 = tpu.memref_slice %arg4[%mul3A_38] : memref<1049600xi32, #tpu.memory_space<hbm>> -> memref<32800xi32, #tpu.memory_space<hbm>>
      tpu.enqueue_dma source(%arg8 : memref<32800xi32, #tpu.memory_space<vmem>>) target(%dma_start3A_40 : memref<32800xi32, #tpu.memory_space<hbm>>) target_semaphore(%run_scoped3A : memref<!tpu.dma_semaphore, #tpu.memory_space<semaphore_mem>>)
      %dma_wait3A = tpu.memref_slice %arg4[%mul3A_38] : memref<1049600xi32, #tpu.memory_space<hbm>> -> memref<32800xi32, #tpu.memory_space<hbm>>
      %dma_wait3A_41 = tpu.memref_slice %arg4[%mul3A_38] : memref<1049600xi32, #tpu.memory_space<hbm>> -> memref<32800xi32, #tpu.memory_space<hbm>>
      tpu.wait_dma2 semaphore(%run_scoped3A : memref<!tpu.dma_semaphore, #tpu.memory_space<semaphore_mem>>) src(%arg8 : memref<32800xi32, #tpu.memory_space<vmem>>) dst(%dma_wait3A_41 : memref<32800xi32, #tpu.memory_space<hbm>>)
      tpu.yield
    }) : () -> ()
    return
  }
}

module attributes {stable_mosaic.version = 14 : i64} {
  func.func @_nodevec_body(%arg0: i32, %arg1: memref<1000x128xf32, #tpu.memory_space<vmem>>, %arg2: memref<1000x128xf32, #tpu.memory_space<vmem>>, %arg3: memref<128x128xf32, #tpu.memory_space<vmem>>, %arg4: memref<1x128xf32, #tpu.memory_space<vmem>>, %arg5: memref<128x128xf32, #tpu.memory_space<vmem>>, %arg6: memref<1x128xf32, #tpu.memory_space<vmem>>, %arg7: memref<1000x128xf32, #tpu.memory_space<vmem>>, %arg8: memref<1000x128xf32, #tpu.memory_space<vmem>>) attributes {dimension_semantics = [#tpu.dimension_semantics<arbitrary>], iteration_bounds = array<i64: 10>, scalar_prefetch = 0 : i64, scratch_operands = 0 : i64, tpu.core_type = #tpu.core_type<tc>, window_params = [{transform_indices = @transform_0, window_bounds = array<i64: 1000, 128>}, {transform_indices = @transform_1, window_bounds = array<i64: 1000, 128>}, {pipeline_mode = #tpu.pipeline_mode<synchronous>, transform_indices = @transform_2, window_bounds = array<i64: 128, 128>}, {pipeline_mode = #tpu.pipeline_mode<synchronous>, transform_indices = @transform_3, window_bounds = array<i64: 1, 128>}, {pipeline_mode = #tpu.pipeline_mode<synchronous>, transform_indices = @transform_4, window_bounds = array<i64: 128, 128>}, {pipeline_mode = #tpu.pipeline_mode<synchronous>, transform_indices = @transform_5, window_bounds = array<i64: 1, 128>}, {transform_indices = @transform_6, window_bounds = array<i64: 1000, 128>}, {transform_indices = @transform_7, window_bounds = array<i64: 1000, 128>}]} {
    %get3A = arith.constant 0 : index
    %get3A_0 = arith.constant 0 : index
    %get3A_1 = vector.load %arg1[%get3A, %get3A_0] : memref<1000x128xf32, #tpu.memory_space<vmem>>, vector<1000x128xf32>
    %get3A_2 = arith.constant 0 : index
    %get3A_3 = arith.constant 0 : index
    %get3A_4 = vector.load %arg3[%get3A_2, %get3A_3] : memref<128x128xf32, #tpu.memory_space<vmem>>, vector<128x128xf32>
    %dot_general3A = arith.constant dense<0.000000e+00> : vector<1000x128xf32>
    %dot_general3A_5 = tpu.matmul %get3A_1, %get3A_4, %dot_general3A {dimension_numbers = #tpu.dot_dimension_numbers<[1], [1], [0], [0], [0, 0, 1, 0], [], []>, transpose_lhs_hint = false} : vector<1000x128xf32>, vector<128x128xf32>, vector<1000x128xf32> -> vector<1000x128xf32>
    %get3A_6 = arith.constant 0 : index
    %get3A_7 = arith.constant 0 : index
    %get3A_8 = vector.load %arg4[%get3A_6, %get3A_7] : memref<1x128xf32, #tpu.memory_space<vmem>>, vector<1x128xf32>
    %add3A = vector.broadcast %get3A_8 : vector<1x128xf32> to vector<1000x128xf32>
    %add3A_9 = arith.addf %dot_general3A_5, %add3A : vector<1000x128xf32>
    %mul3A = arith.constant 1.000000e-01 : f32
    %mul3A_10 = vector.broadcast %mul3A : f32 to vector<1000x128xf32>
    %mul3A_11 = arith.mulf %mul3A_10, %add3A_9 : vector<1000x128xf32>
    %tanh3A = math.tanh %mul3A_11 : vector<1000x128xf32>
    %swap3A = arith.constant 0 : index
    %swap3A_12 = arith.constant 0 : index
    %swap3A_13 = vector.load %arg7[%swap3A, %swap3A_12] : memref<1000x128xf32, #tpu.memory_space<vmem>>, vector<1000x128xf32>
    tpu.vector_store %arg7[%swap3A, %swap3A_12], %tanh3A {strides = array<i32>} : memref<1000x128xf32, #tpu.memory_space<vmem>>, vector<1000x128xf32>,
    %get3A_14 = arith.constant 0 : index
    %get3A_15 = arith.constant 0 : index
    %get3A_16 = vector.load %arg2[%get3A_14, %get3A_15] : memref<1000x128xf32, #tpu.memory_space<vmem>>, vector<1000x128xf32>
    %get3A_17 = arith.constant 0 : index
    %get3A_18 = arith.constant 0 : index
    %get3A_19 = vector.load %arg5[%get3A_17, %get3A_18] : memref<128x128xf32, #tpu.memory_space<vmem>>, vector<128x128xf32>
    %dot_general3A_20 = arith.constant dense<0.000000e+00> : vector<1000x128xf32>
    %dot_general3A_21 = tpu.matmul %get3A_16, %get3A_19, %dot_general3A_20 {dimension_numbers = #tpu.dot_dimension_numbers<[1], [1], [0], [0], [0, 0, 1, 0], [], []>, transpose_lhs_hint = false} : vector<1000x128xf32>, vector<128x128xf32>, vector<1000x128xf32> -> vector<1000x128xf32>
    %get3A_22 = arith.constant 0 : index
    %get3A_23 = arith.constant 0 : index
    %get3A_24 = vector.load %arg6[%get3A_22, %get3A_23] : memref<1x128xf32, #tpu.memory_space<vmem>>, vector<1x128xf32>
    %add3A_25 = vector.broadcast %get3A_24 : vector<1x128xf32> to vector<1000x128xf32>
    %add3A_26 = arith.addf %dot_general3A_21, %add3A_25 : vector<1000x128xf32>
    %mul3A_27 = arith.constant 1.000000e-01 : f32
    %mul3A_28 = vector.broadcast %mul3A_27 : f32 to vector<1000x128xf32>
    %mul3A_29 = arith.mulf %mul3A_28, %add3A_26 : vector<1000x128xf32>
    %tanh3A_30 = math.tanh %mul3A_29 : vector<1000x128xf32>
    %swap3A_31 = arith.constant 0 : index
    %swap3A_32 = arith.constant 0 : index
    %swap3A_33 = vector.load %arg8[%swap3A_31, %swap3A_32] : memref<1000x128xf32, #tpu.memory_space<vmem>>, vector<1000x128xf32>
    tpu.vector_store %arg8[%swap3A_31, %swap3A_32], %tanh3A_30 {strides = array<i32>} : memref<1000x128xf32, #tpu.memory_space<vmem>>, vector<1000x128xf32>,
    return
  }
  func.func @transform_0(%arg0: i32) -> (i32, i32) {
    %c0_i32 = arith.constant 0 : i32
    %c0_i32_0 = arith.constant 0 : i32
    return %arg0, %c0_i32 : i32, i32
  }
  func.func @transform_1(%arg0: i32) -> (i32, i32) {
    %c0_i32 = arith.constant 0 : i32
    %c0_i32_0 = arith.constant 0 : i32
    return %arg0, %c0_i32 : i32, i32
  }
  func.func @transform_2(%arg0: i32) -> (i32, i32) {
    %c0_i32 = arith.constant 0 : i32
    %c0_i32_0 = arith.constant 0 : i32
    %c0_i32_1 = arith.constant 0 : i32
    return %c0_i32, %c0_i32_0 : i32, i32
  }
  func.func @transform_3(%arg0: i32) -> (i32, i32) {
    %c0_i32 = arith.constant 0 : i32
    %c0_i32_0 = arith.constant 0 : i32
    %c0_i32_1 = arith.constant 0 : i32
    return %c0_i32, %c0_i32_0 : i32, i32
  }
  func.func @transform_4(%arg0: i32) -> (i32, i32) {
    %c0_i32 = arith.constant 0 : i32
    %c0_i32_0 = arith.constant 0 : i32
    %c0_i32_1 = arith.constant 0 : i32
    return %c0_i32, %c0_i32_0 : i32, i32
  }
  func.func @transform_5(%arg0: i32) -> (i32, i32) {
    %c0_i32 = arith.constant 0 : i32
    %c0_i32_0 = arith.constant 0 : i32
    %c0_i32_1 = arith.constant 0 : i32
    return %c0_i32, %c0_i32_0 : i32, i32
  }
  func.func @transform_6(%arg0: i32) -> (i32, i32) {
    %c0_i32 = arith.constant 0 : i32
    %c0_i32_0 = arith.constant 0 : i32
    return %arg0, %c0_i32 : i32, i32
  }
  func.func @transform_7(%arg0: i32) -> (i32, i32) {
    %c0_i32 = arith.constant 0 : i32
    %c0_i32_0 = arith.constant 0 : i32
    return %arg0, %c0_i32 : i32, i32
  }
}

module attributes {stable_mosaic.version = 14 : i64} {
  func.func @_score_body(%arg0: i32, %arg1: memref<200x128xf32, #tpu.memory_space<vmem>>, %arg2: memref<10000x128xf32, #tpu.memory_space<vmem>>, %arg3: memref<200x10112xf32, #tpu.memory_space<vmem>>) attributes {dimension_semantics = [#tpu.dimension_semantics<arbitrary>], iteration_bounds = array<i64: 50>, scalar_prefetch = 0 : i64, scratch_operands = 0 : i64, tpu.core_type = #tpu.core_type<tc>, window_params = [{transform_indices = @transform_0, window_bounds = array<i64: 200, 128>}, {pipeline_mode = #tpu.pipeline_mode<synchronous>, transform_indices = @transform_1, window_bounds = array<i64: 10000, 128>}, {transform_indices = @transform_2, window_bounds = array<i64: 200, 10112>}]} {
    %get3A = arith.constant 0 : index
    %get3A_0 = arith.constant 0 : index
    %get3A_1 = vector.load %arg1[%get3A, %get3A_0] : memref<200x128xf32, #tpu.memory_space<vmem>>, vector<200x128xf32>
    %get3A_2 = arith.constant 0 : index
    %get3A_3 = arith.constant 0 : index
    %get3A_4 = vector.load %arg2[%get3A_2, %get3A_3] : memref<10000x128xf32, #tpu.memory_space<vmem>>, vector<10000x128xf32>
    %dot_general3A = arith.constant dense<0.000000e+00> : vector<200x10000xf32>
    %dot_general3A_5 = tpu.matmul %get3A_1, %get3A_4, %dot_general3A {dimension_numbers = #tpu.dot_dimension_numbers<[1], [1], [0], [0], [0, 0, 1, 0], [], []>, transpose_lhs_hint = false} : vector<200x128xf32>, vector<10000x128xf32>, vector<200x10000xf32> -> vector<200x10000xf32>
    %mul3A = arith.constant -2.000000e+00 : f32
    %mul3A_6 = vector.broadcast %mul3A : f32 to vector<200x10000xf32>
    %mul3A_7 = arith.mulf %mul3A_6, %dot_general3A_5 : vector<200x10000xf32>
    %exp3A = math.exp %mul3A_7 : vector<200x10000xf32>
    %add3A = arith.constant 1.000000e+00 : f32
    %add3A_8 = vector.broadcast %add3A : f32 to vector<200x10000xf32>
    %add3A_9 = arith.addf %add3A_8, %exp3A : vector<200x10000xf32>
    %div3A = arith.constant 1.000000e+00 : f32
    %div3A_10 = vector.broadcast %div3A : f32 to vector<200x10000xf32>
    %div3A_11 = arith.divf %div3A_10, %add3A_9 : vector<200x10000xf32>
    %swap3A = arith.constant 0 : index
    %swap3A_12 = arith.constant 0 : index
    %swap3A_13 = vector.load %arg3[%swap3A, %swap3A_12] : memref<200x10112xf32, #tpu.memory_space<vmem>>, vector<200x10000xf32>
    tpu.vector_store %arg3[%swap3A, %swap3A_12], %div3A_11 {strides = array<i32>} : memref<200x10112xf32, #tpu.memory_space<vmem>>, vector<200x10000xf32>,
    %broadcast_in_dim3A = arith.constant 0.000000e+00 : f32
    %broadcast_in_dim3A_14 = vector.broadcast %broadcast_in_dim3A : f32 to vector<200x112xf32>
    %swap3A_15 = arith.constant 0 : index
    %swap3A_16 = arith.constant 10000 : index
    %swap3A_17 = vector.load %arg3[%swap3A_15, %swap3A_16] : memref<200x10112xf32, #tpu.memory_space<vmem>>, vector<200x112xf32>
    tpu.vector_store %arg3[%swap3A_15, %swap3A_16], %broadcast_in_dim3A_14 {strides = array<i32>} : memref<200x10112xf32, #tpu.memory_space<vmem>>, vector<200x112xf32>,
    return
  }
  func.func @transform_0(%arg0: i32) -> (i32, i32) {
    %c0_i32 = arith.constant 0 : i32
    %c0_i32_0 = arith.constant 0 : i32
    return %arg0, %c0_i32 : i32, i32
  }
  func.func @transform_1(%arg0: i32) -> (i32, i32) {
    %c0_i32 = arith.constant 0 : i32
    %c0_i32_0 = arith.constant 0 : i32
    %c0_i32_1 = arith.constant 0 : i32
    return %c0_i32, %c0_i32_0 : i32, i32
  }
  func.func @transform_2(%arg0: i32) -> (i32, i32) {
    %c0_i32 = arith.constant 0 : i32
    %c0_i32_0 = arith.constant 0 : i32
    return %arg0, %c0_i32 : i32, i32
  }
}

module attributes {stable_mosaic.version = 14 : i64} {
  func.func @_select_body(%arg0: memref<1024x1024xi32, #tpu.memory_space<vmem>>, %arg1: memref<4xi32, #tpu.memory_space<smem>>, %arg2: memref<4xi32, #tpu.memory_space<smem>>) attributes {dimension_semantics = [], scalar_prefetch = 0 : i64, scratch_operands = 0 : i64, tpu.core_type = #tpu.core_type<tc>} {
    %get3A = arith.constant 0 : index
    %get3A_0 = arith.constant 0 : index
    %get3A_1 = vector.load %arg0[%get3A, %get3A_0] : memref<1024x1024xi32, #tpu.memory_space<vmem>>, vector<1024x1024xi32>
    %reduce_sum3A = arith.constant dense<0> : vector<1024xi32>
    %reduce_sum3A_2 = vector.multi_reduction <add>, %get3A_1, %reduce_sum3A [0] : vector<1024x1024xi32> to vector<1024xi32>
    %broadcast_in_dim3A = vector.shape_cast %reduce_sum3A_2 : vector<1024xi32> to vector<1x1024xi32>
    %iota3A = tpu.iota {dimensions = array<i32: 1>} : vector<1x1024xi32>
    %roll3A = arith.constant 1 : i32
    %roll3A_3 = tpu.dynamic_rotate %broadcast_in_dim3A by %roll3A dim 1 : vector<1x1024xi32>, i32 -> vector<1x1024xi32>
    %ge3A = arith.constant 1 : i32
    %ge3A_4 = vector.broadcast %ge3A : i32 to vector<1x1024xi32>
    %ge3A_5 = arith.cmpi sge, %iota3A, %ge3A_4 : vector<1x1024xi32>
    %jit3A = arith.constant 0 : i32
    %broadcast_in_dim3A_6 = vector.broadcast %jit3A : i32 to vector<1x1024xi32>
    %select_n3A = arith.select %ge3A_5, %roll3A_3, %broadcast_in_dim3A_6 : vector<1x1024xi1>, vector<1x1024xi32>
    %add3A = arith.addi %broadcast_in_dim3A, %select_n3A : vector<1x1024xi32>
    %roll3A_7 = arith.constant 2 : i32
    %roll3A_8 = tpu.dynamic_rotate %add3A by %roll3A_7 dim 1 : vector<1x1024xi32>, i32 -> vector<1x1024xi32>
    %ge3A_9 = arith.constant 2 : i32
    %ge3A_10 = vector.broadcast %ge3A_9 : i32 to vector<1x1024xi32>
    %ge3A_11 = arith.cmpi sge, %iota3A, %ge3A_10 : vector<1x1024xi32>
    %jit3A_12 = arith.constant 0 : i32
    %broadcast_in_dim3A_13 = vector.broadcast %jit3A_12 : i32 to vector<1x1024xi32>
    %select_n3A_14 = arith.select %ge3A_11, %roll3A_8, %broadcast_in_dim3A_13 : vector<1x1024xi1>, vector<1x1024xi32>
    %add3A_15 = arith.addi %add3A, %select_n3A_14 : vector<1x1024xi32>
    %roll3A_16 = arith.constant 4 : i32
    %roll3A_17 = tpu.dynamic_rotate %add3A_15 by %roll3A_16 dim 1 : vector<1x1024xi32>, i32 -> vector<1x1024xi32>
    %ge3A_18 = arith.constant 4 : i32
    %ge3A_19 = vector.broadcast %ge3A_18 : i32 to vector<1x1024xi32>
    %ge3A_20 = arith.cmpi sge, %iota3A, %ge3A_19 : vector<1x1024xi32>
    %jit3A_21 = arith.constant 0 : i32
    %broadcast_in_dim3A_22 = vector.broadcast %jit3A_21 : i32 to vector<1x1024xi32>
    %select_n3A_23 = arith.select %ge3A_20, %roll3A_17, %broadcast_in_dim3A_22 : vector<1x1024xi1>, vector<1x1024xi32>
    %add3A_24 = arith.addi %add3A_15, %select_n3A_23 : vector<1x1024xi32>
    %roll3A_25 = arith.constant 8 : i32
    %roll3A_26 = tpu.dynamic_rotate %add3A_24 by %roll3A_25 dim 1 : vector<1x1024xi32>, i32 -> vector<1x1024xi32>
    %ge3A_27 = arith.constant 8 : i32
    %ge3A_28 = vector.broadcast %ge3A_27 : i32 to vector<1x1024xi32>
    %ge3A_29 = arith.cmpi sge, %iota3A, %ge3A_28 : vector<1x1024xi32>
    %jit3A_30 = arith.constant 0 : i32
    %broadcast_in_dim3A_31 = vector.broadcast %jit3A_30 : i32 to vector<1x1024xi32>
    %select_n3A_32 = arith.select %ge3A_29, %roll3A_26, %broadcast_in_dim3A_31 : vector<1x1024xi1>, vector<1x1024xi32>
    %add3A_33 = arith.addi %add3A_24, %select_n3A_32 : vector<1x1024xi32>
    %roll3A_34 = arith.constant 16 : i32
    %roll3A_35 = tpu.dynamic_rotate %add3A_33 by %roll3A_34 dim 1 : vector<1x1024xi32>, i32 -> vector<1x1024xi32>
    %ge3A_36 = arith.constant 16 : i32
    %ge3A_37 = vector.broadcast %ge3A_36 : i32 to vector<1x1024xi32>
    %ge3A_38 = arith.cmpi sge, %iota3A, %ge3A_37 : vector<1x1024xi32>
    %jit3A_39 = arith.constant 0 : i32
    %broadcast_in_dim3A_40 = vector.broadcast %jit3A_39 : i32 to vector<1x1024xi32>
    %select_n3A_41 = arith.select %ge3A_38, %roll3A_35, %broadcast_in_dim3A_40 : vector<1x1024xi1>, vector<1x1024xi32>
    %add3A_42 = arith.addi %add3A_33, %select_n3A_41 : vector<1x1024xi32>
    %roll3A_43 = arith.constant 32 : i32
    %roll3A_44 = tpu.dynamic_rotate %add3A_42 by %roll3A_43 dim 1 : vector<1x1024xi32>, i32 -> vector<1x1024xi32>
    %ge3A_45 = arith.constant 32 : i32
    %ge3A_46 = vector.broadcast %ge3A_45 : i32 to vector<1x1024xi32>
    %ge3A_47 = arith.cmpi sge, %iota3A, %ge3A_46 : vector<1x1024xi32>
    %jit3A_48 = arith.constant 0 : i32
    %broadcast_in_dim3A_49 = vector.broadcast %jit3A_48 : i32 to vector<1x1024xi32>
    %select_n3A_50 = arith.select %ge3A_47, %roll3A_44, %broadcast_in_dim3A_49 : vector<1x1024xi1>, vector<1x1024xi32>
    %add3A_51 = arith.addi %add3A_42, %select_n3A_50 : vector<1x1024xi32>
    %roll3A_52 = arith.constant 64 : i32
    %roll3A_53 = tpu.dynamic_rotate %add3A_51 by %roll3A_52 dim 1 : vector<1x1024xi32>, i32 -> vector<1x1024xi32>
    %ge3A_54 = arith.constant 64 : i32
    %ge3A_55 = vector.broadcast %ge3A_54 : i32 to vector<1x1024xi32>
    %ge3A_56 = arith.cmpi sge, %iota3A, %ge3A_55 : vector<1x1024xi32>
    %jit3A_57 = arith.constant 0 : i32
    %broadcast_in_dim3A_58 = vector.broadcast %jit3A_57 : i32 to vector<1x1024xi32>
    %select_n3A_59 = arith.select %ge3A_56, %roll3A_53, %broadcast_in_dim3A_58 : vector<1x1024xi1>, vector<1x1024xi32>
    %add3A_60 = arith.addi %add3A_51, %select_n3A_59 : vector<1x1024xi32>
    %roll3A_61 = arith.constant 128 : i32
    %roll3A_62 = tpu.dynamic_rotate %add3A_60 by %roll3A_61 dim 1 : vector<1x1024xi32>, i32 -> vector<1x1024xi32>
    %ge3A_63 = arith.constant 128 : i32
    %ge3A_64 = vector.broadcast %ge3A_63 : i32 to vector<1x1024xi32>
    %ge3A_65 = arith.cmpi sge, %iota3A, %ge3A_64 : vector<1x1024xi32>
    %jit3A_66 = arith.constant 0 : i32
    %broadcast_in_dim3A_67 = vector.broadcast %jit3A_66 : i32 to vector<1x1024xi32>
    %select_n3A_68 = arith.select %ge3A_65, %roll3A_62, %broadcast_in_dim3A_67 : vector<1x1024xi1>, vector<1x1024xi32>
    %add3A_69 = arith.addi %add3A_60, %select_n3A_68 : vector<1x1024xi32>
    %roll3A_70 = arith.constant 256 : i32
    %roll3A_71 = tpu.dynamic_rotate %add3A_69 by %roll3A_70 dim 1 : vector<1x1024xi32>, i32 -> vector<1x1024xi32>
    %ge3A_72 = arith.constant 256 : i32
    %ge3A_73 = vector.broadcast %ge3A_72 : i32 to vector<1x1024xi32>
    %ge3A_74 = arith.cmpi sge, %iota3A, %ge3A_73 : vector<1x1024xi32>
    %jit3A_75 = arith.constant 0 : i32
    %broadcast_in_dim3A_76 = vector.broadcast %jit3A_75 : i32 to vector<1x1024xi32>
    %select_n3A_77 = arith.select %ge3A_74, %roll3A_71, %broadcast_in_dim3A_76 : vector<1x1024xi1>, vector<1x1024xi32>
    %add3A_78 = arith.addi %add3A_69, %select_n3A_77 : vector<1x1024xi32>
    %roll3A_79 = arith.constant 512 : i32
    %roll3A_80 = tpu.dynamic_rotate %add3A_78 by %roll3A_79 dim 1 : vector<1x1024xi32>, i32 -> vector<1x1024xi32>
    %ge3A_81 = arith.constant 512 : i32
    %ge3A_82 = vector.broadcast %ge3A_81 : i32 to vector<1x1024xi32>
    %ge3A_83 = arith.cmpi sge, %iota3A, %ge3A_82 : vector<1x1024xi32>
    %jit3A_84 = arith.constant 0 : i32
    %broadcast_in_dim3A_85 = vector.broadcast %jit3A_84 : i32 to vector<1x1024xi32>
    %select_n3A_86 = arith.select %ge3A_83, %roll3A_80, %broadcast_in_dim3A_85 : vector<1x1024xi1>, vector<1x1024xi32>
    %add3A_87 = arith.addi %add3A_78, %select_n3A_86 : vector<1x1024xi32>
    %reduce_sum3A_88 = arith.constant dense<0> : vector<1xi32>
    %reduce_sum3A_89 = vector.multi_reduction <add>, %broadcast_in_dim3A, %reduce_sum3A_88 [1] : vector<1x1024xi32> to vector<1xi32>
    %broadcast_in_dim3A_90 = vector.shape_cast %reduce_sum3A_89 : vector<1xi32> to vector<1x1xi32>
    %sub3A = vector.broadcast %broadcast_in_dim3A_90 : vector<1x1xi32> to vector<1x1024xi32>
    %sub3A_91 = arith.subi %sub3A, %add3A_87 : vector<1x1024xi32>
    %add3A_92 = arith.addi %sub3A_91, %broadcast_in_dim3A : vector<1x1024xi32>
    %get3A_93 = arith.constant 1 : index
    %get3A_94 = memref.load %arg1[%get3A_93] : memref<4xi32, #tpu.memory_space<smem>>
    %lt3A = vector.broadcast %get3A_94 : i32 to vector<1x1024xi32>
    %lt3A_95 = arith.cmpi slt, %sub3A_91, %lt3A : vector<1x1024xi32>
    %ge3A_96 = vector.broadcast %get3A_94 : i32 to vector<1x1024xi32>
    %ge3A_97 = arith.cmpi sge, %add3A_92, %ge3A_96 : vector<1x1024xi32>
    %and3A = arith.andi %lt3A_95, %ge3A_97 : vector<1x1024xi1>
    %jit3A_98 = arith.constant -1 : i32
    %broadcast_in_dim3A_99 = vector.broadcast %jit3A_98 : i32 to vector<1x1024xi32>
    %select_n3A_100 = arith.select %and3A, %iota3A, %broadcast_in_dim3A_99 : vector<1x1024xi1>, vector<1x1024xi32>
    %reduce_max3A = vector.shape_cast %select_n3A_100 : vector<1x1024xi32> to vector<1x1x1024xi32>
    %reduce_max3A_101 = arith.constant dense<-2147483648> : vector<1xi32>
    %reduce_max3A_102 = vector.multi_reduction <maxsi>, %reduce_max3A, %reduce_max3A_101 [1, 2] : vector<1x1x1024xi32> to vector<1xi32>
    %reduce_max3A_103 = vector.shape_cast %reduce_max3A_102 : vector<1xi32> to vector<1x1x1xi32>
    %reduce_max3A_104 = vector.extract %reduce_max3A_103[0, 0, 0] : i32 from vector<1x1x1xi32>
    %jit3A_105 = arith.constant -1 : i32
    %broadcast_in_dim3A_106 = vector.broadcast %jit3A_105 : i32 to vector<1x1024xi32>
    %select_n3A_107 = arith.select %and3A, %sub3A_91, %broadcast_in_dim3A_106 : vector<1x1024xi1>, vector<1x1024xi32>
    %reduce_max3A_108 = vector.shape_cast %select_n3A_107 : vector<1x1024xi32> to vector<1x1x1024xi32>
    %reduce_max3A_109 = arith.constant dense<-2147483648> : vector<1xi32>
    %reduce_max3A_110 = vector.multi_reduction <maxsi>, %reduce_max3A_108, %reduce_max3A_109 [1, 2] : vector<1x1x1024xi32> to vector<1xi32>
    %reduce_max3A_111 = vector.shape_cast %reduce_max3A_110 : vector<1xi32> to vector<1x1x1xi32>
    %reduce_max3A_112 = vector.extract %reduce_max3A_111[0, 0, 0] : i32 from vector<1x1x1xi32>
    %get3A_113 = arith.constant 0 : index
    %get3A_114 = memref.load %arg1[%get3A_113] : memref<4xi32, #tpu.memory_space<smem>>
    %mul3A = arith.constant 1048576 : i32
    %mul3A_115 = arith.muli %reduce_max3A_104, %mul3A : i32
    %add3A_116 = arith.addi %get3A_114, %mul3A_115 : i32
    %swap3A = arith.constant 0 : index
    %swap3A_117 = memref.load %arg2[%swap3A] : memref<4xi32, #tpu.memory_space<smem>>
    memref.store %add3A_116, %arg2[%swap3A] : memref<4xi32, #tpu.memory_space<smem>>
    %sub3A_118 = arith.subi %get3A_94, %reduce_max3A_112 : i32
    %swap3A_119 = arith.constant 1 : index
    %swap3A_120 = memref.load %arg2[%swap3A_119] : memref<4xi32, #tpu.memory_space<smem>>
    memref.store %sub3A_118, %arg2[%swap3A_119] : memref<4xi32, #tpu.memory_space<smem>>
    %swap3A_121 = arith.constant 0 : i32
    %swap3A_122 = arith.constant 2 : index
    %swap3A_123 = memref.load %arg2[%swap3A_122] : memref<4xi32, #tpu.memory_space<smem>>
    memref.store %swap3A_121, %arg2[%swap3A_122] : memref<4xi32, #tpu.memory_space<smem>>
    %swap3A_124 = arith.constant 0 : i32
    %swap3A_125 = arith.constant 3 : index
    %swap3A_126 = memref.load %arg2[%swap3A_125] : memref<4xi32, #tpu.memory_space<smem>>
    memref.store %swap3A_124, %arg2[%swap3A_125] : memref<4xi32, #tpu.memory_space<smem>>
    return
  }
}

module attributes {stable_mosaic.version = 14 : i64} {
  func.func @_select_body(%arg0: memref<1024x1024xi32, #tpu.memory_space<vmem>>, %arg1: memref<4xi32, #tpu.memory_space<smem>>, %arg2: memref<4xi32, #tpu.memory_space<smem>>) attributes {dimension_semantics = [], scalar_prefetch = 0 : i64, scratch_operands = 0 : i64, tpu.core_type = #tpu.core_type<tc>} {
    %get3A = arith.constant 0 : index
    %get3A_0 = arith.constant 0 : index
    %get3A_1 = vector.load %arg0[%get3A, %get3A_0] : memref<1024x1024xi32, #tpu.memory_space<vmem>>, vector<1024x1024xi32>
    %reduce_sum3A = arith.constant dense<0> : vector<1024xi32>
    %reduce_sum3A_2 = vector.multi_reduction <add>, %get3A_1, %reduce_sum3A [0] : vector<1024x1024xi32> to vector<1024xi32>
    %broadcast_in_dim3A = vector.shape_cast %reduce_sum3A_2 : vector<1024xi32> to vector<1x1024xi32>
    %iota3A = tpu.iota {dimensions = array<i32: 1>} : vector<1x1024xi32>
    %roll3A = arith.constant 1 : i32
    %roll3A_3 = tpu.dynamic_rotate %broadcast_in_dim3A by %roll3A dim 1 : vector<1x1024xi32>, i32 -> vector<1x1024xi32>
    %ge3A = arith.constant 1 : i32
    %ge3A_4 = vector.broadcast %ge3A : i32 to vector<1x1024xi32>
    %ge3A_5 = arith.cmpi sge, %iota3A, %ge3A_4 : vector<1x1024xi32>
    %jit3A = arith.constant 0 : i32
    %broadcast_in_dim3A_6 = vector.broadcast %jit3A : i32 to vector<1x1024xi32>
    %select_n3A = arith.select %ge3A_5, %roll3A_3, %broadcast_in_dim3A_6 : vector<1x1024xi1>, vector<1x1024xi32>
    %add3A = arith.addi %broadcast_in_dim3A, %select_n3A : vector<1x1024xi32>
    %roll3A_7 = arith.constant 2 : i32
    %roll3A_8 = tpu.dynamic_rotate %add3A by %roll3A_7 dim 1 : vector<1x1024xi32>, i32 -> vector<1x1024xi32>
    %ge3A_9 = arith.constant 2 : i32
    %ge3A_10 = vector.broadcast %ge3A_9 : i32 to vector<1x1024xi32>
    %ge3A_11 = arith.cmpi sge, %iota3A, %ge3A_10 : vector<1x1024xi32>
    %jit3A_12 = arith.constant 0 : i32
    %broadcast_in_dim3A_13 = vector.broadcast %jit3A_12 : i32 to vector<1x1024xi32>
    %select_n3A_14 = arith.select %ge3A_11, %roll3A_8, %broadcast_in_dim3A_13 : vector<1x1024xi1>, vector<1x1024xi32>
    %add3A_15 = arith.addi %add3A, %select_n3A_14 : vector<1x1024xi32>
    %roll3A_16 = arith.constant 4 : i32
    %roll3A_17 = tpu.dynamic_rotate %add3A_15 by %roll3A_16 dim 1 : vector<1x1024xi32>, i32 -> vector<1x1024xi32>
    %ge3A_18 = arith.constant 4 : i32
    %ge3A_19 = vector.broadcast %ge3A_18 : i32 to vector<1x1024xi32>
    %ge3A_20 = arith.cmpi sge, %iota3A, %ge3A_19 : vector<1x1024xi32>
    %jit3A_21 = arith.constant 0 : i32
    %broadcast_in_dim3A_22 = vector.broadcast %jit3A_21 : i32 to vector<1x1024xi32>
    %select_n3A_23 = arith.select %ge3A_20, %roll3A_17, %broadcast_in_dim3A_22 : vector<1x1024xi1>, vector<1x1024xi32>
    %add3A_24 = arith.addi %add3A_15, %select_n3A_23 : vector<1x1024xi32>
    %roll3A_25 = arith.constant 8 : i32
    %roll3A_26 = tpu.dynamic_rotate %add3A_24 by %roll3A_25 dim 1 : vector<1x1024xi32>, i32 -> vector<1x1024xi32>
    %ge3A_27 = arith.constant 8 : i32
    %ge3A_28 = vector.broadcast %ge3A_27 : i32 to vector<1x1024xi32>
    %ge3A_29 = arith.cmpi sge, %iota3A, %ge3A_28 : vector<1x1024xi32>
    %jit3A_30 = arith.constant 0 : i32
    %broadcast_in_dim3A_31 = vector.broadcast %jit3A_30 : i32 to vector<1x1024xi32>
    %select_n3A_32 = arith.select %ge3A_29, %roll3A_26, %broadcast_in_dim3A_31 : vector<1x1024xi1>, vector<1x1024xi32>
    %add3A_33 = arith.addi %add3A_24, %select_n3A_32 : vector<1x1024xi32>
    %roll3A_34 = arith.constant 16 : i32
    %roll3A_35 = tpu.dynamic_rotate %add3A_33 by %roll3A_34 dim 1 : vector<1x1024xi32>, i32 -> vector<1x1024xi32>
    %ge3A_36 = arith.constant 16 : i32
    %ge3A_37 = vector.broadcast %ge3A_36 : i32 to vector<1x1024xi32>
    %ge3A_38 = arith.cmpi sge, %iota3A, %ge3A_37 : vector<1x1024xi32>
    %jit3A_39 = arith.constant 0 : i32
    %broadcast_in_dim3A_40 = vector.broadcast %jit3A_39 : i32 to vector<1x1024xi32>
    %select_n3A_41 = arith.select %ge3A_38, %roll3A_35, %broadcast_in_dim3A_40 : vector<1x1024xi1>, vector<1x1024xi32>
    %add3A_42 = arith.addi %add3A_33, %select_n3A_41 : vector<1x1024xi32>
    %roll3A_43 = arith.constant 32 : i32
    %roll3A_44 = tpu.dynamic_rotate %add3A_42 by %roll3A_43 dim 1 : vector<1x1024xi32>, i32 -> vector<1x1024xi32>
    %ge3A_45 = arith.constant 32 : i32
    %ge3A_46 = vector.broadcast %ge3A_45 : i32 to vector<1x1024xi32>
    %ge3A_47 = arith.cmpi sge, %iota3A, %ge3A_46 : vector<1x1024xi32>
    %jit3A_48 = arith.constant 0 : i32
    %broadcast_in_dim3A_49 = vector.broadcast %jit3A_48 : i32 to vector<1x1024xi32>
    %select_n3A_50 = arith.select %ge3A_47, %roll3A_44, %broadcast_in_dim3A_49 : vector<1x1024xi1>, vector<1x1024xi32>
    %add3A_51 = arith.addi %add3A_42, %select_n3A_50 : vector<1x1024xi32>
    %roll3A_52 = arith.constant 64 : i32
    %roll3A_53 = tpu.dynamic_rotate %add3A_51 by %roll3A_52 dim 1 : vector<1x1024xi32>, i32 -> vector<1x1024xi32>
    %ge3A_54 = arith.constant 64 : i32
    %ge3A_55 = vector.broadcast %ge3A_54 : i32 to vector<1x1024xi32>
    %ge3A_56 = arith.cmpi sge, %iota3A, %ge3A_55 : vector<1x1024xi32>
    %jit3A_57 = arith.constant 0 : i32
    %broadcast_in_dim3A_58 = vector.broadcast %jit3A_57 : i32 to vector<1x1024xi32>
    %select_n3A_59 = arith.select %ge3A_56, %roll3A_53, %broadcast_in_dim3A_58 : vector<1x1024xi1>, vector<1x1024xi32>
    %add3A_60 = arith.addi %add3A_51, %select_n3A_59 : vector<1x1024xi32>
    %roll3A_61 = arith.constant 128 : i32
    %roll3A_62 = tpu.dynamic_rotate %add3A_60 by %roll3A_61 dim 1 : vector<1x1024xi32>, i32 -> vector<1x1024xi32>
    %ge3A_63 = arith.constant 128 : i32
    %ge3A_64 = vector.broadcast %ge3A_63 : i32 to vector<1x1024xi32>
    %ge3A_65 = arith.cmpi sge, %iota3A, %ge3A_64 : vector<1x1024xi32>
    %jit3A_66 = arith.constant 0 : i32
    %broadcast_in_dim3A_67 = vector.broadcast %jit3A_66 : i32 to vector<1x1024xi32>
    %select_n3A_68 = arith.select %ge3A_65, %roll3A_62, %broadcast_in_dim3A_67 : vector<1x1024xi1>, vector<1x1024xi32>
    %add3A_69 = arith.addi %add3A_60, %select_n3A_68 : vector<1x1024xi32>
    %roll3A_70 = arith.constant 256 : i32
    %roll3A_71 = tpu.dynamic_rotate %add3A_69 by %roll3A_70 dim 1 : vector<1x1024xi32>, i32 -> vector<1x1024xi32>
    %ge3A_72 = arith.constant 256 : i32
    %ge3A_73 = vector.broadcast %ge3A_72 : i32 to vector<1x1024xi32>
    %ge3A_74 = arith.cmpi sge, %iota3A, %ge3A_73 : vector<1x1024xi32>
    %jit3A_75 = arith.constant 0 : i32
    %broadcast_in_dim3A_76 = vector.broadcast %jit3A_75 : i32 to vector<1x1024xi32>
    %select_n3A_77 = arith.select %ge3A_74, %roll3A_71, %broadcast_in_dim3A_76 : vector<1x1024xi1>, vector<1x1024xi32>
    %add3A_78 = arith.addi %add3A_69, %select_n3A_77 : vector<1x1024xi32>
    %roll3A_79 = arith.constant 512 : i32
    %roll3A_80 = tpu.dynamic_rotate %add3A_78 by %roll3A_79 dim 1 : vector<1x1024xi32>, i32 -> vector<1x1024xi32>
    %ge3A_81 = arith.constant 512 : i32
    %ge3A_82 = vector.broadcast %ge3A_81 : i32 to vector<1x1024xi32>
    %ge3A_83 = arith.cmpi sge, %iota3A, %ge3A_82 : vector<1x1024xi32>
    %jit3A_84 = arith.constant 0 : i32
    %broadcast_in_dim3A_85 = vector.broadcast %jit3A_84 : i32 to vector<1x1024xi32>
    %select_n3A_86 = arith.select %ge3A_83, %roll3A_80, %broadcast_in_dim3A_85 : vector<1x1024xi1>, vector<1x1024xi32>
    %add3A_87 = arith.addi %add3A_78, %select_n3A_86 : vector<1x1024xi32>
    %reduce_sum3A_88 = arith.constant dense<0> : vector<1xi32>
    %reduce_sum3A_89 = vector.multi_reduction <add>, %broadcast_in_dim3A, %reduce_sum3A_88 [1] : vector<1x1024xi32> to vector<1xi32>
    %broadcast_in_dim3A_90 = vector.shape_cast %reduce_sum3A_89 : vector<1xi32> to vector<1x1xi32>
    %sub3A = vector.broadcast %broadcast_in_dim3A_90 : vector<1x1xi32> to vector<1x1024xi32>
    %sub3A_91 = arith.subi %sub3A, %add3A_87 : vector<1x1024xi32>
    %add3A_92 = arith.addi %sub3A_91, %broadcast_in_dim3A : vector<1x1024xi32>
    %get3A_93 = arith.constant 1 : index
    %get3A_94 = memref.load %arg1[%get3A_93] : memref<4xi32, #tpu.memory_space<smem>>
    %lt3A = vector.broadcast %get3A_94 : i32 to vector<1x1024xi32>
    %lt3A_95 = arith.cmpi slt, %sub3A_91, %lt3A : vector<1x1024xi32>
    %ge3A_96 = vector.broadcast %get3A_94 : i32 to vector<1x1024xi32>
    %ge3A_97 = arith.cmpi sge, %add3A_92, %ge3A_96 : vector<1x1024xi32>
    %and3A = arith.andi %lt3A_95, %ge3A_97 : vector<1x1024xi1>
    %jit3A_98 = arith.constant -1 : i32
    %broadcast_in_dim3A_99 = vector.broadcast %jit3A_98 : i32 to vector<1x1024xi32>
    %select_n3A_100 = arith.select %and3A, %iota3A, %broadcast_in_dim3A_99 : vector<1x1024xi1>, vector<1x1024xi32>
    %reduce_max3A = vector.shape_cast %select_n3A_100 : vector<1x1024xi32> to vector<1x1x1024xi32>
    %reduce_max3A_101 = arith.constant dense<-2147483648> : vector<1xi32>
    %reduce_max3A_102 = vector.multi_reduction <maxsi>, %reduce_max3A, %reduce_max3A_101 [1, 2] : vector<1x1x1024xi32> to vector<1xi32>
    %reduce_max3A_103 = vector.shape_cast %reduce_max3A_102 : vector<1xi32> to vector<1x1x1xi32>
    %reduce_max3A_104 = vector.extract %reduce_max3A_103[0, 0, 0] : i32 from vector<1x1x1xi32>
    %jit3A_105 = arith.constant -1 : i32
    %broadcast_in_dim3A_106 = vector.broadcast %jit3A_105 : i32 to vector<1x1024xi32>
    %select_n3A_107 = arith.select %and3A, %sub3A_91, %broadcast_in_dim3A_106 : vector<1x1024xi1>, vector<1x1024xi32>
    %reduce_max3A_108 = vector.shape_cast %select_n3A_107 : vector<1x1024xi32> to vector<1x1x1024xi32>
    %reduce_max3A_109 = arith.constant dense<-2147483648> : vector<1xi32>
    %reduce_max3A_110 = vector.multi_reduction <maxsi>, %reduce_max3A_108, %reduce_max3A_109 [1, 2] : vector<1x1x1024xi32> to vector<1xi32>
    %reduce_max3A_111 = vector.shape_cast %reduce_max3A_110 : vector<1xi32> to vector<1x1x1xi32>
    %reduce_max3A_112 = vector.extract %reduce_max3A_111[0, 0, 0] : i32 from vector<1x1x1xi32>
    %get3A_113 = arith.constant 0 : index
    %get3A_114 = memref.load %arg1[%get3A_113] : memref<4xi32, #tpu.memory_space<smem>>
    %mul3A = arith.constant 1024 : i32
    %mul3A_115 = arith.muli %reduce_max3A_104, %mul3A : i32
    %add3A_116 = arith.addi %get3A_114, %mul3A_115 : i32
    %swap3A = arith.constant 0 : index
    %swap3A_117 = memref.load %arg2[%swap3A] : memref<4xi32, #tpu.memory_space<smem>>
    memref.store %add3A_116, %arg2[%swap3A] : memref<4xi32, #tpu.memory_space<smem>>
    %sub3A_118 = arith.subi %get3A_94, %reduce_max3A_112 : i32
    %swap3A_119 = arith.constant 1 : index
    %swap3A_120 = memref.load %arg2[%swap3A_119] : memref<4xi32, #tpu.memory_space<smem>>
    memref.store %sub3A_118, %arg2[%swap3A_119] : memref<4xi32, #tpu.memory_space<smem>>
    %swap3A_121 = arith.constant 0 : i32
    %swap3A_122 = arith.constant 2 : index
    %swap3A_123 = memref.load %arg2[%swap3A_122] : memref<4xi32, #tpu.memory_space<smem>>
    memref.store %swap3A_121, %arg2[%swap3A_122] : memref<4xi32, #tpu.memory_space<smem>>
    %swap3A_124 = arith.constant 0 : i32
    %swap3A_125 = arith.constant 3 : index
    %swap3A_126 = memref.load %arg2[%swap3A_125] : memref<4xi32, #tpu.memory_space<smem>>
    memref.store %swap3A_124, %arg2[%swap3A_125] : memref<4xi32, #tpu.memory_space<smem>>
    return
  }
}

module attributes {stable_mosaic.version = 14 : i64} {
  func.func @_select_body(%arg0: memref<1024x1024xi32, #tpu.memory_space<vmem>>, %arg1: memref<4xi32, #tpu.memory_space<smem>>, %arg2: memref<4xi32, #tpu.memory_space<smem>>) attributes {dimension_semantics = [], scalar_prefetch = 0 : i64, scratch_operands = 0 : i64, tpu.core_type = #tpu.core_type<tc>} {
    %get3A = arith.constant 0 : index
    %get3A_0 = arith.constant 0 : index
    %get3A_1 = vector.load %arg0[%get3A, %get3A_0] : memref<1024x1024xi32, #tpu.memory_space<vmem>>, vector<1024x1024xi32>
    %reduce_sum3A = arith.constant dense<0> : vector<1024xi32>
    %reduce_sum3A_2 = vector.multi_reduction <add>, %get3A_1, %reduce_sum3A [0] : vector<1024x1024xi32> to vector<1024xi32>
    %broadcast_in_dim3A = vector.shape_cast %reduce_sum3A_2 : vector<1024xi32> to vector<1x1024xi32>
    %iota3A = tpu.iota {dimensions = array<i32: 1>} : vector<1x1024xi32>
    %roll3A = arith.constant 1 : i32
    %roll3A_3 = tpu.dynamic_rotate %broadcast_in_dim3A by %roll3A dim 1 : vector<1x1024xi32>, i32 -> vector<1x1024xi32>
    %ge3A = arith.constant 1 : i32
    %ge3A_4 = vector.broadcast %ge3A : i32 to vector<1x1024xi32>
    %ge3A_5 = arith.cmpi sge, %iota3A, %ge3A_4 : vector<1x1024xi32>
    %jit3A = arith.constant 0 : i32
    %broadcast_in_dim3A_6 = vector.broadcast %jit3A : i32 to vector<1x1024xi32>
    %select_n3A = arith.select %ge3A_5, %roll3A_3, %broadcast_in_dim3A_6 : vector<1x1024xi1>, vector<1x1024xi32>
    %add3A = arith.addi %broadcast_in_dim3A, %select_n3A : vector<1x1024xi32>
    %roll3A_7 = arith.constant 2 : i32
    %roll3A_8 = tpu.dynamic_rotate %add3A by %roll3A_7 dim 1 : vector<1x1024xi32>, i32 -> vector<1x1024xi32>
    %ge3A_9 = arith.constant 2 : i32
    %ge3A_10 = vector.broadcast %ge3A_9 : i32 to vector<1x1024xi32>
    %ge3A_11 = arith.cmpi sge, %iota3A, %ge3A_10 : vector<1x1024xi32>
    %jit3A_12 = arith.constant 0 : i32
    %broadcast_in_dim3A_13 = vector.broadcast %jit3A_12 : i32 to vector<1x1024xi32>
    %select_n3A_14 = arith.select %ge3A_11, %roll3A_8, %broadcast_in_dim3A_13 : vector<1x1024xi1>, vector<1x1024xi32>
    %add3A_15 = arith.addi %add3A, %select_n3A_14 : vector<1x1024xi32>
    %roll3A_16 = arith.constant 4 : i32
    %roll3A_17 = tpu.dynamic_rotate %add3A_15 by %roll3A_16 dim 1 : vector<1x1024xi32>, i32 -> vector<1x1024xi32>
    %ge3A_18 = arith.constant 4 : i32
    %ge3A_19 = vector.broadcast %ge3A_18 : i32 to vector<1x1024xi32>
    %ge3A_20 = arith.cmpi sge, %iota3A, %ge3A_19 : vector<1x1024xi32>
    %jit3A_21 = arith.constant 0 : i32
    %broadcast_in_dim3A_22 = vector.broadcast %jit3A_21 : i32 to vector<1x1024xi32>
    %select_n3A_23 = arith.select %ge3A_20, %roll3A_17, %broadcast_in_dim3A_22 : vector<1x1024xi1>, vector<1x1024xi32>
    %add3A_24 = arith.addi %add3A_15, %select_n3A_23 : vector<1x1024xi32>
    %roll3A_25 = arith.constant 8 : i32
    %roll3A_26 = tpu.dynamic_rotate %add3A_24 by %roll3A_25 dim 1 : vector<1x1024xi32>, i32 -> vector<1x1024xi32>
    %ge3A_27 = arith.constant 8 : i32
    %ge3A_28 = vector.broadcast %ge3A_27 : i32 to vector<1x1024xi32>
    %ge3A_29 = arith.cmpi sge, %iota3A, %ge3A_28 : vector<1x1024xi32>
    %jit3A_30 = arith.constant 0 : i32
    %broadcast_in_dim3A_31 = vector.broadcast %jit3A_30 : i32 to vector<1x1024xi32>
    %select_n3A_32 = arith.select %ge3A_29, %roll3A_26, %broadcast_in_dim3A_31 : vector<1x1024xi1>, vector<1x1024xi32>
    %add3A_33 = arith.addi %add3A_24, %select_n3A_32 : vector<1x1024xi32>
    %roll3A_34 = arith.constant 16 : i32
    %roll3A_35 = tpu.dynamic_rotate %add3A_33 by %roll3A_34 dim 1 : vector<1x1024xi32>, i32 -> vector<1x1024xi32>
    %ge3A_36 = arith.constant 16 : i32
    %ge3A_37 = vector.broadcast %ge3A_36 : i32 to vector<1x1024xi32>
    %ge3A_38 = arith.cmpi sge, %iota3A, %ge3A_37 : vector<1x1024xi32>
    %jit3A_39 = arith.constant 0 : i32
    %broadcast_in_dim3A_40 = vector.broadcast %jit3A_39 : i32 to vector<1x1024xi32>
    %select_n3A_41 = arith.select %ge3A_38, %roll3A_35, %broadcast_in_dim3A_40 : vector<1x1024xi1>, vector<1x1024xi32>
    %add3A_42 = arith.addi %add3A_33, %select_n3A_41 : vector<1x1024xi32>
    %roll3A_43 = arith.constant 32 : i32
    %roll3A_44 = tpu.dynamic_rotate %add3A_42 by %roll3A_43 dim 1 : vector<1x1024xi32>, i32 -> vector<1x1024xi32>
    %ge3A_45 = arith.constant 32 : i32
    %ge3A_46 = vector.broadcast %ge3A_45 : i32 to vector<1x1024xi32>
    %ge3A_47 = arith.cmpi sge, %iota3A, %ge3A_46 : vector<1x1024xi32>
    %jit3A_48 = arith.constant 0 : i32
    %broadcast_in_dim3A_49 = vector.broadcast %jit3A_48 : i32 to vector<1x1024xi32>
    %select_n3A_50 = arith.select %ge3A_47, %roll3A_44, %broadcast_in_dim3A_49 : vector<1x1024xi1>, vector<1x1024xi32>
    %add3A_51 = arith.addi %add3A_42, %select_n3A_50 : vector<1x1024xi32>
    %roll3A_52 = arith.constant 64 : i32
    %roll3A_53 = tpu.dynamic_rotate %add3A_51 by %roll3A_52 dim 1 : vector<1x1024xi32>, i32 -> vector<1x1024xi32>
    %ge3A_54 = arith.constant 64 : i32
    %ge3A_55 = vector.broadcast %ge3A_54 : i32 to vector<1x1024xi32>
    %ge3A_56 = arith.cmpi sge, %iota3A, %ge3A_55 : vector<1x1024xi32>
    %jit3A_57 = arith.constant 0 : i32
    %broadcast_in_dim3A_58 = vector.broadcast %jit3A_57 : i32 to vector<1x1024xi32>
    %select_n3A_59 = arith.select %ge3A_56, %roll3A_53, %broadcast_in_dim3A_58 : vector<1x1024xi1>, vector<1x1024xi32>
    %add3A_60 = arith.addi %add3A_51, %select_n3A_59 : vector<1x1024xi32>
    %roll3A_61 = arith.constant 128 : i32
    %roll3A_62 = tpu.dynamic_rotate %add3A_60 by %roll3A_61 dim 1 : vector<1x1024xi32>, i32 -> vector<1x1024xi32>
    %ge3A_63 = arith.constant 128 : i32
    %ge3A_64 = vector.broadcast %ge3A_63 : i32 to vector<1x1024xi32>
    %ge3A_65 = arith.cmpi sge, %iota3A, %ge3A_64 : vector<1x1024xi32>
    %jit3A_66 = arith.constant 0 : i32
    %broadcast_in_dim3A_67 = vector.broadcast %jit3A_66 : i32 to vector<1x1024xi32>
    %select_n3A_68 = arith.select %ge3A_65, %roll3A_62, %broadcast_in_dim3A_67 : vector<1x1024xi1>, vector<1x1024xi32>
    %add3A_69 = arith.addi %add3A_60, %select_n3A_68 : vector<1x1024xi32>
    %roll3A_70 = arith.constant 256 : i32
    %roll3A_71 = tpu.dynamic_rotate %add3A_69 by %roll3A_70 dim 1 : vector<1x1024xi32>, i32 -> vector<1x1024xi32>
    %ge3A_72 = arith.constant 256 : i32
    %ge3A_73 = vector.broadcast %ge3A_72 : i32 to vector<1x1024xi32>
    %ge3A_74 = arith.cmpi sge, %iota3A, %ge3A_73 : vector<1x1024xi32>
    %jit3A_75 = arith.constant 0 : i32
    %broadcast_in_dim3A_76 = vector.broadcast %jit3A_75 : i32 to vector<1x1024xi32>
    %select_n3A_77 = arith.select %ge3A_74, %roll3A_71, %broadcast_in_dim3A_76 : vector<1x1024xi1>, vector<1x1024xi32>
    %add3A_78 = arith.addi %add3A_69, %select_n3A_77 : vector<1x1024xi32>
    %roll3A_79 = arith.constant 512 : i32
    %roll3A_80 = tpu.dynamic_rotate %add3A_78 by %roll3A_79 dim 1 : vector<1x1024xi32>, i32 -> vector<1x1024xi32>
    %ge3A_81 = arith.constant 512 : i32
    %ge3A_82 = vector.broadcast %ge3A_81 : i32 to vector<1x1024xi32>
    %ge3A_83 = arith.cmpi sge, %iota3A, %ge3A_82 : vector<1x1024xi32>
    %jit3A_84 = arith.constant 0 : i32
    %broadcast_in_dim3A_85 = vector.broadcast %jit3A_84 : i32 to vector<1x1024xi32>
    %select_n3A_86 = arith.select %ge3A_83, %roll3A_80, %broadcast_in_dim3A_85 : vector<1x1024xi1>, vector<1x1024xi32>
    %add3A_87 = arith.addi %add3A_78, %select_n3A_86 : vector<1x1024xi32>
    %reduce_sum3A_88 = arith.constant dense<0> : vector<1xi32>
    %reduce_sum3A_89 = vector.multi_reduction <add>, %broadcast_in_dim3A, %reduce_sum3A_88 [1] : vector<1x1024xi32> to vector<1xi32>
    %broadcast_in_dim3A_90 = vector.shape_cast %reduce_sum3A_89 : vector<1xi32> to vector<1x1xi32>
    %sub3A = vector.broadcast %broadcast_in_dim3A_90 : vector<1x1xi32> to vector<1x1024xi32>
    %sub3A_91 = arith.subi %sub3A, %add3A_87 : vector<1x1024xi32>
    %add3A_92 = arith.addi %sub3A_91, %broadcast_in_dim3A : vector<1x1024xi32>
    %get3A_93 = arith.constant 1 : index
    %get3A_94 = memref.load %arg1[%get3A_93] : memref<4xi32, #tpu.memory_space<smem>>
    %lt3A = vector.broadcast %get3A_94 : i32 to vector<1x1024xi32>
    %lt3A_95 = arith.cmpi slt, %sub3A_91, %lt3A : vector<1x1024xi32>
    %ge3A_96 = vector.broadcast %get3A_94 : i32 to vector<1x1024xi32>
    %ge3A_97 = arith.cmpi sge, %add3A_92, %ge3A_96 : vector<1x1024xi32>
    %and3A = arith.andi %lt3A_95, %ge3A_97 : vector<1x1024xi1>
    %jit3A_98 = arith.constant -1 : i32
    %broadcast_in_dim3A_99 = vector.broadcast %jit3A_98 : i32 to vector<1x1024xi32>
    %select_n3A_100 = arith.select %and3A, %iota3A, %broadcast_in_dim3A_99 : vector<1x1024xi1>, vector<1x1024xi32>
    %reduce_max3A = vector.shape_cast %select_n3A_100 : vector<1x1024xi32> to vector<1x1x1024xi32>
    %reduce_max3A_101 = arith.constant dense<-2147483648> : vector<1xi32>
    %reduce_max3A_102 = vector.multi_reduction <maxsi>, %reduce_max3A, %reduce_max3A_101 [1, 2] : vector<1x1x1024xi32> to vector<1xi32>
    %reduce_max3A_103 = vector.shape_cast %reduce_max3A_102 : vector<1xi32> to vector<1x1x1xi32>
    %reduce_max3A_104 = vector.extract %reduce_max3A_103[0, 0, 0] : i32 from vector<1x1x1xi32>
    %jit3A_105 = arith.constant -1 : i32
    %broadcast_in_dim3A_106 = vector.broadcast %jit3A_105 : i32 to vector<1x1024xi32>
    %select_n3A_107 = arith.select %and3A, %sub3A_91, %broadcast_in_dim3A_106 : vector<1x1024xi1>, vector<1x1024xi32>
    %reduce_max3A_108 = vector.shape_cast %select_n3A_107 : vector<1x1024xi32> to vector<1x1x1024xi32>
    %reduce_max3A_109 = arith.constant dense<-2147483648> : vector<1xi32>
    %reduce_max3A_110 = vector.multi_reduction <maxsi>, %reduce_max3A_108, %reduce_max3A_109 [1, 2] : vector<1x1x1024xi32> to vector<1xi32>
    %reduce_max3A_111 = vector.shape_cast %reduce_max3A_110 : vector<1xi32> to vector<1x1x1xi32>
    %reduce_max3A_112 = vector.extract %reduce_max3A_111[0, 0, 0] : i32 from vector<1x1x1xi32>
    %get3A_113 = arith.constant 0 : index
    %get3A_114 = memref.load %arg1[%get3A_113] : memref<4xi32, #tpu.memory_space<smem>>
    %mul3A = arith.constant 1 : i32
    %mul3A_115 = arith.muli %reduce_max3A_104, %mul3A : i32
    %add3A_116 = arith.addi %get3A_114, %mul3A_115 : i32
    %swap3A = arith.constant 0 : index
    %swap3A_117 = memref.load %arg2[%swap3A] : memref<4xi32, #tpu.memory_space<smem>>
    memref.store %add3A_116, %arg2[%swap3A] : memref<4xi32, #tpu.memory_space<smem>>
    %sub3A_118 = arith.subi %get3A_94, %reduce_max3A_112 : i32
    %swap3A_119 = arith.constant 1 : index
    %swap3A_120 = memref.load %arg2[%swap3A_119] : memref<4xi32, #tpu.memory_space<smem>>
    memref.store %sub3A_118, %arg2[%swap3A_119] : memref<4xi32, #tpu.memory_space<smem>>
    %swap3A_121 = arith.constant 0 : i32
    %swap3A_122 = arith.constant 2 : index
    %swap3A_123 = memref.load %arg2[%swap3A_122] : memref<4xi32, #tpu.memory_space<smem>>
    memref.store %swap3A_121, %arg2[%swap3A_122] : memref<4xi32, #tpu.memory_space<smem>>
    %swap3A_124 = arith.constant 0 : i32
    %swap3A_125 = arith.constant 3 : index
    %swap3A_126 = memref.load %arg2[%swap3A_125] : memref<4xi32, #tpu.memory_space<smem>>
    memref.store %swap3A_124, %arg2[%swap3A_125] : memref<4xi32, #tpu.memory_space<smem>>
    return
  }
}

module attributes {stable_mosaic.version = 14 : i64} {
  func.func @_mask_body(%arg0: i32, %arg1: i32, %arg2: memref<256x2048xf32, #tpu.memory_space<vmem>>, %arg3: memref<4xi32, #tpu.memory_space<smem>>, %arg4: memref<256x2048xf32, #tpu.memory_space<vmem>>) attributes {dimension_semantics = [#tpu.dimension_semantics<arbitrary>, #tpu.dimension_semantics<arbitrary>], iteration_bounds = array<i64: 40, 5>, scalar_prefetch = 0 : i64, scratch_operands = 0 : i64, tpu.core_type = #tpu.core_type<tc>, window_params = [{transform_indices = @transform_0, window_bounds = array<i64: 256, 2048>}, {transform_indices = @transform_1, window_bounds = array<i64: 4>}, {transform_indices = @transform_2, window_bounds = array<i64: 256, 2048>}]} {
    %get3A = arith.constant 0 : index
    %get3A_0 = arith.constant 0 : index
    %get3A_1 = vector.load %arg2[%get3A, %get3A_0] : memref<256x2048xf32, #tpu.memory_space<vmem>>, vector<256x2048xf32>
    %bitcast_convert_type3A = tpu.bitcast %get3A_1 : vector<256x2048xf32> -> vector<256x2048xi32>
    %get3A_2 = arith.constant 0 : index
    %get3A_3 = memref.load %arg3[%get3A_2] : memref<4xi32, #tpu.memory_space<smem>>
    %ge3A = vector.broadcast %get3A_3 : i32 to vector<256x2048xi32>
    %ge3A_4 = arith.cmpi sge, %bitcast_convert_type3A, %ge3A : vector<256x2048xi32>
    %jit3A = arith.constant 0.000000e+00 : f32
    %broadcast_in_dim3A = vector.broadcast %jit3A : f32 to vector<256x2048xf32>
    %select_n3A = arith.select %ge3A_4, %get3A_1, %broadcast_in_dim3A : vector<256x2048xi1>, vector<256x2048xf32>
    %mul3A = arith.constant 256 : i32
    %mul3A_5 = arith.muli %arg0, %mul3A : i32
    %iota3A = tpu.iota {dimensions = array<i32: 0>} : vector<256x2048xi32>
    %add3A = vector.broadcast %mul3A_5 : i32 to vector<256x2048xi32>
    %add3A_6 = arith.addi %add3A, %iota3A : vector<256x2048xi32>
    %mul3A_7 = arith.constant 2048 : i32
    %mul3A_8 = arith.muli %arg1, %mul3A_7 : i32
    %iota3A_9 = tpu.iota {dimensions = array<i32: 1>} : vector<256x2048xi32>
    %add3A_10 = vector.broadcast %mul3A_8 : i32 to vector<256x2048xi32>
    %add3A_11 = arith.addi %add3A_10, %iota3A_9 : vector<256x2048xi32>
    %eq3A = arith.cmpi eq, %add3A_6, %add3A_11 : vector<256x2048xi32>
    %max3A = arith.constant 5.000000e-01 : f32
    %max3A_12 = vector.broadcast %max3A : f32 to vector<256x2048xf32>
    %max3A_13 = arith.maximumf %select_n3A, %max3A_12 : vector<256x2048xf32>
    %select_n3A_14 = arith.select %eq3A, %max3A_13, %select_n3A : vector<256x2048xi1>, vector<256x2048xf32>
    %swap3A = arith.constant 0 : index
    %swap3A_15 = arith.constant 0 : index
    %swap3A_16 = vector.load %arg4[%swap3A, %swap3A_15] : memref<256x2048xf32, #tpu.memory_space<vmem>>, vector<256x2048xf32>
    tpu.vector_store %arg4[%swap3A, %swap3A_15], %select_n3A_14 {strides = array<i32>} : memref<256x2048xf32, #tpu.memory_space<vmem>>, vector<256x2048xf32>,
    return
  }
  func.func @transform_0(%arg0: i32, %arg1: i32) -> (i32, i32) {
    %c0_i32 = arith.constant 0 : i32
    return %arg0, %arg1 : i32, i32
  }
  func.func @transform_1(%arg0: i32, %arg1: i32) -> i32 {
    %c0_i32 = arith.constant 0 : i32
    %c0_i32_0 = arith.constant 0 : i32
    return %c0_i32 : i32
  }
  func.func @transform_2(%arg0: i32, %arg1: i32) -> (i32, i32) {
    %c0_i32 = arith.constant 0 : i32
    return %arg0, %arg1 : i32, i32
  }
}

</mosaic_0001>

<sc_bundles>
// kernel: kernel.11.cloned.1.call-start
scs
__scs_entry_jumppad:
0x0: {  	(pc) =	sbr.rel $0x88, $3  }
0x1: {  	(tag) =	ssettag $0x0;
	lr =	simm.s32 $0x1  }
0x2: {  	[smem:$0x3F9B] =	sst lr;
	_ =	strace $0xD0000000  }
0x3: {  	_ = 	snop  }
0x4: {  	_ = 	snop  }
0x5: {  	_ = 	snop  }
0x6: {  	_ = 	snop  }
0x7: {  	_ = 	snop  }
__scs_overlays_trampoline_lowered:
0x8: {  	[smem:$0x3FAA] =	sst s0  }
0x9: {  	[smem:$0x3FAB] =	sst s1  }
0xa: {  	[smem:$0x3FAC] =	sst s2  }
0xb: {  	[smem:$0x3FAD] =	sst s3  }
0xc: {  	[smem:$0x3FAE] =	sst s4  }
0xd: {  	[smem:$0x3FAF] =	sst s5  }
0xe: {  	[smem:$0x3FB0] =	sst s6  }
0xf: {  	[smem:$0x3FB1] =	sst s7  }
0x10: {  	[smem:$0x3FB2] =	sst s8  }
0x11: {  	[smem:$0x3FB3] =	sst s9;
	s0 =	simm.s32 @!p0 $0x0  }
0x12: {  	s1 =	sld [smem:$0x3F99];
	s0 =	simm.s32 @p0 $0x1  }
0x13: {  	[smem:$0x3FB4] =	sst s0;
	s0 =	simm.s32 @!p1 $0x0  }
0x14: {  	s2 =	sld [smem:$0x3F98];
	s0 =	simm.s32 @p1 $0x1  }
0x15: {  	[smem:$0x3FB5] =	sst s0;
	s0 =	simm.s32 @!p2 $0x0  }
0x16: {  	s3 =	sld [smem:$0x3FDB];
	s0 =	simm.s32 @p2 $0x1  }
0x17: {  	s4 =	simm.s32 $0x1BF5;
	[smem:$0x3FB7] =	sst s0  }
0x18: {  	s0 =	sld [smem:$0x3F9A];
	_ =	swait.ge [sflag:s4], $0x0  }
0x19: {  	s7 =	sld [smem:$0x3F9B]  }
0x1a: {  	s8 =	sadd.s32 $0xFFFFE003, lr  }
0x1b: {  	s9 =	sadd.s32 $0xFFFFFEF7, lr;
	s5 =	simm.s32 $0xFFFFFFFF;
	p2 =	slt.u32 s8, $0xFFFFF086  }
0x1c: {  	p1 =	slt.u32 s9, $0xF7A;
	s5 =	simm.s32 @!p2 $0x0  }
0x1d: {  	s5 =	simm.s32 @p1 $0x1;
	p0 =	seq.s32 s7, s2  }
0x1e: {  	s7 =	smul.u32 @!p0 $0xF7A, s2;
	p2 =	seq.s32 @!p0 s5, $0x0  }
0x1f: {  	s9 =	smul.u32 $0xF7A, s1;
	s8 =	simm.s32 @!p0 $0x1BF5;
	p2 =	por !p2, p0  }
0x20: {  	[sflag:s8] =	ssyncset.s32 @!p0 $0xFFFFF086;
	s6 =	sadd.s32 @!p0 s3, s7;
	s7 =	simm.s32 @!p0 $0x108  }
0x21: {  	s3 =	sadd.s32 s3, s9;
	s6 =	sadd.s32 @!p0 $0x88, s6;
	s7 =	simm.s32 @p2 $0x1082  }
0x22: {  	[simem:s7], [sflag:s8] =	dma.local @!p0 [hbm:s6], $0xF7A  }
0x23: {  	s9 =	sor.u32 $0xD0000000, s2;
	s6 =	simm.s32 $0x108;
	_ =	swait.ge @!p0 [sflag:s8], $0x0  }
0x24: {  	s3 =	sadd.s32 $0x88, s3;
	s6 =	simm.s32 @!p1 $0x1082;
	[sflag:s4] =	ssyncset.s32 $0xFFFFF086  }
0x25: {  	[simem:s6], [sflag:s4] =	dma.local [hbm:s3], $0xF7A  }
0x26: {  	[smem:$0x3F9B] =	sst s1;
	(tag) =	ssettag s2;
	_ =	strace s9  }
0x27: {  	s1 =	sld [smem:$0x3FAB]  }
0x28: {  	s2 =	sld [smem:$0x3FAC]  }
0x29: {  	s4 =	sld [smem:$0x3FAE]  }
0x2a: {  	p0 =	seq.s32 s5, $0x0;
	s5 =	sld [smem:$0x3FAF]  }
0x2b: {  	s6 =	sld [smem:$0x3FB0]  }
0x2c: {  	s7 =	sld [smem:$0x3FB1]  }
0x2d: {  	s3 =	simm.s32 $0x108;
	s8 =	sld [smem:$0x3FB2]  }
0x2e: {  	s3 =	simm.s32 @!p0 $0x1082;
	s9 =	sld [smem:$0x3FB3]  }
0x2f: {  	lr =	sadd.s32 s0, s3;
	s0 =	sld [smem:$0x3FAA]  }
0x30: {  	s3 =	sld [smem:$0x3FAD]  }
0x31: {  	[smem:$0x3FB6] =	sst s10  }
0x32: {  	s10 =	sld [smem:$0x3FB4];
	_ =	sdelay $0x3  }
0x33: {  	p0 =	seq.s32 s10, $0x1;
	s10 =	sld [smem:$0x3FB6];
	_ =	sdelay $0x3  }
0x34: {  	[smem:$0x3FB6] =	sst s10  }
0x35: {  	s10 =	sld [smem:$0x3FB5];
	_ =	sdelay $0x3  }
0x36: {  	p1 =	seq.s32 s10, $0x1;
	s10 =	sld [smem:$0x3FB6];
	_ =	sdelay $0x3  }
0x37: {  	[smem:$0x3FB6] =	sst s10  }
0x38: {  	s10 =	sld [smem:$0x3FB7]  }
0x39: {  	_ = 	snop;
	(pc) =	sbr.ind lr, $3  }
0x3a: {  	_ = 	snop  }
0x3b: {  	_ = 	snop  }
0x3c: {  	p2 =	seq.s32 s10, $0x1;
	s10 =	sld [smem:$0x3FB6]  }
0x3d: {  	_ =	shalt  }
0x3e: {  	_ =	shalt  }
0x3f: {  	_ =	shalt  }
0x40: {  	_ =	shalt  }
0x41: {  	_ =	shalt  }
0x42: {  	_ =	shalt  }
0x43: {  	_ =	shalt  }
0x44: {  	_ =	shalt  }
0x45: {  	_ =	shalt  }
0x46: {  	_ =	shalt  }
0x47: {  	_ =	shalt  }
0x48: {  	_ =	shalt  }
0x49: {  	_ =	shalt  }
0x4a: {  	_ =	shalt  }
0x4b: {  	_ =	shalt  }
0x4c: {  	_ =	shalt  }
0x4d: {  	_ =	shalt  }
0x4e: {  	_ =	shalt  }
0x4f: {  	_ =	shalt  }
0x50: {  	_ =	shalt  }
0x51: {  	_ =	shalt  }
0x52: {  	_ =	shalt  }
0x53: {  	_ =	shalt  }
0x54: {  	_ =	shalt  }
0x55: {  	_ =	shalt  }
0x56: {  	_ =	shalt  }
0x57: {  	_ =	shalt  }
0x58: {  	_ =	shalt  }
0x59: {  	_ =	shalt  }
0x5a: {  	_ =	shalt  }
0x5b: {  	_ =	shalt  }
0x5c: {  	_ =	shalt  }
0x5d: {  	_ =	shalt  }
0x5e: {  	_ =	shalt  }
0x5f: {  	_ =	shalt  }
0x60: {  	_ =	shalt  }
0x61: {  	_ =	shalt  }
0x62: {  	_ =	shalt  }
0x63: {  	_ =	shalt  }
0x64: {  	_ =	shalt  }
0x65: {  	_ =	shalt  }
0x66: {  	_ =	shalt  }
0x67: {  	_ =	shalt  }
0x68: {  	_ =	shalt  }
0x69: {  	_ =	shalt  }
0x6a: {  	_ =	shalt  }
0x6b: {  	_ =	shalt  }
0x6c: {  	_ =	shalt  }
0x6d: {  	_ =	shalt  }
0x6e: {  	_ =	shalt  }
0x6f: {  	_ =	shalt  }
0x70: {  	_ =	shalt  }
0x71: {  	_ =	shalt  }
0x72: {  	_ =	shalt  }
0x73: {  	_ =	shalt  }
0x74: {  	_ =	shalt  }
0x75: {  	_ =	shalt  }
0x76: {  	_ =	shalt  }
0x77: {  	_ =	shalt  }
0x78: {  	_ =	shalt  }
0x79: {  	_ =	shalt  }
0x7a: {  	_ =	shalt  }
0x7b: {  	_ =	shalt  }
0x7c: {  	_ =	shalt  }
0x7d: {  	_ =	shalt  }
0x7e: {  	_ =	shalt  }
0x7f: {  	_ =	shalt  }
0x80: {  	_ =	shalt  }
0x81: {  	_ =	shalt  }
0x82: {  	_ =	shalt  }
0x83: {  	_ =	shalt  }
0x84: {  	_ =	shalt  }
0x85: {  	_ =	shalt  }
0x86: {  	_ =	shalt  }
0x87: {  	_ =	shalt  }
.Lfunc_end0:
.L_simem_size_0:
called_computation_lowered:
.L_overlay_start_0:
0x88: {  	s2 =	sld [smem:$0x3FD9]  }
0x89: {  	s3 =	sld [smem:$0x3FFE];
	_ =	sdelay $0x1  }
0x8a: {  	s1 =	srdreg.scid  }
0x8b: {  	s0 =	sand.u32 $0x1, s1  }
0x8c: {  	s17 =	sshll.u32 s0, $0xA;
	s2 =	sadd.s32 s3, s2  }
0x8d: {  	s2 =	sadd.s32 s2, s17  }
0x8e: {  	[smem:$0x3FC2] =	sst s2  }
0x8f: {  	_ = 	snop  }
0x90: {  	s2 =	sld [smem:$0x3FD0];
	(tm) =	ssettm $0x1  }
0x91: {  	s18 =	sld [smem:$0x3FFB];
	_ =	sdelay $0x3  }
0x92: {  	_ =	strace s18  }
0x93: {  	s3 =	sld [smem:$0x3FFC];
	_ =	sdelay $0x3  }
0x94: {  	_ =	strace s3  }
0x95: {  	s3 =	sld [smem:$0x3FFD];
	_ =	sdelay $0x3  }
0x96: {  	_ =	strace s3  }
0x97: {  	_ =	strace $0x8FFFFFFF  }
0x98: {  	s19 =	sld [smem:$0x3FDB];
	_ =	sdelay $0x1  }
0x99: {  	s4 =	simm.s32 $_scs_section_size  }
0x9a: {  	s5 =	simm.s32 $_size__tile_overlayer_lowered;
	s6 =	simm.s32 $_tile_overlayer_lowered  }
0x9b: {  	s22 =	simm.s32 $0x1BFF;
	s21 =	sshll.u32 s6, $0x1;
	s3 =	sadd.s32 s4, s19  }
0x9c: {  	s7 =	simm.s32 $0x0;
	s20 =	sshll.u32 s5, $0x1;
	s5 =	sadd.s32 s21, s3  }
0x9d: {  	[timem:s7], [sflag:s22] =	dma.local [hbm:s5], s20  }
0x9e: {  	_ =	swait.ge [sflag:s22], s20  }
0x9f: {  	s4 =	ssub.s32 $0x0, s20;
	[sflag:s22] =	ssyncset.done $0x0  }
0xa0: {  	[sflag:s22] =	ssyncadd.s32 s4;
	_ =	sdelay $0x1  }
0xa1: {  	s23 =	simm.s32 $0x1B8B  }
0xa2: {  	_ =	swait.ge [sflag:s23], $0x1  }
0xa3: {  	[sflag:s23] =	ssyncset.done $0x0  }
0xa4: {  	s25 =	simm.s32 $0x1B8E;
	s24 =	sld [smem:$0x3FFE];
	[sflag:s23] =	ssyncadd.s32 $0xFFFFFFFF  }
0xa5: {  	s26 =	simm.s32 $execute0_lowered;
	[smem:$0x3FD2] =	sst s25  }
0xa6: {  	s5 =	sshll.u32 s26, $0x1;
	_ =	strace $0x80000046;
	[dreg:$0x1] =	wrdreg $0xFFFFFFFF  }
0xa7: {  	s28 =	simm.s32 $_size_execute0_lowered;
	s3 =	sadd.s32 s3, s5;
	[dreg:$0x0] =	wrdreg $0x0  }
0xa8: {  	s5 =	sshll.u32 s28, $0x1;
	[dreg:$0x2] =	wrdreg s3  }
0xa9: {  	[dreg:$0x3] =	wrdreg s5  }
0xaa: {  	[dreg:$0x4] =	wrdreg $0xC0  }
0xab: {  	_ =	task [dreg:s7], $0x5FFFF  }
0xac: {  	[dreg:$0x1] =	wrdreg $0xFFFFFFFF  }
0xad: {  	[dreg:$0x0] =	wrdreg $0x60  }
0xae: {  	[dreg:$0x2] =	wrdreg s24  }
0xaf: {  	[dreg:$0x3] =	wrdreg s2  }
0xb0: {  	[dreg:$0x4] =	wrdreg $0x9  }
0xb1: {  	_ =	task.clear_ibuf [dreg:s7], $0x5FFFF;
	_ =	strace $0x90000046  }
0xb2: {  	s29 =	simm.s32 $0x9;
	_ =	strace $0x80000048  }
0xb3: {  	_ =	swait.ge [sflag:s29], $0x1  }
0xb4: {  	[sflag:s29] =	ssyncadd.s32 $0xFFFFFFFF  }
0xb5: {  	_ =	strace $0x90000048  }
0xb6: {  	_ =	sfence  }
0xb7: {  	s30 =	sld [smem:$0x0];
	_ =	sdelay $0x2  }
0xb8: {  	s31 =	sshll.u32 s1, $0xD;
	s1 =	sshrl.u32 s1, $0x2  }
0xb9: {  	s3 =	sand.u32 $0x4000, s31;
	s1 =	sadd.s32 s1, s30  }
0xba: {  	s0 =	sor.u32 s3, s0;
	s1 =	sshll.u32 s1, $0x11  }
0xbb: {  	s0 =	sor.u32 s1, s0  }
0xbc: {  	s0 =	sadd.s32 $0x8F2B, s0  }
0xbd: {  	[sflag:s0] =	ssyncadd.remote.s32 $0x1  }
0xbe: {  	_ =	sfence.sel $0xFFFF  }
0xbf: {  	[dreg:$0x0] =	wrdreg $0xFFFFFFFF;
	(pc) =	sbr.abs _section_cstart, $3  }
0xc0: {  	[dreg:$0x1] =	wrdreg $0xFFFFFFFF  }
0xc1: {  	_ =	task.clear_ibuf [dreg:s7], $0x2FFFF;
	_ =	strace $0x9FFFFFFF  }
0xc2: {  	(tm) =	ssettm $0x7FFFFFFF  }
0xc3: {  	_ =	shalt  }
tec
execute0_lowered:
.L_overlay_start_1:
0x0: {  	(tag) =	ssettag $0x1  }
0x1: {  	s2 =	rddreg [dreg:$0x0]  }
0x2: {  	s8 =	rddreg [dreg:$0x1]  }
0x3: {  	s0 =	rddreg [dreg:$0x2]  }
0x4: {  	s1 =	simm.s32 $0x0;
	s5 =	srdreg.scid;
	s12 =	simm.s32 $0x200  }
0x5: {  	s13 =	simm.s32 $0x400;
	s14 =	simm.s32 $0x1;
	s15 =	simm.s32 $0x13C80  }
0x6: {  	s16 =	simm.s32 $0x2;
	s17 =	simm.s32 $0x0;
	[smem:$0x7FF] =	sst s1  }
0x7: {  	s3 =	sadd.s32 $0x2400, s2;
	s4 =	sadd.s32 $0xC10400, s2;
	s5 =	sand.u32 $0x1, s5  }
0x8: {  	s2 =	stileid.u32;
	_ =	strace $0x80000047;
	s6 =	ssub.s32 $0x2, s5  }
0x9: {  	s7 =	sshll.u32 s2, $0x1;
	s9 =	smul.u32 $0x13C00, s2;
	s10 =	sshrl.u32 s6, $0x1  }
.Ltmp0:
0xa: {  	s7 =	sor.u32 s5, s7;
	s5 =	sshll.u32 s5, $0x9;
	(pc) =	sbr.rel .LBB2_1-.Ltmp0, $4  }
0xb: {  	v0 =	vlaneseq.u32;
	p0 =	slt.u32 s2, $0x2;
	s10 =	ssub.s32 s6, s10;
	s9 =	sor.u32 s5, s9  }
0xc: {  	v0 =	vmul.u32 $0x401, v0;
	s11 =	smul.u32 $0x1004, s7;
	s6 =	simm.s32 $0x4F;
	s31 =	sshrl.u32 s9, $0x3  }
0xd: {  	s6 =	simm.s32 @!p0 $0x4E;
	s9 =	smax.u32 s10, $0x1;
	s10 =	simm.s32 $0x13C00  }
0xe: {  	v1 =	vimm.s32 $0x0;
	v2 =	vimm.s32 $0x1;
	v3 =	vadd.s32 $0x4010, v0;
	s7 =	sadd.s32 s3, s31;
	s8 =	sadd.s32 s8, s11;
	s11 =	simm.s32 $0x3  }
.LBB2_25:
0xf: {  	s17 =	sadd.s32 $0x1, s17  }
0x10: {  	p0 =	sne.s32 s17, s9  }
.Ltmp1:
0x11: {  	_ = 	snop;
	(pc) =	sbr.rel @!p0 .LBB2_26-.Ltmp1, $4  }
0x12: {  	[hbm4b:s8+s1] =	stream.linear.scatter [tilespmem:s15], [sflag:$0x3], $0x8020, $0x38;
	[tilespmem:$0x1BD00] =	vst v63  }
0x13: {  	_ =	swait.ge [sflag:s11], $0x8020  }
0x14: {  	[sflag:s11] =	ssyncset.done $0x0  }
0x15: {  	[sflag:s11] =	ssyncadd.s32 $0xFFFF7FE0  }
.LBB2_1:
0x16: {  	s18 =	simm.s32 $0x40;
	s19 =	simm.s32 $0x0  }
.LBB2_2:
0x17: {  	p0 =	sne.s32 s18, $0x20040;
	[tilespmem:s19+$0x13C80] =	vst v1;
	s19 =	smov.u32 s18;
	s18 =	sadd.s32 $0x40, s18  }
.Ltmp2:
0x18: {  	(pc) =	sbr.rel @p0 .LBB2_2-.Ltmp2, $2  }
0x19: {  	_ =	sdelay $0x2  }
0x1a: {  	s19 =	sshra.s32 s19, $0x2  }
0x1b: {  	[tilespmem:s19+$0x13C80] =	vst v1;
	s18 =	simm.s32 $0x0  }
0x1c: {  	[tilespmem:s10], [sflag:$0x3] =	stream.linear.gather [hbm4b:s4+s18], $0x80, $0x38;
	[tilespmem:$0x1BD00] =	vst v63  }
.Ltmp3:
0x1d: {  	_ = 	snop;
	(pc) =	sbr.rel .LBB2_4-.Ltmp3, $4  }
0x1e: {  	_ =	swait.ge [sflag:s11], $0x80  }
0x1f: {  	[sflag:s11] =	ssyncset.done $0x0  }
0x20: {  	[sflag:s11] =	ssyncadd.s32 $0xFFFFFF80  }
0x21: {  	[tilespmem:s18], [sflag:$0x1] =	stream.strided.gather [hbm4b:s7+s12], $0x9E00, s13, s12, $0x38;
	[tilespmem:$0x1BD00] =	vst v63  }
.LBB2_24:
0x22: {  	p0 =	sne.s32 s18, s6  }
.Ltmp4:
0x23: {  	_ = 	snop;
	(pc) =	sbr.rel @!p0 .LBB2_25-.Ltmp4, $1  }
0x24: {  	_ =	sdelay $0x3  }
.LBB2_4:
0x25: {  	s19 =	sand.u32 $0x1, s18;
	s18 =	sadd.s32 $0x1, s18  }
0x26: {  	p1 =	sge.u32 s18, s6  }
0x27: {  	p0 =	sne.s32 @!p1 s19, $0x0  }
0x28: {  	p2 =	por p0, p1  }
0x29: {  	s20 =	sshll.u32 @!p2 s18, $0x4  }
0x2a: {  	p0 =	seq.s32 s19, $0x1;
	s20 =	sor.u32 @!p2 s2, s20  }
0x2b: {  	p1 =	por !p0, p1;
	s20 =	smul.u32 @!p2 $0x13C00, s20  }
0x2c: {  	s21 =	sshll.u32 @!p1 s18, $0x4  }
0x2d: {  	s22 =	simm.s32 @!p2 $0x200;
	s21 =	sand.u32 @!p1 $0x3FFFE0, s21;
	s20 =	sor.u32 @!p2 s5, s20  }
0x2e: {  	s23 =	simm.s32 @!p2 $0x400;
	s21 =	sor.u32 @!p1 s2, s21;
	s20 =	sshrl.u32 @!p2 s20, $0x3  }
0x2f: {  	s24 =	simm.s32 @!p2 $0x9E00;
	s21 =	smul.u32 @!p1 $0x13C00, s21;
	s20 =	sadd.s32 @!p2 s3, s20  }
0x30: {  	[tilespmem:s24], [sflag:$0x2] =	stream.strided.gather @!p2 [hbm4b:s20+s22], $0x9E00, s23, s22, $0x38;
	[tilespmem:$0x1BD00] =	vst v63  }
0x31: {  	s20 =	sor.u32 @!p1 s5, s21  }
0x32: {  	s21 =	simm.s32 @!p1 $0x200;
	s20 =	sshrl.u32 @!p1 s20, $0x3  }
0x33: {  	s22 =	simm.s32 @!p1 $0x400;
	s23 =	simm.s32 @!p1 $0x0;
	s20 =	sadd.s32 @!p1 s3, s20  }
0x34: {  	[tilespmem:s23], [sflag:$0x1] =	stream.strided.gather @!p1 [hbm4b:s20+s21], $0x9E00, s22, s21, $0x38;
	[tilespmem:$0x1BD00] =	vst v63  }
0x35: {  	p1 =	sne.s32 s19, $0x0  }
.Ltmp5:
0x36: {  	_ = 	snop;
	(pc) =	sbr.rel @p1 .LBB2_14-.Ltmp5, $1  }
0x37: {  	_ =	sdelay $0x3  }
0x38: {  	_ =	swait.ge [sflag:s14], $0x9E00  }
0x39: {  	[sflag:s14] =	ssyncset.done $0x0  }
0x3a: {  	s19 =	simm.s32 $0x40;
	[sflag:s14] =	ssyncadd.s32 $0xFFFF6200  }
0x3b: {  	v4 =	vld [tilespmem:s19+$0x30]  }
0x3c: {  	v5 =	vld [tilespmem:s19+$0xFFFFFFD0]  }
0x3d: {  	v6 =	vld [tilespmem:s19+$0xFFFFFFE0]  }
0x3e: {  	v7 =	vld [tilespmem:s19+$0xFFFFFFF0];
	_ =	sdelay $0x1  }
0x3f: {  	v8 =	vld [tilespmem:s19+$0x0];
	v4 =	vshrl.u32 v4, $0x14  }
0x40: {  	v9 =	vld [tilespmem:s19+$0x10];
	v5 =	vshrl.u32 v5, $0x14;
	v4 =	vand.u32 $0x3FF, v4  }
0x41: {  	v12 =	vld [tilespmem:s19+$0xFFFFFFC0];
	v6 =	vshrl.u32 v6, $0x14;
	v5 =	vand.u32 $0x3FF, v5;
	v11 =	vadd.s32 v3, v4  }
0x42: {  	v10 =	vld [tilespmem:s19+$0x20];
	v5 =	vadd.s32 v3, v5;
	v4 =	vand.u32 $0x3FF, v6;
	v6 =	vshrl.u32 v7, $0x14  }
0x43: {  	v7 =	vadd.s32 v0, v4;
	v4 =	vand.u32 $0x3FF, v6  }
0x44: {  	v6 =	vshrl.u32 v8, $0x14;
	v8 =	vadd.s32 v3, v4;
	_ =	sdelay $0x1  }
0x45: {  	v62 =	vshrl.u32 v12, $0x14;
	v4 =	vand.u32 $0x3FF, v6;
	v6 =	vshrl.u32 v9, $0x14;
	[tilespmem:v11+s15+$0x0] =	vst.idx.add.s32.msk $0xffff, v2  }
0x46: {  	v61 =	vshrl.u32 v10, $0x14;
	v63 =	vand.u32 $0x3FF, v62;
	v6 =	vand.u32 $0x3FF, v6;
	[tilespmem:v5+s15+$0x0] =	vst.idx.add.s32.msk $0xffff, v2  }
0x47: {  	v4 =	vadd.s32 v0, v4;
	v5 =	vadd.s32 v3, v6;
	v6 =	vand.u32 $0x3FF, v61;
	[tilespmem:v7+s15+$0x0] =	vst.idx.add.s32.msk $0xffff, v2  }
0x48: {  	s20 =	simm.s32 $0x0;
	s21 =	simm.s32 $0x240;
	s19 =	simm.s32 $0xF0;
	v6 =	vadd.s32 v0, v6;
	v7 =	vadd.s32 v0, v63;
	[tilespmem:v8+s15+$0x0] =	vst.idx.add.s32.msk $0xffff, v2  }
.LBB2_6:
0x49: {  	v8 =	vld [tilespmem:s21+$0x30];
	s20 =	sadd.s32 $0x8, s20  }
0x4a: {  	v9 =	vld [tilespmem:s21+$0xFFFFFFD0];
	p1 =	slt.u32 s20, $0x270  }
0x4b: {  	v10 =	vld [tilespmem:s21+$0xFFFFFFE0]  }
0x4c: {  	v11 =	vld [tilespmem:s21+$0xFFFFFFF0]  }
0x4d: {  	v12 =	vld [tilespmem:s21+$0x0]  }
0x4e: {  	v13 =	vld [tilespmem:s21+$0x10];
	v8 =	vshrl.u32 v8, $0x14  }
0x4f: {  	v9 =	vshrl.u32 v9, $0x14;
	v14 =	vld [tilespmem:s21+$0x20];
	v8 =	vand.u32 $0x3FF, v8  }
0x50: {  	v15 =	vld [tilespmem:s21+$0xFFFFFFC0];
	v9 =	vand.u32 $0x3FF, v9;
	v10 =	vshrl.u32 v10, $0x14;
	v8 =	vadd.s32 v3, v8  }
0x51: {  	v9 =	vadd.s32 v3, v9;
	v10 =	vand.u32 $0x3FF, v10;
	v11 =	vshrl.u32 v11, $0x14;
	[tilespmem:v7+s15+$0x0] =	vst.idx.add.s32.msk $0xffff, v2  }
0x52: {  	v10 =	vadd.s32 v0, v10;
	v7 =	vand.u32 $0x3FF, v11;
	v11 =	vshrl.u32 v12, $0x14;
	[tilespmem:v4+s15+$0x0] =	vst.idx.add.s32.msk $0xffff, v2  }
0x53: {  	v12 =	vadd.s32 v3, v7;
	v4 =	vand.u32 $0x3FF, v11;
	v7 =	vshrl.u32 v13, $0x14;
	[tilespmem:v5+s15+$0x0] =	vst.idx.add.s32.msk $0xffff, v2  }
.Ltmp6:
0x54: {  	v4 =	vadd.s32 v0, v4;
	v5 =	vand.u32 $0x3FF, v7;
	v7 =	vshrl.u32 v14, $0x14;
	[tilespmem:v6+s15+$0x0] =	vst.idx.add.s32.msk $0xffff, v2;
	(pc) =	sbr.rel @p1 .LBB2_6-.Ltmp6, $4  }
0x55: {  	v6 =	vshrl.u32 v15, $0x14;
	v5 =	vadd.s32 v3, v5;
	v7 =	vand.u32 $0x3FF, v7;
	[tilespmem:v8+s15+$0x0] =	vst.idx.add.s32.msk $0xffff, v2  }
0x56: {  	v8 =	vand.u32 $0x3FF, v6;
	[tilespmem:v9+s15+$0x0] =	vst.idx.add.s32.msk $0xffff, v2;
	v6 =	vadd.s32 v0, v7  }
0x57: {  	v7 =	vadd.s32 v0, v8;
	[tilespmem:v10+s15+$0x0] =	vst.idx.add.s32.msk $0xffff, v2  }
0x58: {  	s21 =	sadd.s32 $0x200, s21;
	[tilespmem:v12+s15+$0x0] =	vst.idx.add.s32.msk $0xffff, v2  }
0x59: {  	_ =	sdelay $0x3  }
0x5a: {  	[tilespmem:v7+s15+$0x0] =	vst.idx.add.s32.msk $0xffff, v2  }
0x5b: {  	[tilespmem:v4+s15+$0x0] =	vst.idx.add.s32.msk $0xffff, v2  }
0x5c: {  	[tilespmem:v5+s15+$0x0] =	vst.idx.add.s32.msk $0xffff, v2  }
0x5d: {  	[tilespmem:v6+s15+$0x0] =	vst.idx.add.s32.msk $0xffff, v2  }
0x5e: {  	v4 =	vld [tilespmem:s19+$0x0]  }
0x5f: {  	v5 =	vld [tilespmem:s19+$0xFFFFFFA0]  }
0x60: {  	v6 =	vld [tilespmem:s19+$0xFFFFFFB0]  }
0x61: {  	v7 =	vld [tilespmem:s19+$0xFFFFFFC0];
	_ =	sdelay $0x1  }
0x62: {  	v8 =	vld [tilespmem:s19+$0xFFFFFFD0];
	v4 =	vshrl.u32 v4, $0x14  }
0x63: {  	v9 =	vld [tilespmem:s19+$0xFFFFFFE0];
	v5 =	vshrl.u32 v5, $0x14;
	v4 =	vand.u32 $0x3FF, v4  }
0x64: {  	v12 =	vld [tilespmem:s19+$0xFFFFFF90];
	v6 =	vshrl.u32 v6, $0x14;
	v5 =	vand.u32 $0x3FF, v5;
	v11 =	vadd.s32 v3, v4  }
0x65: {  	v10 =	vld [tilespmem:s19+$0xFFFFFFF0];
	v5 =	vadd.s32 v3, v5;
	v4 =	vand.u32 $0x3FF, v6;
	v6 =	vshrl.u32 v7, $0x14  }
0x66: {  	v7 =	vadd.s32 v0, v4;
	v4 =	vand.u32 $0x3FF, v6  }
0x67: {  	v6 =	vshrl.u32 v8, $0x14;
	v8 =	vadd.s32 v3, v4;
	_ =	sdelay $0x1  }
0x68: {  	v62 =	vshrl.u32 v12, $0x14;
	v4 =	vand.u32 $0x3FF, v6;
	v6 =	vshrl.u32 v9, $0x14;
	[tilespmem:v11+s15+$0x0] =	vst.idx.add.s32.msk $0xffff, v2  }
0x69: {  	v61 =	vshrl.u32 v10, $0x14;
	v63 =	vand.u32 $0x3FF, v62;
	v6 =	vand.u32 $0x3FF, v6;
	[tilespmem:v5+s15+$0x0] =	vst.idx.add.s32.msk $0xffff, v2  }
0x6a: {  	v4 =	vadd.s32 v0, v4;
	v5 =	vadd.s32 v3, v6;
	v6 =	vand.u32 $0x3FF, v61;
	[tilespmem:v7+s15+$0x0] =	vst.idx.add.s32.msk $0xffff, v2  }
0x6b: {  	s20 =	simm.s32 $0x0;
	s21 =	simm.s32 $0x2F0;
	s19 =	simm.s32 $0x170;
	v6 =	vadd.s32 v0, v6;
	v7 =	vadd.s32 v0, v63;
	[tilespmem:v8+s15+$0x0] =	vst.idx.add.s32.msk $0xffff, v2  }
.LBB2_8:
0x6c: {  	v8 =	vld [tilespmem:s21+$0x0];
	s20 =	sadd.s32 $0x8, s20  }
0x6d: {  	v9 =	vld [tilespmem:s21+$0xFFFFFFA0];
	p1 =	slt.u32 s20, $0x270  }
0x6e: {  	v10 =	vld [tilespmem:s21+$0xFFFFFFB0]  }
0x6f: {  	v11 =	vld [tilespmem:s21+$0xFFFFFFC0]  }
0x70: {  	v12 =	vld [tilespmem:s21+$0xFFFFFFD0]  }
0x71: {  	v13 =	vld [tilespmem:s21+$0xFFFFFFE0];
	v8 =	vshrl.u32 v8, $0x14  }
0x72: {  	v9 =	vshrl.u32 v9, $0x14;
	v14 =	vld [tilespmem:s21+$0xFFFFFFF0];
	v8 =	vand.u32 $0x3FF, v8  }
0x73: {  	v15 =	vld [tilespmem:s21+$0xFFFFFF90];
	v9 =	vand.u32 $0x3FF, v9;
	v10 =	vshrl.u32 v10, $0x14;
	v8 =	vadd.s32 v3, v8  }
0x74: {  	v9 =	vadd.s32 v3, v9;
	v10 =	vand.u32 $0x3FF, v10;
	v11 =	vshrl.u32 v11, $0x14;
	[tilespmem:v7+s15+$0x0] =	vst.idx.add.s32.msk $0xffff, v2  }
0x75: {  	v10 =	vadd.s32 v0, v10;
	v7 =	vand.u32 $0x3FF, v11;
	v11 =	vshrl.u32 v12, $0x14;
	[tilespmem:v4+s15+$0x0] =	vst.idx.add.s32.msk $0xffff, v2  }
0x76: {  	v12 =	vadd.s32 v3, v7;
	v4 =	vand.u32 $0x3FF, v11;
	v7 =	vshrl.u32 v13, $0x14;
	[tilespmem:v5+s15+$0x0] =	vst.idx.add.s32.msk $0xffff, v2  }
.Ltmp7:
0x77: {  	v4 =	vadd.s32 v0, v4;
	v5 =	vand.u32 $0x3FF, v7;
	v7 =	vshrl.u32 v14, $0x14;
	[tilespmem:v6+s15+$0x0] =	vst.idx.add.s32.msk $0xffff, v2;
	(pc) =	sbr.rel @p1 .LBB2_8-.Ltmp7, $4  }
0x78: {  	v6 =	vshrl.u32 v15, $0x14;
	v5 =	vadd.s32 v3, v5;
	v7 =	vand.u32 $0x3FF, v7;
	[tilespmem:v8+s15+$0x0] =	vst.idx.add.s32.msk $0xffff, v2  }
0x79: {  	v8 =	vand.u32 $0x3FF, v6;
	[tilespmem:v9+s15+$0x0] =	vst.idx.add.s32.msk $0xffff, v2;
	v6 =	vadd.s32 v0, v7  }
0x7a: {  	v7 =	vadd.s32 v0, v8;
	[tilespmem:v10+s15+$0x0] =	vst.idx.add.s32.msk $0xffff, v2  }
0x7b: {  	s21 =	sadd.s32 $0x200, s21;
	[tilespmem:v12+s15+$0x0] =	vst.idx.add.s32.msk $0xffff, v2  }
0x7c: {  	_ =	sdelay $0x3  }
0x7d: {  	[tilespmem:v7+s15+$0x0] =	vst.idx.add.s32.msk $0xffff, v2  }
0x7e: {  	[tilespmem:v4+s15+$0x0] =	vst.idx.add.s32.msk $0xffff, v2  }
0x7f: {  	[tilespmem:v5+s15+$0x0] =	vst.idx.add.s32.msk $0xffff, v2  }
0x80: {  	[tilespmem:v6+s15+$0x0] =	vst.idx.add.s32.msk $0xffff, v2  }
0x81: {  	v4 =	vld [tilespmem:s19+$0x0]  }
0x82: {  	v5 =	vld [tilespmem:s19+$0xFFFFFFA0]  }
0x83: {  	v6 =	vld [tilespmem:s19+$0xFFFFFFB0]  }
0x84: {  	v7 =	vld [tilespmem:s19+$0xFFFFFFC0];
	_ =	sdelay $0x1  }
0x85: {  	v8 =	vld [tilespmem:s19+$0xFFFFFFD0];
	v4 =	vshrl.u32 v4, $0x14  }
0x86: {  	v9 =	vld [tilespmem:s19+$0xFFFFFFE0];
	v5 =	vshrl.u32 v5, $0x14;
	v4 =	vand.u32 $0x3FF, v4  }
0x87: {  	v12 =	vld [tilespmem:s19+$0xFFFFFF90];
	v6 =	vshrl.u32 v6, $0x14;
	v5 =	vand.u32 $0x3FF, v5;
	v11 =	vadd.s32 v3, v4  }
0x88: {  	v10 =	vld [tilespmem:s19+$0xFFFFFFF0];
	v5 =	vadd.s32 v3, v5;
	v4 =	vand.u32 $0x3FF, v6;
	v6 =	vshrl.u32 v7, $0x14  }
0x89: {  	v7 =	vadd.s32 v0, v4;
	v4 =	vand.u32 $0x3FF, v6  }
0x8a: {  	v6 =	vshrl.u32 v8, $0x14;
	v8 =	vadd.s32 v3, v4;
	_ =	sdelay $0x1  }
0x8b: {  	v62 =	vshrl.u32 v12, $0x14;
	v4 =	vand.u32 $0x3FF, v6;
	v6 =	vshrl.u32 v9, $0x14;
	[tilespmem:v11+s15+$0x0] =	vst.idx.add.s32.msk $0xffff, v2  }
0x8c: {  	v61 =	vshrl.u32 v10, $0x14;
	v63 =	vand.u32 $0x3FF, v62;
	v6 =	vand.u32 $0x3FF, v6;
	[tilespmem:v5+s15+$0x0] =	vst.idx.add.s32.msk $0xffff, v2  }
0x8d: {  	v4 =	vadd.s32 v0, v4;
	v5 =	vadd.s32 v3, v6;
	v6 =	vand.u32 $0x3FF, v61;
	[tilespmem:v7+s15+$0x0] =	vst.idx.add.s32.msk $0xffff, v2  }
0x8e: {  	s20 =	simm.s32 $0x0;
	s21 =	simm.s32 $0x370;
	s19 =	simm.s32 $0x1F0;
	v6 =	vadd.s32 v0, v6;
	v7 =	vadd.s32 v0, v63;
	[tilespmem:v8+s15+$0x0] =	vst.idx.add.s32.msk $0xffff, v2  }
.LBB2_10:
0x8f: {  	v8 =	vld [tilespmem:s21+$0x0];
	s20 =	sadd.s32 $0x8, s20  }
0x90: {  	v9 =	vld [tilespmem:s21+$0xFFFFFFA0];
	p1 =	slt.u32 s20, $0x270  }
0x91: {  	v10 =	vld [tilespmem:s21+$0xFFFFFFB0]  }
0x92: {  	v11 =	vld [tilespmem:s21+$0xFFFFFFC0]  }
0x93: {  	v12 =	vld [tilespmem:s21+$0xFFFFFFD0]  }
0x94: {  	v13 =	vld [tilespmem:s21+$0xFFFFFFE0];
	v8 =	vshrl.u32 v8, $0x14  }
0x95: {  	v9 =	vshrl.u32 v9, $0x14;
	v14 =	vld [tilespmem:s21+$0xFFFFFFF0];
	v8 =	vand.u32 $0x3FF, v8  }
0x96: {  	v15 =	vld [tilespmem:s21+$0xFFFFFF90];
	v9 =	vand.u32 $0x3FF, v9;
	v10 =	vshrl.u32 v10, $0x14;
	v8 =	vadd.s32 v3, v8  }
0x97: {  	v9 =	vadd.s32 v3, v9;
	v10 =	vand.u32 $0x3FF, v10;
	v11 =	vshrl.u32 v11, $0x14;
	[tilespmem:v7+s15+$0x0] =	vst.idx.add.s32.msk $0xffff, v2  }
0x98: {  	v10 =	vadd.s32 v0, v10;
	v7 =	vand.u32 $0x3FF, v11;
	v11 =	vshrl.u32 v12, $0x14;
	[tilespmem:v4+s15+$0x0] =	vst.idx.add.s32.msk $0xffff, v2  }
0x99: {  	v12 =	vadd.s32 v3, v7;
	v4 =	vand.u32 $0x3FF, v11;
	v7 =	vshrl.u32 v13, $0x14;
	[tilespmem:v5+s15+$0x0] =	vst.idx.add.s32.msk $0xffff, v2  }
.Ltmp8:
0x9a: {  	v4 =	vadd.s32 v0, v4;
	v5 =	vand.u32 $0x3FF, v7;
	v7 =	vshrl.u32 v14, $0x14;
	[tilespmem:v6+s15+$0x0] =	vst.idx.add.s32.msk $0xffff, v2;
	(pc) =	sbr.rel @p1 .LBB2_10-.Ltmp8, $4  }
0x9b: {  	v6 =	vshrl.u32 v15, $0x14;
	v5 =	vadd.s32 v3, v5;
	v7 =	vand.u32 $0x3FF, v7;
	[tilespmem:v8+s15+$0x0] =	vst.idx.add.s32.msk $0xffff, v2  }
0x9c: {  	v8 =	vand.u32 $0x3FF, v6;
	[tilespmem:v9+s15+$0x0] =	vst.idx.add.s32.msk $0xffff, v2;
	v6 =	vadd.s32 v0, v7  }
0x9d: {  	v7 =	vadd.s32 v0, v8;
	[tilespmem:v10+s15+$0x0] =	vst.idx.add.s32.msk $0xffff, v2  }
0x9e: {  	s21 =	sadd.s32 $0x200, s21;
	[tilespmem:v12+s15+$0x0] =	vst.idx.add.s32.msk $0xffff, v2  }
0x9f: {  	_ =	sdelay $0x3  }
0xa0: {  	[tilespmem:v7+s15+$0x0] =	vst.idx.add.s32.msk $0xffff, v2  }
0xa1: {  	[tilespmem:v4+s15+$0x0] =	vst.idx.add.s32.msk $0xffff, v2  }
0xa2: {  	[tilespmem:v5+s15+$0x0] =	vst.idx.add.s32.msk $0xffff, v2  }
0xa3: {  	[tilespmem:v6+s15+$0x0] =	vst.idx.add.s32.msk $0xffff, v2  }
0xa4: {  	v4 =	vld [tilespmem:s19+$0x0]  }
0xa5: {  	v5 =	vld [tilespmem:s19+$0xFFFFFFA0]  }
0xa6: {  	v6 =	vld [tilespmem:s19+$0xFFFFFFB0]  }
0xa7: {  	v7 =	vld [tilespmem:s19+$0xFFFFFFC0];
	_ =	sdelay $0x1  }
0xa8: {  	v8 =	vld [tilespmem:s19+$0xFFFFFFD0];
	v4 =	vshrl.u32 v4, $0x14  }
0xa9: {  	v9 =	vld [tilespmem:s19+$0xFFFFFFE0];
	v5 =	vshrl.u32 v5, $0x14;
	v4 =	vand.u32 $0x3FF, v4  }
0xaa: {  	v12 =	vld [tilespmem:s19+$0xFFFFFF90];
	v6 =	vshrl.u32 v6, $0x14;
	v5 =	vand.u32 $0x3FF, v5;
	v11 =	vadd.s32 v3, v4  }
0xab: {  	v10 =	vld [tilespmem:s19+$0xFFFFFFF0];
	v5 =	vadd.s32 v3, v5;
	v4 =	vand.u32 $0x3FF, v6;
	v6 =	vshrl.u32 v7, $0x14  }
0xac: {  	v7 =	vadd.s32 v0, v4;
	v4 =	vand.u32 $0x3FF, v6  }
0xad: {  	v6 =	vshrl.u32 v8, $0x14;
	v8 =	vadd.s32 v3, v4;
	_ =	sdelay $0x1  }
0xae: {  	v62 =	vshrl.u32 v12, $0x14;
	v4 =	vand.u32 $0x3FF, v6;
	v6 =	vshrl.u32 v9, $0x14;
	[tilespmem:v11+s15+$0x0] =	vst.idx.add.s32.msk $0xffff, v2  }
0xaf: {  	v61 =	vshrl.u32 v10, $0x14;
	v63 =	vand.u32 $0x3FF, v62;
	v6 =	vand.u32 $0x3FF, v6;
	[tilespmem:v5+s15+$0x0] =	vst.idx.add.s32.msk $0xffff, v2  }
0xb0: {  	v4 =	vadd.s32 v0, v4;
	v5 =	vadd.s32 v3, v6;
	v6 =	vand.u32 $0x3FF, v61;
	[tilespmem:v7+s15+$0x0] =	vst.idx.add.s32.msk $0xffff, v2  }
0xb1: {  	s20 =	simm.s32 $0x3F0;
	s19 =	simm.s32 $0x0;
	v6 =	vadd.s32 v0, v6;
	v7 =	vadd.s32 v0, v63;
	[tilespmem:v8+s15+$0x0] =	vst.idx.add.s32.msk $0xffff, v2  }
.LBB2_12:
0xb2: {  	v8 =	vld [tilespmem:s20+$0x0];
	s19 =	sadd.s32 $0x8, s19  }
0xb3: {  	v9 =	vld [tilespmem:s20+$0xFFFFFFA0];
	p1 =	slt.u32 s19, $0x270  }
0xb4: {  	v10 =	vld [tilespmem:s20+$0xFFFFFFB0]  }
0xb5: {  	v11 =	vld [tilespmem:s20+$0xFFFFFFC0]  }
0xb6: {  	v12 =	vld [tilespmem:s20+$0xFFFFFFD0]  }
0xb7: {  	v13 =	vld [tilespmem:s20+$0xFFFFFFE0];
	v8 =	vshrl.u32 v8, $0x14  }
0xb8: {  	v9 =	vshrl.u32 v9, $0x14;
	v14 =	vld [tilespmem:s20+$0xFFFFFFF0];
	v8 =	vand.u32 $0x3FF, v8  }
0xb9: {  	v15 =	vld [tilespmem:s20+$0xFFFFFF90];
	v9 =	vand.u32 $0x3FF, v9;
	v10 =	vshrl.u32 v10, $0x14;
	v8 =	vadd.s32 v3, v8  }
0xba: {  	v9 =	vadd.s32 v3, v9;
	v10 =	vand.u32 $0x3FF, v10;
	v11 =	vshrl.u32 v11, $0x14;
	[tilespmem:v7+s15+$0x0] =	vst.idx.add.s32.msk $0xffff, v2  }
0xbb: {  	v10 =	vadd.s32 v0, v10;
	v7 =	vand.u32 $0x3FF, v11;
	v11 =	vshrl.u32 v12, $0x14;
	[tilespmem:v4+s15+$0x0] =	vst.idx.add.s32.msk $0xffff, v2  }
0xbc: {  	v12 =	vadd.s32 v3, v7;
	v4 =	vand.u32 $0x3FF, v11;
	v7 =	vshrl.u32 v13, $0x14;
	[tilespmem:v5+s15+$0x0] =	vst.idx.add.s32.msk $0xffff, v2  }
.Ltmp9:
0xbd: {  	v4 =	vadd.s32 v0, v4;
	v5 =	vand.u32 $0x3FF, v7;
	v7 =	vshrl.u32 v14, $0x14;
	[tilespmem:v6+s15+$0x0] =	vst.idx.add.s32.msk $0xffff, v2;
	(pc) =	sbr.rel @p1 .LBB2_12-.Ltmp9, $4  }
0xbe: {  	v6 =	vshrl.u32 v15, $0x14;
	v5 =	vadd.s32 v3, v5;
	v7 =	vand.u32 $0x3FF, v7;
	[tilespmem:v8+s15+$0x0] =	vst.idx.add.s32.msk $0xffff, v2  }
0xbf: {  	v8 =	vand.u32 $0x3FF, v6;
	[tilespmem:v9+s15+$0x0] =	vst.idx.add.s32.msk $0xffff, v2;
	v6 =	vadd.s32 v0, v7  }
0xc0: {  	v7 =	vadd.s32 v0, v8;
	[tilespmem:v10+s15+$0x0] =	vst.idx.add.s32.msk $0xffff, v2  }
0xc1: {  	s20 =	sadd.s32 $0x200, s20;
	[tilespmem:v12+s15+$0x0] =	vst.idx.add.s32.msk $0xffff, v2  }
0xc2: {  	_ =	sdelay $0x3  }
0xc3: {  	[tilespmem:v7+s15+$0x0] =	vst.idx.add.s32.msk $0xffff, v2  }
0xc4: {  	[tilespmem:v4+s15+$0x0] =	vst.idx.add.s32.msk $0xffff, v2  }
0xc5: {  	[tilespmem:v5+s15+$0x0] =	vst.idx.add.s32.msk $0xffff, v2  }
0xc6: {  	[tilespmem:v6+s15+$0x0] =	vst.idx.add.s32.msk $0xffff, v2  }
.LBB2_14:
.Ltmp10:
0xc7: {  	(pc) =	sbr.rel @!p0 .LBB2_24-.Ltmp10, $1  }
0xc8: {  	_ =	sdelay $0x3  }
0xc9: {  	_ =	swait.ge [sflag:s16], $0x9E00  }
0xca: {  	[sflag:s16] =	ssyncset.done $0x0  }
0xcb: {  	s19 =	simm.s32 $0x9E40;
	[sflag:s16] =	ssyncadd.s32 $0xFFFF6200  }
0xcc: {  	v4 =	vld [tilespmem:s19+$0x30]  }
0xcd: {  	v5 =	vld [tilespmem:s19+$0xFFFFFFD0]  }
0xce: {  	v6 =	vld [tilespmem:s19+$0xFFFFFFE0]  }
0xcf: {  	v7 =	vld [tilespmem:s19+$0xFFFFFFF0];
	_ =	sdelay $0x1  }
0xd0: {  	v8 =	vld [tilespmem:s19+$0x0];
	v4 =	vshrl.u32 v4, $0x14  }
0xd1: {  	v9 =	vld [tilespmem:s19+$0x10];
	v5 =	vshrl.u32 v5, $0x14;
	v4 =	vand.u32 $0x3FF, v4  }
0xd2: {  	v12 =	vld [tilespmem:s19+$0xFFFFFFC0];
	v6 =	vshrl.u32 v6, $0x14;
	v5 =	vand.u32 $0x3FF, v5;
	v11 =	vadd.s32 v3, v4  }
0xd3: {  	v10 =	vld [tilespmem:s19+$0x20];
	v5 =	vadd.s32 v3, v5;
	v4 =	vand.u32 $0x3FF, v6;
	v6 =	vshrl.u32 v7, $0x14  }
0xd4: {  	v7 =	vadd.s32 v0, v4;
	v4 =	vand.u32 $0x3FF, v6  }
0xd5: {  	v6 =	vshrl.u32 v8, $0x14;
	v8 =	vadd.s32 v3, v4;
	_ =	sdelay $0x1  }
0xd6: {  	v62 =	vshrl.u32 v12, $0x14;
	v4 =	vand.u32 $0x3FF, v6;
	v6 =	vshrl.u32 v9, $0x14;
	[tilespmem:v11+s15+$0x0] =	vst.idx.add.s32.msk $0xffff, v2  }
0xd7: {  	v61 =	vshrl.u32 v10, $0x14;
	v63 =	vand.u32 $0x3FF, v62;
	v6 =	vand.u32 $0x3FF, v6;
	[tilespmem:v5+s15+$0x0] =	vst.idx.add.s32.msk $0xffff, v2  }
0xd8: {  	v4 =	vadd.s32 v0, v4;
	v5 =	vadd.s32 v3, v6;
	v6 =	vand.u32 $0x3FF, v61;
	[tilespmem:v7+s15+$0x0] =	vst.idx.add.s32.msk $0xffff, v2  }
0xd9: {  	s20 =	simm.s32 $0x0;
	s21 =	simm.s32 $0xA040;
	s19 =	simm.s32 $0x9EF0;
	v6 =	vadd.s32 v0, v6;
	v7 =	vadd.s32 v0, v63;
	[tilespmem:v8+s15+$0x0] =	vst.idx.add.s32.msk $0xffff, v2  }
.LBB2_16:
0xda: {  	v8 =	vld [tilespmem:s21+$0x30];
	s20 =	sadd.s32 $0x8, s20  }
0xdb: {  	v9 =	vld [tilespmem:s21+$0xFFFFFFD0];
	p0 =	slt.u32 s20, $0x270  }
0xdc: {  	v10 =	vld [tilespmem:s21+$0xFFFFFFE0]  }
0xdd: {  	v11 =	vld [tilespmem:s21+$0xFFFFFFF0]  }
0xde: {  	v12 =	vld [tilespmem:s21+$0x0]  }
0xdf: {  	v13 =	vld [tilespmem:s21+$0x10];
	v8 =	vshrl.u32 v8, $0x14  }
0xe0: {  	v9 =	vshrl.u32 v9, $0x14;
	v14 =	vld [tilespmem:s21+$0x20];
	v8 =	vand.u32 $0x3FF, v8  }
0xe1: {  	v15 =	vld [tilespmem:s21+$0xFFFFFFC0];
	v9 =	vand.u32 $0x3FF, v9;
	v10 =	vshrl.u32 v10, $0x14;
	v8 =	vadd.s32 v3, v8  }
0xe2: {  	v9 =	vadd.s32 v3, v9;
	v10 =	vand.u32 $0x3FF, v10;
	v11 =	vshrl.u32 v11, $0x14;
	[tilespmem:v7+s15+$0x0] =	vst.idx.add.s32.msk $0xffff, v2  }
0xe3: {  	v10 =	vadd.s32 v0, v10;
	v7 =	vand.u32 $0x3FF, v11;
	v11 =	vshrl.u32 v12, $0x14;
	[tilespmem:v4+s15+$0x0] =	vst.idx.add.s32.msk $0xffff, v2  }
0xe4: {  	v12 =	vadd.s32 v3, v7;
	v4 =	vand.u32 $0x3FF, v11;
	v7 =	vshrl.u32 v13, $0x14;
	[tilespmem:v5+s15+$0x0] =	vst.idx.add.s32.msk $0xffff, v2  }
.Ltmp11:
0xe5: {  	v4 =	vadd.s32 v0, v4;
	v5 =	vand.u32 $0x3FF, v7;
	v7 =	vshrl.u32 v14, $0x14;
	[tilespmem:v6+s15+$0x0] =	vst.idx.add.s32.msk $0xffff, v2;
	(pc) =	sbr.rel @p0 .LBB2_16-.Ltmp11, $4  }
0xe6: {  	v6 =	vshrl.u32 v15, $0x14;
	v5 =	vadd.s32 v3, v5;
	v7 =	vand.u32 $0x3FF, v7;
	[tilespmem:v8+s15+$0x0] =	vst.idx.add.s32.msk $0xffff, v2  }
0xe7: {  	v8 =	vand.u32 $0x3FF, v6;
	[tilespmem:v9+s15+$0x0] =	vst.idx.add.s32.msk $0xffff, v2;
	v6 =	vadd.s32 v0, v7  }
0xe8: {  	v7 =	vadd.s32 v0, v8;
	[tilespmem:v10+s15+$0x0] =	vst.idx.add.s32.msk $0xffff, v2  }
0xe9: {  	s21 =	sadd.s32 $0x200, s21;
	[tilespmem:v12+s15+$0x0] =	vst.idx.add.s32.msk $0xffff, v2  }
0xea: {  	_ =	sdelay $0x3  }
0xeb: {  	[tilespmem:v7+s15+$0x0] =	vst.idx.add.s32.msk $0xffff, v2  }
0xec: {  	[tilespmem:v4+s15+$0x0] =	vst.idx.add.s32.msk $0xffff, v2  }
0xed: {  	[tilespmem:v5+s15+$0x0] =	vst.idx.add.s32.msk $0xffff, v2  }
0xee: {  	[tilespmem:v6+s15+$0x0] =	vst.idx.add.s32.msk $0xffff, v2  }
0xef: {  	v4 =	vld [tilespmem:s19+$0x0]  }
0xf0: {  	v5 =	vld [tilespmem:s19+$0xFFFFFFA0]  }
0xf1: {  	v6 =	vld [tilespmem:s19+$0xFFFFFFB0]  }
0xf2: {  	v7 =	vld [tilespmem:s19+$0xFFFFFFC0];
	_ =	sdelay $0x1  }
0xf3: {  	v8 =	vld [tilespmem:s19+$0xFFFFFFD0];
	v4 =	vshrl.u32 v4, $0x14  }
0xf4: {  	v9 =	vld [tilespmem:s19+$0xFFFFFFE0];
	v5 =	vshrl.u32 v5, $0x14;
	v4 =	vand.u32 $0x3FF, v4  }
0xf5: {  	v12 =	vld [tilespmem:s19+$0xFFFFFF90];
	v6 =	vshrl.u32 v6, $0x14;
	v5 =	vand.u32 $0x3FF, v5;
	v11 =	vadd.s32 v3, v4  }
0xf6: {  	v10 =	vld [tilespmem:s19+$0xFFFFFFF0];
	v5 =	vadd.s32 v3, v5;
	v4 =	vand.u32 $0x3FF, v6;
	v6 =	vshrl.u32 v7, $0x14  }
0xf7: {  	v7 =	vadd.s32 v0, v4;
	v4 =	vand.u32 $0x3FF, v6  }
0xf8: {  	v6 =	vshrl.u32 v8, $0x14;
	v8 =	vadd.s32 v3, v4;
	_ =	sdelay $0x1  }
0xf9: {  	v62 =	vshrl.u32 v12, $0x14;
	v4 =	vand.u32 $0x3FF, v6;
	v6 =	vshrl.u32 v9, $0x14;
	[tilespmem:v11+s15+$0x0] =	vst.idx.add.s32.msk $0xffff, v2  }
0xfa: {  	v61 =	vshrl.u32 v10, $0x14;
	v63 =	vand.u32 $0x3FF, v62;
	v6 =	vand.u32 $0x3FF, v6;
	[tilespmem:v5+s15+$0x0] =	vst.idx.add.s32.msk $0xffff, v2  }
0xfb: {  	v4 =	vadd.s32 v0, v4;
	v5 =	vadd.s32 v3, v6;
	v6 =	vand.u32 $0x3FF, v61;
	[tilespmem:v7+s15+$0x0] =	vst.idx.add.s32.msk $0xffff, v2  }
0xfc: {  	s20 =	simm.s32 $0x0;
	s21 =	simm.s32 $0xA0F0;
	s19 =	simm.s32 $0x9F70;
	v6 =	vadd.s32 v0, v6;
	v7 =	vadd.s32 v0, v63;
	[tilespmem:v8+s15+$0x0] =	vst.idx.add.s32.msk $0xffff, v2  }
.LBB2_18:
0xfd: {  	v8 =	vld [tilespmem:s21+$0x0];
	s20 =	sadd.s32 $0x8, s20  }
0xfe: {  	v9 =	vld [tilespmem:s21+$0xFFFFFFA0];
	p0 =	slt.u32 s20, $0x270  }
0xff: {  	v10 =	vld [tilespmem:s21+$0xFFFFFFB0]  }
0x100: {  	v11 =	vld [tilespmem:s21+$0xFFFFFFC0]  }
0x101: {  	v12 =	vld [tilespmem:s21+$0xFFFFFFD0]  }
0x102: {  	v13 =	vld [tilespmem:s21+$0xFFFFFFE0];
	v8 =	vshrl.u32 v8, $0x14  }
0x103: {  	v9 =	vshrl.u32 v9, $0x14;
	v14 =	vld [tilespmem:s21+$0xFFFFFFF0];
	v8 =	vand.u32 $0x3FF, v8  }
0x104: {  	v15 =	vld [tilespmem:s21+$0xFFFFFF90];
	v9 =	vand.u32 $0x3FF, v9;
	v10 =	vshrl.u32 v10, $0x14;
	v8 =	vadd.s32 v3, v8  }
0x105: {  	v9 =	vadd.s32 v3, v9;
	v10 =	vand.u32 $0x3FF, v10;
	v11 =	vshrl.u32 v11, $0x14;
	[tilespmem:v7+s15+$0x0] =	vst.idx.add.s32.msk $0xffff, v2  }
0x106: {  	v10 =	vadd.s32 v0, v10;
	v7 =	vand.u32 $0x3FF, v11;
	v11 =	vshrl.u32 v12, $0x14;
	[tilespmem:v4+s15+$0x0] =	vst.idx.add.s32.msk $0xffff, v2  }
0x107: {  	v12 =	vadd.s32 v3, v7;
	v4 =	vand.u32 $0x3FF, v11;
	v7 =	vshrl.u32 v13, $0x14;
	[tilespmem:v5+s15+$0x0] =	vst.idx.add.s32.msk $0xffff, v2  }
.Ltmp12:
0x108: {  	v4 =	vadd.s32 v0, v4;
	v5 =	vand.u32 $0x3FF, v7;
	v7 =	vshrl.u32 v14, $0x14;
	[tilespmem:v6+s15+$0x0] =	vst.idx.add.s32.msk $0xffff, v2;
	(pc) =	sbr.rel @p0 .LBB2_18-.Ltmp12, $4  }
0x109: {  	v6 =	vshrl.u32 v15, $0x14;
	v5 =	vadd.s32 v3, v5;
	v7 =	vand.u32 $0x3FF, v7;
	[tilespmem:v8+s15+$0x0] =	vst.idx.add.s32.msk $0xffff, v2  }
0x10a: {  	v8 =	vand.u32 $0x3FF, v6;
	[tilespmem:v9+s15+$0x0] =	vst.idx.add.s32.msk $0xffff, v2;
	v6 =	vadd.s32 v0, v7  }
0x10b: {  	v7 =	vadd.s32 v0, v8;
	[tilespmem:v10+s15+$0x0] =	vst.idx.add.s32.msk $0xffff, v2  }
0x10c: {  	s21 =	sadd.s32 $0x200, s21;
	[tilespmem:v12+s15+$0x0] =	vst.idx.add.s32.msk $0xffff, v2  }
0x10d: {  	_ =	sdelay $0x3  }
0x10e: {  	[tilespmem:v7+s15+$0x0] =	vst.idx.add.s32.msk $0xffff, v2  }
0x10f: {  	[tilespmem:v4+s15+$0x0] =	vst.idx.add.s32.msk $0xffff, v2  }
0x110: {  	[tilespmem:v5+s15+$0x0] =	vst.idx.add.s32.msk $0xffff, v2  }
0x111: {  	[tilespmem:v6+s15+$0x0] =	vst.idx.add.s32.msk $0xffff, v2  }
0x112: {  	v4 =	vld [tilespmem:s19+$0x0]  }
0x113: {  	v5 =	vld [tilespmem:s19+$0xFFFFFFA0]  }
0x114: {  	v6 =	vld [tilespmem:s19+$0xFFFFFFB0]  }
0x115: {  	v7 =	vld [tilespmem:s19+$0xFFFFFFC0];
	_ =	sdelay $0x1  }
0x116: {  	v8 =	vld [tilespmem:s19+$0xFFFFFFD0];
	v4 =	vshrl.u32 v4, $0x14  }
0x117: {  	v9 =	vld [tilespmem:s19+$0xFFFFFFE0];
	v5 =	vshrl.u32 v5, $0x14;
	v4 =	vand.u32 $0x3FF, v4  }
0x118: {  	v12 =	vld [tilespmem:s19+$0xFFFFFF90];
	v6 =	vshrl.u32 v6, $0x14;
	v5 =	vand.u32 $0x3FF, v5;
	v11 =	vadd.s32 v3, v4  }
0x119: {  	v10 =	vld [tilespmem:s19+$0xFFFFFFF0];
	v5 =	vadd.s32 v3, v5;
	v4 =	vand.u32 $0x3FF, v6;
	v6 =	vshrl.u32 v7, $0x14  }
0x11a: {  	v7 =	vadd.s32 v0, v4;
	v4 =	vand.u32 $0x3FF, v6  }
0x11b: {  	v6 =	vshrl.u32 v8, $0x14;
	v8 =	vadd.s32 v3, v4;
	_ =	sdelay $0x1  }
0x11c: {  	v62 =	vshrl.u32 v12, $0x14;
	v4 =	vand.u32 $0x3FF, v6;
	v6 =	vshrl.u32 v9, $0x14;
	[tilespmem:v11+s15+$0x0] =	vst.idx.add.s32.msk $0xffff, v2  }
0x11d: {  	v61 =	vshrl.u32 v10, $0x14;
	v63 =	vand.u32 $0x3FF, v62;
	v6 =	vand.u32 $0x3FF, v6;
	[tilespmem:v5+s15+$0x0] =	vst.idx.add.s32.msk $0xffff, v2  }
0x11e: {  	v4 =	vadd.s32 v0, v4;
	v5 =	vadd.s32 v3, v6;
	v6 =	vand.u32 $0x3FF, v61;
	[tilespmem:v7+s15+$0x0] =	vst.idx.add.s32.msk $0xffff, v2  }
0x11f: {  	s20 =	simm.s32 $0x0;
	s21 =	simm.s32 $0xA170;
	s19 =	simm.s32 $0x9FF0;
	v6 =	vadd.s32 v0, v6;
	v7 =	vadd.s32 v0, v63;
	[tilespmem:v8+s15+$0x0] =	vst.idx.add.s32.msk $0xffff, v2  }
.LBB2_20:
0x120: {  	v8 =	vld [tilespmem:s21+$0x0];
	s20 =	sadd.s32 $0x8, s20  }
0x121: {  	v9 =	vld [tilespmem:s21+$0xFFFFFFA0];
	p0 =	slt.u32 s20, $0x270  }
0x122: {  	v10 =	vld [tilespmem:s21+$0xFFFFFFB0]  }
0x123: {  	v11 =	vld [tilespmem:s21+$0xFFFFFFC0]  }
0x124: {  	v12 =	vld [tilespmem:s21+$0xFFFFFFD0]  }
0x125: {  	v13 =	vld [tilespmem:s21+$0xFFFFFFE0];
	v8 =	vshrl.u32 v8, $0x14  }
0x126: {  	v9 =	vshrl.u32 v9, $0x14;
	v14 =	vld [tilespmem:s21+$0xFFFFFFF0];
	v8 =	vand.u32 $0x3FF, v8  }
0x127: {  	v15 =	vld [tilespmem:s21+$0xFFFFFF90];
	v9 =	vand.u32 $0x3FF, v9;
	v10 =	vshrl.u32 v10, $0x14;
	v8 =	vadd.s32 v3, v8  }
0x128: {  	v9 =	vadd.s32 v3, v9;
	v10 =	vand.u32 $0x3FF, v10;
	v11 =	vshrl.u32 v11, $0x14;
	[tilespmem:v7+s15+$0x0] =	vst.idx.add.s32.msk $0xffff, v2  }
0x129: {  	v10 =	vadd.s32 v0, v10;
	v7 =	vand.u32 $0x3FF, v11;
	v11 =	vshrl.u32 v12, $0x14;
	[tilespmem:v4+s15+$0x0] =	vst.idx.add.s32.msk $0xffff, v2  }
0x12a: {  	v12 =	vadd.s32 v3, v7;
	v4 =	vand.u32 $0x3FF, v11;
	v7 =	vshrl.u32 v13, $0x14;
	[tilespmem:v5+s15+$0x0] =	vst.idx.add.s32.msk $0xffff, v2  }
.Ltmp13:
0x12b: {  	v4 =	vadd.s32 v0, v4;
	v5 =	vand.u32 $0x3FF, v7;
	v7 =	vshrl.u32 v14, $0x14;
	[tilespmem:v6+s15+$0x0] =	vst.idx.add.s32.msk $0xffff, v2;
	(pc) =	sbr.rel @p0 .LBB2_20-.Ltmp13, $4  }
0x12c: {  	v6 =	vshrl.u32 v15, $0x14;
	v5 =	vadd.s32 v3, v5;
	v7 =	vand.u32 $0x3FF, v7;
	[tilespmem:v8+s15+$0x0] =	vst.idx.add.s32.msk $0xffff, v2  }
0x12d: {  	v8 =	vand.u32 $0x3FF, v6;
	[tilespmem:v9+s15+$0x0] =	vst.idx.add.s32.msk $0xffff, v2;
	v6 =	vadd.s32 v0, v7  }
0x12e: {  	v7 =	vadd.s32 v0, v8;
	[tilespmem:v10+s15+$0x0] =	vst.idx.add.s32.msk $0xffff, v2  }
0x12f: {  	s21 =	sadd.s32 $0x200, s21;
	[tilespmem:v12+s15+$0x0] =	vst.idx.add.s32.msk $0xffff, v2  }
0x130: {  	_ =	sdelay $0x3  }
0x131: {  	[tilespmem:v7+s15+$0x0] =	vst.idx.add.s32.msk $0xffff, v2  }
0x132: {  	[tilespmem:v4+s15+$0x0] =	vst.idx.add.s32.msk $0xffff, v2  }
0x133: {  	[tilespmem:v5+s15+$0x0] =	vst.idx.add.s32.msk $0xffff, v2  }
0x134: {  	[tilespmem:v6+s15+$0x0] =	vst.idx.add.s32.msk $0xffff, v2  }
0x135: {  	v4 =	vld [tilespmem:s19+$0x0]  }
0x136: {  	v5 =	vld [tilespmem:s19+$0xFFFFFFA0]  }
0x137: {  	v6 =	vld [tilespmem:s19+$0xFFFFFFB0]  }
0x138: {  	v7 =	vld [tilespmem:s19+$0xFFFFFFC0];
	_ =	sdelay $0x1  }
0x139: {  	v8 =	vld [tilespmem:s19+$0xFFFFFFD0];
	v4 =	vshrl.u32 v4, $0x14  }
0x13a: {  	v9 =	vld [tilespmem:s19+$0xFFFFFFE0];
	v5 =	vshrl.u32 v5, $0x14;
	v4 =	vand.u32 $0x3FF, v4  }
0x13b: {  	v12 =	vld [tilespmem:s19+$0xFFFFFF90];
	v6 =	vshrl.u32 v6, $0x14;
	v5 =	vand.u32 $0x3FF, v5;
	v11 =	vadd.s32 v3, v4  }
0x13c: {  	v10 =	vld [tilespmem:s19+$0xFFFFFFF0];
	v5 =	vadd.s32 v3, v5;
	v4 =	vand.u32 $0x3FF, v6;
	v6 =	vshrl.u32 v7, $0x14  }
0x13d: {  	v7 =	vadd.s32 v0, v4;
	v4 =	vand.u32 $0x3FF, v6  }
0x13e: {  	v6 =	vshrl.u32 v8, $0x14;
	v8 =	vadd.s32 v3, v4;
	_ =	sdelay $0x1  }
0x13f: {  	v62 =	vshrl.u32 v12, $0x14;
	v4 =	vand.u32 $0x3FF, v6;
	v6 =	vshrl.u32 v9, $0x14;
	[tilespmem:v11+s15+$0x0] =	vst.idx.add.s32.msk $0xffff, v2  }
0x140: {  	v61 =	vshrl.u32 v10, $0x14;
	v63 =	vand.u32 $0x3FF, v62;
	v6 =	vand.u32 $0x3FF, v6;
	[tilespmem:v5+s15+$0x0] =	vst.idx.add.s32.msk $0xffff, v2  }
0x141: {  	v4 =	vadd.s32 v0, v4;
	v5 =	vadd.s32 v3, v6;
	v6 =	vand.u32 $0x3FF, v61;
	[tilespmem:v7+s15+$0x0] =	vst.idx.add.s32.msk $0xffff, v2  }
0x142: {  	s20 =	simm.s32 $0xA1F0;
	s19 =	simm.s32 $0x0;
	v6 =	vadd.s32 v0, v6;
	v7 =	vadd.s32 v0, v63;
	[tilespmem:v8+s15+$0x0] =	vst.idx.add.s32.msk $0xffff, v2  }
.LBB2_22:
0x143: {  	v8 =	vld [tilespmem:s20+$0x0];
	s19 =	sadd.s32 $0x8, s19  }
0x144: {  	v9 =	vld [tilespmem:s20+$0xFFFFFFA0];
	p0 =	slt.u32 s19, $0x270  }
0x145: {  	v10 =	vld [tilespmem:s20+$0xFFFFFFB0]  }
0x146: {  	v11 =	vld [tilespmem:s20+$0xFFFFFFC0]  }
0x147: {  	v12 =	vld [tilespmem:s20+$0xFFFFFFD0]  }
0x148: {  	v13 =	vld [tilespmem:s20+$0xFFFFFFE0];
	v8 =	vshrl.u32 v8, $0x14  }
0x149: {  	v9 =	vshrl.u32 v9, $0x14;
	v14 =	vld [tilespmem:s20+$0xFFFFFFF0];
	v8 =	vand.u32 $0x3FF, v8  }
0x14a: {  	v15 =	vld [tilespmem:s20+$0xFFFFFF90];
	v9 =	vand.u32 $0x3FF, v9;
	v10 =	vshrl.u32 v10, $0x14;
	v8 =	vadd.s32 v3, v8  }
0x14b: {  	v9 =	vadd.s32 v3, v9;
	v10 =	vand.u32 $0x3FF, v10;
	v11 =	vshrl.u32 v11, $0x14;
	[tilespmem:v7+s15+$0x0] =	vst.idx.add.s32.msk $0xffff, v2  }
0x14c: {  	v10 =	vadd.s32 v0, v10;
	v7 =	vand.u32 $0x3FF, v11;
	v11 =	vshrl.u32 v12, $0x14;
	[tilespmem:v4+s15+$0x0] =	vst.idx.add.s32.msk $0xffff, v2  }
0x14d: {  	v12 =	vadd.s32 v3, v7;
	v4 =	vand.u32 $0x3FF, v11;
	v7 =	vshrl.u32 v13, $0x14;
	[tilespmem:v5+s15+$0x0] =	vst.idx.add.s32.msk $0xffff, v2  }
.Ltmp14:
0x14e: {  	v4 =	vadd.s32 v0, v4;
	v5 =	vand.u32 $0x3FF, v7;
	v7 =	vshrl.u32 v14, $0x14;
	[tilespmem:v6+s15+$0x0] =	vst.idx.add.s32.msk $0xffff, v2;
	(pc) =	sbr.rel @p0 .LBB2_22-.Ltmp14, $4  }
0x14f: {  	v6 =	vshrl.u32 v15, $0x14;
	v5 =	vadd.s32 v3, v5;
	v7 =	vand.u32 $0x3FF, v7;
	[tilespmem:v8+s15+$0x0] =	vst.idx.add.s32.msk $0xffff, v2  }
0x150: {  	v8 =	vand.u32 $0x3FF, v6;
	[tilespmem:v9+s15+$0x0] =	vst.idx.add.s32.msk $0xffff, v2;
	v6 =	vadd.s32 v0, v7  }
0x151: {  	v7 =	vadd.s32 v0, v8;
	[tilespmem:v10+s15+$0x0] =	vst.idx.add.s32.msk $0xffff, v2  }
0x152: {  	s20 =	sadd.s32 $0x200, s20;
	[tilespmem:v12+s15+$0x0] =	vst.idx.add.s32.msk $0xffff, v2  }
0x153: {  	_ =	sdelay $0x2  }
.Ltmp15:
0x154: {  	_ = 	snop;
	(pc) =	sbr.rel .LBB2_24-.Ltmp15, $4  }
0x155: {  	[tilespmem:v7+s15+$0x0] =	vst.idx.add.s32.msk $0xffff, v2  }
0x156: {  	[tilespmem:v4+s15+$0x0] =	vst.idx.add.s32.msk $0xffff, v2  }
0x157: {  	[tilespmem:v5+s15+$0x0] =	vst.idx.add.s32.msk $0xffff, v2  }
0x158: {  	[tilespmem:v6+s15+$0x0] =	vst.idx.add.s32.msk $0xffff, v2  }
.LBB2_26:
0x159: {  	_ =	sfence.sel $0x180000  }
0x15a: {  	[bflag:$0x0] =	sbarrier.arrive $0xFFFF  }
0x15b: {  	p0 =	sne.s32 s2, $0x0;
	_ =	strace $0x90000047  }
0x15c: {  	s0 =	sadd.s32 @!p0 $0x100000, s0;
	[bflag:$0x2] =	sbarrier.arrive $0xFFFF  }
0x15d: {  	[sflag:s0] =	ssyncadd.tile.s32 @!p0 $0x1;
	_ =	shalt  }
.Lfunc_end2:
_tile_overlayer_lowered:
.L_overlay_start_2:
0x15e: {  	(tag) =	ssettag $0x2  }
0x15f: {  	s0 =	rddreg [dreg:$0x0];
	s2 =	stileid.u32  }
0x160: {  	s1 =	rddreg [dreg:$0x1];
	p0 =	sne.s32 s2, $0x0  }
0x161: {  	s3 =	rddreg [dreg:$0x2];
	[bflag:$0x3] =	sbarrier.arrive $0xFFFF;
	s2 =	simm.s32 @!p0 $0x1C03  }
0x162: {  	[timem:s3], [sflag:s2] =	dma.local @!p0 [hbm:s0], s1  }
0x163: {  	s0 =	simm.s32 @!p0 $0x3  }
0x164: {  	_ =	swait.ge @!p0 [sflag:s0], s1  }
0x165: {  	s1 =	ssub.s32 @!p0 $0x0, s1;
	[sflag:s0] =	ssyncset.done @!p0 $0x0  }
0x166: {  	[sflag:s0] =	ssyncadd.s32 @!p0 s1  }
0x167: {  	[bflag:$0x3] =	sbarrier.arrive $0xFFFF  }
0x168: {  	_ =	shalt  }

// kernel: kernel.14.cloned.1.call-start
scs
__scs_entry_jumppad:
0x0: {  	(pc) =	sbr.rel $0x88, $3  }
0x1: {  	(tag) =	ssettag $0x0;
	lr =	simm.s32 $0x1  }
0x2: {  	[smem:$0x3F9B] =	sst lr;
	_ =	strace $0xD0000000  }
0x3: {  	_ = 	snop  }
0x4: {  	_ = 	snop  }
0x5: {  	_ = 	snop  }
0x6: {  	_ = 	snop  }
0x7: {  	_ = 	snop  }
__scs_overlays_trampoline_lowered:
0x8: {  	[smem:$0x3FAA] =	sst s0  }
0x9: {  	[smem:$0x3FAB] =	sst s1  }
0xa: {  	[smem:$0x3FAC] =	sst s2  }
0xb: {  	[smem:$0x3FAD] =	sst s3  }
0xc: {  	[smem:$0x3FAE] =	sst s4  }
0xd: {  	[smem:$0x3FAF] =	sst s5  }
0xe: {  	[smem:$0x3FB0] =	sst s6  }
0xf: {  	[smem:$0x3FB1] =	sst s7  }
0x10: {  	[smem:$0x3FB2] =	sst s8  }
0x11: {  	[smem:$0x3FB3] =	sst s9;
	s0 =	simm.s32 @!p0 $0x0  }
0x12: {  	s1 =	sld [smem:$0x3F99];
	s0 =	simm.s32 @p0 $0x1  }
0x13: {  	[smem:$0x3FB4] =	sst s0;
	s0 =	simm.s32 @!p1 $0x0  }
0x14: {  	s2 =	sld [smem:$0x3F98];
	s0 =	simm.s32 @p1 $0x1  }
0x15: {  	[smem:$0x3FB5] =	sst s0;
	s0 =	simm.s32 @!p2 $0x0  }
0x16: {  	s3 =	sld [smem:$0x3FDB];
	s0 =	simm.s32 @p2 $0x1  }
0x17: {  	s4 =	simm.s32 $0x1BF5;
	[smem:$0x3FB7] =	sst s0  }
0x18: {  	s0 =	sld [smem:$0x3F9A];
	_ =	swait.ge [sflag:s4], $0x0  }
0x19: {  	s7 =	sld [smem:$0x3F9B]  }
0x1a: {  	s8 =	sadd.s32 $0xFFFFE003, lr  }
0x1b: {  	s9 =	sadd.s32 $0xFFFFFEF7, lr;
	s5 =	simm.s32 $0xFFFFFFFF;
	p2 =	slt.u32 s8, $0xFFFFF086  }
0x1c: {  	p1 =	slt.u32 s9, $0xF7A;
	s5 =	simm.s32 @!p2 $0x0  }
0x1d: {  	s5 =	simm.s32 @p1 $0x1;
	p0 =	seq.s32 s7, s2  }
0x1e: {  	s7 =	smul.u32 @!p0 $0xF7A, s2;
	p2 =	seq.s32 @!p0 s5, $0x0  }
0x1f: {  	s9 =	smul.u32 $0xF7A, s1;
	s8 =	simm.s32 @!p0 $0x1BF5;
	p2 =	por !p2, p0  }
0x20: {  	[sflag:s8] =	ssyncset.s32 @!p0 $0xFFFFF086;
	s6 =	sadd.s32 @!p0 s3, s7;
	s7 =	simm.s32 @!p0 $0x108  }
0x21: {  	s3 =	sadd.s32 s3, s9;
	s6 =	sadd.s32 @!p0 $0x88, s6;
	s7 =	simm.s32 @p2 $0x1082  }
0x22: {  	[simem:s7], [sflag:s8] =	dma.local @!p0 [hbm:s6], $0xF7A  }
0x23: {  	s9 =	sor.u32 $0xD0000000, s2;
	s6 =	simm.s32 $0x108;
	_ =	swait.ge @!p0 [sflag:s8], $0x0  }
0x24: {  	s3 =	sadd.s32 $0x88, s3;
	s6 =	simm.s32 @!p1 $0x1082;
	[sflag:s4] =	ssyncset.s32 $0xFFFFF086  }
0x25: {  	[simem:s6], [sflag:s4] =	dma.local [hbm:s3], $0xF7A  }
0x26: {  	[smem:$0x3F9B] =	sst s1;
	(tag) =	ssettag s2;
	_ =	strace s9  }
0x27: {  	s1 =	sld [smem:$0x3FAB]  }
0x28: {  	s2 =	sld [smem:$0x3FAC]  }
0x29: {  	s4 =	sld [smem:$0x3FAE]  }
0x2a: {  	p0 =	seq.s32 s5, $0x0;
	s5 =	sld [smem:$0x3FAF]  }
0x2b: {  	s6 =	sld [smem:$0x3FB0]  }
0x2c: {  	s7 =	sld [smem:$0x3FB1]  }
0x2d: {  	s3 =	simm.s32 $0x108;
	s8 =	sld [smem:$0x3FB2]  }
0x2e: {  	s3 =	simm.s32 @!p0 $0x1082;
	s9 =	sld [smem:$0x3FB3]  }
0x2f: {  	lr =	sadd.s32 s0, s3;
	s0 =	sld [smem:$0x3FAA]  }
0x30: {  	s3 =	sld [smem:$0x3FAD]  }
0x31: {  	[smem:$0x3FB6] =	sst s10  }
0x32: {  	s10 =	sld [smem:$0x3FB4];
	_ =	sdelay $0x3  }
0x33: {  	p0 =	seq.s32 s10, $0x1;
	s10 =	sld [smem:$0x3FB6];
	_ =	sdelay $0x3  }
0x34: {  	[smem:$0x3FB6] =	sst s10  }
0x35: {  	s10 =	sld [smem:$0x3FB5];
	_ =	sdelay $0x3  }
0x36: {  	p1 =	seq.s32 s10, $0x1;
	s10 =	sld [smem:$0x3FB6];
	_ =	sdelay $0x3  }
0x37: {  	[smem:$0x3FB6] =	sst s10  }
0x38: {  	s10 =	sld [smem:$0x3FB7]  }
0x39: {  	_ = 	snop;
	(pc) =	sbr.ind lr, $3  }
0x3a: {  	_ = 	snop  }
0x3b: {  	_ = 	snop  }
0x3c: {  	p2 =	seq.s32 s10, $0x1;
	s10 =	sld [smem:$0x3FB6]  }
0x3d: {  	_ =	shalt  }
0x3e: {  	_ =	shalt  }
0x3f: {  	_ =	shalt  }
0x40: {  	_ =	shalt  }
0x41: {  	_ =	shalt  }
0x42: {  	_ =	shalt  }
0x43: {  	_ =	shalt  }
0x44: {  	_ =	shalt  }
0x45: {  	_ =	shalt  }
0x46: {  	_ =	shalt  }
0x47: {  	_ =	shalt  }
0x48: {  	_ =	shalt  }
0x49: {  	_ =	shalt  }
0x4a: {  	_ =	shalt  }
0x4b: {  	_ =	shalt  }
0x4c: {  	_ =	shalt  }
0x4d: {  	_ =	shalt  }
0x4e: {  	_ =	shalt  }
0x4f: {  	_ =	shalt  }
0x50: {  	_ =	shalt  }
0x51: {  	_ =	shalt  }
0x52: {  	_ =	shalt  }
0x53: {  	_ =	shalt  }
0x54: {  	_ =	shalt  }
0x55: {  	_ =	shalt  }
0x56: {  	_ =	shalt  }
0x57: {  	_ =	shalt  }
0x58: {  	_ =	shalt  }
0x59: {  	_ =	shalt  }
0x5a: {  	_ =	shalt  }
0x5b: {  	_ =	shalt  }
0x5c: {  	_ =	shalt  }
0x5d: {  	_ =	shalt  }
0x5e: {  	_ =	shalt  }
0x5f: {  	_ =	shalt  }
0x60: {  	_ =	shalt  }
0x61: {  	_ =	shalt  }
0x62: {  	_ =	shalt  }
0x63: {  	_ =	shalt  }
0x64: {  	_ =	shalt  }
0x65: {  	_ =	shalt  }
0x66: {  	_ =	shalt  }
0x67: {  	_ =	shalt  }
0x68: {  	_ =	shalt  }
0x69: {  	_ =	shalt  }
0x6a: {  	_ =	shalt  }
0x6b: {  	_ =	shalt  }
0x6c: {  	_ =	shalt  }
0x6d: {  	_ =	shalt  }
0x6e: {  	_ =	shalt  }
0x6f: {  	_ =	shalt  }
0x70: {  	_ =	shalt  }
0x71: {  	_ =	shalt  }
0x72: {  	_ =	shalt  }
0x73: {  	_ =	shalt  }
0x74: {  	_ =	shalt  }
0x75: {  	_ =	shalt  }
0x76: {  	_ =	shalt  }
0x77: {  	_ =	shalt  }
0x78: {  	_ =	shalt  }
0x79: {  	_ =	shalt  }
0x7a: {  	_ =	shalt  }
0x7b: {  	_ =	shalt  }
0x7c: {  	_ =	shalt  }
0x7d: {  	_ =	shalt  }
0x7e: {  	_ =	shalt  }
0x7f: {  	_ =	shalt  }
0x80: {  	_ =	shalt  }
0x81: {  	_ =	shalt  }
0x82: {  	_ =	shalt  }
0x83: {  	_ =	shalt  }
0x84: {  	_ =	shalt  }
0x85: {  	_ =	shalt  }
0x86: {  	_ =	shalt  }
0x87: {  	_ =	shalt  }
.Lfunc_end0:
.L_simem_size_0:
called_computation.1_lowered:
.L_overlay_start_0:
0x88: {  	s2 =	sld [smem:$0x3FD9]  }
0x89: {  	s3 =	sld [smem:$0x3FFE];
	_ =	sdelay $0x1  }
0x8a: {  	s1 =	srdreg.scid  }
0x8b: {  	s0 =	sand.u32 $0x1, s1  }
0x8c: {  	s17 =	sshll.u32 s0, $0xA;
	s2 =	sadd.s32 s3, s2  }
0x8d: {  	s2 =	sadd.s32 s2, s17  }
0x8e: {  	[smem:$0x3FC2] =	sst s2  }
0x8f: {  	_ = 	snop  }
0x90: {  	s2 =	sld [smem:$0x3FD0];
	(tm) =	ssettm $0x1  }
0x91: {  	s18 =	sld [smem:$0x3FFB];
	_ =	sdelay $0x3  }
0x92: {  	_ =	strace s18  }
0x93: {  	s3 =	sld [smem:$0x3FFC];
	_ =	sdelay $0x3  }
0x94: {  	_ =	strace s3  }
0x95: {  	s3 =	sld [smem:$0x3FFD];
	_ =	sdelay $0x3  }
0x96: {  	_ =	strace s3  }
0x97: {  	_ =	strace $0x8FFFFFFF  }
0x98: {  	s19 =	sld [smem:$0x3FDB];
	_ =	sdelay $0x1  }
0x99: {  	s4 =	simm.s32 $_scs_section_size  }
0x9a: {  	s5 =	simm.s32 $_size__tile_overlayer_lowered;
	s6 =	simm.s32 $_tile_overlayer_lowered  }
0x9b: {  	s22 =	simm.s32 $0x1BFF;
	s21 =	sshll.u32 s6, $0x1;
	s3 =	sadd.s32 s4, s19  }
0x9c: {  	s7 =	simm.s32 $0x0;
	s20 =	sshll.u32 s5, $0x1;
	s5 =	sadd.s32 s21, s3  }
0x9d: {  	[timem:s7], [sflag:s22] =	dma.local [hbm:s5], s20  }
0x9e: {  	_ =	swait.ge [sflag:s22], s20  }
0x9f: {  	s4 =	ssub.s32 $0x0, s20;
	[sflag:s22] =	ssyncset.done $0x0  }
0xa0: {  	[sflag:s22] =	ssyncadd.s32 s4;
	_ =	sdelay $0x1  }
0xa1: {  	s23 =	simm.s32 $0x1B8B  }
0xa2: {  	_ =	swait.ge [sflag:s23], $0x1  }
0xa3: {  	[sflag:s23] =	ssyncset.done $0x0  }
0xa4: {  	s25 =	simm.s32 $0x1B8E;
	s24 =	sld [smem:$0x3FFE];
	[sflag:s23] =	ssyncadd.s32 $0xFFFFFFFF  }
0xa5: {  	s26 =	simm.s32 $execute0_lowered;
	[smem:$0x3FD2] =	sst s25  }
0xa6: {  	s5 =	sshll.u32 s26, $0x1;
	_ =	strace $0x80000049;
	[dreg:$0x1] =	wrdreg $0xFFFFFFFF  }
0xa7: {  	s28 =	simm.s32 $_size_execute0_lowered;
	s3 =	sadd.s32 s3, s5;
	[dreg:$0x0] =	wrdreg $0x0  }
0xa8: {  	s5 =	sshll.u32 s28, $0x1;
	[dreg:$0x2] =	wrdreg s3  }
0xa9: {  	[dreg:$0x3] =	wrdreg s5  }
0xaa: {  	[dreg:$0x4] =	wrdreg $0xC0  }
0xab: {  	_ =	task [dreg:s7], $0x5FFFF  }
0xac: {  	[dreg:$0x1] =	wrdreg $0xFFFFFFFF  }
0xad: {  	[dreg:$0x0] =	wrdreg $0x60  }
0xae: {  	[dreg:$0x2] =	wrdreg s24  }
0xaf: {  	[dreg:$0x3] =	wrdreg s2  }
0xb0: {  	[dreg:$0x4] =	wrdreg $0x9  }
0xb1: {  	_ =	task.clear_ibuf [dreg:s7], $0x5FFFF;
	_ =	strace $0x90000049  }
0xb2: {  	s29 =	simm.s32 $0x9;
	_ =	strace $0x8000004B  }
0xb3: {  	_ =	swait.ge [sflag:s29], $0x1  }
0xb4: {  	[sflag:s29] =	ssyncadd.s32 $0xFFFFFFFF  }
0xb5: {  	_ =	strace $0x9000004B  }
0xb6: {  	_ =	sfence  }
0xb7: {  	s30 =	sld [smem:$0x0];
	_ =	sdelay $0x2  }
0xb8: {  	s31 =	sshll.u32 s1, $0xD;
	s1 =	sshrl.u32 s1, $0x2  }
0xb9: {  	s3 =	sand.u32 $0x4000, s31;
	s1 =	sadd.s32 s1, s30  }
0xba: {  	s0 =	sor.u32 s3, s0;
	s1 =	sshll.u32 s1, $0x11  }
0xbb: {  	s0 =	sor.u32 s1, s0  }
0xbc: {  	s0 =	sadd.s32 $0x8F2B, s0  }
0xbd: {  	[sflag:s0] =	ssyncadd.remote.s32 $0x1  }
0xbe: {  	_ =	sfence.sel $0xFFFF  }
0xbf: {  	[dreg:$0x0] =	wrdreg $0xFFFFFFFF;
	(pc) =	sbr.abs _section_cstart, $3  }
0xc0: {  	[dreg:$0x1] =	wrdreg $0xFFFFFFFF  }
0xc1: {  	_ =	task.clear_ibuf [dreg:s7], $0x2FFFF;
	_ =	strace $0x9FFFFFFF  }
0xc2: {  	(tm) =	ssettm $0x7FFFFFFF  }
0xc3: {  	_ =	shalt  }
tec
execute0_lowered:
.L_overlay_start_1:
0x0: {  	(tag) =	ssettag $0x1  }
0x1: {  	s2 =	rddreg [dreg:$0x0]  }
0x2: {  	s8 =	rddreg [dreg:$0x1]  }
0x3: {  	s0 =	rddreg [dreg:$0x2]  }
0x4: {  	s1 =	simm.s32 $0x0;
	s5 =	srdreg.scid;
	s12 =	simm.s32 $0x200  }
0x5: {  	s13 =	simm.s32 $0x400;
	s14 =	simm.s32 $0x1;
	s15 =	simm.s32 $0x13C80  }
0x6: {  	s16 =	simm.s32 $0x2;
	s17 =	simm.s32 $0x0;
	[smem:$0x7FF] =	sst s1  }
0x7: {  	s3 =	sadd.s32 $0x2400, s2;
	s4 =	sadd.s32 $0xC10600, s2;
	s5 =	sand.u32 $0x1, s5  }
0x8: {  	s2 =	stileid.u32;
	_ =	strace $0x8000004A;
	s6 =	ssub.s32 $0x2, s5  }
0x9: {  	s7 =	sshll.u32 s2, $0x1;
	s9 =	smul.u32 $0x13C00, s2;
	s10 =	sshrl.u32 s6, $0x1  }
.Ltmp0:
0xa: {  	s7 =	sor.u32 s5, s7;
	s5 =	sshll.u32 s5, $0x9;
	(pc) =	sbr.rel .LBB2_1-.Ltmp0, $4  }
0xb: {  	v0 =	vlaneseq.u32;
	p0 =	slt.u32 s2, $0x2;
	s10 =	ssub.s32 s6, s10;
	s9 =	sor.u32 s5, s9  }
0xc: {  	v0 =	vmul.u32 $0x401, v0;
	s11 =	smul.u32 $0x1004, s7;
	s6 =	simm.s32 $0x4F;
	s31 =	sshrl.u32 s9, $0x3  }
0xd: {  	s6 =	simm.s32 @!p0 $0x4E;
	s9 =	smax.u32 s10, $0x1;
	s10 =	simm.s32 $0x13C00  }
0xe: {  	v1 =	vimm.s32 $0x0;
	v2 =	vimm.s32 $0x1;
	v3 =	vadd.s32 $0x4010, v0;
	s7 =	sadd.s32 s3, s31;
	s8 =	sadd.s32 s8, s11;
	s11 =	simm.s32 $0x3  }
.LBB2_25:
0xf: {  	s17 =	sadd.s32 $0x1, s17  }
0x10: {  	p0 =	sne.s32 s17, s9  }
.Ltmp1:
0x11: {  	_ = 	snop;
	(pc) =	sbr.rel @!p0 .LBB2_26-.Ltmp1, $4  }
0x12: {  	[hbm4b:s8+s1] =	stream.linear.scatter [tilespmem:s15], [sflag:$0x3], $0x8020, $0x38;
	[tilespmem:$0x1BD00] =	vst v63  }
0x13: {  	_ =	swait.ge [sflag:s11], $0x8020  }
0x14: {  	[sflag:s11] =	ssyncset.done $0x0  }
0x15: {  	[sflag:s11] =	ssyncadd.s32 $0xFFFF7FE0  }
.LBB2_1:
0x16: {  	s18 =	simm.s32 $0x40;
	s19 =	simm.s32 $0x0  }
.LBB2_2:
0x17: {  	p0 =	sne.s32 s18, $0x20040;
	[tilespmem:s19+$0x13C80] =	vst v1;
	s19 =	smov.u32 s18;
	s18 =	sadd.s32 $0x40, s18  }
.Ltmp2:
0x18: {  	(pc) =	sbr.rel @p0 .LBB2_2-.Ltmp2, $2  }
0x19: {  	_ =	sdelay $0x2  }
0x1a: {  	s19 =	sshra.s32 s19, $0x2  }
0x1b: {  	[tilespmem:s19+$0x13C80] =	vst v1;
	s18 =	simm.s32 $0x0  }
0x1c: {  	[tilespmem:s10], [sflag:$0x3] =	stream.linear.gather [hbm4b:s4+s18], $0x80, $0x38;
	[tilespmem:$0x1BD00] =	vst v63  }
0x1d: {  	_ =	swait.ge [sflag:s11], $0x80  }
.Ltmp3:
0x1e: {  	[sflag:s11] =	ssyncset.done $0x0;
	(pc) =	sbr.rel .LBB2_4-.Ltmp3, $3  }
0x1f: {  	[sflag:s11] =	ssyncadd.s32 $0xFFFFFF80  }
0x20: {  	v4 =	vld [tilespmem:$0x13C00];
	_ =	sdelay $0x1  }
0x21: {  	[tilespmem:s18], [sflag:$0x1] =	stream.strided.gather [hbm4b:s7+s12], $0x9E00, s13, s12, $0x38;
	[tilespmem:$0x1BD00] =	vst v63  }
.LBB2_24:
0x22: {  	p0 =	sne.s32 s18, s6  }
.Ltmp4:
0x23: {  	_ = 	snop;
	(pc) =	sbr.rel @!p0 .LBB2_25-.Ltmp4, $1  }
0x24: {  	_ =	sdelay $0x3  }
.LBB2_4:
0x25: {  	s19 =	sand.u32 $0x1, s18;
	s18 =	sadd.s32 $0x1, s18  }
0x26: {  	p1 =	sge.u32 s18, s6  }
0x27: {  	p0 =	sne.s32 @!p1 s19, $0x0  }
0x28: {  	p2 =	por p0, p1  }
0x29: {  	s20 =	sshll.u32 @!p2 s18, $0x4  }
0x2a: {  	p0 =	seq.s32 s19, $0x1;
	s20 =	sor.u32 @!p2 s2, s20  }
0x2b: {  	p1 =	por !p0, p1;
	s20 =	smul.u32 @!p2 $0x13C00, s20  }
0x2c: {  	s21 =	sshll.u32 @!p1 s18, $0x4  }
0x2d: {  	s22 =	simm.s32 @!p2 $0x200;
	s21 =	sand.u32 @!p1 $0x3FFFE0, s21;
	s20 =	sor.u32 @!p2 s5, s20  }
0x2e: {  	s23 =	simm.s32 @!p2 $0x400;
	s21 =	sor.u32 @!p1 s2, s21;
	s20 =	sshrl.u32 @!p2 s20, $0x3  }
0x2f: {  	s24 =	simm.s32 @!p2 $0x9E00;
	s21 =	smul.u32 @!p1 $0x13C00, s21;
	s20 =	sadd.s32 @!p2 s3, s20  }
0x30: {  	[tilespmem:s24], [sflag:$0x2] =	stream.strided.gather @!p2 [hbm4b:s20+s22], $0x9E00, s23, s22, $0x38;
	[tilespmem:$0x1BD00] =	vst v63  }
0x31: {  	s20 =	sor.u32 @!p1 s5, s21  }
0x32: {  	s21 =	simm.s32 @!p1 $0x200;
	s20 =	sshrl.u32 @!p1 s20, $0x3  }
0x33: {  	s22 =	simm.s32 @!p1 $0x400;
	s23 =	simm.s32 @!p1 $0x0;
	s20 =	sadd.s32 @!p1 s3, s20  }
0x34: {  	[tilespmem:s23], [sflag:$0x1] =	stream.strided.gather @!p1 [hbm4b:s20+s21], $0x9E00, s22, s21, $0x38;
	[tilespmem:$0x1BD00] =	vst v63  }
0x35: {  	p1 =	sne.s32 s19, $0x0  }
.Ltmp5:
0x36: {  	_ = 	snop;
	(pc) =	sbr.rel @p1 .LBB2_14-.Ltmp5, $1  }
0x37: {  	_ =	sdelay $0x3  }
0x38: {  	_ =	swait.ge [sflag:s14], $0x9E00  }
0x39: {  	[sflag:s14] =	ssyncset.done $0x0  }
0x3a: {  	s19 =	simm.s32 $0x40;
	[sflag:s14] =	ssyncadd.s32 $0xFFFF6200  }
0x3b: {  	v6 =	vld [tilespmem:s19+$0xFFFFFFD0]  }
0x3c: {  	v8 =	vld [tilespmem:s19+$0xFFFFFFC0]  }
0x3d: {  	v12 =	vld [tilespmem:s19+$0x20]  }
0x3e: {  	v13 =	vld [tilespmem:s19+$0x0]  }
0x3f: {  	v10 =	vld [tilespmem:s19+$0xFFFFFFF0]  }
0x40: {  	v7 =	vld [tilespmem:s19+$0x10]  }
0x41: {  	v9 =	vshrl.u32 v8, $0xA;
	v11 =	vshrl.u32 v6, $0xA;
	v6 =	vand.u32 $0xFFF00000, v6  }
0x42: {  	v5 =	vld [tilespmem:s19+$0x30];
	v14 =	vand.u32 $0xFFF00000, v8;
	vm1 =	veq.s32 v6, v4;
	v6 =	vand.u32 $0x3FF, v9  }
0x43: {  	vm2 =	veq.s32 v14, v4;
	v9 =	vand.u32 $0xFFF00000, v12;
	v14 =	vshrl.u32 v12, $0xA;
	v12 =	vld [tilespmem:s19+$0xFFFFFFE0]  }
0x44: {  	v15 =	vshrl.u32 v10, $0xA;
	v17 =	vshrl.u32 v13, $0xA  }
0x45: {  	v13 =	vand.u32 $0xFFF00000, v13;
	v8 =	vand.u32 $0x3FF, v11;
	v11 =	vand.u32 $0xFFF00000, v7  }
0x46: {  	v16 =	vand.u32 $0x3FF, v15;
	v15 =	vand.u32 $0x3FF, v17;
	v8 =	vadd.s32 v3, v8  }
0x47: {  	s20 =	simm.s32 $0x0;
	s21 =	simm.s32 $0x240;
	v6 =	vadd.s32 v0, v6;
	vm0 =	veq.s32 v9, v4;
	v9 =	vand.u32 $0xFFF00000, v5  }
.LBB2_6:
0x48: {  	v17 =	vld [tilespmem:s21+$0x20];
	s20 =	sadd.s32 $0x8, s20;
	v18 =	vshrl.u32 v12, $0xA;
	v16 =	vadd.s32 v3, v16;
	v19 =	vadd.s32 v0, v15;
	s19 =	simm.s32 $0xF0  }
0x49: {  	v10 =	vand.u32 $0xFFF00000, v10;
	v14 =	vand.u32 $0x3FF, v14;
	v15 =	vld [tilespmem:s21+$0xFFFFFFD0];
	p1 =	slt.u32 s20, $0x270;
	v18 =	vand.u32 $0x3FF, v18  }
0x4a: {  	vm3 =	veq.s32 v13, v4;
	v7 =	vshrl.u32 v7, $0xA;
	v20 =	vld [tilespmem:s21+$0x0];
	v18 =	vadd.s32 v0, v18  }
0x4b: {  	v12 =	vand.u32 $0xFFF00000, v12;
	vm5 =	veq.s32 v10, v4;
	v7 =	vand.u32 $0x3FF, v7;
	v13 =	vld [tilespmem:s21+$0xFFFFFFC0]  }
0x4c: {  	vm6 =	veq.s32 v12, v4;
	v14 =	vadd.s32 v0, v14;
	v10 =	vshrl.u32 v5, $0xA;
	v5 =	vld [tilespmem:s21+$0x30]  }
0x4d: {  	vm7 =	veq.s32 v11, v4;
	v21 =	vadd.s32 v3, v7;
	v7 =	vand.u32 $0x3FF, v10;
	[tilespmem:v8+s15+$0x0] =	vst.idx.add.s32.msk vm1, v2  }
0x4e: {  	vm4 =	veq.s32 v9, v4;
	v22 =	vadd.s32 v3, v7;
	[tilespmem:v6+s15+$0x0] =	vst.idx.add.s32.msk vm2, v2  }
0x4f: {  	v7 =	vld [tilespmem:s21+$0x10]  }
0x50: {  	v10 =	vld [tilespmem:s21+$0xFFFFFFF0]  }
0x51: {  	v8 =	vshrl.u32 v15, $0xA;
	v9 =	vand.u32 $0xFFF00000, v15;
	v6 =	vshrl.u32 v13, $0xA;
	[tilespmem:v16+s15+$0x0] =	vst.idx.add.s32.msk vm5, v2  }
0x52: {  	v8 =	vand.u32 $0x3FF, v8;
	vm1 =	veq.s32 v9, v4;
	v11 =	vand.u32 $0xFFF00000, v13;
	v12 =	vld [tilespmem:s21+$0xFFFFFFE0]  }
.Ltmp6:
0x53: {  	v8 =	vadd.s32 v3, v8;
	v6 =	vand.u32 $0x3FF, v6;
	[tilespmem:v18+s15+$0x0] =	vst.idx.add.s32.msk vm6, v2;
	(pc) =	sbr.rel @p1 .LBB2_6-.Ltmp6, $4  }
0x54: {  	v13 =	vand.u32 $0xFFF00000, v17;
	vm2 =	veq.s32 v11, v4;
	v6 =	vadd.s32 v0, v6;
	[tilespmem:v21+s15+$0x0] =	vst.idx.add.s32.msk vm7, v2  }
0x55: {  	v9 =	vand.u32 $0xFFF00000, v5;
	v11 =	vand.u32 $0xFFF00000, v7;
	[tilespmem:v14+s15+$0x0] =	vst.idx.add.s32.msk vm0, v2;
	vm0 =	veq.s32 v13, v4  }
0x56: {  	v15 =	vshrl.u32 v20, $0xA;
	v13 =	vshrl.u32 v10, $0xA;
	v14 =	vshrl.u32 v17, $0xA;
	[tilespmem:v22+s15+$0x0] =	vst.idx.add.s32.msk vm4, v2  }
0x57: {  	v15 =	vand.u32 $0x3FF, v15;
	s21 =	sadd.s32 $0x200, s21;
	v16 =	vand.u32 $0x3FF, v13;
	v13 =	vand.u32 $0xFFF00000, v20;
	[tilespmem:v19+s15+$0x0] =	vst.idx.add.s32.msk vm3, v2  }
0x58: {  	_ =	sdelay $0x2  }
0x59: {  	v17 =	vshrl.u32 v12, $0xA  }
0x5a: {  	v16 =	vadd.s32 v3, v16;
	vm5 =	veq.s32 v11, v4;
	v11 =	vand.u32 $0x3FF, v14  }
0x5b: {  	v10 =	vand.u32 $0xFFF00000, v10;
	[tilespmem:v6+s15+$0x0] =	vst.idx.add.s32.msk vm2, v2;
	vm2 =	veq.s32 v13, v4;
	v11 =	vadd.s32 v0, v11  }
0x5c: {  	v12 =	vand.u32 $0xFFF00000, v12;
	v6 =	vadd.s32 v0, v15;
	vm3 =	veq.s32 v10, v4  }
0x5d: {  	v7 =	vshrl.u32 v7, $0xA;
	v10 =	vand.u32 $0x3FF, v17;
	vm4 =	veq.s32 v12, v4  }
0x5e: {  	v5 =	vshrl.u32 v5, $0xA;
	v7 =	vand.u32 $0x3FF, v7;
	v10 =	vadd.s32 v0, v10  }
0x5f: {  	[tilespmem:v8+s15+$0x0] =	vst.idx.add.s32.msk vm1, v2;
	vm1 =	veq.s32 v9, v4;
	v5 =	vand.u32 $0x3FF, v5;
	v7 =	vadd.s32 v3, v7  }
0x60: {  	v5 =	vadd.s32 v3, v5;
	[tilespmem:v11+s15+$0x0] =	vst.idx.add.s32.msk vm0, v2  }
0x61: {  	[tilespmem:v6+s15+$0x0] =	vst.idx.add.s32.msk vm2, v2  }
0x62: {  	[tilespmem:v16+s15+$0x0] =	vst.idx.add.s32.msk vm3, v2  }
0x63: {  	[tilespmem:v10+s15+$0x0] =	vst.idx.add.s32.msk vm4, v2  }
0x64: {  	[tilespmem:v7+s15+$0x0] =	vst.idx.add.s32.msk vm5, v2  }
0x65: {  	[tilespmem:v5+s15+$0x0] =	vst.idx.add.s32.msk vm1, v2  }
0x66: {  	v5 =	vld [tilespmem:s19+$0x0]  }
0x67: {  	v6 =	vld [tilespmem:s19+$0xFFFFFFA0]  }
0x68: {  	v7 =	vld [tilespmem:s19+$0xFFFFFF90]  }
0x69: {  	v9 =	vld [tilespmem:s19+$0xFFFFFFC0];
	_ =	sdelay $0x2  }
0x6a: {  	v8 =	vand.u32 $0xFFF00000, v5  }
0x6b: {  	v5 =	vshrl.u32 v5, $0xA;
	v10 =	vand.u32 $0xFFF00000, v7;
	v11 =	vshrl.u32 v7, $0xA  }
0x6c: {  	v12 =	vshrl.u32 v9, $0xA;
	vm2 =	veq.s32 v8, v4;
	v8 =	vshrl.u32 v6, $0xA  }
0x6d: {  	v13 =	vld [tilespmem:s19+$0xFFFFFFD0];
	v6 =	vand.u32 $0xFFF00000, v6;
	vm3 =	veq.s32 v10, v4;
	v10 =	vand.u32 $0x3FF, v11  }
0x6e: {  	v7 =	vld [tilespmem:s19+$0xFFFFFFB0];
	v8 =	vand.u32 $0x3FF, v8;
	vm1 =	veq.s32 v6, v4;
	v6 =	vand.u32 $0x3FF, v5  }
0x6f: {  	v11 =	vand.u32 $0xFFF00000, v9;
	v9 =	vld [tilespmem:s19+$0xFFFFFFF0];
	v5 =	vadd.s32 v3, v8;
	v8 =	vadd.s32 v3, v6  }
0x70: {  	v6 =	vld [tilespmem:s19+$0xFFFFFFE0];
	_ =	sdelay $0x1  }
0x71: {  	v14 =	vand.u32 $0xFFF00000, v13  }
0x72: {  	s20 =	simm.s32 $0x0;
	s21 =	simm.s32 $0x2F0;
	v13 =	vshrl.u32 v13, $0xA;
	vm0 =	veq.s32 v14, v4;
	v10 =	vadd.s32 v0, v10  }
.LBB2_8:
0x73: {  	s20 =	sadd.s32 $0x8, s20;
	v14 =	vshrl.u32 v7, $0xA;
	v13 =	vand.u32 $0x3FF, v13;
	v15 =	vshrl.u32 v9, $0xA;
	[tilespmem:v8+s15+$0x0] =	vst.idx.add.s32.msk vm2, v2;
	s19 =	simm.s32 $0x170  }
0x74: {  	v8 =	vld [tilespmem:s21+$0xFFFFFFA0];
	p1 =	slt.u32 s20, $0x270;
	v14 =	vand.u32 $0x3FF, v14;
	v16 =	vadd.s32 v0, v13;
	v13 =	vand.u32 $0xFFF00000, v6  }
0x75: {  	v6 =	vshrl.u32 v6, $0xA;
	v15 =	vand.u32 $0x3FF, v15;
	v17 =	vld [tilespmem:s21+$0x0];
	v14 =	vadd.s32 v0, v14  }
0x76: {  	v12 =	vand.u32 $0x3FF, v12;
	v9 =	vand.u32 $0xFFF00000, v9;
	v6 =	vand.u32 $0x3FF, v6;
	v18 =	vld [tilespmem:s21+$0xFFFFFFD0]  }
0x77: {  	v7 =	vand.u32 $0xFFF00000, v7;
	[tilespmem:v10+s15+$0x0] =	vst.idx.add.s32.msk vm3, v2;
	vm3 =	veq.s32 v11, v4;
	v10 =	vadd.s32 v3, v6  }
0x78: {  	v12 =	vadd.s32 v3, v12;
	vm5 =	veq.s32 v9, v4;
	vm4 =	veq.s32 v13, v4;
	v11 =	vld [tilespmem:s21+$0xFFFFFF90]  }
0x79: {  	v13 =	vadd.s32 v0, v15;
	[tilespmem:v5+s15+$0x0] =	vst.idx.add.s32.msk vm1, v2  }
0x7a: {  	vm6 =	veq.s32 v7, v4;
	v6 =	vld [tilespmem:s21+$0xFFFFFFE0];
	v5 =	vand.u32 $0xFFF00000, v17  }
0x7b: {  	v15 =	vld [tilespmem:s21+$0xFFFFFFC0];
	vm2 =	veq.s32 v5, v4  }
0x7c: {  	v9 =	vshrl.u32 v17, $0xA;
	v5 =	vshrl.u32 v8, $0xA;
	v8 =	vand.u32 $0xFFF00000, v8;
	v7 =	vld [tilespmem:s21+$0xFFFFFFB0]  }
0x7d: {  	v5 =	vand.u32 $0x3FF, v5;
	vm1 =	veq.s32 v8, v4;
	v8 =	vand.u32 $0x3FF, v9;
	[tilespmem:v12+s15+$0x0] =	vst.idx.add.s32.msk vm3, v2  }
.Ltmp7:
0x7e: {  	v5 =	vadd.s32 v3, v5;
	v8 =	vadd.s32 v3, v8;
	v9 =	vld [tilespmem:s21+$0xFFFFFFF0];
	(pc) =	sbr.rel @p1 .LBB2_8-.Ltmp7, $4  }
0x7f: {  	v12 =	vand.u32 $0xFFF00000, v11;
	[tilespmem:v13+s15+$0x0] =	vst.idx.add.s32.msk vm5, v2  }
0x80: {  	v11 =	vshrl.u32 v11, $0xA;
	vm3 =	veq.s32 v12, v4;
	v12 =	vshrl.u32 v15, $0xA;
	[tilespmem:v14+s15+$0x0] =	vst.idx.add.s32.msk vm6, v2  }
0x81: {  	v13 =	vand.u32 $0x3FF, v11;
	v11 =	vand.u32 $0xFFF00000, v15;
	v14 =	vand.u32 $0xFFF00000, v18;
	[tilespmem:v10+s15+$0x0] =	vst.idx.add.s32.msk vm4, v2  }
0x82: {  	s21 =	sadd.s32 $0x200, s21;
	v10 =	vadd.s32 v0, v13;
	v13 =	vshrl.u32 v18, $0xA;
	[tilespmem:v16+s15+$0x0] =	vst.idx.add.s32.msk vm0, v2;
	vm0 =	veq.s32 v14, v4  }
0x83: {  	_ =	sdelay $0x1  }
0x84: {  	v14 =	vshrl.u32 v7, $0xA  }
0x85: {  	v15 =	vshrl.u32 v9, $0xA;
	v16 =	vand.u32 $0xFFF00000, v6;
	v12 =	vand.u32 $0x3FF, v12  }
0x86: {  	v9 =	vand.u32 $0xFFF00000, v9;
	vm4 =	veq.s32 v11, v4;
	v7 =	vand.u32 $0xFFF00000, v7  }
0x87: {  	v6 =	vshrl.u32 v6, $0xA;
	[tilespmem:v8+s15+$0x0] =	vst.idx.add.s32.msk vm2, v2;
	v8 =	vand.u32 $0x3FF, v13;
	v11 =	vadd.s32 v3, v12  }
0x88: {  	[tilespmem:v5+s15+$0x0] =	vst.idx.add.s32.msk vm1, v2;
	v15 =	vand.u32 $0x3FF, v15;
	vm5 =	veq.s32 v9, v4;
	v5 =	vadd.s32 v0, v8  }
0x89: {  	v14 =	vand.u32 $0x3FF, v14;
	vm6 =	veq.s32 v7, v4;
	v9 =	vadd.s32 v0, v15  }
0x8a: {  	v6 =	vand.u32 $0x3FF, v6;
	vm2 =	veq.s32 v16, v4;
	v7 =	vadd.s32 v0, v14  }
0x8b: {  	[tilespmem:v10+s15+$0x0] =	vst.idx.add.s32.msk vm3, v2;
	v6 =	vadd.s32 v3, v6  }
0x8c: {  	[tilespmem:v11+s15+$0x0] =	vst.idx.add.s32.msk vm4, v2  }
0x8d: {  	[tilespmem:v5+s15+$0x0] =	vst.idx.add.s32.msk vm0, v2  }
0x8e: {  	[tilespmem:v9+s15+$0x0] =	vst.idx.add.s32.msk vm5, v2  }
0x8f: {  	[tilespmem:v7+s15+$0x0] =	vst.idx.add.s32.msk vm6, v2  }
0x90: {  	[tilespmem:v6+s15+$0x0] =	vst.idx.add.s32.msk vm2, v2  }
0x91: {  	v6 =	vld [tilespmem:s19+$0xFFFFFFA0]  }
0x92: {  	v8 =	vld [tilespmem:s19+$0xFFFFFF90]  }
0x93: {  	v12 =	vld [tilespmem:s19+$0xFFFFFFF0]  }
0x94: {  	v13 =	vld [tilespmem:s19+$0xFFFFFFD0]  }
0x95: {  	v10 =	vld [tilespmem:s19+$0xFFFFFFC0]  }
0x96: {  	v7 =	vld [tilespmem:s19+$0xFFFFFFE0]  }
0x97: {  	v9 =	vshrl.u32 v8, $0xA;
	v11 =	vshrl.u32 v6, $0xA;
	v6 =	vand.u32 $0xFFF00000, v6  }
0x98: {  	v5 =	vld [tilespmem:s19+$0x0];
	v14 =	vand.u32 $0xFFF00000, v8;
	vm1 =	veq.s32 v6, v4;
	v6 =	vand.u32 $0x3FF, v9  }
0x99: {  	vm2 =	veq.s32 v14, v4;
	v9 =	vand.u32 $0xFFF00000, v12;
	v14 =	vshrl.u32 v12, $0xA;
	v12 =	vld [tilespmem:s19+$0xFFFFFFB0]  }
0x9a: {  	v15 =	vshrl.u32 v10, $0xA;
	v17 =	vshrl.u32 v13, $0xA  }
0x9b: {  	v13 =	vand.u32 $0xFFF00000, v13;
	v8 =	vand.u32 $0x3FF, v11;
	v11 =	vand.u32 $0xFFF00000, v7  }
0x9c: {  	v16 =	vand.u32 $0x3FF, v15;
	v15 =	vand.u32 $0x3FF, v17;
	v8 =	vadd.s32 v3, v8  }
0x9d: {  	s20 =	simm.s32 $0x0;
	s21 =	simm.s32 $0x370;
	v6 =	vadd.s32 v0, v6;
	vm0 =	veq.s32 v9, v4;
	v9 =	vand.u32 $0xFFF00000, v5  }
.LBB2_10:
0x9e: {  	v17 =	vld [tilespmem:s21+$0xFFFFFFF0];
	s20 =	sadd.s32 $0x8, s20;
	v18 =	vshrl.u32 v12, $0xA;
	v16 =	vadd.s32 v3, v16;
	v19 =	vadd.s32 v0, v15;
	s19 =	simm.s32 $0x1F0  }
0x9f: {  	v10 =	vand.u32 $0xFFF00000, v10;
	v14 =	vand.u32 $0x3FF, v14;
	v15 =	vld [tilespmem:s21+$0xFFFFFFA0];
	p1 =	slt.u32 s20, $0x270;
	v18 =	vand.u32 $0x3FF, v18  }
0xa0: {  	vm3 =	veq.s32 v13, v4;
	v7 =	vshrl.u32 v7, $0xA;
	v20 =	vld [tilespmem:s21+$0xFFFFFFD0];
	v18 =	vadd.s32 v0, v18  }
0xa1: {  	v12 =	vand.u32 $0xFFF00000, v12;
	vm5 =	veq.s32 v10, v4;
	v7 =	vand.u32 $0x3FF, v7;
	v13 =	vld [tilespmem:s21+$0xFFFFFF90]  }
0xa2: {  	vm6 =	veq.s32 v12, v4;
	v14 =	vadd.s32 v0, v14;
	v10 =	vshrl.u32 v5, $0xA;
	v5 =	vld [tilespmem:s21+$0x0]  }
0xa3: {  	vm7 =	veq.s32 v11, v4;
	v21 =	vadd.s32 v3, v7;
	v7 =	vand.u32 $0x3FF, v10;
	[tilespmem:v8+s15+$0x0] =	vst.idx.add.s32.msk vm1, v2  }
0xa4: {  	vm4 =	veq.s32 v9, v4;
	v22 =	vadd.s32 v3, v7;
	[tilespmem:v6+s15+$0x0] =	vst.idx.add.s32.msk vm2, v2  }
0xa5: {  	v7 =	vld [tilespmem:s21+$0xFFFFFFE0]  }
0xa6: {  	v10 =	vld [tilespmem:s21+$0xFFFFFFC0]  }
0xa7: {  	v8 =	vshrl.u32 v15, $0xA;
	v9 =	vand.u32 $0xFFF00000, v15;
	v6 =	vshrl.u32 v13, $0xA;
	[tilespmem:v16+s15+$0x0] =	vst.idx.add.s32.msk vm5, v2  }
0xa8: {  	v8 =	vand.u32 $0x3FF, v8;
	vm1 =	veq.s32 v9, v4;
	v11 =	vand.u32 $0xFFF00000, v13;
	v12 =	vld [tilespmem:s21+$0xFFFFFFB0]  }
.Ltmp8:
0xa9: {  	v8 =	vadd.s32 v3, v8;
	v6 =	vand.u32 $0x3FF, v6;
	[tilespmem:v18+s15+$0x0] =	vst.idx.add.s32.msk vm6, v2;
	(pc) =	sbr.rel @p1 .LBB2_10-.Ltmp8, $4  }
0xaa: {  	v13 =	vand.u32 $0xFFF00000, v17;
	vm2 =	veq.s32 v11, v4;
	v6 =	vadd.s32 v0, v6;
	[tilespmem:v21+s15+$0x0] =	vst.idx.add.s32.msk vm7, v2  }
0xab: {  	v9 =	vand.u32 $0xFFF00000, v5;
	v11 =	vand.u32 $0xFFF00000, v7;
	[tilespmem:v14+s15+$0x0] =	vst.idx.add.s32.msk vm0, v2;
	vm0 =	veq.s32 v13, v4  }
0xac: {  	v15 =	vshrl.u32 v20, $0xA;
	v13 =	vshrl.u32 v10, $0xA;
	v14 =	vshrl.u32 v17, $0xA;
	[tilespmem:v22+s15+$0x0] =	vst.idx.add.s32.msk vm4, v2  }
0xad: {  	v15 =	vand.u32 $0x3FF, v15;
	s21 =	sadd.s32 $0x200, s21;
	v16 =	vand.u32 $0x3FF, v13;
	v13 =	vand.u32 $0xFFF00000, v20;
	[tilespmem:v19+s15+$0x0] =	vst.idx.add.s32.msk vm3, v2  }
0xae: {  	_ =	sdelay $0x2  }
0xaf: {  	v17 =	vshrl.u32 v12, $0xA  }
0xb0: {  	v16 =	vadd.s32 v3, v16;
	vm5 =	veq.s32 v11, v4;
	v11 =	vand.u32 $0x3FF, v14  }
0xb1: {  	v10 =	vand.u32 $0xFFF00000, v10;
	[tilespmem:v6+s15+$0x0] =	vst.idx.add.s32.msk vm2, v2;
	vm2 =	veq.s32 v13, v4;
	v11 =	vadd.s32 v0, v11  }
0xb2: {  	v12 =	vand.u32 $0xFFF00000, v12;
	v6 =	vadd.s32 v0, v15;
	vm3 =	veq.s32 v10, v4  }
0xb3: {  	v7 =	vshrl.u32 v7, $0xA;
	v10 =	vand.u32 $0x3FF, v17;
	vm4 =	veq.s32 v12, v4  }
0xb4: {  	v5 =	vshrl.u32 v5, $0xA;
	v7 =	vand.u32 $0x3FF, v7;
	v10 =	vadd.s32 v0, v10  }
0xb5: {  	[tilespmem:v8+s15+$0x0] =	vst.idx.add.s32.msk vm1, v2;
	vm1 =	veq.s32 v9, v4;
	v5 =	vand.u32 $0x3FF, v5;
	v7 =	vadd.s32 v3, v7  }
0xb6: {  	v5 =	vadd.s32 v3, v5;
	[tilespmem:v11+s15+$0x0] =	vst.idx.add.s32.msk vm0, v2  }
0xb7: {  	[tilespmem:v6+s15+$0x0] =	vst.idx.add.s32.msk vm2, v2  }
0xb8: {  	[tilespmem:v16+s15+$0x0] =	vst.idx.add.s32.msk vm3, v2  }
0xb9: {  	[tilespmem:v10+s15+$0x0] =	vst.idx.add.s32.msk vm4, v2  }
0xba: {  	[tilespmem:v7+s15+$0x0] =	vst.idx.add.s32.msk vm5, v2  }
0xbb: {  	[tilespmem:v5+s15+$0x0] =	vst.idx.add.s32.msk vm1, v2  }
0xbc: {  	v5 =	vld [tilespmem:s19+$0x0]  }
0xbd: {  	v6 =	vld [tilespmem:s19+$0xFFFFFFA0]  }
0xbe: {  	v7 =	vld [tilespmem:s19+$0xFFFFFF90]  }
0xbf: {  	v9 =	vld [tilespmem:s19+$0xFFFFFFC0];
	_ =	sdelay $0x2  }
0xc0: {  	v8 =	vand.u32 $0xFFF00000, v5  }
0xc1: {  	v5 =	vshrl.u32 v5, $0xA;
	v10 =	vand.u32 $0xFFF00000, v7;
	v12 =	vshrl.u32 v7, $0xA  }
0xc2: {  	v11 =	vshrl.u32 v9, $0xA;
	vm2 =	veq.s32 v8, v4;
	v8 =	vshrl.u32 v6, $0xA  }
0xc3: {  	v13 =	vld [tilespmem:s19+$0xFFFFFFD0];
	v6 =	vand.u32 $0xFFF00000, v6;
	vm3 =	veq.s32 v10, v4;
	v10 =	vand.u32 $0x3FF, v12  }
0xc4: {  	v7 =	vld [tilespmem:s19+$0xFFFFFFB0];
	v8 =	vand.u32 $0x3FF, v8;
	vm1 =	veq.s32 v6, v4;
	v6 =	vand.u32 $0x3FF, v5  }
0xc5: {  	v12 =	vand.u32 $0xFFF00000, v9;
	v9 =	vld [tilespmem:s19+$0xFFFFFFF0];
	v5 =	vadd.s32 v3, v8;
	v8 =	vadd.s32 v3, v6  }
0xc6: {  	v6 =	vld [tilespmem:s19+$0xFFFFFFE0];
	_ =	sdelay $0x1  }
0xc7: {  	v14 =	vand.u32 $0xFFF00000, v13  }
0xc8: {  	s20 =	simm.s32 $0x0;
	v13 =	vshrl.u32 v13, $0xA;
	vm0 =	veq.s32 v14, v4;
	v10 =	vadd.s32 v0, v10;
	s19 =	simm.s32 $0x3F0  }
.LBB2_12:
0xc9: {  	s20 =	sadd.s32 $0x8, s20;
	v14 =	vshrl.u32 v7, $0xA;
	v13 =	vand.u32 $0x3FF, v13;
	v15 =	vshrl.u32 v9, $0xA;
	[tilespmem:v8+s15+$0x0] =	vst.idx.add.s32.msk vm2, v2  }
0xca: {  	v8 =	vld [tilespmem:s19+$0xFFFFFFA0];
	p1 =	slt.u32 s20, $0x270;
	v14 =	vand.u32 $0x3FF, v14;
	v16 =	vadd.s32 v0, v13;
	v13 =	vand.u32 $0xFFF00000, v6  }
0xcb: {  	v6 =	vshrl.u32 v6, $0xA;
	v15 =	vand.u32 $0x3FF, v15;
	v17 =	vld [tilespmem:s19+$0x0];
	v14 =	vadd.s32 v0, v14  }
0xcc: {  	v11 =	vand.u32 $0x3FF, v11;
	v9 =	vand.u32 $0xFFF00000, v9;
	v6 =	vand.u32 $0x3FF, v6;
	v18 =	vld [tilespmem:s19+$0xFFFFFFD0]  }
0xcd: {  	v7 =	vand.u32 $0xFFF00000, v7;
	[tilespmem:v10+s15+$0x0] =	vst.idx.add.s32.msk vm3, v2;
	vm3 =	veq.s32 v12, v4;
	v10 =	vadd.s32 v3, v6  }
0xce: {  	v11 =	vadd.s32 v3, v11;
	vm5 =	veq.s32 v9, v4;
	vm4 =	veq.s32 v13, v4;
	v12 =	vld [tilespmem:s19+$0xFFFFFF90]  }
0xcf: {  	v13 =	vadd.s32 v0, v15;
	[tilespmem:v5+s15+$0x0] =	vst.idx.add.s32.msk vm1, v2  }
0xd0: {  	vm6 =	veq.s32 v7, v4;
	v6 =	vld [tilespmem:s19+$0xFFFFFFE0];
	v5 =	vand.u32 $0xFFF00000, v17  }
0xd1: {  	v15 =	vld [tilespmem:s19+$0xFFFFFFC0];
	vm2 =	veq.s32 v5, v4  }
0xd2: {  	v9 =	vshrl.u32 v17, $0xA;
	v5 =	vshrl.u32 v8, $0xA;
	v8 =	vand.u32 $0xFFF00000, v8;
	v7 =	vld [tilespmem:s19+$0xFFFFFFB0]  }
0xd3: {  	v5 =	vand.u32 $0x3FF, v5;
	vm1 =	veq.s32 v8, v4;
	v8 =	vand.u32 $0x3FF, v9;
	[tilespmem:v11+s15+$0x0] =	vst.idx.add.s32.msk vm3, v2  }
.Ltmp9:
0xd4: {  	v5 =	vadd.s32 v3, v5;
	v8 =	vadd.s32 v3, v8;
	v9 =	vld [tilespmem:s19+$0xFFFFFFF0];
	(pc) =	sbr.rel @p1 .LBB2_12-.Ltmp9, $4  }
0xd5: {  	v11 =	vand.u32 $0xFFF00000, v12;
	[tilespmem:v13+s15+$0x0] =	vst.idx.add.s32.msk vm5, v2  }
0xd6: {  	v12 =	vshrl.u32 v12, $0xA;
	vm3 =	veq.s32 v11, v4;
	v11 =	vshrl.u32 v15, $0xA;
	[tilespmem:v14+s15+$0x0] =	vst.idx.add.s32.msk vm6, v2  }
0xd7: {  	v13 =	vand.u32 $0x3FF, v12;
	v12 =	vand.u32 $0xFFF00000, v15;
	v14 =	vand.u32 $0xFFF00000, v18;
	[tilespmem:v10+s15+$0x0] =	vst.idx.add.s32.msk vm4, v2  }
0xd8: {  	s19 =	sadd.s32 $0x200, s19;
	v10 =	vadd.s32 v0, v13;
	v13 =	vshrl.u32 v18, $0xA;
	[tilespmem:v16+s15+$0x0] =	vst.idx.add.s32.msk vm0, v2;
	vm0 =	veq.s32 v14, v4  }
0xd9: {  	_ = 	snop  }
0xda: {  	v14 =	vshrl.u32 v7, $0xA  }
0xdb: {  	v15 =	vshrl.u32 v9, $0xA;
	vm4 =	veq.s32 v12, v4;
	v60 =	vand.u32 $0xFFF00000, v6  }
0xdc: {  	v11 =	vand.u32 $0x3FF, v11;
	v61 =	vand.u32 $0xFFF00000, v9;
	v7 =	vand.u32 $0xFFF00000, v7  }
0xdd: {  	v6 =	vshrl.u32 v6, $0xA;
	v63 =	vand.u32 $0x3FF, v13;
	v11 =	vadd.s32 v3, v11  }
0xde: {  	[tilespmem:v5+s15+$0x0] =	vst.idx.add.s32.msk vm1, v2;
	v15 =	vand.u32 $0x3FF, v15;
	vm5 =	veq.s32 v61, v4;
	v5 =	vadd.s32 v0, v63  }
0xdf: {  	v14 =	vand.u32 $0x3FF, v14;
	vm6 =	veq.s32 v7, v4;
	v62 =	vadd.s32 v0, v15  }
0xe0: {  	[tilespmem:v8+s15+$0x0] =	vst.idx.add.s32.msk vm2, v2;
	v6 =	vand.u32 $0x3FF, v6;
	vm15 =	veq.s32 v60, v4;
	v7 =	vadd.s32 v0, v14  }
0xe1: {  	[tilespmem:v10+s15+$0x0] =	vst.idx.add.s32.msk vm3, v2;
	v6 =	vadd.s32 v3, v6  }
0xe2: {  	[tilespmem:v11+s15+$0x0] =	vst.idx.add.s32.msk vm4, v2  }
0xe3: {  	[tilespmem:v5+s15+$0x0] =	vst.idx.add.s32.msk vm0, v2  }
0xe4: {  	[tilespmem:v62+s15+$0x0] =	vst.idx.add.s32.msk vm5, v2  }
0xe5: {  	[tilespmem:v7+s15+$0x0] =	vst.idx.add.s32.msk vm6, v2  }
0xe6: {  	[tilespmem:v6+s15+$0x0] =	vst.idx.add.s32.msk vm15, v2  }
.LBB2_14:
.Ltmp10:
0xe7: {  	(pc) =	sbr.rel @!p0 .LBB2_24-.Ltmp10, $1  }
0xe8: {  	_ =	sdelay $0x3  }
0xe9: {  	_ =	swait.ge [sflag:s16], $0x9E00  }
0xea: {  	[sflag:s16] =	ssyncset.done $0x0  }
0xeb: {  	s19 =	simm.s32 $0x9E40;
	[sflag:s16] =	ssyncadd.s32 $0xFFFF6200  }
0xec: {  	v6 =	vld [tilespmem:s19+$0xFFFFFFD0]  }
0xed: {  	v8 =	vld [tilespmem:s19+$0xFFFFFFC0]  }
0xee: {  	v12 =	vld [tilespmem:s19+$0x20]  }
0xef: {  	v13 =	vld [tilespmem:s19+$0x0]  }
0xf0: {  	v10 =	vld [tilespmem:s19+$0xFFFFFFF0]  }
0xf1: {  	v7 =	vld [tilespmem:s19+$0x10]  }
0xf2: {  	v9 =	vshrl.u32 v8, $0xA;
	v11 =	vshrl.u32 v6, $0xA;
	v6 =	vand.u32 $0xFFF00000, v6  }
0xf3: {  	v5 =	vld [tilespmem:s19+$0x30];
	v14 =	vand.u32 $0xFFF00000, v8;
	vm1 =	veq.s32 v6, v4;
	v6 =	vand.u32 $0x3FF, v9  }
0xf4: {  	vm2 =	veq.s32 v14, v4;
	v9 =	vand.u32 $0xFFF00000, v12;
	v14 =	vshrl.u32 v12, $0xA;
	v12 =	vld [tilespmem:s19+$0xFFFFFFE0]  }
0xf5: {  	v15 =	vshrl.u32 v10, $0xA;
	v17 =	vshrl.u32 v13, $0xA  }
0xf6: {  	v13 =	vand.u32 $0xFFF00000, v13;
	v8 =	vand.u32 $0x3FF, v11;
	v11 =	vand.u32 $0xFFF00000, v7  }
0xf7: {  	v16 =	vand.u32 $0x3FF, v15;
	v15 =	vand.u32 $0x3FF, v17;
	v8 =	vadd.s32 v3, v8  }
0xf8: {  	s20 =	simm.s32 $0x0;
	s21 =	simm.s32 $0xA040;
	v6 =	vadd.s32 v0, v6;
	vm0 =	veq.s32 v9, v4;
	v9 =	vand.u32 $0xFFF00000, v5  }
.LBB2_16:
0xf9: {  	v17 =	vld [tilespmem:s21+$0x20];
	s20 =	sadd.s32 $0x8, s20;
	v18 =	vshrl.u32 v12, $0xA;
	v16 =	vadd.s32 v3, v16;
	v19 =	vadd.s32 v0, v15;
	s19 =	simm.s32 $0x9EF0  }
0xfa: {  	v10 =	vand.u32 $0xFFF00000, v10;
	v14 =	vand.u32 $0x3FF, v14;
	v15 =	vld [tilespmem:s21+$0xFFFFFFD0];
	p0 =	slt.u32 s20, $0x270;
	v18 =	vand.u32 $0x3FF, v18  }
0xfb: {  	vm3 =	veq.s32 v13, v4;
	v7 =	vshrl.u32 v7, $0xA;
	v20 =	vld [tilespmem:s21+$0x0];
	v18 =	vadd.s32 v0, v18  }
0xfc: {  	v12 =	vand.u32 $0xFFF00000, v12;
	vm5 =	veq.s32 v10, v4;
	v7 =	vand.u32 $0x3FF, v7;
	v13 =	vld [tilespmem:s21+$0xFFFFFFC0]  }
0xfd: {  	vm6 =	veq.s32 v12, v4;
	v14 =	vadd.s32 v0, v14;
	v10 =	vshrl.u32 v5, $0xA;
	v5 =	vld [tilespmem:s21+$0x30]  }
0xfe: {  	vm7 =	veq.s32 v11, v4;
	v21 =	vadd.s32 v3, v7;
	v7 =	vand.u32 $0x3FF, v10;
	[tilespmem:v8+s15+$0x0] =	vst.idx.add.s32.msk vm1, v2  }
0xff: {  	vm4 =	veq.s32 v9, v4;
	v22 =	vadd.s32 v3, v7;
	[tilespmem:v6+s15+$0x0] =	vst.idx.add.s32.msk vm2, v2  }
0x100: {  	v7 =	vld [tilespmem:s21+$0x10]  }
0x101: {  	v10 =	vld [tilespmem:s21+$0xFFFFFFF0]  }
0x102: {  	v8 =	vshrl.u32 v15, $0xA;
	v9 =	vand.u32 $0xFFF00000, v15;
	v6 =	vshrl.u32 v13, $0xA;
	[tilespmem:v16+s15+$0x0] =	vst.idx.add.s32.msk vm5, v2  }
0x103: {  	v8 =	vand.u32 $0x3FF, v8;
	vm1 =	veq.s32 v9, v4;
	v11 =	vand.u32 $0xFFF00000, v13;
	v12 =	vld [tilespmem:s21+$0xFFFFFFE0]  }
.Ltmp11:
0x104: {  	v8 =	vadd.s32 v3, v8;
	v6 =	vand.u32 $0x3FF, v6;
	[tilespmem:v18+s15+$0x0] =	vst.idx.add.s32.msk vm6, v2;
	(pc) =	sbr.rel @p0 .LBB2_16-.Ltmp11, $4  }
0x105: {  	v13 =	vand.u32 $0xFFF00000, v17;
	vm2 =	veq.s32 v11, v4;
	v6 =	vadd.s32 v0, v6;
	[tilespmem:v21+s15+$0x0] =	vst.idx.add.s32.msk vm7, v2  }
0x106: {  	v9 =	vand.u32 $0xFFF00000, v5;
	v11 =	vand.u32 $0xFFF00000, v7;
	[tilespmem:v14+s15+$0x0] =	vst.idx.add.s32.msk vm0, v2;
	vm0 =	veq.s32 v13, v4  }
0x107: {  	v15 =	vshrl.u32 v20, $0xA;
	v13 =	vshrl.u32 v10, $0xA;
	v14 =	vshrl.u32 v17, $0xA;
	[tilespmem:v22+s15+$0x0] =	vst.idx.add.s32.msk vm4, v2  }
0x108: {  	v15 =	vand.u32 $0x3FF, v15;
	s21 =	sadd.s32 $0x200, s21;
	v16 =	vand.u32 $0x3FF, v13;
	v13 =	vand.u32 $0xFFF00000, v20;
	[tilespmem:v19+s15+$0x0] =	vst.idx.add.s32.msk vm3, v2  }
0x109: {  	_ =	sdelay $0x2  }
0x10a: {  	v17 =	vshrl.u32 v12, $0xA  }
0x10b: {  	v16 =	vadd.s32 v3, v16;
	vm5 =	veq.s32 v11, v4;
	v11 =	vand.u32 $0x3FF, v14  }
0x10c: {  	v10 =	vand.u32 $0xFFF00000, v10;
	[tilespmem:v6+s15+$0x0] =	vst.idx.add.s32.msk vm2, v2;
	vm2 =	veq.s32 v13, v4;
	v11 =	vadd.s32 v0, v11  }
0x10d: {  	v12 =	vand.u32 $0xFFF00000, v12;
	v6 =	vadd.s32 v0, v15;
	vm3 =	veq.s32 v10, v4  }
0x10e: {  	v7 =	vshrl.u32 v7, $0xA;
	v10 =	vand.u32 $0x3FF, v17;
	vm4 =	veq.s32 v12, v4  }
0x10f: {  	v5 =	vshrl.u32 v5, $0xA;
	v7 =	vand.u32 $0x3FF, v7;
	v10 =	vadd.s32 v0, v10  }
0x110: {  	[tilespmem:v8+s15+$0x0] =	vst.idx.add.s32.msk vm1, v2;
	vm1 =	veq.s32 v9, v4;
	v5 =	vand.u32 $0x3FF, v5;
	v7 =	vadd.s32 v3, v7  }
0x111: {  	v5 =	vadd.s32 v3, v5;
	[tilespmem:v11+s15+$0x0] =	vst.idx.add.s32.msk vm0, v2  }
0x112: {  	[tilespmem:v6+s15+$0x0] =	vst.idx.add.s32.msk vm2, v2  }
0x113: {  	[tilespmem:v16+s15+$0x0] =	vst.idx.add.s32.msk vm3, v2  }
0x114: {  	[tilespmem:v10+s15+$0x0] =	vst.idx.add.s32.msk vm4, v2  }
0x115: {  	[tilespmem:v7+s15+$0x0] =	vst.idx.add.s32.msk vm5, v2  }
0x116: {  	[tilespmem:v5+s15+$0x0] =	vst.idx.add.s32.msk vm1, v2  }
0x117: {  	v5 =	vld [tilespmem:s19+$0x0]  }
0x118: {  	v6 =	vld [tilespmem:s19+$0xFFFFFFA0]  }
0x119: {  	v7 =	vld [tilespmem:s19+$0xFFFFFF90]  }
0x11a: {  	v9 =	vld [tilespmem:s19+$0xFFFFFFC0];
	_ =	sdelay $0x2  }
0x11b: {  	v8 =	vand.u32 $0xFFF00000, v5  }
0x11c: {  	v5 =	vshrl.u32 v5, $0xA;
	v10 =	vand.u32 $0xFFF00000, v7;
	v11 =	vshrl.u32 v7, $0xA  }
0x11d: {  	v12 =	vshrl.u32 v9, $0xA;
	vm2 =	veq.s32 v8, v4;
	v8 =	vshrl.u32 v6, $0xA  }
0x11e: {  	v13 =	vld [tilespmem:s19+$0xFFFFFFD0];
	v6 =	vand.u32 $0xFFF00000, v6;
	vm3 =	veq.s32 v10, v4;
	v10 =	vand.u32 $0x3FF, v11  }
0x11f: {  	v7 =	vld [tilespmem:s19+$0xFFFFFFB0];
	v8 =	vand.u32 $0x3FF, v8;
	vm1 =	veq.s32 v6, v4;
	v6 =	vand.u32 $0x3FF, v5  }
0x120: {  	v11 =	vand.u32 $0xFFF00000, v9;
	v9 =	vld [tilespmem:s19+$0xFFFFFFF0];
	v5 =	vadd.s32 v3, v8;
	v8 =	vadd.s32 v3, v6  }
0x121: {  	v6 =	vld [tilespmem:s19+$0xFFFFFFE0];
	_ =	sdelay $0x1  }
0x122: {  	v14 =	vand.u32 $0xFFF00000, v13  }
0x123: {  	s20 =	simm.s32 $0x0;
	s21 =	simm.s32 $0xA0F0;
	v13 =	vshrl.u32 v13, $0xA;
	vm0 =	veq.s32 v14, v4;
	v10 =	vadd.s32 v0, v10  }
.LBB2_18:
0x124: {  	s20 =	sadd.s32 $0x8, s20;
	v14 =	vshrl.u32 v7, $0xA;
	v13 =	vand.u32 $0x3FF, v13;
	v15 =	vshrl.u32 v9, $0xA;
	[tilespmem:v8+s15+$0x0] =	vst.idx.add.s32.msk vm2, v2;
	s19 =	simm.s32 $0x9F70  }
0x125: {  	v8 =	vld [tilespmem:s21+$0xFFFFFFA0];
	p0 =	slt.u32 s20, $0x270;
	v14 =	vand.u32 $0x3FF, v14;
	v16 =	vadd.s32 v0, v13;
	v13 =	vand.u32 $0xFFF00000, v6  }
0x126: {  	v6 =	vshrl.u32 v6, $0xA;
	v15 =	vand.u32 $0x3FF, v15;
	v17 =	vld [tilespmem:s21+$0x0];
	v14 =	vadd.s32 v0, v14  }
0x127: {  	v12 =	vand.u32 $0x3FF, v12;
	v9 =	vand.u32 $0xFFF00000, v9;
	v6 =	vand.u32 $0x3FF, v6;
	v18 =	vld [tilespmem:s21+$0xFFFFFFD0]  }
0x128: {  	v7 =	vand.u32 $0xFFF00000, v7;
	[tilespmem:v10+s15+$0x0] =	vst.idx.add.s32.msk vm3, v2;
	vm3 =	veq.s32 v11, v4;
	v10 =	vadd.s32 v3, v6  }
0x129: {  	v12 =	vadd.s32 v3, v12;
	vm5 =	veq.s32 v9, v4;
	vm4 =	veq.s32 v13, v4;
	v11 =	vld [tilespmem:s21+$0xFFFFFF90]  }
0x12a: {  	v13 =	vadd.s32 v0, v15;
	[tilespmem:v5+s15+$0x0] =	vst.idx.add.s32.msk vm1, v2  }
0x12b: {  	vm6 =	veq.s32 v7, v4;
	v6 =	vld [tilespmem:s21+$0xFFFFFFE0];
	v5 =	vand.u32 $0xFFF00000, v17  }
0x12c: {  	v15 =	vld [tilespmem:s21+$0xFFFFFFC0];
	vm2 =	veq.s32 v5, v4  }
0x12d: {  	v9 =	vshrl.u32 v17, $0xA;
	v5 =	vshrl.u32 v8, $0xA;
	v8 =	vand.u32 $0xFFF00000, v8;
	v7 =	vld [tilespmem:s21+$0xFFFFFFB0]  }
0x12e: {  	v5 =	vand.u32 $0x3FF, v5;
	vm1 =	veq.s32 v8, v4;
	v8 =	vand.u32 $0x3FF, v9;
	[tilespmem:v12+s15+$0x0] =	vst.idx.add.s32.msk vm3, v2  }
.Ltmp12:
0x12f: {  	v5 =	vadd.s32 v3, v5;
	v8 =	vadd.s32 v3, v8;
	v9 =	vld [tilespmem:s21+$0xFFFFFFF0];
	(pc) =	sbr.rel @p0 .LBB2_18-.Ltmp12, $4  }
0x130: {  	v12 =	vand.u32 $0xFFF00000, v11;
	[tilespmem:v13+s15+$0x0] =	vst.idx.add.s32.msk vm5, v2  }
0x131: {  	v11 =	vshrl.u32 v11, $0xA;
	vm3 =	veq.s32 v12, v4;
	v12 =	vshrl.u32 v15, $0xA;
	[tilespmem:v14+s15+$0x0] =	vst.idx.add.s32.msk vm6, v2  }
0x132: {  	v13 =	vand.u32 $0x3FF, v11;
	v11 =	vand.u32 $0xFFF00000, v15;
	v14 =	vand.u32 $0xFFF00000, v18;
	[tilespmem:v10+s15+$0x0] =	vst.idx.add.s32.msk vm4, v2  }
0x133: {  	s21 =	sadd.s32 $0x200, s21;
	v10 =	vadd.s32 v0, v13;
	v13 =	vshrl.u32 v18, $0xA;
	[tilespmem:v16+s15+$0x0] =	vst.idx.add.s32.msk vm0, v2;
	vm0 =	veq.s32 v14, v4  }
0x134: {  	_ =	sdelay $0x1  }
0x135: {  	v14 =	vshrl.u32 v7, $0xA  }
0x136: {  	v15 =	vshrl.u32 v9, $0xA;
	v16 =	vand.u32 $0xFFF00000, v6;
	v12 =	vand.u32 $0x3FF, v12  }
0x137: {  	v9 =	vand.u32 $0xFFF00000, v9;
	vm4 =	veq.s32 v11, v4;
	v7 =	vand.u32 $0xFFF00000, v7  }
0x138: {  	v6 =	vshrl.u32 v6, $0xA;
	[tilespmem:v8+s15+$0x0] =	vst.idx.add.s32.msk vm2, v2;
	v8 =	vand.u32 $0x3FF, v13;
	v11 =	vadd.s32 v3, v12  }
0x139: {  	[tilespmem:v5+s15+$0x0] =	vst.idx.add.s32.msk vm1, v2;
	v15 =	vand.u32 $0x3FF, v15;
	vm5 =	veq.s32 v9, v4;
	v5 =	vadd.s32 v0, v8  }
0x13a: {  	v14 =	vand.u32 $0x3FF, v14;
	vm6 =	veq.s32 v7, v4;
	v9 =	vadd.s32 v0, v15  }
0x13b: {  	v6 =	vand.u32 $0x3FF, v6;
	vm2 =	veq.s32 v16, v4;
	v7 =	vadd.s32 v0, v14  }
0x13c: {  	[tilespmem:v10+s15+$0x0] =	vst.idx.add.s32.msk vm3, v2;
	v6 =	vadd.s32 v3, v6  }
0x13d: {  	[tilespmem:v11+s15+$0x0] =	vst.idx.add.s32.msk vm4, v2  }
0x13e: {  	[tilespmem:v5+s15+$0x0] =	vst.idx.add.s32.msk vm0, v2  }
0x13f: {  	[tilespmem:v9+s15+$0x0] =	vst.idx.add.s32.msk vm5, v2  }
0x140: {  	[tilespmem:v7+s15+$0x0] =	vst.idx.add.s32.msk vm6, v2  }
0x141: {  	[tilespmem:v6+s15+$0x0] =	vst.idx.add.s32.msk vm2, v2  }
0x142: {  	v6 =	vld [tilespmem:s19+$0xFFFFFFA0]  }
0x143: {  	v8 =	vld [tilespmem:s19+$0xFFFFFF90]  }
0x144: {  	v12 =	vld [tilespmem:s19+$0xFFFFFFF0]  }
0x145: {  	v13 =	vld [tilespmem:s19+$0xFFFFFFD0]  }
0x146: {  	v10 =	vld [tilespmem:s19+$0xFFFFFFC0]  }
0x147: {  	v7 =	vld [tilespmem:s19+$0xFFFFFFE0]  }
0x148: {  	v9 =	vshrl.u32 v8, $0xA;
	v11 =	vshrl.u32 v6, $0xA;
	v6 =	vand.u32 $0xFFF00000, v6  }
0x149: {  	v5 =	vld [tilespmem:s19+$0x0];
	v14 =	vand.u32 $0xFFF00000, v8;
	vm1 =	veq.s32 v6, v4;
	v6 =	vand.u32 $0x3FF, v9  }
0x14a: {  	vm2 =	veq.s32 v14, v4;
	v9 =	vand.u32 $0xFFF00000, v12;
	v14 =	vshrl.u32 v12, $0xA;
	v12 =	vld [tilespmem:s19+$0xFFFFFFB0]  }
0x14b: {  	v15 =	vshrl.u32 v10, $0xA;
	v17 =	vshrl.u32 v13, $0xA  }
0x14c: {  	v13 =	vand.u32 $0xFFF00000, v13;
	v8 =	vand.u32 $0x3FF, v11;
	v11 =	vand.u32 $0xFFF00000, v7  }
0x14d: {  	v16 =	vand.u32 $0x3FF, v15;
	v15 =	vand.u32 $0x3FF, v17;
	v8 =	vadd.s32 v3, v8  }
0x14e: {  	s20 =	simm.s32 $0x0;
	s21 =	simm.s32 $0xA170;
	v6 =	vadd.s32 v0, v6;
	vm0 =	veq.s32 v9, v4;
	v9 =	vand.u32 $0xFFF00000, v5  }
.LBB2_20:
0x14f: {  	v17 =	vld [tilespmem:s21+$0xFFFFFFF0];
	s20 =	sadd.s32 $0x8, s20;
	v18 =	vshrl.u32 v12, $0xA;
	v16 =	vadd.s32 v3, v16;
	v19 =	vadd.s32 v0, v15;
	s19 =	simm.s32 $0x9FF0  }
0x150: {  	v10 =	vand.u32 $0xFFF00000, v10;
	v14 =	vand.u32 $0x3FF, v14;
	v15 =	vld [tilespmem:s21+$0xFFFFFFA0];
	p0 =	slt.u32 s20, $0x270;
	v18 =	vand.u32 $0x3FF, v18  }
0x151: {  	vm3 =	veq.s32 v13, v4;
	v7 =	vshrl.u32 v7, $0xA;
	v20 =	vld [tilespmem:s21+$0xFFFFFFD0];
	v18 =	vadd.s32 v0, v18  }
0x152: {  	v12 =	vand.u32 $0xFFF00000, v12;
	vm5 =	veq.s32 v10, v4;
	v7 =	vand.u32 $0x3FF, v7;
	v13 =	vld [tilespmem:s21+$0xFFFFFF90]  }
0x153: {  	vm6 =	veq.s32 v12, v4;
	v14 =	vadd.s32 v0, v14;
	v10 =	vshrl.u32 v5, $0xA;
	v5 =	vld [tilespmem:s21+$0x0]  }
0x154: {  	vm7 =	veq.s32 v11, v4;
	v21 =	vadd.s32 v3, v7;
	v7 =	vand.u32 $0x3FF, v10;
	[tilespmem:v8+s15+$0x0] =	vst.idx.add.s32.msk vm1, v2  }
0x155: {  	vm4 =	veq.s32 v9, v4;
	v22 =	vadd.s32 v3, v7;
	[tilespmem:v6+s15+$0x0] =	vst.idx.add.s32.msk vm2, v2  }
0x156: {  	v7 =	vld [tilespmem:s21+$0xFFFFFFE0]  }
0x157: {  	v10 =	vld [tilespmem:s21+$0xFFFFFFC0]  }
0x158: {  	v8 =	vshrl.u32 v15, $0xA;
	v9 =	vand.u32 $0xFFF00000, v15;
	v6 =	vshrl.u32 v13, $0xA;
	[tilespmem:v16+s15+$0x0] =	vst.idx.add.s32.msk vm5, v2  }
0x159: {  	v8 =	vand.u32 $0x3FF, v8;
	vm1 =	veq.s32 v9, v4;
	v11 =	vand.u32 $0xFFF00000, v13;
	v12 =	vld [tilespmem:s21+$0xFFFFFFB0]  }
.Ltmp13:
0x15a: {  	v8 =	vadd.s32 v3, v8;
	v6 =	vand.u32 $0x3FF, v6;
	[tilespmem:v18+s15+$0x0] =	vst.idx.add.s32.msk vm6, v2;
	(pc) =	sbr.rel @p0 .LBB2_20-.Ltmp13, $4  }
0x15b: {  	v13 =	vand.u32 $0xFFF00000, v17;
	vm2 =	veq.s32 v11, v4;
	v6 =	vadd.s32 v0, v6;
	[tilespmem:v21+s15+$0x0] =	vst.idx.add.s32.msk vm7, v2  }
0x15c: {  	v9 =	vand.u32 $0xFFF00000, v5;
	v11 =	vand.u32 $0xFFF00000, v7;
	[tilespmem:v14+s15+$0x0] =	vst.idx.add.s32.msk vm0, v2;
	vm0 =	veq.s32 v13, v4  }
0x15d: {  	v15 =	vshrl.u32 v20, $0xA;
	v13 =	vshrl.u32 v10, $0xA;
	v14 =	vshrl.u32 v17, $0xA;
	[tilespmem:v22+s15+$0x0] =	vst.idx.add.s32.msk vm4, v2  }
0x15e: {  	v15 =	vand.u32 $0x3FF, v15;
	s21 =	sadd.s32 $0x200, s21;
	v16 =	vand.u32 $0x3FF, v13;
	v13 =	vand.u32 $0xFFF00000, v20;
	[tilespmem:v19+s15+$0x0] =	vst.idx.add.s32.msk vm3, v2  }
0x15f: {  	_ =	sdelay $0x2  }
0x160: {  	v17 =	vshrl.u32 v12, $0xA  }
0x161: {  	v16 =	vadd.s32 v3, v16;
	vm5 =	veq.s32 v11, v4;
	v11 =	vand.u32 $0x3FF, v14  }
0x162: {  	v10 =	vand.u32 $0xFFF00000, v10;
	[tilespmem:v6+s15+$0x0] =	vst.idx.add.s32.msk vm2, v2;
	vm2 =	veq.s32 v13, v4;
	v11 =	vadd.s32 v0, v11  }
0x163: {  	v12 =	vand.u32 $0xFFF00000, v12;
	v6 =	vadd.s32 v0, v15;
	vm3 =	veq.s32 v10, v4  }
0x164: {  	v7 =	vshrl.u32 v7, $0xA;
	v10 =	vand.u32 $0x3FF, v17;
	vm4 =	veq.s32 v12, v4  }
0x165: {  	v5 =	vshrl.u32 v5, $0xA;
	v7 =	vand.u32 $0x3FF, v7;
	v10 =	vadd.s32 v0, v10  }
0x166: {  	[tilespmem:v8+s15+$0x0] =	vst.idx.add.s32.msk vm1, v2;
	vm1 =	veq.s32 v9, v4;
	v5 =	vand.u32 $0x3FF, v5;
	v7 =	vadd.s32 v3, v7  }
0x167: {  	v5 =	vadd.s32 v3, v5;
	[tilespmem:v11+s15+$0x0] =	vst.idx.add.s32.msk vm0, v2  }
0x168: {  	[tilespmem:v6+s15+$0x0] =	vst.idx.add.s32.msk vm2, v2  }
0x169: {  	[tilespmem:v16+s15+$0x0] =	vst.idx.add.s32.msk vm3, v2  }
0x16a: {  	[tilespmem:v10+s15+$0x0] =	vst.idx.add.s32.msk vm4, v2  }
0x16b: {  	[tilespmem:v7+s15+$0x0] =	vst.idx.add.s32.msk vm5, v2  }
0x16c: {  	[tilespmem:v5+s15+$0x0] =	vst.idx.add.s32.msk vm1, v2  }
0x16d: {  	v5 =	vld [tilespmem:s19+$0x0]  }
0x16e: {  	v6 =	vld [tilespmem:s19+$0xFFFFFFA0]  }
0x16f: {  	v7 =	vld [tilespmem:s19+$0xFFFFFF90]  }
0x170: {  	v9 =	vld [tilespmem:s19+$0xFFFFFFC0];
	_ =	sdelay $0x2  }
0x171: {  	v8 =	vand.u32 $0xFFF00000, v5  }
0x172: {  	v5 =	vshrl.u32 v5, $0xA;
	v10 =	vand.u32 $0xFFF00000, v7;
	v12 =	vshrl.u32 v7, $0xA  }
0x173: {  	v11 =	vshrl.u32 v9, $0xA;
	vm2 =	veq.s32 v8, v4;
	v8 =	vshrl.u32 v6, $0xA  }
0x174: {  	v13 =	vld [tilespmem:s19+$0xFFFFFFD0];
	v6 =	vand.u32 $0xFFF00000, v6;
	vm3 =	veq.s32 v10, v4;
	v10 =	vand.u32 $0x3FF, v12  }
0x175: {  	v7 =	vld [tilespmem:s19+$0xFFFFFFB0];
	v8 =	vand.u32 $0x3FF, v8;
	vm1 =	veq.s32 v6, v4;
	v6 =	vand.u32 $0x3FF, v5  }
0x176: {  	v12 =	vand.u32 $0xFFF00000, v9;
	v9 =	vld [tilespmem:s19+$0xFFFFFFF0];
	v5 =	vadd.s32 v3, v8;
	v8 =	vadd.s32 v3, v6  }
0x177: {  	v6 =	vld [tilespmem:s19+$0xFFFFFFE0];
	_ =	sdelay $0x1  }
0x178: {  	v14 =	vand.u32 $0xFFF00000, v13  }
0x179: {  	s20 =	simm.s32 $0x0;
	v13 =	vshrl.u32 v13, $0xA;
	vm0 =	veq.s32 v14, v4;
	v10 =	vadd.s32 v0, v10;
	s19 =	simm.s32 $0xA1F0  }
.LBB2_22:
0x17a: {  	s20 =	sadd.s32 $0x8, s20;
	v14 =	vshrl.u32 v7, $0xA;
	v13 =	vand.u32 $0x3FF, v13;
	v15 =	vshrl.u32 v9, $0xA;
	[tilespmem:v8+s15+$0x0] =	vst.idx.add.s32.msk vm2, v2  }
0x17b: {  	v8 =	vld [tilespmem:s19+$0xFFFFFFA0];
	p0 =	slt.u32 s20, $0x270;
	v14 =	vand.u32 $0x3FF, v14;
	v16 =	vadd.s32 v0, v13;
	v13 =	vand.u32 $0xFFF00000, v6  }
0x17c: {  	v6 =	vshrl.u32 v6, $0xA;
	v15 =	vand.u32 $0x3FF, v15;
	v17 =	vld [tilespmem:s19+$0x0];
	v14 =	vadd.s32 v0, v14  }
0x17d: {  	v11 =	vand.u32 $0x3FF, v11;
	v9 =	vand.u32 $0xFFF00000, v9;
	v6 =	vand.u32 $0x3FF, v6;
	v18 =	vld [tilespmem:s19+$0xFFFFFFD0]  }
0x17e: {  	v7 =	vand.u32 $0xFFF00000, v7;
	[tilespmem:v10+s15+$0x0] =	vst.idx.add.s32.msk vm3, v2;
	vm3 =	veq.s32 v12, v4;
	v10 =	vadd.s32 v3, v6  }
0x17f: {  	v11 =	vadd.s32 v3, v11;
	vm5 =	veq.s32 v9, v4;
	vm4 =	veq.s32 v13, v4;
	v12 =	vld [tilespmem:s19+$0xFFFFFF90]  }
0x180: {  	v13 =	vadd.s32 v0, v15;
	[tilespmem:v5+s15+$0x0] =	vst.idx.add.s32.msk vm1, v2  }
0x181: {  	vm6 =	veq.s32 v7, v4;
	v6 =	vld [tilespmem:s19+$0xFFFFFFE0];
	v5 =	vand.u32 $0xFFF00000, v17  }
0x182: {  	v15 =	vld [tilespmem:s19+$0xFFFFFFC0];
	vm2 =	veq.s32 v5, v4  }
0x183: {  	v9 =	vshrl.u32 v17, $0xA;
	v5 =	vshrl.u32 v8, $0xA;
	v8 =	vand.u32 $0xFFF00000, v8;
	v7 =	vld [tilespmem:s19+$0xFFFFFFB0]  }
0x184: {  	v5 =	vand.u32 $0x3FF, v5;
	vm1 =	veq.s32 v8, v4;
	v8 =	vand.u32 $0x3FF, v9;
	[tilespmem:v11+s15+$0x0] =	vst.idx.add.s32.msk vm3, v2  }
.Ltmp14:
0x185: {  	v5 =	vadd.s32 v3, v5;
	v8 =	vadd.s32 v3, v8;
	v9 =	vld [tilespmem:s19+$0xFFFFFFF0];
	(pc) =	sbr.rel @p0 .LBB2_22-.Ltmp14, $4  }
0x186: {  	v11 =	vand.u32 $0xFFF00000, v12;
	[tilespmem:v13+s15+$0x0] =	vst.idx.add.s32.msk vm5, v2  }
0x187: {  	v12 =	vshrl.u32 v12, $0xA;
	vm3 =	veq.s32 v11, v4;
	v11 =	vshrl.u32 v15, $0xA;
	[tilespmem:v14+s15+$0x0] =	vst.idx.add.s32.msk vm6, v2  }
0x188: {  	v13 =	vand.u32 $0x3FF, v12;
	v12 =	vand.u32 $0xFFF00000, v15;
	v14 =	vand.u32 $0xFFF00000, v18;
	[tilespmem:v10+s15+$0x0] =	vst.idx.add.s32.msk vm4, v2  }
0x189: {  	s19 =	sadd.s32 $0x200, s19;
	v10 =	vadd.s32 v0, v13;
	v13 =	vshrl.u32 v18, $0xA;
	[tilespmem:v16+s15+$0x0] =	vst.idx.add.s32.msk vm0, v2;
	vm0 =	veq.s32 v14, v4  }
0x18a: {  	_ = 	snop  }
0x18b: {  	v14 =	vshrl.u32 v7, $0xA  }
0x18c: {  	v15 =	vshrl.u32 v9, $0xA;
	vm4 =	veq.s32 v12, v4;
	v60 =	vand.u32 $0xFFF00000, v6  }
0x18d: {  	v11 =	vand.u32 $0x3FF, v11;
	v61 =	vand.u32 $0xFFF00000, v9;
	v7 =	vand.u32 $0xFFF00000, v7  }
0x18e: {  	v6 =	vshrl.u32 v6, $0xA;
	v63 =	vand.u32 $0x3FF, v13;
	v11 =	vadd.s32 v3, v11  }
0x18f: {  	[tilespmem:v5+s15+$0x0] =	vst.idx.add.s32.msk vm1, v2;
	v15 =	vand.u32 $0x3FF, v15;
	vm5 =	veq.s32 v61, v4;
	v5 =	vadd.s32 v0, v63  }
0x190: {  	v14 =	vand.u32 $0x3FF, v14;
	vm6 =	veq.s32 v7, v4;
	v62 =	vadd.s32 v0, v15  }
0x191: {  	[tilespmem:v8+s15+$0x0] =	vst.idx.add.s32.msk vm2, v2;
	v6 =	vand.u32 $0x3FF, v6;
	vm15 =	veq.s32 v60, v4;
	v7 =	vadd.s32 v0, v14  }
0x192: {  	[tilespmem:v10+s15+$0x0] =	vst.idx.add.s32.msk vm3, v2;
	v6 =	vadd.s32 v3, v6  }
.Ltmp15:
0x193: {  	[tilespmem:v11+s15+$0x0] =	vst.idx.add.s32.msk vm4, v2;
	(pc) =	sbr.rel .LBB2_24-.Ltmp15, $4  }
0x194: {  	[tilespmem:v5+s15+$0x0] =	vst.idx.add.s32.msk vm0, v2  }
0x195: {  	[tilespmem:v62+s15+$0x0] =	vst.idx.add.s32.msk vm5, v2  }
0x196: {  	[tilespmem:v7+s15+$0x0] =	vst.idx.add.s32.msk vm6, v2  }
0x197: {  	[tilespmem:v6+s15+$0x0] =	vst.idx.add.s32.msk vm15, v2  }
.LBB2_26:
0x198: {  	_ =	sfence.sel $0x180000  }
0x199: {  	[bflag:$0x0] =	sbarrier.arrive $0xFFFF  }
0x19a: {  	p0 =	sne.s32 s2, $0x0;
	_ =	strace $0x9000004A  }
0x19b: {  	s0 =	sadd.s32 @!p0 $0x100000, s0;
	[bflag:$0x2] =	sbarrier.arrive $0xFFFF  }
0x19c: {  	[sflag:s0] =	ssyncadd.tile.s32 @!p0 $0x1;
	_ =	shalt  }
.Lfunc_end2:
_tile_overlayer_lowered:
.L_overlay_start_2:
0x19d: {  	(tag) =	ssettag $0x2  }
0x19e: {  	s0 =	rddreg [dreg:$0x0];
	s2 =	stileid.u32  }
0x19f: {  	s1 =	rddreg [dreg:$0x1];
	p0 =	sne.s32 s2, $0x0  }
0x1a0: {  	s3 =	rddreg [dreg:$0x2];
	[bflag:$0x3] =	sbarrier.arrive $0xFFFF;
	s2 =	simm.s32 @!p0 $0x1C03  }
0x1a1: {  	[timem:s3], [sflag:s2] =	dma.local @!p0 [hbm:s0], s1  }
0x1a2: {  	s0 =	simm.s32 @!p0 $0x3  }
0x1a3: {  	_ =	swait.ge @!p0 [sflag:s0], s1  }
0x1a4: {  	s1 =	ssub.s32 @!p0 $0x0, s1;
	[sflag:s0] =	ssyncset.done @!p0 $0x0  }
0x1a5: {  	[sflag:s0] =	ssyncadd.s32 @!p0 s1  }
0x1a6: {  	[bflag:$0x3] =	sbarrier.arrive $0xFFFF  }
0x1a7: {  	_ =	shalt  }

// kernel: kernel.17.cloned.1.call-start
scs
__scs_entry_jumppad:
0x0: {  	(pc) =	sbr.rel $0x88, $3  }
0x1: {  	(tag) =	ssettag $0x0;
	lr =	simm.s32 $0x1  }
0x2: {  	[smem:$0x3F9B] =	sst lr;
	_ =	strace $0xD0000000  }
0x3: {  	_ = 	snop  }
0x4: {  	_ = 	snop  }
0x5: {  	_ = 	snop  }
0x6: {  	_ = 	snop  }
0x7: {  	_ = 	snop  }
__scs_overlays_trampoline_lowered:
0x8: {  	[smem:$0x3FAA] =	sst s0  }
0x9: {  	[smem:$0x3FAB] =	sst s1  }
0xa: {  	[smem:$0x3FAC] =	sst s2  }
0xb: {  	[smem:$0x3FAD] =	sst s3  }
0xc: {  	[smem:$0x3FAE] =	sst s4  }
0xd: {  	[smem:$0x3FAF] =	sst s5  }
0xe: {  	[smem:$0x3FB0] =	sst s6  }
0xf: {  	[smem:$0x3FB1] =	sst s7  }
0x10: {  	[smem:$0x3FB2] =	sst s8  }
0x11: {  	[smem:$0x3FB3] =	sst s9;
	s0 =	simm.s32 @!p0 $0x0  }
0x12: {  	s1 =	sld [smem:$0x3F99];
	s0 =	simm.s32 @p0 $0x1  }
0x13: {  	[smem:$0x3FB4] =	sst s0;
	s0 =	simm.s32 @!p1 $0x0  }
0x14: {  	s2 =	sld [smem:$0x3F98];
	s0 =	simm.s32 @p1 $0x1  }
0x15: {  	[smem:$0x3FB5] =	sst s0;
	s0 =	simm.s32 @!p2 $0x0  }
0x16: {  	s3 =	sld [smem:$0x3FDB];
	s0 =	simm.s32 @p2 $0x1  }
0x17: {  	s4 =	simm.s32 $0x1BF5;
	[smem:$0x3FB7] =	sst s0  }
0x18: {  	s0 =	sld [smem:$0x3F9A];
	_ =	swait.ge [sflag:s4], $0x0  }
0x19: {  	s7 =	sld [smem:$0x3F9B]  }
0x1a: {  	s8 =	sadd.s32 $0xFFFFE003, lr  }
0x1b: {  	s9 =	sadd.s32 $0xFFFFFEF7, lr;
	s5 =	simm.s32 $0xFFFFFFFF;
	p2 =	slt.u32 s8, $0xFFFFF086  }
0x1c: {  	p1 =	slt.u32 s9, $0xF7A;
	s5 =	simm.s32 @!p2 $0x0  }
0x1d: {  	s5 =	simm.s32 @p1 $0x1;
	p0 =	seq.s32 s7, s2  }
0x1e: {  	s7 =	smul.u32 @!p0 $0xF7A, s2;
	p2 =	seq.s32 @!p0 s5, $0x0  }
0x1f: {  	s9 =	smul.u32 $0xF7A, s1;
	s8 =	simm.s32 @!p0 $0x1BF5;
	p2 =	por !p2, p0  }
0x20: {  	[sflag:s8] =	ssyncset.s32 @!p0 $0xFFFFF086;
	s6 =	sadd.s32 @!p0 s3, s7;
	s7 =	simm.s32 @!p0 $0x108  }
0x21: {  	s3 =	sadd.s32 s3, s9;
	s6 =	sadd.s32 @!p0 $0x88, s6;
	s7 =	simm.s32 @p2 $0x1082  }
0x22: {  	[simem:s7], [sflag:s8] =	dma.local @!p0 [hbm:s6], $0xF7A  }
0x23: {  	s9 =	sor.u32 $0xD0000000, s2;
	s6 =	simm.s32 $0x108;
	_ =	swait.ge @!p0 [sflag:s8], $0x0  }
0x24: {  	s3 =	sadd.s32 $0x88, s3;
	s6 =	simm.s32 @!p1 $0x1082;
	[sflag:s4] =	ssyncset.s32 $0xFFFFF086  }
0x25: {  	[simem:s6], [sflag:s4] =	dma.local [hbm:s3], $0xF7A  }
0x26: {  	[smem:$0x3F9B] =	sst s1;
	(tag) =	ssettag s2;
	_ =	strace s9  }
0x27: {  	s1 =	sld [smem:$0x3FAB]  }
0x28: {  	s2 =	sld [smem:$0x3FAC]  }
0x29: {  	s4 =	sld [smem:$0x3FAE]  }
0x2a: {  	p0 =	seq.s32 s5, $0x0;
	s5 =	sld [smem:$0x3FAF]  }
0x2b: {  	s6 =	sld [smem:$0x3FB0]  }
0x2c: {  	s7 =	sld [smem:$0x3FB1]  }
0x2d: {  	s3 =	simm.s32 $0x108;
	s8 =	sld [smem:$0x3FB2]  }
0x2e: {  	s3 =	simm.s32 @!p0 $0x1082;
	s9 =	sld [smem:$0x3FB3]  }
0x2f: {  	lr =	sadd.s32 s0, s3;
	s0 =	sld [smem:$0x3FAA]  }
0x30: {  	s3 =	sld [smem:$0x3FAD]  }
0x31: {  	[smem:$0x3FB6] =	sst s10  }
0x32: {  	s10 =	sld [smem:$0x3FB4];
	_ =	sdelay $0x3  }
0x33: {  	p0 =	seq.s32 s10, $0x1;
	s10 =	sld [smem:$0x3FB6];
	_ =	sdelay $0x3  }
0x34: {  	[smem:$0x3FB6] =	sst s10  }
0x35: {  	s10 =	sld [smem:$0x3FB5];
	_ =	sdelay $0x3  }
0x36: {  	p1 =	seq.s32 s10, $0x1;
	s10 =	sld [smem:$0x3FB6];
	_ =	sdelay $0x3  }
0x37: {  	[smem:$0x3FB6] =	sst s10  }
0x38: {  	s10 =	sld [smem:$0x3FB7]  }
0x39: {  	_ = 	snop;
	(pc) =	sbr.ind lr, $3  }
0x3a: {  	_ = 	snop  }
0x3b: {  	_ = 	snop  }
0x3c: {  	p2 =	seq.s32 s10, $0x1;
	s10 =	sld [smem:$0x3FB6]  }
0x3d: {  	_ =	shalt  }
0x3e: {  	_ =	shalt  }
0x3f: {  	_ =	shalt  }
0x40: {  	_ =	shalt  }
0x41: {  	_ =	shalt  }
0x42: {  	_ =	shalt  }
0x43: {  	_ =	shalt  }
0x44: {  	_ =	shalt  }
0x45: {  	_ =	shalt  }
0x46: {  	_ =	shalt  }
0x47: {  	_ =	shalt  }
0x48: {  	_ =	shalt  }
0x49: {  	_ =	shalt  }
0x4a: {  	_ =	shalt  }
0x4b: {  	_ =	shalt  }
0x4c: {  	_ =	shalt  }
0x4d: {  	_ =	shalt  }
0x4e: {  	_ =	shalt  }
0x4f: {  	_ =	shalt  }
0x50: {  	_ =	shalt  }
0x51: {  	_ =	shalt  }
0x52: {  	_ =	shalt  }
0x53: {  	_ =	shalt  }
0x54: {  	_ =	shalt  }
0x55: {  	_ =	shalt  }
0x56: {  	_ =	shalt  }
0x57: {  	_ =	shalt  }
0x58: {  	_ =	shalt  }
0x59: {  	_ =	shalt  }
0x5a: {  	_ =	shalt  }
0x5b: {  	_ =	shalt  }
0x5c: {  	_ =	shalt  }
0x5d: {  	_ =	shalt  }
0x5e: {  	_ =	shalt  }
0x5f: {  	_ =	shalt  }
0x60: {  	_ =	shalt  }
0x61: {  	_ =	shalt  }
0x62: {  	_ =	shalt  }
0x63: {  	_ =	shalt  }
0x64: {  	_ =	shalt  }
0x65: {  	_ =	shalt  }
0x66: {  	_ =	shalt  }
0x67: {  	_ =	shalt  }
0x68: {  	_ =	shalt  }
0x69: {  	_ =	shalt  }
0x6a: {  	_ =	shalt  }
0x6b: {  	_ =	shalt  }
0x6c: {  	_ =	shalt  }
0x6d: {  	_ =	shalt  }
0x6e: {  	_ =	shalt  }
0x6f: {  	_ =	shalt  }
0x70: {  	_ =	shalt  }
0x71: {  	_ =	shalt  }
0x72: {  	_ =	shalt  }
0x73: {  	_ =	shalt  }
0x74: {  	_ =	shalt  }
0x75: {  	_ =	shalt  }
0x76: {  	_ =	shalt  }
0x77: {  	_ =	shalt  }
0x78: {  	_ =	shalt  }
0x79: {  	_ =	shalt  }
0x7a: {  	_ =	shalt  }
0x7b: {  	_ =	shalt  }
0x7c: {  	_ =	shalt  }
0x7d: {  	_ =	shalt  }
0x7e: {  	_ =	shalt  }
0x7f: {  	_ =	shalt  }
0x80: {  	_ =	shalt  }
0x81: {  	_ =	shalt  }
0x82: {  	_ =	shalt  }
0x83: {  	_ =	shalt  }
0x84: {  	_ =	shalt  }
0x85: {  	_ =	shalt  }
0x86: {  	_ =	shalt  }
0x87: {  	_ =	shalt  }
.Lfunc_end0:
.L_simem_size_0:
called_computation.2_lowered:
.L_overlay_start_0:
0x88: {  	s2 =	sld [smem:$0x3FD9]  }
0x89: {  	s3 =	sld [smem:$0x3FFE];
	_ =	sdelay $0x1  }
0x8a: {  	s1 =	srdreg.scid  }
0x8b: {  	s0 =	sand.u32 $0x1, s1  }
0x8c: {  	s17 =	sshll.u32 s0, $0xA;
	s2 =	sadd.s32 s3, s2  }
0x8d: {  	s2 =	sadd.s32 s2, s17  }
0x8e: {  	[smem:$0x3FC2] =	sst s2  }
0x8f: {  	_ = 	snop  }
0x90: {  	s2 =	sld [smem:$0x3FD0];
	(tm) =	ssettm $0x1  }
0x91: {  	s18 =	sld [smem:$0x3FFB];
	_ =	sdelay $0x3  }
0x92: {  	_ =	strace s18  }
0x93: {  	s3 =	sld [smem:$0x3FFC];
	_ =	sdelay $0x3  }
0x94: {  	_ =	strace s3  }
0x95: {  	s3 =	sld [smem:$0x3FFD];
	_ =	sdelay $0x3  }
0x96: {  	_ =	strace s3  }
0x97: {  	_ =	strace $0x8FFFFFFF  }
0x98: {  	s19 =	sld [smem:$0x3FDB];
	_ =	sdelay $0x1  }
0x99: {  	s4 =	simm.s32 $_scs_section_size  }
0x9a: {  	s5 =	simm.s32 $_size__tile_overlayer_lowered;
	s6 =	simm.s32 $_tile_overlayer_lowered  }
0x9b: {  	s22 =	simm.s32 $0x1BFF;
	s21 =	sshll.u32 s6, $0x1;
	s3 =	sadd.s32 s4, s19  }
0x9c: {  	s7 =	simm.s32 $0x0;
	s20 =	sshll.u32 s5, $0x1;
	s5 =	sadd.s32 s21, s3  }
0x9d: {  	[timem:s7], [sflag:s22] =	dma.local [hbm:s5], s20  }
0x9e: {  	_ =	swait.ge [sflag:s22], s20  }
0x9f: {  	s4 =	ssub.s32 $0x0, s20;
	[sflag:s22] =	ssyncset.done $0x0  }
0xa0: {  	[sflag:s22] =	ssyncadd.s32 s4;
	_ =	sdelay $0x1  }
0xa1: {  	s23 =	simm.s32 $0x1B8B  }
0xa2: {  	_ =	swait.ge [sflag:s23], $0x1  }
0xa3: {  	[sflag:s23] =	ssyncset.done $0x0  }
0xa4: {  	s25 =	simm.s32 $0x1B8E;
	s24 =	sld [smem:$0x3FFE];
	[sflag:s23] =	ssyncadd.s32 $0xFFFFFFFF  }
0xa5: {  	s26 =	simm.s32 $execute0_lowered;
	[smem:$0x3FD2] =	sst s25  }
0xa6: {  	s5 =	sshll.u32 s26, $0x1;
	_ =	strace $0x8000004C;
	[dreg:$0x1] =	wrdreg $0xFFFFFFFF  }
0xa7: {  	s28 =	simm.s32 $_size_execute0_lowered;
	s3 =	sadd.s32 s3, s5;
	[dreg:$0x0] =	wrdreg $0x0  }
0xa8: {  	s5 =	sshll.u32 s28, $0x1;
	[dreg:$0x2] =	wrdreg s3  }
0xa9: {  	[dreg:$0x3] =	wrdreg s5  }
0xaa: {  	[dreg:$0x4] =	wrdreg $0xC0  }
0xab: {  	_ =	task [dreg:s7], $0x5FFFF  }
0xac: {  	[dreg:$0x1] =	wrdreg $0xFFFFFFFF  }
0xad: {  	[dreg:$0x0] =	wrdreg $0x60  }
0xae: {  	[dreg:$0x2] =	wrdreg s24  }
0xaf: {  	[dreg:$0x3] =	wrdreg s2  }
0xb0: {  	[dreg:$0x4] =	wrdreg $0x9  }
0xb1: {  	_ =	task.clear_ibuf [dreg:s7], $0x5FFFF;
	_ =	strace $0x9000004C  }
0xb2: {  	s29 =	simm.s32 $0x9;
	_ =	strace $0x8000004E  }
0xb3: {  	_ =	swait.ge [sflag:s29], $0x1  }
0xb4: {  	[sflag:s29] =	ssyncadd.s32 $0xFFFFFFFF  }
0xb5: {  	_ =	strace $0x9000004E  }
0xb6: {  	_ =	sfence  }
0xb7: {  	s30 =	sld [smem:$0x0];
	_ =	sdelay $0x2  }
0xb8: {  	s31 =	sshll.u32 s1, $0xD;
	s1 =	sshrl.u32 s1, $0x2  }
0xb9: {  	s3 =	sand.u32 $0x4000, s31;
	s1 =	sadd.s32 s1, s30  }
0xba: {  	s0 =	sor.u32 s3, s0;
	s1 =	sshll.u32 s1, $0x11  }
0xbb: {  	s0 =	sor.u32 s1, s0  }
0xbc: {  	s0 =	sadd.s32 $0x8F2B, s0  }
0xbd: {  	[sflag:s0] =	ssyncadd.remote.s32 $0x1  }
0xbe: {  	_ =	sfence.sel $0xFFFF  }
0xbf: {  	[dreg:$0x0] =	wrdreg $0xFFFFFFFF;
	(pc) =	sbr.abs _section_cstart, $3  }
0xc0: {  	[dreg:$0x1] =	wrdreg $0xFFFFFFFF  }
0xc1: {  	_ =	task.clear_ibuf [dreg:s7], $0x2FFFF;
	_ =	strace $0x9FFFFFFF  }
0xc2: {  	(tm) =	ssettm $0x7FFFFFFF  }
0xc3: {  	_ =	shalt  }
tec
execute0_lowered:
.L_overlay_start_1:
0x0: {  	(tag) =	ssettag $0x1  }
0x1: {  	s2 =	rddreg [dreg:$0x0]  }
0x2: {  	s8 =	rddreg [dreg:$0x1]  }
0x3: {  	s0 =	rddreg [dreg:$0x2]  }
0x4: {  	s1 =	simm.s32 $0x0;
	s5 =	srdreg.scid;
	s12 =	simm.s32 $0x200  }
0x5: {  	s13 =	simm.s32 $0x400;
	s14 =	simm.s32 $0x1;
	s15 =	simm.s32 $0x13C80  }
0x6: {  	s16 =	simm.s32 $0x2;
	s17 =	simm.s32 $0x0;
	[smem:$0x7FF] =	sst s1  }
0x7: {  	s3 =	sadd.s32 $0x2400, s2;
	s4 =	sadd.s32 $0xC10600, s2;
	s5 =	sand.u32 $0x1, s5  }
0x8: {  	s2 =	stileid.u32;
	_ =	strace $0x8000004D;
	s6 =	ssub.s32 $0x2, s5  }
0x9: {  	s7 =	sshll.u32 s2, $0x1;
	s9 =	smul.u32 $0x13C00, s2;
	s10 =	sshrl.u32 s6, $0x1  }
.Ltmp0:
0xa: {  	s7 =	sor.u32 s5, s7;
	s5 =	sshll.u32 s5, $0x9;
	(pc) =	sbr.rel .LBB2_1-.Ltmp0, $4  }
0xb: {  	v0 =	vlaneseq.u32;
	p0 =	slt.u32 s2, $0x2;
	s10 =	ssub.s32 s6, s10;
	s9 =	sor.u32 s5, s9  }
0xc: {  	v0 =	vmul.u32 $0x401, v0;
	s11 =	smul.u32 $0x1004, s7;
	s6 =	simm.s32 $0x4F;
	s31 =	sshrl.u32 s9, $0x3  }
0xd: {  	s6 =	simm.s32 @!p0 $0x4E;
	s9 =	smax.u32 s10, $0x1;
	s10 =	simm.s32 $0x13C00  }
0xe: {  	v1 =	vimm.s32 $0x0;
	v2 =	vimm.s32 $0x1;
	v3 =	vadd.s32 $0x4010, v0;
	s7 =	sadd.s32 s3, s31;
	s8 =	sadd.s32 s8, s11;
	s11 =	simm.s32 $0x3  }
.LBB2_25:
0xf: {  	s17 =	sadd.s32 $0x1, s17  }
0x10: {  	p0 =	sne.s32 s17, s9  }
.Ltmp1:
0x11: {  	_ = 	snop;
	(pc) =	sbr.rel @!p0 .LBB2_26-.Ltmp1, $4  }
0x12: {  	[hbm4b:s8+s1] =	stream.linear.scatter [tilespmem:s15], [sflag:$0x3], $0x8020, $0x38;
	[tilespmem:$0x1BD00] =	vst v63  }
0x13: {  	_ =	swait.ge [sflag:s11], $0x8020  }
0x14: {  	[sflag:s11] =	ssyncset.done $0x0  }
0x15: {  	[sflag:s11] =	ssyncadd.s32 $0xFFFF7FE0  }
.LBB2_1:
0x16: {  	s18 =	simm.s32 $0x40;
	s19 =	simm.s32 $0x0  }
.LBB2_2:
0x17: {  	p0 =	sne.s32 s18, $0x20040;
	[tilespmem:s19+$0x13C80] =	vst v1;
	s19 =	smov.u32 s18;
	s18 =	sadd.s32 $0x40, s18  }
.Ltmp2:
0x18: {  	(pc) =	sbr.rel @p0 .LBB2_2-.Ltmp2, $2  }
0x19: {  	_ =	sdelay $0x2  }
0x1a: {  	s19 =	sshra.s32 s19, $0x2  }
0x1b: {  	[tilespmem:s19+$0x13C80] =	vst v1;
	s18 =	simm.s32 $0x0  }
0x1c: {  	[tilespmem:s10], [sflag:$0x3] =	stream.linear.gather [hbm4b:s4+s18], $0x80, $0x38;
	[tilespmem:$0x1BD00] =	vst v63  }
0x1d: {  	_ =	swait.ge [sflag:s11], $0x80  }
0x1e: {  	[sflag:s11] =	ssyncset.done $0x0  }
0x1f: {  	[sflag:s11] =	ssyncadd.s32 $0xFFFFFF80  }
.Ltmp3:
0x20: {  	v4 =	vld [tilespmem:$0x13C00];
	(pc) =	sbr.rel .LBB2_4-.Ltmp3, $2  }
0x21: {  	_ =	sdelay $0x2  }
0x22: {  	[tilespmem:s18], [sflag:$0x1] =	stream.strided.gather [hbm4b:s7+s12], $0x9E00, s13, s12, $0x38;
	[tilespmem:$0x1BD00] =	vst v63  }
.LBB2_24:
0x23: {  	p0 =	sne.s32 s18, s6  }
.Ltmp4:
0x24: {  	_ = 	snop;
	(pc) =	sbr.rel @!p0 .LBB2_25-.Ltmp4, $1  }
0x25: {  	_ =	sdelay $0x3  }
.LBB2_4:
0x26: {  	s19 =	sand.u32 $0x1, s18;
	s18 =	sadd.s32 $0x1, s18  }
0x27: {  	p1 =	sge.u32 s18, s6  }
0x28: {  	p0 =	sne.s32 @!p1 s19, $0x0  }
0x29: {  	p2 =	por p0, p1  }
0x2a: {  	s20 =	sshll.u32 @!p2 s18, $0x4  }
0x2b: {  	p0 =	seq.s32 s19, $0x1;
	s20 =	sor.u32 @!p2 s2, s20  }
0x2c: {  	p1 =	por !p0, p1;
	s20 =	smul.u32 @!p2 $0x13C00, s20  }
0x2d: {  	s21 =	sshll.u32 @!p1 s18, $0x4  }
0x2e: {  	s22 =	simm.s32 @!p2 $0x200;
	s21 =	sand.u32 @!p1 $0x3FFFE0, s21;
	s20 =	sor.u32 @!p2 s5, s20  }
0x2f: {  	s23 =	simm.s32 @!p2 $0x400;
	s21 =	sor.u32 @!p1 s2, s21;
	s20 =	sshrl.u32 @!p2 s20, $0x3  }
0x30: {  	s24 =	simm.s32 @!p2 $0x9E00;
	s21 =	smul.u32 @!p1 $0x13C00, s21;
	s20 =	sadd.s32 @!p2 s3, s20  }
0x31: {  	[tilespmem:s24], [sflag:$0x2] =	stream.strided.gather @!p2 [hbm4b:s20+s22], $0x9E00, s23, s22, $0x38;
	[tilespmem:$0x1BD00] =	vst v63  }
0x32: {  	s20 =	sor.u32 @!p1 s5, s21  }
0x33: {  	s21 =	simm.s32 @!p1 $0x200;
	s20 =	sshrl.u32 @!p1 s20, $0x3  }
0x34: {  	s22 =	simm.s32 @!p1 $0x400;
	s23 =	simm.s32 @!p1 $0x0;
	s20 =	sadd.s32 @!p1 s3, s20  }
0x35: {  	[tilespmem:s23], [sflag:$0x1] =	stream.strided.gather @!p1 [hbm4b:s20+s21], $0x9E00, s22, s21, $0x38;
	[tilespmem:$0x1BD00] =	vst v63  }
0x36: {  	p1 =	sne.s32 s19, $0x0  }
.Ltmp5:
0x37: {  	_ = 	snop;
	(pc) =	sbr.rel @p1 .LBB2_14-.Ltmp5, $1  }
0x38: {  	_ =	sdelay $0x3  }
0x39: {  	_ =	swait.ge [sflag:s14], $0x9E00  }
0x3a: {  	[sflag:s14] =	ssyncset.done $0x0  }
0x3b: {  	s19 =	simm.s32 $0x40;
	[sflag:s14] =	ssyncadd.s32 $0xFFFF6200  }
0x3c: {  	v5 =	vld [tilespmem:s19+$0xFFFFFFC0]  }
0x3d: {  	v7 =	vld [tilespmem:s19+$0xFFFFFFE0];
	_ =	sdelay $0x2  }
0x3e: {  	v9 =	vld [tilespmem:s19+$0xFFFFFFF0]  }
0x3f: {  	v11 =	vld [tilespmem:s19+$0x20];
	v6 =	vand.u32 $0xFFFFFC00, v5  }
0x40: {  	v5 =	vand.u32 $0x3FF, v5;
	v8 =	vand.u32 $0xFFFFFC00, v7;
	vm3 =	veq.s32 v6, v4  }
0x41: {  	v12 =	vld [tilespmem:s19+$0x30];
	v7 =	vand.u32 $0x3FF, v7;
	v13 =	vadd.s32 v0, v5;
	vm2 =	veq.s32 v8, v4  }
0x42: {  	v5 =	vld [tilespmem:s19+$0xFFFFFFD0];
	v8 =	vadd.s32 v0, v7;
	_ =	sdelay $0x1  }
0x43: {  	v14 =	vand.u32 $0xFFFFFC00, v11;
	v6 =	vand.u32 $0x3FF, v9;
	v7 =	vand.u32 $0xFFFFFC00, v9;
	v9 =	vld [tilespmem:s19+$0x10]  }
0x44: {  	v10 =	vld [tilespmem:s19+$0x0];
	vm1 =	veq.s32 v14, v4;
	vm0 =	veq.s32 v7, v4;
	v7 =	vand.u32 $0x3FF, v11  }
0x45: {  	s20 =	simm.s32 $0x0;
	s21 =	simm.s32 $0x240;
	v11 =	vand.u32 $0x3FF, v12;
	v12 =	vand.u32 $0xFFFFFC00, v12;
	v7 =	vadd.s32 v0, v7;
	[tilespmem:v13+s15+$0x0] =	vst.idx.add.s32.msk vm3, v2  }
.LBB2_6:
0x46: {  	s20 =	sadd.s32 $0x8, s20;
	v13 =	vand.u32 $0xFFFFFC00, v5;
	[tilespmem:v8+s15+$0x0] =	vst.idx.add.s32.msk vm2, v2;
	vm3 =	veq.s32 v12, v4;
	s19 =	simm.s32 $0xF0  }
0x47: {  	v5 =	vand.u32 $0x3FF, v5;
	v8 =	vadd.s32 v3, v6;
	v12 =	vld [tilespmem:s21+$0xFFFFFFF0];
	p1 =	slt.u32 s20, $0x270;
	vm4 =	veq.s32 v13, v4  }
0x48: {  	v11 =	vadd.s32 v3, v11;
	v14 =	vadd.s32 v3, v5;
	v13 =	vld [tilespmem:s21+$0xFFFFFFE0];
	v5 =	vand.u32 $0xFFFFFC00, v9  }
0x49: {  	v9 =	vand.u32 $0x3FF, v9;
	v15 =	vld [tilespmem:s21+$0xFFFFFFC0];
	v6 =	vand.u32 $0xFFFFFC00, v10;
	vm5 =	veq.s32 v5, v4  }
0x4a: {  	v5 =	vand.u32 $0x3FF, v10;
	v9 =	vadd.s32 v3, v9;
	v16 =	vld [tilespmem:s21+$0x30];
	vm6 =	veq.s32 v6, v4  }
0x4b: {  	v10 =	vadd.s32 v0, v5;
	v17 =	vld [tilespmem:s21+$0x20]  }
0x4c: {  	v5 =	vld [tilespmem:s21+$0xFFFFFFD0];
	v6 =	vand.u32 $0x3FF, v12  }
0x4d: {  	[tilespmem:v8+s15+$0x0] =	vst.idx.add.s32.msk vm0, v2  }
0x4e: {  	v18 =	vand.u32 $0x3FF, v13;
	v13 =	vand.u32 $0xFFFFFC00, v13;
	v8 =	vand.u32 $0xFFFFFC00, v15;
	[tilespmem:v7+s15+$0x0] =	vst.idx.add.s32.msk vm1, v2  }
0x4f: {  	v7 =	vand.u32 $0x3FF, v15;
	vm2 =	veq.s32 v13, v4;
	vm7 =	veq.s32 v8, v4;
	[tilespmem:v9+s15+$0x0] =	vst.idx.add.s32.msk vm5, v2  }
0x50: {  	v7 =	vadd.s32 v0, v7;
	v8 =	vadd.s32 v0, v18;
	[tilespmem:v10+s15+$0x0] =	vst.idx.add.s32.msk vm6, v2  }
.Ltmp6:
0x51: {  	v9 =	vand.u32 $0xFFFFFC00, v12;
	[tilespmem:v11+s15+$0x0] =	vst.idx.add.s32.msk vm3, v2;
	(pc) =	sbr.rel @p1 .LBB2_6-.Ltmp6, $4  }
0x52: {  	vm0 =	veq.s32 v9, v4;
	[tilespmem:v14+s15+$0x0] =	vst.idx.add.s32.msk vm4, v2  }
0x53: {  	v11 =	vand.u32 $0xFFFFFC00, v17;
	v9 =	vld [tilespmem:s21+$0x10]  }
0x54: {  	v12 =	vand.u32 $0x3FF, v17;
	vm1 =	veq.s32 v11, v4;
	v10 =	vld [tilespmem:s21+$0x0]  }
0x55: {  	v11 =	vand.u32 $0x3FF, v16;
	s21 =	sadd.s32 $0x200, s21;
	[tilespmem:v7+s15+$0x0] =	vst.idx.add.s32.msk vm7, v2;
	v7 =	vadd.s32 v0, v12;
	v12 =	vand.u32 $0xFFFFFC00, v16  }
0x56: {  	_ =	sdelay $0x3  }
0x57: {  	v6 =	vadd.s32 v3, v6;
	vm5 =	veq.s32 v12, v4  }
0x58: {  	[tilespmem:v8+s15+$0x0] =	vst.idx.add.s32.msk vm2, v2;
	v8 =	vadd.s32 v3, v11;
	v13 =	vand.u32 $0xFFFFFC00, v9;
	v9 =	vand.u32 $0x3FF, v9  }
0x59: {  	vm3 =	veq.s32 v13, v4;
	v13 =	vand.u32 $0xFFFFFC00, v10;
	v10 =	vand.u32 $0x3FF, v10  }
0x5a: {  	v9 =	vadd.s32 v3, v9;
	vm4 =	veq.s32 v13, v4;
	v13 =	vand.u32 $0xFFFFFC00, v5  }
0x5b: {  	v10 =	vadd.s32 v0, v10;
	v5 =	vand.u32 $0x3FF, v5;
	vm2 =	veq.s32 v13, v4  }
0x5c: {  	[tilespmem:v7+s15+$0x0] =	vst.idx.add.s32.msk vm1, v2;
	v5 =	vadd.s32 v3, v5  }
0x5d: {  	[tilespmem:v6+s15+$0x0] =	vst.idx.add.s32.msk vm0, v2  }
0x5e: {  	[tilespmem:v8+s15+$0x0] =	vst.idx.add.s32.msk vm5, v2  }
0x5f: {  	[tilespmem:v9+s15+$0x0] =	vst.idx.add.s32.msk vm3, v2  }
0x60: {  	[tilespmem:v10+s15+$0x0] =	vst.idx.add.s32.msk vm4, v2  }
0x61: {  	[tilespmem:v5+s15+$0x0] =	vst.idx.add.s32.msk vm2, v2  }
0x62: {  	v5 =	vld [tilespmem:s19+$0xFFFFFF90]  }
0x63: {  	v7 =	vld [tilespmem:s19+$0xFFFFFFB0];
	_ =	sdelay $0x2  }
0x64: {  	v9 =	vld [tilespmem:s19+$0xFFFFFFC0]  }
0x65: {  	v11 =	vld [tilespmem:s19+$0xFFFFFFF0];
	v6 =	vand.u32 $0xFFFFFC00, v5  }
0x66: {  	v5 =	vand.u32 $0x3FF, v5;
	v8 =	vand.u32 $0xFFFFFC00, v7;
	vm3 =	veq.s32 v6, v4  }
0x67: {  	v12 =	vld [tilespmem:s19+$0x0];
	v7 =	vand.u32 $0x3FF, v7;
	v13 =	vadd.s32 v0, v5;
	vm2 =	veq.s32 v8, v4  }
0x68: {  	v5 =	vld [tilespmem:s19+$0xFFFFFFA0];
	v8 =	vadd.s32 v0, v7;
	_ =	sdelay $0x1  }
0x69: {  	v14 =	vand.u32 $0xFFFFFC00, v11;
	v6 =	vand.u32 $0x3FF, v9;
	v7 =	vand.u32 $0xFFFFFC00, v9;
	v9 =	vld [tilespmem:s19+$0xFFFFFFE0]  }
0x6a: {  	v10 =	vld [tilespmem:s19+$0xFFFFFFD0];
	vm1 =	veq.s32 v14, v4;
	vm0 =	veq.s32 v7, v4;
	v7 =	vand.u32 $0x3FF, v11  }
0x6b: {  	s20 =	simm.s32 $0x0;
	s21 =	simm.s32 $0x2F0;
	v11 =	vand.u32 $0x3FF, v12;
	v12 =	vand.u32 $0xFFFFFC00, v12;
	v7 =	vadd.s32 v0, v7;
	[tilespmem:v13+s15+$0x0] =	vst.idx.add.s32.msk vm3, v2  }
.LBB2_8:
0x6c: {  	s20 =	sadd.s32 $0x8, s20;
	v13 =	vand.u32 $0xFFFFFC00, v5;
	[tilespmem:v8+s15+$0x0] =	vst.idx.add.s32.msk vm2, v2;
	vm3 =	veq.s32 v12, v4;
	s19 =	simm.s32 $0x170  }
0x6d: {  	v5 =	vand.u32 $0x3FF, v5;
	v8 =	vadd.s32 v3, v6;
	v12 =	vld [tilespmem:s21+$0xFFFFFFC0];
	p1 =	slt.u32 s20, $0x270;
	vm4 =	veq.s32 v13, v4  }
0x6e: {  	v11 =	vadd.s32 v3, v11;
	v14 =	vadd.s32 v3, v5;
	v13 =	vld [tilespmem:s21+$0xFFFFFFB0];
	v5 =	vand.u32 $0xFFFFFC00, v9  }
0x6f: {  	v9 =	vand.u32 $0x3FF, v9;
	v15 =	vld [tilespmem:s21+$0xFFFFFF90];
	v6 =	vand.u32 $0xFFFFFC00, v10;
	vm5 =	veq.s32 v5, v4  }
0x70: {  	v5 =	vand.u32 $0x3FF, v10;
	v9 =	vadd.s32 v3, v9;
	v16 =	vld [tilespmem:s21+$0x0];
	vm6 =	veq.s32 v6, v4  }
0x71: {  	v10 =	vadd.s32 v0, v5;
	v17 =	vld [tilespmem:s21+$0xFFFFFFF0]  }
0x72: {  	v5 =	vld [tilespmem:s21+$0xFFFFFFA0];
	v6 =	vand.u32 $0x3FF, v12  }
0x73: {  	[tilespmem:v8+s15+$0x0] =	vst.idx.add.s32.msk vm0, v2  }
0x74: {  	v18 =	vand.u32 $0x3FF, v13;
	v13 =	vand.u32 $0xFFFFFC00, v13;
	v8 =	vand.u32 $0xFFFFFC00, v15;
	[tilespmem:v7+s15+$0x0] =	vst.idx.add.s32.msk vm1, v2  }
0x75: {  	v7 =	vand.u32 $0x3FF, v15;
	vm2 =	veq.s32 v13, v4;
	vm7 =	veq.s32 v8, v4;
	[tilespmem:v9+s15+$0x0] =	vst.idx.add.s32.msk vm5, v2  }
0x76: {  	v7 =	vadd.s32 v0, v7;
	v8 =	vadd.s32 v0, v18;
	[tilespmem:v10+s15+$0x0] =	vst.idx.add.s32.msk vm6, v2  }
.Ltmp7:
0x77: {  	v9 =	vand.u32 $0xFFFFFC00, v12;
	[tilespmem:v11+s15+$0x0] =	vst.idx.add.s32.msk vm3, v2;
	(pc) =	sbr.rel @p1 .LBB2_8-.Ltmp7, $4  }
0x78: {  	vm0 =	veq.s32 v9, v4;
	[tilespmem:v14+s15+$0x0] =	vst.idx.add.s32.msk vm4, v2  }
0x79: {  	v11 =	vand.u32 $0xFFFFFC00, v17;
	v9 =	vld [tilespmem:s21+$0xFFFFFFE0]  }
0x7a: {  	v12 =	vand.u32 $0x3FF, v17;
	vm1 =	veq.s32 v11, v4;
	v10 =	vld [tilespmem:s21+$0xFFFFFFD0]  }
0x7b: {  	v11 =	vand.u32 $0x3FF, v16;
	s21 =	sadd.s32 $0x200, s21;
	[tilespmem:v7+s15+$0x0] =	vst.idx.add.s32.msk vm7, v2;
	v7 =	vadd.s32 v0, v12;
	v12 =	vand.u32 $0xFFFFFC00, v16  }
0x7c: {  	_ =	sdelay $0x3  }
0x7d: {  	v6 =	vadd.s32 v3, v6;
	vm5 =	veq.s32 v12, v4  }
0x7e: {  	[tilespmem:v8+s15+$0x0] =	vst.idx.add.s32.msk vm2, v2;
	v8 =	vadd.s32 v3, v11;
	v13 =	vand.u32 $0xFFFFFC00, v9;
	v9 =	vand.u32 $0x3FF, v9  }
0x7f: {  	vm3 =	veq.s32 v13, v4;
	v13 =	vand.u32 $0xFFFFFC00, v10;
	v10 =	vand.u32 $0x3FF, v10  }
0x80: {  	v9 =	vadd.s32 v3, v9;
	vm4 =	veq.s32 v13, v4;
	v13 =	vand.u32 $0xFFFFFC00, v5  }
0x81: {  	v10 =	vadd.s32 v0, v10;
	v5 =	vand.u32 $0x3FF, v5;
	vm2 =	veq.s32 v13, v4  }
0x82: {  	[tilespmem:v7+s15+$0x0] =	vst.idx.add.s32.msk vm1, v2;
	v5 =	vadd.s32 v3, v5  }
0x83: {  	[tilespmem:v6+s15+$0x0] =	vst.idx.add.s32.msk vm0, v2  }
0x84: {  	[tilespmem:v8+s15+$0x0] =	vst.idx.add.s32.msk vm5, v2  }
0x85: {  	[tilespmem:v9+s15+$0x0] =	vst.idx.add.s32.msk vm3, v2  }
0x86: {  	[tilespmem:v10+s15+$0x0] =	vst.idx.add.s32.msk vm4, v2  }
0x87: {  	[tilespmem:v5+s15+$0x0] =	vst.idx.add.s32.msk vm2, v2  }
0x88: {  	v5 =	vld [tilespmem:s19+$0xFFFFFF90]  }
0x89: {  	v7 =	vld [tilespmem:s19+$0xFFFFFFB0];
	_ =	sdelay $0x2  }
0x8a: {  	v9 =	vld [tilespmem:s19+$0xFFFFFFC0]  }
0x8b: {  	v11 =	vld [tilespmem:s19+$0xFFFFFFF0];
	v6 =	vand.u32 $0xFFFFFC00, v5  }
0x8c: {  	v5 =	vand.u32 $0x3FF, v5;
	v8 =	vand.u32 $0xFFFFFC00, v7;
	vm3 =	veq.s32 v6, v4  }
0x8d: {  	v12 =	vld [tilespmem:s19+$0x0];
	v7 =	vand.u32 $0x3FF, v7;
	v13 =	vadd.s32 v0, v5;
	vm2 =	veq.s32 v8, v4  }
0x8e: {  	v5 =	vld [tilespmem:s19+$0xFFFFFFA0];
	v8 =	vadd.s32 v0, v7;
	_ =	sdelay $0x1  }
0x8f: {  	v14 =	vand.u32 $0xFFFFFC00, v11;
	v6 =	vand.u32 $0x3FF, v9;
	v7 =	vand.u32 $0xFFFFFC00, v9;
	v9 =	vld [tilespmem:s19+$0xFFFFFFE0]  }
0x90: {  	v10 =	vld [tilespmem:s19+$0xFFFFFFD0];
	vm1 =	veq.s32 v14, v4;
	vm0 =	veq.s32 v7, v4;
	v7 =	vand.u32 $0x3FF, v11  }
0x91: {  	s20 =	simm.s32 $0x0;
	s21 =	simm.s32 $0x370;
	v11 =	vand.u32 $0x3FF, v12;
	v12 =	vand.u32 $0xFFFFFC00, v12;
	v7 =	vadd.s32 v0, v7;
	[tilespmem:v13+s15+$0x0] =	vst.idx.add.s32.msk vm3, v2  }
.LBB2_10:
0x92: {  	s20 =	sadd.s32 $0x8, s20;
	v13 =	vand.u32 $0xFFFFFC00, v5;
	[tilespmem:v8+s15+$0x0] =	vst.idx.add.s32.msk vm2, v2;
	vm3 =	veq.s32 v12, v4;
	s19 =	simm.s32 $0x1F0  }
0x93: {  	v5 =	vand.u32 $0x3FF, v5;
	v8 =	vadd.s32 v3, v6;
	v12 =	vld [tilespmem:s21+$0xFFFFFFC0];
	p1 =	slt.u32 s20, $0x270;
	vm4 =	veq.s32 v13, v4  }
0x94: {  	v11 =	vadd.s32 v3, v11;
	v14 =	vadd.s32 v3, v5;
	v13 =	vld [tilespmem:s21+$0xFFFFFFB0];
	v5 =	vand.u32 $0xFFFFFC00, v9  }
0x95: {  	v9 =	vand.u32 $0x3FF, v9;
	v15 =	vld [tilespmem:s21+$0xFFFFFF90];
	v6 =	vand.u32 $0xFFFFFC00, v10;
	vm5 =	veq.s32 v5, v4  }
0x96: {  	v5 =	vand.u32 $0x3FF, v10;
	v9 =	vadd.s32 v3, v9;
	v16 =	vld [tilespmem:s21+$0x0];
	vm6 =	veq.s32 v6, v4  }
0x97: {  	v10 =	vadd.s32 v0, v5;
	v17 =	vld [tilespmem:s21+$0xFFFFFFF0]  }
0x98: {  	v5 =	vld [tilespmem:s21+$0xFFFFFFA0];
	v6 =	vand.u32 $0x3FF, v12  }
0x99: {  	[tilespmem:v8+s15+$0x0] =	vst.idx.add.s32.msk vm0, v2  }
0x9a: {  	v18 =	vand.u32 $0x3FF, v13;
	v13 =	vand.u32 $0xFFFFFC00, v13;
	v8 =	vand.u32 $0xFFFFFC00, v15;
	[tilespmem:v7+s15+$0x0] =	vst.idx.add.s32.msk vm1, v2  }
0x9b: {  	v7 =	vand.u32 $0x3FF, v15;
	vm2 =	veq.s32 v13, v4;
	vm7 =	veq.s32 v8, v4;
	[tilespmem:v9+s15+$0x0] =	vst.idx.add.s32.msk vm5, v2  }
0x9c: {  	v7 =	vadd.s32 v0, v7;
	v8 =	vadd.s32 v0, v18;
	[tilespmem:v10+s15+$0x0] =	vst.idx.add.s32.msk vm6, v2  }
.Ltmp8:
0x9d: {  	v9 =	vand.u32 $0xFFFFFC00, v12;
	[tilespmem:v11+s15+$0x0] =	vst.idx.add.s32.msk vm3, v2;
	(pc) =	sbr.rel @p1 .LBB2_10-.Ltmp8, $4  }
0x9e: {  	vm0 =	veq.s32 v9, v4;
	[tilespmem:v14+s15+$0x0] =	vst.idx.add.s32.msk vm4, v2  }
0x9f: {  	v11 =	vand.u32 $0xFFFFFC00, v17;
	v9 =	vld [tilespmem:s21+$0xFFFFFFE0]  }
0xa0: {  	v12 =	vand.u32 $0x3FF, v17;
	vm1 =	veq.s32 v11, v4;
	v10 =	vld [tilespmem:s21+$0xFFFFFFD0]  }
0xa1: {  	v11 =	vand.u32 $0x3FF, v16;
	s21 =	sadd.s32 $0x200, s21;
	[tilespmem:v7+s15+$0x0] =	vst.idx.add.s32.msk vm7, v2;
	v7 =	vadd.s32 v0, v12;
	v12 =	vand.u32 $0xFFFFFC00, v16  }
0xa2: {  	_ =	sdelay $0x3  }
0xa3: {  	v6 =	vadd.s32 v3, v6;
	vm5 =	veq.s32 v12, v4  }
0xa4: {  	[tilespmem:v8+s15+$0x0] =	vst.idx.add.s32.msk vm2, v2;
	v8 =	vadd.s32 v3, v11;
	v13 =	vand.u32 $0xFFFFFC00, v9;
	v9 =	vand.u32 $0x3FF, v9  }
0xa5: {  	vm3 =	veq.s32 v13, v4;
	v13 =	vand.u32 $0xFFFFFC00, v10;
	v10 =	vand.u32 $0x3FF, v10  }
0xa6: {  	v9 =	vadd.s32 v3, v9;
	vm4 =	veq.s32 v13, v4;
	v13 =	vand.u32 $0xFFFFFC00, v5  }
0xa7: {  	v10 =	vadd.s32 v0, v10;
	v5 =	vand.u32 $0x3FF, v5;
	vm2 =	veq.s32 v13, v4  }
0xa8: {  	[tilespmem:v7+s15+$0x0] =	vst.idx.add.s32.msk vm1, v2;
	v5 =	vadd.s32 v3, v5  }
0xa9: {  	[tilespmem:v6+s15+$0x0] =	vst.idx.add.s32.msk vm0, v2  }
0xaa: {  	[tilespmem:v8+s15+$0x0] =	vst.idx.add.s32.msk vm5, v2  }
0xab: {  	[tilespmem:v9+s15+$0x0] =	vst.idx.add.s32.msk vm3, v2  }
0xac: {  	[tilespmem:v10+s15+$0x0] =	vst.idx.add.s32.msk vm4, v2  }
0xad: {  	[tilespmem:v5+s15+$0x0] =	vst.idx.add.s32.msk vm2, v2  }
0xae: {  	v5 =	vld [tilespmem:s19+$0xFFFFFF90]  }
0xaf: {  	v7 =	vld [tilespmem:s19+$0xFFFFFFB0];
	_ =	sdelay $0x2  }
0xb0: {  	v9 =	vld [tilespmem:s19+$0xFFFFFFC0]  }
0xb1: {  	v11 =	vld [tilespmem:s19+$0xFFFFFFF0];
	v6 =	vand.u32 $0xFFFFFC00, v5  }
0xb2: {  	v5 =	vand.u32 $0x3FF, v5;
	v8 =	vand.u32 $0xFFFFFC00, v7;
	vm3 =	veq.s32 v6, v4  }
0xb3: {  	v12 =	vld [tilespmem:s19+$0x0];
	v7 =	vand.u32 $0x3FF, v7;
	v13 =	vadd.s32 v0, v5;
	vm2 =	veq.s32 v8, v4  }
0xb4: {  	v5 =	vld [tilespmem:s19+$0xFFFFFFA0];
	v8 =	vadd.s32 v0, v7;
	_ =	sdelay $0x1  }
0xb5: {  	v14 =	vand.u32 $0xFFFFFC00, v11;
	v6 =	vand.u32 $0x3FF, v9;
	v7 =	vand.u32 $0xFFFFFC00, v9;
	v9 =	vld [tilespmem:s19+$0xFFFFFFE0]  }
0xb6: {  	v10 =	vld [tilespmem:s19+$0xFFFFFFD0];
	vm1 =	veq.s32 v14, v4;
	vm0 =	veq.s32 v7, v4;
	v7 =	vand.u32 $0x3FF, v11  }
0xb7: {  	s20 =	simm.s32 $0x3F0;
	s19 =	simm.s32 $0x0;
	v11 =	vand.u32 $0x3FF, v12;
	v12 =	vand.u32 $0xFFFFFC00, v12;
	v7 =	vadd.s32 v0, v7;
	[tilespmem:v13+s15+$0x0] =	vst.idx.add.s32.msk vm3, v2  }
.LBB2_12:
0xb8: {  	s19 =	sadd.s32 $0x8, s19;
	v13 =	vand.u32 $0xFFFFFC00, v5;
	[tilespmem:v8+s15+$0x0] =	vst.idx.add.s32.msk vm2, v2;
	vm3 =	veq.s32 v12, v4  }
0xb9: {  	v5 =	vand.u32 $0x3FF, v5;
	v8 =	vadd.s32 v3, v6;
	v12 =	vld [tilespmem:s20+$0xFFFFFFC0];
	p1 =	slt.u32 s19, $0x270;
	vm4 =	veq.s32 v13, v4  }
0xba: {  	v11 =	vadd.s32 v3, v11;
	v14 =	vadd.s32 v3, v5;
	v13 =	vld [tilespmem:s20+$0xFFFFFFB0];
	v5 =	vand.u32 $0xFFFFFC00, v9  }
0xbb: {  	v9 =	vand.u32 $0x3FF, v9;
	v15 =	vld [tilespmem:s20+$0xFFFFFF90];
	v6 =	vand.u32 $0xFFFFFC00, v10;
	vm5 =	veq.s32 v5, v4  }
0xbc: {  	v5 =	vand.u32 $0x3FF, v10;
	v9 =	vadd.s32 v3, v9;
	v16 =	vld [tilespmem:s20+$0x0];
	vm6 =	veq.s32 v6, v4  }
0xbd: {  	v10 =	vadd.s32 v0, v5;
	v17 =	vld [tilespmem:s20+$0xFFFFFFF0]  }
0xbe: {  	v5 =	vld [tilespmem:s20+$0xFFFFFFA0];
	v6 =	vand.u32 $0x3FF, v12  }
0xbf: {  	[tilespmem:v8+s15+$0x0] =	vst.idx.add.s32.msk vm0, v2  }
0xc0: {  	v18 =	vand.u32 $0x3FF, v13;
	v13 =	vand.u32 $0xFFFFFC00, v13;
	v8 =	vand.u32 $0xFFFFFC00, v15;
	[tilespmem:v7+s15+$0x0] =	vst.idx.add.s32.msk vm1, v2  }
0xc1: {  	v7 =	vand.u32 $0x3FF, v15;
	vm2 =	veq.s32 v13, v4;
	vm7 =	veq.s32 v8, v4;
	[tilespmem:v9+s15+$0x0] =	vst.idx.add.s32.msk vm5, v2  }
0xc2: {  	v7 =	vadd.s32 v0, v7;
	v8 =	vadd.s32 v0, v18;
	[tilespmem:v10+s15+$0x0] =	vst.idx.add.s32.msk vm6, v2  }
.Ltmp9:
0xc3: {  	v9 =	vand.u32 $0xFFFFFC00, v12;
	[tilespmem:v11+s15+$0x0] =	vst.idx.add.s32.msk vm3, v2;
	(pc) =	sbr.rel @p1 .LBB2_12-.Ltmp9, $4  }
0xc4: {  	vm0 =	veq.s32 v9, v4;
	[tilespmem:v14+s15+$0x0] =	vst.idx.add.s32.msk vm4, v2  }
0xc5: {  	v11 =	vand.u32 $0xFFFFFC00, v17;
	v9 =	vld [tilespmem:s20+$0xFFFFFFE0]  }
0xc6: {  	v12 =	vand.u32 $0x3FF, v17;
	vm1 =	veq.s32 v11, v4;
	v10 =	vld [tilespmem:s20+$0xFFFFFFD0]  }
0xc7: {  	v11 =	vand.u32 $0x3FF, v16;
	s20 =	sadd.s32 $0x200, s20;
	[tilespmem:v7+s15+$0x0] =	vst.idx.add.s32.msk vm7, v2;
	v7 =	vadd.s32 v0, v12;
	v12 =	vand.u32 $0xFFFFFC00, v16  }
0xc8: {  	_ = 	snop  }
0xc9: {  	v6 =	vadd.s32 v3, v6;
	v62 =	vand.u32 $0xFFFFFC00, v5  }
0xca: {  	vm5 =	veq.s32 v12, v4;
	v5 =	vand.u32 $0x3FF, v5;
	v63 =	vadd.s32 v3, v11  }
0xcb: {  	vm15 =	veq.s32 v62, v4;
	v5 =	vadd.s32 v3, v5;
	v13 =	vand.u32 $0xFFFFFC00, v9  }
0xcc: {  	v60 =	vand.u32 $0x3FF, v9;
	vm3 =	veq.s32 v13, v4;
	v59 =	vand.u32 $0xFFFFFC00, v10  }
0xcd: {  	[tilespmem:v8+s15+$0x0] =	vst.idx.add.s32.msk vm2, v2;
	v61 =	vand.u32 $0x3FF, v10;
	v9 =	vadd.s32 v3, v60;
	vm4 =	veq.s32 v59, v4  }
0xce: {  	[tilespmem:v7+s15+$0x0] =	vst.idx.add.s32.msk vm1, v2;
	v10 =	vadd.s32 v0, v61  }
0xcf: {  	[tilespmem:v6+s15+$0x0] =	vst.idx.add.s32.msk vm0, v2  }
0xd0: {  	[tilespmem:v63+s15+$0x0] =	vst.idx.add.s32.msk vm5, v2  }
0xd1: {  	[tilespmem:v5+s15+$0x0] =	vst.idx.add.s32.msk vm15, v2  }
0xd2: {  	[tilespmem:v9+s15+$0x0] =	vst.idx.add.s32.msk vm3, v2  }
0xd3: {  	[tilespmem:v10+s15+$0x0] =	vst.idx.add.s32.msk vm4, v2  }
.LBB2_14:
.Ltmp10:
0xd4: {  	(pc) =	sbr.rel @!p0 .LBB2_24-.Ltmp10, $1  }
0xd5: {  	_ =	sdelay $0x3  }
0xd6: {  	_ =	swait.ge [sflag:s16], $0x9E00  }
0xd7: {  	[sflag:s16] =	ssyncset.done $0x0  }
0xd8: {  	s19 =	simm.s32 $0x9E40;
	[sflag:s16] =	ssyncadd.s32 $0xFFFF6200  }
0xd9: {  	v5 =	vld [tilespmem:s19+$0xFFFFFFC0]  }
0xda: {  	v7 =	vld [tilespmem:s19+$0xFFFFFFE0];
	_ =	sdelay $0x2  }
0xdb: {  	v9 =	vld [tilespmem:s19+$0xFFFFFFF0]  }
0xdc: {  	v11 =	vld [tilespmem:s19+$0x20];
	v6 =	vand.u32 $0xFFFFFC00, v5  }
0xdd: {  	v5 =	vand.u32 $0x3FF, v5;
	v8 =	vand.u32 $0xFFFFFC00, v7;
	vm3 =	veq.s32 v6, v4  }
0xde: {  	v12 =	vld [tilespmem:s19+$0x30];
	v7 =	vand.u32 $0x3FF, v7;
	v13 =	vadd.s32 v0, v5;
	vm2 =	veq.s32 v8, v4  }
0xdf: {  	v5 =	vld [tilespmem:s19+$0xFFFFFFD0];
	v8 =	vadd.s32 v0, v7;
	_ =	sdelay $0x1  }
0xe0: {  	v14 =	vand.u32 $0xFFFFFC00, v11;
	v6 =	vand.u32 $0x3FF, v9;
	v7 =	vand.u32 $0xFFFFFC00, v9;
	v9 =	vld [tilespmem:s19+$0x10]  }
0xe1: {  	v10 =	vld [tilespmem:s19+$0x0];
	vm1 =	veq.s32 v14, v4;
	vm0 =	veq.s32 v7, v4;
	v7 =	vand.u32 $0x3FF, v11  }
0xe2: {  	s20 =	simm.s32 $0x0;
	s21 =	simm.s32 $0xA040;
	v11 =	vand.u32 $0x3FF, v12;
	v12 =	vand.u32 $0xFFFFFC00, v12;
	v7 =	vadd.s32 v0, v7;
	[tilespmem:v13+s15+$0x0] =	vst.idx.add.s32.msk vm3, v2  }
.LBB2_16:
0xe3: {  	s20 =	sadd.s32 $0x8, s20;
	v13 =	vand.u32 $0xFFFFFC00, v5;
	[tilespmem:v8+s15+$0x0] =	vst.idx.add.s32.msk vm2, v2;
	vm3 =	veq.s32 v12, v4;
	s19 =	simm.s32 $0x9EF0  }
0xe4: {  	v5 =	vand.u32 $0x3FF, v5;
	v8 =	vadd.s32 v3, v6;
	v12 =	vld [tilespmem:s21+$0xFFFFFFF0];
	p0 =	slt.u32 s20, $0x270;
	vm4 =	veq.s32 v13, v4  }
0xe5: {  	v11 =	vadd.s32 v3, v11;
	v14 =	vadd.s32 v3, v5;
	v13 =	vld [tilespmem:s21+$0xFFFFFFE0];
	v5 =	vand.u32 $0xFFFFFC00, v9  }
0xe6: {  	v9 =	vand.u32 $0x3FF, v9;
	v15 =	vld [tilespmem:s21+$0xFFFFFFC0];
	v6 =	vand.u32 $0xFFFFFC00, v10;
	vm5 =	veq.s32 v5, v4  }
0xe7: {  	v5 =	vand.u32 $0x3FF, v10;
	v9 =	vadd.s32 v3, v9;
	v16 =	vld [tilespmem:s21+$0x30];
	vm6 =	veq.s32 v6, v4  }
0xe8: {  	v10 =	vadd.s32 v0, v5;
	v17 =	vld [tilespmem:s21+$0x20]  }
0xe9: {  	v5 =	vld [tilespmem:s21+$0xFFFFFFD0];
	v6 =	vand.u32 $0x3FF, v12  }
0xea: {  	[tilespmem:v8+s15+$0x0] =	vst.idx.add.s32.msk vm0, v2  }
0xeb: {  	v18 =	vand.u32 $0x3FF, v13;
	v13 =	vand.u32 $0xFFFFFC00, v13;
	v8 =	vand.u32 $0xFFFFFC00, v15;
	[tilespmem:v7+s15+$0x0] =	vst.idx.add.s32.msk vm1, v2  }
0xec: {  	v7 =	vand.u32 $0x3FF, v15;
	vm2 =	veq.s32 v13, v4;
	vm7 =	veq.s32 v8, v4;
	[tilespmem:v9+s15+$0x0] =	vst.idx.add.s32.msk vm5, v2  }
0xed: {  	v7 =	vadd.s32 v0, v7;
	v8 =	vadd.s32 v0, v18;
	[tilespmem:v10+s15+$0x0] =	vst.idx.add.s32.msk vm6, v2  }
.Ltmp11:
0xee: {  	v9 =	vand.u32 $0xFFFFFC00, v12;
	[tilespmem:v11+s15+$0x0] =	vst.idx.add.s32.msk vm3, v2;
	(pc) =	sbr.rel @p0 .LBB2_16-.Ltmp11, $4  }
0xef: {  	vm0 =	veq.s32 v9, v4;
	[tilespmem:v14+s15+$0x0] =	vst.idx.add.s32.msk vm4, v2  }
0xf0: {  	v11 =	vand.u32 $0xFFFFFC00, v17;
	v9 =	vld [tilespmem:s21+$0x10]  }
0xf1: {  	v12 =	vand.u32 $0x3FF, v17;
	vm1 =	veq.s32 v11, v4;
	v10 =	vld [tilespmem:s21+$0x0]  }
0xf2: {  	v11 =	vand.u32 $0x3FF, v16;
	s21 =	sadd.s32 $0x200, s21;
	[tilespmem:v7+s15+$0x0] =	vst.idx.add.s32.msk vm7, v2;
	v7 =	vadd.s32 v0, v12;
	v12 =	vand.u32 $0xFFFFFC00, v16  }
0xf3: {  	_ =	sdelay $0x3  }
0xf4: {  	v6 =	vadd.s32 v3, v6;
	vm5 =	veq.s32 v12, v4  }
0xf5: {  	[tilespmem:v8+s15+$0x0] =	vst.idx.add.s32.msk vm2, v2;
	v8 =	vadd.s32 v3, v11;
	v13 =	vand.u32 $0xFFFFFC00, v9;
	v9 =	vand.u32 $0x3FF, v9  }
0xf6: {  	vm3 =	veq.s32 v13, v4;
	v13 =	vand.u32 $0xFFFFFC00, v10;
	v10 =	vand.u32 $0x3FF, v10  }
0xf7: {  	v9 =	vadd.s32 v3, v9;
	vm4 =	veq.s32 v13, v4;
	v13 =	vand.u32 $0xFFFFFC00, v5  }
0xf8: {  	v10 =	vadd.s32 v0, v10;
	v5 =	vand.u32 $0x3FF, v5;
	vm2 =	veq.s32 v13, v4  }
0xf9: {  	[tilespmem:v7+s15+$0x0] =	vst.idx.add.s32.msk vm1, v2;
	v5 =	vadd.s32 v3, v5  }
0xfa: {  	[tilespmem:v6+s15+$0x0] =	vst.idx.add.s32.msk vm0, v2  }
0xfb: {  	[tilespmem:v8+s15+$0x0] =	vst.idx.add.s32.msk vm5, v2  }
0xfc: {  	[tilespmem:v9+s15+$0x0] =	vst.idx.add.s32.msk vm3, v2  }
0xfd: {  	[tilespmem:v10+s15+$0x0] =	vst.idx.add.s32.msk vm4, v2  }
0xfe: {  	[tilespmem:v5+s15+$0x0] =	vst.idx.add.s32.msk vm2, v2  }
0xff: {  	v5 =	vld [tilespmem:s19+$0xFFFFFF90]  }
0x100: {  	v7 =	vld [tilespmem:s19+$0xFFFFFFB0];
	_ =	sdelay $0x2  }
0x101: {  	v9 =	vld [tilespmem:s19+$0xFFFFFFC0]  }
0x102: {  	v11 =	vld [tilespmem:s19+$0xFFFFFFF0];
	v6 =	vand.u32 $0xFFFFFC00, v5  }
0x103: {  	v5 =	vand.u32 $0x3FF, v5;
	v8 =	vand.u32 $0xFFFFFC00, v7;
	vm3 =	veq.s32 v6, v4  }
0x104: {  	v12 =	vld [tilespmem:s19+$0x0];
	v7 =	vand.u32 $0x3FF, v7;
	v13 =	vadd.s32 v0, v5;
	vm2 =	veq.s32 v8, v4  }
0x105: {  	v5 =	vld [tilespmem:s19+$0xFFFFFFA0];
	v8 =	vadd.s32 v0, v7;
	_ =	sdelay $0x1  }
0x106: {  	v14 =	vand.u32 $0xFFFFFC00, v11;
	v6 =	vand.u32 $0x3FF, v9;
	v7 =	vand.u32 $0xFFFFFC00, v9;
	v9 =	vld [tilespmem:s19+$0xFFFFFFE0]  }
0x107: {  	v10 =	vld [tilespmem:s19+$0xFFFFFFD0];
	vm1 =	veq.s32 v14, v4;
	vm0 =	veq.s32 v7, v4;
	v7 =	vand.u32 $0x3FF, v11  }
0x108: {  	s20 =	simm.s32 $0x0;
	s21 =	simm.s32 $0xA0F0;
	v11 =	vand.u32 $0x3FF, v12;
	v12 =	vand.u32 $0xFFFFFC00, v12;
	v7 =	vadd.s32 v0, v7;
	[tilespmem:v13+s15+$0x0] =	vst.idx.add.s32.msk vm3, v2  }
.LBB2_18:
0x109: {  	s20 =	sadd.s32 $0x8, s20;
	v13 =	vand.u32 $0xFFFFFC00, v5;
	[tilespmem:v8+s15+$0x0] =	vst.idx.add.s32.msk vm2, v2;
	vm3 =	veq.s32 v12, v4;
	s19 =	simm.s32 $0x9F70  }
0x10a: {  	v5 =	vand.u32 $0x3FF, v5;
	v8 =	vadd.s32 v3, v6;
	v12 =	vld [tilespmem:s21+$0xFFFFFFC0];
	p0 =	slt.u32 s20, $0x270;
	vm4 =	veq.s32 v13, v4  }
0x10b: {  	v11 =	vadd.s32 v3, v11;
	v14 =	vadd.s32 v3, v5;
	v13 =	vld [tilespmem:s21+$0xFFFFFFB0];
	v5 =	vand.u32 $0xFFFFFC00, v9  }
0x10c: {  	v9 =	vand.u32 $0x3FF, v9;
	v15 =	vld [tilespmem:s21+$0xFFFFFF90];
	v6 =	vand.u32 $0xFFFFFC00, v10;
	vm5 =	veq.s32 v5, v4  }
0x10d: {  	v5 =	vand.u32 $0x3FF, v10;
	v9 =	vadd.s32 v3, v9;
	v16 =	vld [tilespmem:s21+$0x0];
	vm6 =	veq.s32 v6, v4  }
0x10e: {  	v10 =	vadd.s32 v0, v5;
	v17 =	vld [tilespmem:s21+$0xFFFFFFF0]  }
0x10f: {  	v5 =	vld [tilespmem:s21+$0xFFFFFFA0];
	v6 =	vand.u32 $0x3FF, v12  }
0x110: {  	[tilespmem:v8+s15+$0x0] =	vst.idx.add.s32.msk vm0, v2  }
0x111: {  	v18 =	vand.u32 $0x3FF, v13;
	v13 =	vand.u32 $0xFFFFFC00, v13;
	v8 =	vand.u32 $0xFFFFFC00, v15;
	[tilespmem:v7+s15+$0x0] =	vst.idx.add.s32.msk vm1, v2  }
0x112: {  	v7 =	vand.u32 $0x3FF, v15;
	vm2 =	veq.s32 v13, v4;
	vm7 =	veq.s32 v8, v4;
	[tilespmem:v9+s15+$0x0] =	vst.idx.add.s32.msk vm5, v2  }
0x113: {  	v7 =	vadd.s32 v0, v7;
	v8 =	vadd.s32 v0, v18;
	[tilespmem:v10+s15+$0x0] =	vst.idx.add.s32.msk vm6, v2  }
.Ltmp12:
0x114: {  	v9 =	vand.u32 $0xFFFFFC00, v12;
	[tilespmem:v11+s15+$0x0] =	vst.idx.add.s32.msk vm3, v2;
	(pc) =	sbr.rel @p0 .LBB2_18-.Ltmp12, $4  }
0x115: {  	vm0 =	veq.s32 v9, v4;
	[tilespmem:v14+s15+$0x0] =	vst.idx.add.s32.msk vm4, v2  }
0x116: {  	v11 =	vand.u32 $0xFFFFFC00, v17;
	v9 =	vld [tilespmem:s21+$0xFFFFFFE0]  }
0x117: {  	v12 =	vand.u32 $0x3FF, v17;
	vm1 =	veq.s32 v11, v4;
	v10 =	vld [tilespmem:s21+$0xFFFFFFD0]  }
0x118: {  	v11 =	vand.u32 $0x3FF, v16;
	s21 =	sadd.s32 $0x200, s21;
	[tilespmem:v7+s15+$0x0] =	vst.idx.add.s32.msk vm7, v2;
	v7 =	vadd.s32 v0, v12;
	v12 =	vand.u32 $0xFFFFFC00, v16  }
0x119: {  	_ =	sdelay $0x3  }
0x11a: {  	v6 =	vadd.s32 v3, v6;
	vm5 =	veq.s32 v12, v4  }
0x11b: {  	[tilespmem:v8+s15+$0x0] =	vst.idx.add.s32.msk vm2, v2;
	v8 =	vadd.s32 v3, v11;
	v13 =	vand.u32 $0xFFFFFC00, v9;
	v9 =	vand.u32 $0x3FF, v9  }
0x11c: {  	vm3 =	veq.s32 v13, v4;
	v13 =	vand.u32 $0xFFFFFC00, v10;
	v10 =	vand.u32 $0x3FF, v10  }
0x11d: {  	v9 =	vadd.s32 v3, v9;
	vm4 =	veq.s32 v13, v4;
	v13 =	vand.u32 $0xFFFFFC00, v5  }
0x11e: {  	v10 =	vadd.s32 v0, v10;
	v5 =	vand.u32 $0x3FF, v5;
	vm2 =	veq.s32 v13, v4  }
0x11f: {  	[tilespmem:v7+s15+$0x0] =	vst.idx.add.s32.msk vm1, v2;
	v5 =	vadd.s32 v3, v5  }
0x120: {  	[tilespmem:v6+s15+$0x0] =	vst.idx.add.s32.msk vm0, v2  }
0x121: {  	[tilespmem:v8+s15+$0x0] =	vst.idx.add.s32.msk vm5, v2  }
0x122: {  	[tilespmem:v9+s15+$0x0] =	vst.idx.add.s32.msk vm3, v2  }
0x123: {  	[tilespmem:v10+s15+$0x0] =	vst.idx.add.s32.msk vm4, v2  }
0x124: {  	[tilespmem:v5+s15+$0x0] =	vst.idx.add.s32.msk vm2, v2  }
0x125: {  	v5 =	vld [tilespmem:s19+$0xFFFFFF90]  }
0x126: {  	v7 =	vld [tilespmem:s19+$0xFFFFFFB0];
	_ =	sdelay $0x2  }
0x127: {  	v9 =	vld [tilespmem:s19+$0xFFFFFFC0]  }
0x128: {  	v11 =	vld [tilespmem:s19+$0xFFFFFFF0];
	v6 =	vand.u32 $0xFFFFFC00, v5  }
0x129: {  	v5 =	vand.u32 $0x3FF, v5;
	v8 =	vand.u32 $0xFFFFFC00, v7;
	vm3 =	veq.s32 v6, v4  }
0x12a: {  	v12 =	vld [tilespmem:s19+$0x0];
	v7 =	vand.u32 $0x3FF, v7;
	v13 =	vadd.s32 v0, v5;
	vm2 =	veq.s32 v8, v4  }
0x12b: {  	v5 =	vld [tilespmem:s19+$0xFFFFFFA0];
	v8 =	vadd.s32 v0, v7;
	_ =	sdelay $0x1  }
0x12c: {  	v14 =	vand.u32 $0xFFFFFC00, v11;
	v6 =	vand.u32 $0x3FF, v9;
	v7 =	vand.u32 $0xFFFFFC00, v9;
	v9 =	vld [tilespmem:s19+$0xFFFFFFE0]  }
0x12d: {  	v10 =	vld [tilespmem:s19+$0xFFFFFFD0];
	vm1 =	veq.s32 v14, v4;
	vm0 =	veq.s32 v7, v4;
	v7 =	vand.u32 $0x3FF, v11  }
0x12e: {  	s20 =	simm.s32 $0x0;
	s21 =	simm.s32 $0xA170;
	v11 =	vand.u32 $0x3FF, v12;
	v12 =	vand.u32 $0xFFFFFC00, v12;
	v7 =	vadd.s32 v0, v7;
	[tilespmem:v13+s15+$0x0] =	vst.idx.add.s32.msk vm3, v2  }
.LBB2_20:
0x12f: {  	s20 =	sadd.s32 $0x8, s20;
	v13 =	vand.u32 $0xFFFFFC00, v5;
	[tilespmem:v8+s15+$0x0] =	vst.idx.add.s32.msk vm2, v2;
	vm3 =	veq.s32 v12, v4;
	s19 =	simm.s32 $0x9FF0  }
0x130: {  	v5 =	vand.u32 $0x3FF, v5;
	v8 =	vadd.s32 v3, v6;
	v12 =	vld [tilespmem:s21+$0xFFFFFFC0];
	p0 =	slt.u32 s20, $0x270;
	vm4 =	veq.s32 v13, v4  }
0x131: {  	v11 =	vadd.s32 v3, v11;
	v14 =	vadd.s32 v3, v5;
	v13 =	vld [tilespmem:s21+$0xFFFFFFB0];
	v5 =	vand.u32 $0xFFFFFC00, v9  }
0x132: {  	v9 =	vand.u32 $0x3FF, v9;
	v15 =	vld [tilespmem:s21+$0xFFFFFF90];
	v6 =	vand.u32 $0xFFFFFC00, v10;
	vm5 =	veq.s32 v5, v4  }
0x133: {  	v5 =	vand.u32 $0x3FF, v10;
	v9 =	vadd.s32 v3, v9;
	v16 =	vld [tilespmem:s21+$0x0];
	vm6 =	veq.s32 v6, v4  }
0x134: {  	v10 =	vadd.s32 v0, v5;
	v17 =	vld [tilespmem:s21+$0xFFFFFFF0]  }
0x135: {  	v5 =	vld [tilespmem:s21+$0xFFFFFFA0];
	v6 =	vand.u32 $0x3FF, v12  }
0x136: {  	[tilespmem:v8+s15+$0x0] =	vst.idx.add.s32.msk vm0, v2  }
0x137: {  	v18 =	vand.u32 $0x3FF, v13;
	v13 =	vand.u32 $0xFFFFFC00, v13;
	v8 =	vand.u32 $0xFFFFFC00, v15;
	[tilespmem:v7+s15+$0x0] =	vst.idx.add.s32.msk vm1, v2  }
0x138: {  	v7 =	vand.u32 $0x3FF, v15;
	vm2 =	veq.s32 v13, v4;
	vm7 =	veq.s32 v8, v4;
	[tilespmem:v9+s15+$0x0] =	vst.idx.add.s32.msk vm5, v2  }
0x139: {  	v7 =	vadd.s32 v0, v7;
	v8 =	vadd.s32 v0, v18;
	[tilespmem:v10+s15+$0x0] =	vst.idx.add.s32.msk vm6, v2  }
.Ltmp13:
0x13a: {  	v9 =	vand.u32 $0xFFFFFC00, v12;
	[tilespmem:v11+s15+$0x0] =	vst.idx.add.s32.msk vm3, v2;
	(pc) =	sbr.rel @p0 .LBB2_20-.Ltmp13, $4  }
0x13b: {  	vm0 =	veq.s32 v9, v4;
	[tilespmem:v14+s15+$0x0] =	vst.idx.add.s32.msk vm4, v2  }
0x13c: {  	v11 =	vand.u32 $0xFFFFFC00, v17;
	v9 =	vld [tilespmem:s21+$0xFFFFFFE0]  }
0x13d: {  	v12 =	vand.u32 $0x3FF, v17;
	vm1 =	veq.s32 v11, v4;
	v10 =	vld [tilespmem:s21+$0xFFFFFFD0]  }
0x13e: {  	v11 =	vand.u32 $0x3FF, v16;
	s21 =	sadd.s32 $0x200, s21;
	[tilespmem:v7+s15+$0x0] =	vst.idx.add.s32.msk vm7, v2;
	v7 =	vadd.s32 v0, v12;
	v12 =	vand.u32 $0xFFFFFC00, v16  }
0x13f: {  	_ =	sdelay $0x3  }
0x140: {  	v6 =	vadd.s32 v3, v6;
	vm5 =	veq.s32 v12, v4  }
0x141: {  	[tilespmem:v8+s15+$0x0] =	vst.idx.add.s32.msk vm2, v2;
	v8 =	vadd.s32 v3, v11;
	v13 =	vand.u32 $0xFFFFFC00, v9;
	v9 =	vand.u32 $0x3FF, v9  }
0x142: {  	vm3 =	veq.s32 v13, v4;
	v13 =	vand.u32 $0xFFFFFC00, v10;
	v10 =	vand.u32 $0x3FF, v10  }
0x143: {  	v9 =	vadd.s32 v3, v9;
	vm4 =	veq.s32 v13, v4;
	v13 =	vand.u32 $0xFFFFFC00, v5  }
0x144: {  	v10 =	vadd.s32 v0, v10;
	v5 =	vand.u32 $0x3FF, v5;
	vm2 =	veq.s32 v13, v4  }
0x145: {  	[tilespmem:v7+s15+$0x0] =	vst.idx.add.s32.msk vm1, v2;
	v5 =	vadd.s32 v3, v5  }
0x146: {  	[tilespmem:v6+s15+$0x0] =	vst.idx.add.s32.msk vm0, v2  }
0x147: {  	[tilespmem:v8+s15+$0x0] =	vst.idx.add.s32.msk vm5, v2  }
0x148: {  	[tilespmem:v9+s15+$0x0] =	vst.idx.add.s32.msk vm3, v2  }
0x149: {  	[tilespmem:v10+s15+$0x0] =	vst.idx.add.s32.msk vm4, v2  }
0x14a: {  	[tilespmem:v5+s15+$0x0] =	vst.idx.add.s32.msk vm2, v2  }
0x14b: {  	v5 =	vld [tilespmem:s19+$0xFFFFFF90]  }
0x14c: {  	v7 =	vld [tilespmem:s19+$0xFFFFFFB0];
	_ =	sdelay $0x2  }
0x14d: {  	v9 =	vld [tilespmem:s19+$0xFFFFFFC0]  }
0x14e: {  	v11 =	vld [tilespmem:s19+$0xFFFFFFF0];
	v6 =	vand.u32 $0xFFFFFC00, v5  }
0x14f: {  	v5 =	vand.u32 $0x3FF, v5;
	v8 =	vand.u32 $0xFFFFFC00, v7;
	vm3 =	veq.s32 v6, v4  }
0x150: {  	v12 =	vld [tilespmem:s19+$0x0];
	v7 =	vand.u32 $0x3FF, v7;
	v13 =	vadd.s32 v0, v5;
	vm2 =	veq.s32 v8, v4  }
0x151: {  	v5 =	vld [tilespmem:s19+$0xFFFFFFA0];
	v8 =	vadd.s32 v0, v7;
	_ =	sdelay $0x1  }
0x152: {  	v14 =	vand.u32 $0xFFFFFC00, v11;
	v6 =	vand.u32 $0x3FF, v9;
	v7 =	vand.u32 $0xFFFFFC00, v9;
	v9 =	vld [tilespmem:s19+$0xFFFFFFE0]  }
0x153: {  	v10 =	vld [tilespmem:s19+$0xFFFFFFD0];
	vm1 =	veq.s32 v14, v4;
	vm0 =	veq.s32 v7, v4;
	v7 =	vand.u32 $0x3FF, v11  }
0x154: {  	s20 =	simm.s32 $0xA1F0;
	s19 =	simm.s32 $0x0;
	v11 =	vand.u32 $0x3FF, v12;
	v12 =	vand.u32 $0xFFFFFC00, v12;
	v7 =	vadd.s32 v0, v7;
	[tilespmem:v13+s15+$0x0] =	vst.idx.add.s32.msk vm3, v2  }
.LBB2_22:
0x155: {  	s19 =	sadd.s32 $0x8, s19;
	v13 =	vand.u32 $0xFFFFFC00, v5;
	[tilespmem:v8+s15+$0x0] =	vst.idx.add.s32.msk vm2, v2;
	vm3 =	veq.s32 v12, v4  }
0x156: {  	v5 =	vand.u32 $0x3FF, v5;
	v8 =	vadd.s32 v3, v6;
	v12 =	vld [tilespmem:s20+$0xFFFFFFC0];
	p0 =	slt.u32 s19, $0x270;
	vm4 =	veq.s32 v13, v4  }
0x157: {  	v11 =	vadd.s32 v3, v11;
	v14 =	vadd.s32 v3, v5;
	v13 =	vld [tilespmem:s20+$0xFFFFFFB0];
	v5 =	vand.u32 $0xFFFFFC00, v9  }
0x158: {  	v9 =	vand.u32 $0x3FF, v9;
	v15 =	vld [tilespmem:s20+$0xFFFFFF90];
	v6 =	vand.u32 $0xFFFFFC00, v10;
	vm5 =	veq.s32 v5, v4  }
0x159: {  	v5 =	vand.u32 $0x3FF, v10;
	v9 =	vadd.s32 v3, v9;
	v16 =	vld [tilespmem:s20+$0x0];
	vm6 =	veq.s32 v6, v4  }
0x15a: {  	v10 =	vadd.s32 v0, v5;
	v17 =	vld [tilespmem:s20+$0xFFFFFFF0]  }
0x15b: {  	v5 =	vld [tilespmem:s20+$0xFFFFFFA0];
	v6 =	vand.u32 $0x3FF, v12  }
0x15c: {  	[tilespmem:v8+s15+$0x0] =	vst.idx.add.s32.msk vm0, v2  }
0x15d: {  	v18 =	vand.u32 $0x3FF, v13;
	v13 =	vand.u32 $0xFFFFFC00, v13;
	v8 =	vand.u32 $0xFFFFFC00, v15;
	[tilespmem:v7+s15+$0x0] =	vst.idx.add.s32.msk vm1, v2  }
0x15e: {  	v7 =	vand.u32 $0x3FF, v15;
	vm2 =	veq.s32 v13, v4;
	vm7 =	veq.s32 v8, v4;
	[tilespmem:v9+s15+$0x0] =	vst.idx.add.s32.msk vm5, v2  }
0x15f: {  	v7 =	vadd.s32 v0, v7;
	v8 =	vadd.s32 v0, v18;
	[tilespmem:v10+s15+$0x0] =	vst.idx.add.s32.msk vm6, v2  }
.Ltmp14:
0x160: {  	v9 =	vand.u32 $0xFFFFFC00, v12;
	[tilespmem:v11+s15+$0x0] =	vst.idx.add.s32.msk vm3, v2;
	(pc) =	sbr.rel @p0 .LBB2_22-.Ltmp14, $4  }
0x161: {  	vm0 =	veq.s32 v9, v4;
	[tilespmem:v14+s15+$0x0] =	vst.idx.add.s32.msk vm4, v2  }
0x162: {  	v11 =	vand.u32 $0xFFFFFC00, v17;
	v9 =	vld [tilespmem:s20+$0xFFFFFFE0]  }
0x163: {  	v12 =	vand.u32 $0x3FF, v17;
	vm1 =	veq.s32 v11, v4;
	v10 =	vld [tilespmem:s20+$0xFFFFFFD0]  }
0x164: {  	v11 =	vand.u32 $0x3FF, v16;
	s20 =	sadd.s32 $0x200, s20;
	[tilespmem:v7+s15+$0x0] =	vst.idx.add.s32.msk vm7, v2;
	v7 =	vadd.s32 v0, v12;
	v12 =	vand.u32 $0xFFFFFC00, v16  }
0x165: {  	_ = 	snop  }
0x166: {  	v6 =	vadd.s32 v3, v6;
	v62 =	vand.u32 $0xFFFFFC00, v5  }
0x167: {  	vm5 =	veq.s32 v12, v4;
	v5 =	vand.u32 $0x3FF, v5;
	v63 =	vadd.s32 v3, v11  }
0x168: {  	vm15 =	veq.s32 v62, v4;
	v5 =	vadd.s32 v3, v5;
	v13 =	vand.u32 $0xFFFFFC00, v9  }
0x169: {  	v60 =	vand.u32 $0x3FF, v9;
	vm3 =	veq.s32 v13, v4;
	v59 =	vand.u32 $0xFFFFFC00, v10  }
0x16a: {  	[tilespmem:v8+s15+$0x0] =	vst.idx.add.s32.msk vm2, v2;
	v61 =	vand.u32 $0x3FF, v10;
	v9 =	vadd.s32 v3, v60;
	vm4 =	veq.s32 v59, v4  }
0x16b: {  	[tilespmem:v7+s15+$0x0] =	vst.idx.add.s32.msk vm1, v2;
	v10 =	vadd.s32 v0, v61  }
.Ltmp15:
0x16c: {  	[tilespmem:v6+s15+$0x0] =	vst.idx.add.s32.msk vm0, v2;
	(pc) =	sbr.rel .LBB2_24-.Ltmp15, $4  }
0x16d: {  	[tilespmem:v63+s15+$0x0] =	vst.idx.add.s32.msk vm5, v2  }
0x16e: {  	[tilespmem:v5+s15+$0x0] =	vst.idx.add.s32.msk vm15, v2  }
0x16f: {  	[tilespmem:v9+s15+$0x0] =	vst.idx.add.s32.msk vm3, v2  }
0x170: {  	[tilespmem:v10+s15+$0x0] =	vst.idx.add.s32.msk vm4, v2  }
.LBB2_26:
0x171: {  	_ =	sfence.sel $0x180000  }
0x172: {  	[bflag:$0x0] =	sbarrier.arrive $0xFFFF  }
0x173: {  	p0 =	sne.s32 s2, $0x0;
	_ =	strace $0x9000004D  }
0x174: {  	s0 =	sadd.s32 @!p0 $0x100000, s0;
	[bflag:$0x2] =	sbarrier.arrive $0xFFFF  }
0x175: {  	[sflag:s0] =	ssyncadd.tile.s32 @!p0 $0x1;
	_ =	shalt  }
.Lfunc_end2:
_tile_overlayer_lowered:
.L_overlay_start_2:
0x176: {  	(tag) =	ssettag $0x2  }
0x177: {  	s0 =	rddreg [dreg:$0x0];
	s2 =	stileid.u32  }
0x178: {  	s1 =	rddreg [dreg:$0x1];
	p0 =	sne.s32 s2, $0x0  }
0x179: {  	s3 =	rddreg [dreg:$0x2];
	[bflag:$0x3] =	sbarrier.arrive $0xFFFF;
	s2 =	simm.s32 @!p0 $0x1C03  }
0x17a: {  	[timem:s3], [sflag:s2] =	dma.local @!p0 [hbm:s0], s1  }
0x17b: {  	s0 =	simm.s32 @!p0 $0x3  }
0x17c: {  	_ =	swait.ge @!p0 [sflag:s0], s1  }
0x17d: {  	s1 =	ssub.s32 @!p0 $0x0, s1;
	[sflag:s0] =	ssyncset.done @!p0 $0x0  }
0x17e: {  	[sflag:s0] =	ssyncadd.s32 @!p0 s1  }
0x17f: {  	[bflag:$0x3] =	sbarrier.arrive $0xFFFF  }
0x180: {  	_ =	shalt  }

</sc_bundles>
